<compile_context>
chip_gen: v7x
topology: tpu7x:2x2x1
jax: 0.10.2.dev20260603
libtpu: 0.0.44.dev20260713+nightly
codegen_flags: <defaults>
</compile_context>

<pallas_src>
import functools

import jax
import jax.numpy as jnp
from jax import lax
from jax.experimental import pallas as pl
from jax.experimental.pallas import tpu as pltpu
from jax.experimental.pallas import tpu_sc as plsc

NN = 10000
NP = 10240
EE = 320000
H = 128
NC, NS, L = 2, 16, 16
NW = NC * NS
EDGES_W = EE // NW
E2 = 327680
PR = E2 // 128
RW = PR // NW
AGR = 10112
VOCABS = (120, 10, 7, 5, 2)
EDIMS = (64, 16, 8, 8, 4)
NTASK = 12
F_ROWS = sum(VOCABS)
OFFS = (0, 120, 130, 137, 142)
BLK = 512

_mesh = plsc.VectorSubcoreMesh(core_axis_name="c", subcore_axis_name="s")
_sc_params = pltpu.CompilerParams(needs_layout_passes=False)
_sc_params_untiled = pltpu.CompilerParams(needs_layout_passes=False,
                                          use_tc_tiling_on_sc=False)


def _fold_body(a_ref, w_ref, b_ref, o_ref):
    o_ref[...] = jnp.dot(a_ref[...], w_ref[...],
                         preferred_element_type=jnp.float32) + b_ref[...]


def _fold(a, w, b):
    return pl.pallas_call(
        _fold_body,
        out_shape=jax.ShapeDtypeStruct(a.shape[:1] + (H,), jnp.float32),
    )(a, w, b)


def _embed_body(x_ref, fp_ref, t_ref, h_ref, r_ref):
    xb = x_ref[...]
    oh = jnp.zeros((BLK, 256), jnp.float32)
    for t in range(5):
        ci = jnp.clip(xb[:, t:t + 1], 0, VOCABS[t] - 1) + OFFS[t]
        oh = oh + (lax.broadcasted_iota(jnp.int32, (BLK, 256), 1)
                   == ci).astype(jnp.float32)
    h0 = jnp.dot(oh, fp_ref[...], preferred_element_type=jnp.float32)
    h_ref[...] = h0
    r_ref[...] = jnp.maximum(h0[:, None, :] + t_ref[...][None, :, :], 0.0)


def _embed(xpad, fp, t):
    nblk = NP // BLK
    return pl.pallas_call(
        _embed_body,
        grid=(nblk,),
        in_specs=[pl.BlockSpec((BLK, 8), lambda i: (i, 0)),
                  pl.BlockSpec((256, H), lambda i: (0, 0)),
                  pl.BlockSpec((16, H), lambda i: (0, 0))],
        out_specs=[pl.BlockSpec((BLK, H), lambda i: (i, 0)),
                   pl.BlockSpec((BLK, 16, H), lambda i: (i, 0, 0))],
        out_shape=[jax.ShapeDtypeStruct((NP, H), jnp.float32),
                   jax.ShapeDtypeStruct((NP, 16, H), jnp.float32)],
    )(xpad, fp, t)


def _prep_body(ei, ea, civ_hbm, av2, sv, cv, sem):
    cid = lax.axis_index("c")
    sid = lax.axis_index("s")
    wid = cid * NS + sid
    iota = lax.iota(jnp.int32, L)
    col0 = jnp.zeros((L,), jnp.int32)

    def chunk(k, _):
        e0 = pl.multiple_of(wid * EDGES_W + 400 * k, 8)
        ca = pltpu.async_copy(ea.at[pl.ds(e0, 400)], av2, sem)
        cs = pltpu.async_copy(ei.at[pl.ds(e0, 400)], sv, sem)
        ca.wait()
        cs.wait()

        def grp(g, _):
            rows = iota + L * g
            a0 = plsc.load_gather(av2, [rows, col0])
            a1 = plsc.load_gather(av2, [rows, col0 + 1])
            a2 = plsc.load_gather(av2, [rows, col0 + 2])
            code = (a0 + 3 * a1 + 7 * a2) & 15
            cv[pl.ds(L * g, L)] = sv[pl.ds(L * g, L)] * 16 + code
            return 0

        lax.fori_loop(0, 400 // L, grp, 0)
        pltpu.sync_copy(cv, civ_hbm.at[pl.ds(e0, 400)])
        return 0

    lax.fori_loop(0, EDGES_W // 400, chunk, 0)


@functools.partial(
    pl.kernel,
    out_type=jax.ShapeDtypeStruct((EE,), jnp.int32),
    mesh=_mesh,
    compiler_params=_sc_params,
    scratch_types=(
        pltpu.VMEM((400, 3), jnp.int32),
        pltpu.VMEM((400,), jnp.int32),
        pltpu.VMEM((400,), jnp.int32),
        pltpu.SemaphoreType.DMA,
    ),
)
def _prep_kernel(ei, ea, *scratch):
    _prep_body(ei, ea, *scratch)


CH = 320
SUB = 80


def _msg_body(r_hbm, civ, ei, agg0, agg1, civ2, dv2, hr, agg_sh,
              semi, sg0, sg1, sg2, sg3, sem_s):
    cid = lax.axis_index("c")
    sid = lax.axis_index("s")
    wid = cid * NS + sid
    sgs = (sg0, sg1, sg2, sg3)
    zero16 = jnp.zeros((L,), jnp.float32)

    def z(i, _):
        hr[i // (H // L), pl.ds((i % (H // L)) * L, L)] = zero16
        return 0

    lax.fori_loop(0, SUB * (H // L), z, 0)

    def zs(k, _):
        pltpu.sync_copy(hr.at[pl.ds(0, SUB)],
                        agg_sh.at[pl.ds(pl.multiple_of(
                            sid * (NP // NS) + SUB * k, 8), SUB)])
        return 0

    lax.fori_loop(0, NP // NS // SUB, zs, 0)
    plsc.subcore_barrier()

    def do_chunk(e0, n_sub):
        ics = []
        for j in range(n_sub):
            o = pl.multiple_of(e0 + SUB * j, 8)
            ics.append(pltpu.async_copy(civ.at[pl.ds(o, SUB)],
                                        civ2.at[j], semi))
            ics.append(pltpu.async_copy(
                ei.at[pl.ds(pl.multiple_of(EE + e0 + SUB * j, 8), SUB)],
                dv2.at[j], semi))
        for c in ics:
            c.wait()
        gcps = [pltpu.async_copy(r_hbm.at[civ2.at[j]],
                                 hr.at[pl.ds(SUB * j, SUB)], sgs[j])
                for j in range(n_sub)]
        scps = []
        for j in range(n_sub):
            gcps[j].wait()
            scps.append(pltpu.async_copy(hr.at[pl.ds(SUB * j, SUB)],
                                         agg_sh.at[dv2.at[j]], sem_s,
                                         add=True))
        for sc in scps:
            sc.wait()

    def chunk(k, _):
        do_chunk(wid * EDGES_W + CH * k, CH // SUB)
        return 0

    nfull = EDGES_W // CH
    lax.fori_loop(0, nfull, chunk, 0)
    do_chunk(wid * EDGES_W + CH * nfull, (EDGES_W - CH * nfull) // SUB)
    plsc.subcore_barrier()

    def out(k, _):
        r0 = pl.multiple_of(sid * (NP // NS) + SUB * k, 8)

        @pl.when(cid == 0)
        def _():
            pltpu.sync_copy(agg_sh.at[pl.ds(r0, SUB)],
                            agg0.at[pl.ds(r0, SUB)])

        @pl.when(cid == 1)
        def _():
            pltpu.sync_copy(agg_sh.at[pl.ds(r0, SUB)],
                            agg1.at[pl.ds(r0, SUB)])

        return 0

    lax.fori_loop(0, NP // NS // SUB, out, 0)


@functools.partial(
    pl.kernel,
    out_type=[jax.ShapeDtypeStruct((NP, H), jnp.float32),
              jax.ShapeDtypeStruct((NP, H), jnp.float32)],
    mesh=_mesh,
    compiler_params=_sc_params,
    scratch_types=(
        pltpu.VMEM((CH // SUB, SUB), jnp.int32),
        pltpu.VMEM((CH // SUB, SUB), jnp.int32),
        pltpu.VMEM((CH, H), jnp.float32),
        pltpu.VMEM_SHARED((NP, H), jnp.float32),
        pltpu.SemaphoreType.DMA,
        pltpu.SemaphoreType.DMA,
        pltpu.SemaphoreType.DMA,
        pltpu.SemaphoreType.DMA,
        pltpu.SemaphoreType.DMA,
        pltpu.SemaphoreType.DMA,
    ),
)
def _msg_kernel(r_hbm, civ, ei, *scratch):
    _msg_body(r_hbm, civ, ei, *scratch)


def _mlp_body(h_ref, a0_ref, a1_ref, epsp_ref, w1_ref, b1_ref, w2_ref,
              b2_ref, gs_ref, gb_ref, t_ref, o_ref, r_ref):
    u = h_ref[...] * epsp_ref[...] + a0_ref[...] + a1_ref[...]
    v = jnp.maximum(jnp.dot(u, w1_ref[...],
                            preferred_element_type=jnp.float32)
                    + b1_ref[...], 0.0)
    v = jnp.dot(v, w2_ref[...], preferred_element_type=jnp.float32) \
        + b2_ref[...]
    hn = jnp.maximum(v, 0.0) * gs_ref[...] + gb_ref[...]
    o_ref[...] = hn
    r_ref[...] = jnp.maximum(hn[:, None, :] + t_ref[...][None, :, :], 0.0)


def _mlp(h, a0, a1, epsp, w1, b1, w2, b2, gs, gb, t):
    grid = NP // BLK
    row_spec = pl.BlockSpec((BLK, H), lambda i: (i, 0))
    par_spec = pl.BlockSpec((H, H), lambda i: (0, 0))
    vec_spec = pl.BlockSpec((1, H), lambda i: (0, 0))
    return pl.pallas_call(
        _mlp_body,
        grid=(grid,),
        in_specs=[row_spec, row_spec, row_spec, vec_spec, par_spec, vec_spec,
                  par_spec, vec_spec, vec_spec, vec_spec,
                  pl.BlockSpec((16, H), lambda i: (0, 0))],
        out_specs=[row_spec, pl.BlockSpec((BLK, 16, H), lambda i: (i, 0, 0))],
        out_shape=[jax.ShapeDtypeStruct((NP, H), jnp.float32),
                   jax.ShapeDtypeStruct((NP, 16, H), jnp.float32)],
    )(h, a0, a1, epsp, w1, b1, w2, b2, gs, gb, t)


def _final_body(h_ref, a0_ref, a1_ref, epsp_ref, w1_ref, b1_ref, w2_ref,
                b2_ref, gw_ref, h1w_ref, h1b_ref, h2w_ref, h2b_ref, o_ref,
                m_ref, s_ref, acc_ref):
    i = pl.program_id(0)
    nblk = pl.num_programs(0)
    blk = h_ref.shape[0]

    @pl.when(i == 0)
    def _():
        m_ref[0] = -1e30
        s_ref[0] = 0.0
        acc_ref[...] = jnp.zeros_like(acc_ref)

    u = h_ref[...] * epsp_ref[...] + a0_ref[...] + a1_ref[...]
    v = jnp.maximum(jnp.dot(u, w1_ref[...],
                            preferred_element_type=jnp.float32)
                    + b1_ref[...], 0.0)
    h3 = jnp.maximum(jnp.dot(v, w2_ref[...],
                             preferred_element_type=jnp.float32)
                     + b2_ref[...], 0.0)
    rowid = i * blk + lax.broadcasted_iota(jnp.int32, (blk, 1), 0)
    valid = rowid < NN
    h3 = jnp.where(valid, h3, 0.0)
    g = jnp.sum(h3 * gw_ref[...], axis=1, keepdims=True)
    g = jnp.where(valid, g, -1e30)
    mo = m_ref[0]
    mn = jnp.maximum(mo, jnp.max(g))
    corr = jnp.exp(mo - mn)
    e = jnp.where(valid, jnp.exp(g - mn), 0.0)
    s_ref[0] = s_ref[0] * corr + jnp.sum(e)
    acc_ref[...] = acc_ref[...] * corr + jnp.sum(e * h3, axis=0,
                                                 keepdims=True)
    m_ref[0] = mn

    @pl.when(i == nblk - 1)
    def _():
        hg = acc_ref[...] / s_ref[0]
        z = jnp.maximum(jnp.dot(hg, h1w_ref[...],
                                preferred_element_type=jnp.float32)
                        + h1b_ref[...], 0.0)
        lg = jnp.dot(z, h2w_ref[...],
                     preferred_element_type=jnp.float32) + h2b_ref[...]
        o_ref[...] = jnp.broadcast_to(lg, o_ref.shape)


def _final(h, a0, a1, epsp, w1, b1, w2, b2, gw, h1w, h1b, h2w, h2b):
    grid = NP // BLK
    row_spec = pl.BlockSpec((BLK, H), lambda i: (i, 0))
    par_spec = pl.BlockSpec((H, H), lambda i: (0, 0))
    vec_spec = pl.BlockSpec((1, H), lambda i: (0, 0))
    return pl.pallas_call(
        _final_body,
        grid=(grid,),
        in_specs=[row_spec, row_spec, row_spec, vec_spec, par_spec, vec_spec,
                  par_spec, vec_spec, vec_spec, par_spec, vec_spec, par_spec,
                  vec_spec],
        out_specs=pl.BlockSpec((8, H), lambda i: (0, 0)),
        out_shape=jax.ShapeDtypeStruct((8, H), jnp.float32),
        scratch_shapes=[pltpu.SMEM((1,), jnp.float32),
                        pltpu.SMEM((1,), jnp.float32),
                        pltpu.VMEM((1, H), jnp.float32)],
    )(h, a0, a1, epsp, w1, b1, w2, b2, gw, h1w, h1b, h2w, h2b)


def kernel(x, edge_index, edge_attr, batch, params):
    f32 = jnp.float32
    A = jnp.zeros((192, 128), f32)
    col = 0
    for t in range(5):
        A = A.at[OFFS[t]:OFFS[t] + VOCABS[t], col:col + EDIMS[t]].set(
            params['node_embs'][t])
        col += EDIMS[t]
    for l, name in enumerate(('g1', 'g2', 'g3')):
        A = A.at[F_ROWS + 16 * l:F_ROWS + 16 * (l + 1),
                 100 + 8 * l:100 + 8 * (l + 1)].set(params[name]['edge_emb'])
    W = jnp.zeros((128, H), f32)
    W = W.at[0:100].set(params['proj_w'])
    for l, name in enumerate(('g1', 'g2', 'g3')):
        W = W.at[100 + 8 * l:100 + 8 * (l + 1)].set(params[name]['lin_w'])
    B = jnp.zeros((192, H), f32)
    B = B.at[0:F_ROWS].set(params['proj_b'][None, :] / 5.0)
    for l, name in enumerate(('g1', 'g2', 'g3')):
        B = B.at[F_ROWS + 16 * l:F_ROWS + 16 * (l + 1)].set(
            params[name]['lin_b'][None, :])

    FT = _fold(A, W, B)
    Fp = jnp.pad(FT, ((0, 64), (0, 0)))
    T = [FT[F_ROWS + 16 * l:F_ROWS + 16 * (l + 1)] for l in range(3)]

    xpad = jnp.pad(x, ((0, NP - NN), (0, 3)))
    ei = edge_index.reshape(-1)
    civ = _prep_kernel(ei, edge_attr)

    h, R = _embed(xpad, Fp, T[0])

    bn_scale = 1.0 / jnp.sqrt(1.0 + 1e-5)
    ones = jnp.ones((1, H), f32)
    for l, name in enumerate(('g1', 'g2', 'g3')):
        bp = params[name]
        agg = _msg_kernel(R.reshape(NP * 16, H), civ, ei)
        epsp = (1.0 + bp['eps']) * ones
        b1 = bp['b1'][None, :]
        b2 = bp['b2'][None, :]
        if l < 2:
            gs = (params[f'bn{l + 1}_g'] * bn_scale)[None, :]
            gb = params[f'bn{l + 1}_b'][None, :]
            h, R = _mlp(h, agg[0], agg[1], epsp, bp['w1'], b1, bp['w2'],
                        b2, gs, gb, T[l + 1])
        else:
            gw = params['gate_w'].reshape(1, H)
            h2w = jnp.zeros((H, H), f32).at[:, :NTASK].set(params['h2_w'])
            h2b = jnp.zeros((1, H), f32).at[0, :NTASK].set(params['h2_b'])
            out = _final(h, agg[0], agg[1], epsp, bp['w1'], b1, bp['w2'],
                         b2, gw, params['h1_w'], params['h1_b'][None, :],
                         h2w, h2b)
    return out[0:1, 0:NTASK]

# --- scband reference (transcript-rebuilt; emitter-appended) ---
"""Pipeline reference for scband-multi-task-gnn-45397804319447 (READ-ONLY COPY).

The authoritative reference and input builder live on the scoring server;
editing this copy changes nothing except your own understanding.
"""

import jax, jax.numpy as jnp
import numpy as np

N = 10000
E = 320000
HID = 128
VOCABS = (120, 10, 7, 5, 2)
EDIMS = (64, 16, 8, 8, 4)
NUM_TASKS = 12
N_GRAPHS = 1


def _init_params(key):
    ks = jax.random.split(key, 64)
    it = iter(range(64))
    def nrm(shape, s=0.02):
        return jax.random.normal(ks[next(it)], shape, dtype=jnp.float32) * s
    p = {}
    p['node_embs'] = [nrm((v, d)) for v, d in zip(VOCABS, EDIMS)]
    node_dim = sum(EDIMS)
    p['proj_w'] = nrm((node_dim, HID))
    p['proj_b'] = jnp.zeros((HID,), jnp.float32)
    for name in ('g1', 'g2', 'g3'):
        p[name] = {
            'edge_emb': nrm((16, 8)),
            'lin_w': nrm((8, HID)), 'lin_b': jnp.zeros((HID,), jnp.float32),
            'w1': nrm((HID, HID)), 'b1': jnp.zeros((HID,), jnp.float32),
            'w2': nrm((HID, HID)), 'b2': jnp.zeros((HID,), jnp.float32),
            'eps': jnp.zeros((), jnp.float32),
        }
    for name in ('bn1', 'bn2'):
        p[name + '_g'] = jnp.ones((HID,), jnp.float32)
        p[name + '_b'] = jnp.zeros((HID,), jnp.float32)
    p['gate_w'] = nrm((HID, 1))
    p['gate_b'] = jnp.zeros((1,), jnp.float32)
    p['h1_w'] = nrm((HID, 128))
    p['h1_b'] = jnp.zeros((128,), jnp.float32)
    p['h2_w'] = nrm((128, NUM_TASKS))
    p['h2_b'] = jnp.zeros((NUM_TASKS,), jnp.float32)
    return p


def setup_inputs(seed: int = 0):
    key = jax.random.key(seed)
    k1, k2, k3, kp = jax.random.split(key, 4)
    x = jax.random.randint(k1, (N, 5), 0, 120, dtype=jnp.int32)
    edge_index = jax.random.randint(k2, (2, E), 0, N, dtype=jnp.int32)
    edge_attr = jax.random.randint(k3, (E, 3), 0, 16, dtype=jnp.int32)
    batch = jnp.zeros((N,), dtype=jnp.int32)
    params = _init_params(kp)
    return {'x': x, 'edge_index': edge_index, 'edge_attr': edge_attr, 'batch': batch, 'params': params}


def _gine_block(h, edge_index, edge_attr, bp):
    # hashed edge features -> embedding -> linear projection (GINEConv edge_dim path)
    code = (edge_attr[:, 0] + 3 * edge_attr[:, 1] + 7 * edge_attr[:, 2]) % 16
    e = bp['edge_emb'][code]
    e = e @ bp['lin_w'] + bp['lin_b']
    src = edge_index[0]
    dst = edge_index[1]
    msg = jax.nn.relu(h[src] + e)
    agg = jax.ops.segment_sum(msg, dst, num_segments=h.shape[0])
    out = (1.0 + bp['eps']) * h + agg
    out = jax.nn.relu(out @ bp['w1'] + bp['b1']) @ bp['w2'] + bp['b2']
    return out


def _bn_eval(h, g, b):
    # eval-mode BatchNorm1d with fresh running stats (mean=0, var=1)
    return h / jnp.sqrt(1.0 + 1e-5) * g + b


def _forward(x, edge_index, edge_attr, batch, params):
    feats = []
    for t, (tab, v) in enumerate(zip(params['node_embs'], VOCABS)):
        idx = jnp.clip(x[:, t], 0, v - 1)
        feats.append(tab[idx])
    h = jnp.concatenate(feats, axis=-1)
    h = h @ params['proj_w'] + params['proj_b']
    h = jax.nn.relu(_gine_block(h, edge_index, edge_attr, params['g1']))
    h = _bn_eval(h, params['bn1_g'], params['bn1_b'])
    h = jax.nn.relu(_gine_block(h, edge_index, edge_attr, params['g2']))
    h = _bn_eval(h, params['bn2_g'], params['bn2_b'])
    h = jax.nn.relu(_gine_block(h, edge_index, edge_attr, params['g3']))
    # GlobalAttention readout (segment softmax over nodes per graph)
    gate = h @ params['gate_w'] + params['gate_b']
    gmax = jax.ops.segment_max(gate, batch, num_segments=N_GRAPHS)
    ge = jnp.exp(gate - gmax[batch])
    denom = jax.ops.segment_sum(ge, batch, num_segments=N_GRAPHS)
    a = ge / denom[batch]
    hg = jax.ops.segment_sum(a * h, batch, num_segments=N_GRAPHS)
    z = jax.nn.relu(hg @ params['h1_w'] + params['h1_b'])
    # dropout is identity in eval mode
    logits = z @ params['h2_w'] + params['h2_b']
    return logits


def reference(x, edge_index, edge_attr, batch, params):
    return _forward(x, edge_index, edge_attr, batch, params)

if __name__ == "__main__":
    import jax
    _d = setup_inputs()
    print(jax.jit(kernel)(*tuple(_d.values())))

</pallas_src>

<mosaic_0001>
#map = affine_map<(d0, d1) -> (0, 0)>
#map1 = affine_map<(d0, d1) -> (0)>
module attributes {stable_mosaic.version = 14 : i64} {
  func.func @_msg_kernel(%arg0: i32, %arg1: i32, %arg2: memref<163840x128xf32, #tpu.memory_space<hbm>>, %arg3: memref<320000xi32, #tpu.memory_space<hbm>>, %arg4: memref<640000xi32, #tpu.memory_space<hbm>>, %arg5: memref<10240x128xf32, #tpu.memory_space<hbm>>, %arg6: memref<10240x128xf32, #tpu.memory_space<hbm>>, %arg7: memref<4x80xi32, #tpu.memory_space<vmem>>, %arg8: memref<4x80xi32, #tpu.memory_space<vmem>>, %arg9: memref<320x128xf32, #tpu.memory_space<vmem>>, %arg10: memref<10240x128xf32, #tpu.memory_space<vmem_shared>>, %arg11: memref<!tpu.dma_semaphore, #tpu.memory_space<semaphore_mem>>, %arg12: memref<!tpu.dma_semaphore, #tpu.memory_space<semaphore_mem>>, %arg13: memref<!tpu.dma_semaphore, #tpu.memory_space<semaphore_mem>>, %arg14: memref<!tpu.dma_semaphore, #tpu.memory_space<semaphore_mem>>, %arg15: memref<!tpu.dma_semaphore, #tpu.memory_space<semaphore_mem>>, %arg16: memref<!tpu.dma_semaphore, #tpu.memory_space<semaphore_mem>>) attributes {dimension_semantics = [#tpu.dimension_semantics<core_parallel>, #tpu.dimension_semantics<subcore_parallel>], iteration_bounds = array<i64: 2, 16>, scalar_prefetch = 0 : i64, scratch_operands = 10 : i64, tpu.core_type = #tpu.core_type<sc_vector_subcore>, window_params = [{transform_indices = #map}, {transform_indices = #map1}, {transform_indices = #map1}, {transform_indices = #map}, {transform_indices = #map}]} {
    %mul3A = arith.constant 16 : i32
    %mul3A_0 = arith.muli %arg0, %mul3A : i32
    %add3A = arith.addi %mul3A_0, %arg1 : i32
    %broadcast_in_dim3A = arith.constant 0.000000e+00 : f32
    %broadcast_in_dim3A_1 = vector.broadcast %broadcast_in_dim3A : f32 to vector<16xf32>
    %scan3A = arith.constant 0 : i32
    %scan3A_2 = arith.constant 0 : i32
    %scan3A_3 = arith.constant 640 : i32
    %scan3A_4 = arith.addi %scan3A_2, %scan3A_3 : i32
    %scan3A_5 = arith.constant 1 : i32
    %scan3A_6 = scf.for %scan3A_115 = %scan3A_2 to %scan3A_4 step %scan3A_5 iter_args(%scan3A_116 = %scan3A) -> (i32)  : i32 {
      %jit3A = arith.constant 8 : i32
      %div3A = arith.divsi %scan3A_115, %jit3A : i32
      %sign3A = arith.constant 0 : i32
      %sign3A_117 = arith.cmpi sgt, %scan3A_115, %sign3A : i32
      %sign3A_118 = arith.extui %sign3A_117 : i1 to i32
      %sign3A_119 = arith.constant 0 : i32
      %sign3A_120 = arith.cmpi slt, %scan3A_115, %sign3A_119 : i32
      %sign3A_121 = arith.extui %sign3A_120 : i1 to i32
      %sign3A_122 = arith.subi %sign3A_118, %sign3A_121 : i32
      %sign3A_123 = arith.constant 0 : i32
      %sign3A_124 = arith.cmpi sgt, %jit3A, %sign3A_123 : i32
      %sign3A_125 = arith.extui %sign3A_124 : i1 to i32
      %sign3A_126 = arith.constant 0 : i32
      %sign3A_127 = arith.cmpi slt, %jit3A, %sign3A_126 : i32
      %sign3A_128 = arith.extui %sign3A_127 : i1 to i32
      %sign3A_129 = arith.subi %sign3A_125, %sign3A_128 : i32
      %ne3A = arith.cmpi ne, %sign3A_122, %sign3A_129 : i32
      %rem3A = arith.remsi %scan3A_115, %jit3A : i32
      %ne3A_130 = arith.constant 0 : i32
      %ne3A_131 = arith.cmpi ne, %rem3A, %ne3A_130 : i32
      %and3A = arith.andi %ne3A, %ne3A_131 : i1
      %sub3A = arith.constant 1 : i32
      %sub3A_132 = arith.subi %div3A, %sub3A : i32
      %select_n3A = arith.select %and3A, %sub3A_132, %div3A : i32
      %jit3A_133 = arith.constant 8 : i32
      %eq3A = arith.constant 0 : i32
      %eq3A_134 = arith.cmpi eq, %jit3A_133, %eq3A : i32
      %jit3A_135 = arith.constant 1 : i32
      %select_n3A_136 = arith.select %eq3A_134, %jit3A_135, %jit3A_133 : i32
      %rem3A_137 = arith.remsi %scan3A_115, %select_n3A_136 : i32
      %ne3A_138 = arith.constant 0 : i32
      %ne3A_139 = arith.cmpi ne, %rem3A_137, %ne3A_138 : i32
      %lt3A = arith.constant 0 : i32
      %lt3A_140 = arith.cmpi slt, %rem3A_137, %lt3A : i32
      %lt3A_141 = arith.constant 0 : i32
      %lt3A_142 = arith.cmpi slt, %select_n3A_136, %lt3A_141 : i32
      %ne3A_143 = arith.xori %lt3A_140, %lt3A_142 : i1
      %and3A_144 = arith.andi %ne3A_143, %ne3A_139 : i1
      %add3A_145 = arith.addi %rem3A_137, %select_n3A_136 : i32
      %select_n3A_146 = arith.select %and3A_144, %add3A_145, %rem3A_137 : i32
      %mul3A_147 = arith.constant 16 : i32
      %mul3A_148 = arith.muli %select_n3A_146, %mul3A_147 : i32
      %swap3A = arith.index_cast %select_n3A : i32 to index
      %swap3A_149 = arith.index_cast %mul3A_148 : i32 to index
      %swap3A_150 = tpu.vector_load %arg9[%swap3A, %swap3A_149] {strides = array<i32>} : memref<320x128xf32, #tpu.memory_space<vmem>>, vector<16xf32>,
      tpu.vector_store %arg9[%swap3A, %swap3A_149], %broadcast_in_dim3A_1 {strides = array<i32>} : memref<320x128xf32, #tpu.memory_space<vmem>>, vector<16xf32>,
      %scan3A_151 = arith.constant 0 : i32
      scf.yield %scan3A_151 : i32
    }
    %scan3A_7 = arith.constant 640 : i32
    %scan3A_8 = arith.constant 0 : i32
    %scan3A_9 = arith.constant 0 : i32
    %scan3A_10 = arith.constant 8 : i32
    %scan3A_11 = arith.addi %scan3A_9, %scan3A_10 : i32
    %scan3A_12 = arith.constant 1 : i32
    %scan3A_13 = scf.for %scan3A_115 = %scan3A_9 to %scan3A_11 step %scan3A_12 iter_args(%scan3A_116 = %scan3A_8) -> (i32)  : i32 {
      %mul3A_117 = arith.constant 640 : i32
      %mul3A_118 = arith.muli %arg1, %mul3A_117 : i32
      %mul3A_119 = arith.constant 80 : i32
      %mul3A_120 = arith.muli %mul3A_119, %scan3A_115 : i32
      %add3A_121 = arith.addi %mul3A_118, %mul3A_120 : i32
      %multiple_of3A_122 = tpu.assume_multiple %add3A_121, 8 : i32
      "tpu.region"() ({
        %run_scoped3A = tpu.sem_alloc : memref<!tpu.dma_semaphore, #tpu.memory_space<semaphore_mem>>
        %dma_start3A_124 = arith.constant 0 : i32
        %dma_start3A_125 = arith.constant 0 : i32
        %dma_start3A_126 = tpu.memref_slice %arg9[%dma_start3A_124, %dma_start3A_125] : memref<320x128xf32, #tpu.memory_space<vmem>> -> memref<80x128xf32, #tpu.memory_space<vmem>>
        %dma_start3A_127 = arith.constant 0 : i32
        %dma_start3A_128 = tpu.memref_slice %arg10[%multiple_of3A_122, %dma_start3A_127] : memref<10240x128xf32, #tpu.memory_space<vmem_shared>> -> memref<80x128xf32, #tpu.memory_space<vmem_shared>>
        %dma_start3A_129 = arith.constant 0 : i32
        %dma_start3A_130 = tpu.memref_slice %arg10[%multiple_of3A_122, %dma_start3A_129] : memref<10240x128xf32, #tpu.memory_space<vmem_shared>> -> memref<80x128xf32, #tpu.memory_space<vmem_shared>>
        %dma_start3A_131 = arith.constant 0 : i32
        %dma_start3A_132 = arith.constant 0 : i32
        %dma_start3A_133 = tpu.memref_slice %arg9[%dma_start3A_131, %dma_start3A_132] : memref<320x128xf32, #tpu.memory_space<vmem>> -> memref<80x128xf32, #tpu.memory_space<vmem>>
        tpu.enqueue_dma source(%dma_start3A_133 : memref<80x128xf32, #tpu.memory_space<vmem>>) target(%dma_start3A_130 : memref<80x128xf32, #tpu.memory_space<vmem_shared>>) target_semaphore(%run_scoped3A : memref<!tpu.dma_semaphore, #tpu.memory_space<semaphore_mem>>)
        %dma_wait3A_134 = arith.constant 0 : i32
        %dma_wait3A_135 = arith.constant 0 : i32
        %dma_wait3A_136 = tpu.memref_slice %arg9[%dma_wait3A_134, %dma_wait3A_135] : memref<320x128xf32, #tpu.memory_space<vmem>> -> memref<80x128xf32, #tpu.memory_space<vmem>>
        %dma_wait3A_137 = arith.constant 0 : i32
        %dma_wait3A_138 = tpu.memref_slice %arg10[%multiple_of3A_122, %dma_wait3A_137] : memref<10240x128xf32, #tpu.memory_space<vmem_shared>> -> memref<80x128xf32, #tpu.memory_space<vmem_shared>>
        %dma_wait3A_139 = arith.constant 0 : i32
        %dma_wait3A_140 = tpu.memref_slice %arg10[%multiple_of3A_122, %dma_wait3A_139] : memref<10240x128xf32, #tpu.memory_space<vmem_shared>> -> memref<80x128xf32, #tpu.memory_space<vmem_shared>>
        %dma_wait3A_141 = arith.constant 0 : i32
        %dma_wait3A_142 = arith.constant 0 : i32
        %dma_wait3A_143 = tpu.memref_slice %arg9[%dma_wait3A_141, %dma_wait3A_142] : memref<320x128xf32, #tpu.memory_space<vmem>> -> memref<80x128xf32, #tpu.memory_space<vmem>>
        tpu.wait_dma2 semaphore(%run_scoped3A : memref<!tpu.dma_semaphore, #tpu.memory_space<semaphore_mem>>) src(%dma_wait3A_143 : memref<80x128xf32, #tpu.memory_space<vmem>>) dst(%dma_wait3A_140 : memref<80x128xf32, #tpu.memory_space<vmem_shared>>)
        tpu.yield
      }) : () -> ()
      %scan3A_123 = arith.constant 0 : i32
      scf.yield %scan3A_123 : i32
    }
    %scan3A_14 = arith.constant 8 : i32
    %barrier3A = arith.constant 0 : index
    tpu.barrier barrier_id(%barrier3A)
    %scan3A_15 = arith.constant 0 : i32
    %scan3A_16 = arith.constant 0 : i32
    %scan3A_17 = arith.constant 31 : i32
    %scan3A_18 = arith.addi %scan3A_16, %scan3A_17 : i32
    %scan3A_19 = arith.constant 1 : i32
    %scan3A_20 = scf.for %scan3A_115 = %scan3A_16 to %scan3A_18 step %scan3A_19 iter_args(%scan3A_116 = %scan3A_15) -> (i32)  : i32 {
      %mul3A_117 = arith.constant 10000 : i32
      %mul3A_118 = arith.muli %add3A, %mul3A_117 : i32
      %mul3A_119 = arith.constant 320 : i32
      %mul3A_120 = arith.muli %mul3A_119, %scan3A_115 : i32
      %add3A_121 = arith.addi %mul3A_118, %mul3A_120 : i32
      %add3A_122 = arith.constant 0 : i32
      %add3A_123 = arith.addi %add3A_121, %add3A_122 : i32
      %multiple_of3A_124 = tpu.assume_multiple %add3A_123, 8 : i32
      %dma_start3A_125 = arith.constant 0 : i32
      %dma_start3A_126 = arith.constant 0 : i32
      %dma_start3A_127 = tpu.memref_slice %arg7[%dma_start3A_125, %dma_start3A_126] : memref<4x80xi32, #tpu.memory_space<vmem>> -> memref<1x80xi32, #tpu.memory_space<vmem>>
      %dma_start3A_128 = tpu.memref_squeeze %dma_start3A_127 : memref<1x80xi32, #tpu.memory_space<vmem>> -> memref<80xi32, #tpu.memory_space<vmem>>
      %dma_start3A_129 = tpu.memref_slice %arg3[%multiple_of3A_124] : memref<320000xi32, #tpu.memory_space<hbm>> -> memref<80xi32, #tpu.memory_space<hbm>>
      %dma_start3A_130 = arith.constant 0 : i32
      %dma_start3A_131 = tpu.memref_slice %arg7[%dma_start3A_125, %dma_start3A_130] : memref<4x80xi32, #tpu.memory_space<vmem>> -> memref<1x80xi32, #tpu.memory_space<vmem>>
      %dma_start3A_132 = tpu.memref_squeeze %dma_start3A_131 : memref<1x80xi32, #tpu.memory_space<vmem>> -> memref<80xi32, #tpu.memory_space<vmem>>
      %dma_start3A_133 = tpu.memref_slice %arg3[%multiple_of3A_124] : memref<320000xi32, #tpu.memory_space<hbm>> -> memref<80xi32, #tpu.memory_space<hbm>>
      tpu.enqueue_dma source(%dma_start3A_133 : memref<80xi32, #tpu.memory_space<hbm>>) target(%dma_start3A_132 : memref<80xi32, #tpu.memory_space<vmem>>) target_semaphore(%arg11 : memref<!tpu.dma_semaphore, #tpu.memory_space<semaphore_mem>>)
      %add3A_134 = arith.constant 320000 : i32
      %add3A_135 = arith.addi %add3A_134, %add3A_121 : i32
      %add3A_136 = arith.constant 0 : i32
      %add3A_137 = arith.addi %add3A_135, %add3A_136 : i32
      %multiple_of3A_138 = tpu.assume_multiple %add3A_137, 8 : i32
      %dma_start3A_139 = arith.constant 0 : i32
      %dma_start3A_140 = arith.constant 0 : i32
      %dma_start3A_141 = tpu.memref_slice %arg8[%dma_start3A_139, %dma_start3A_140] : memref<4x80xi32, #tpu.memory_space<vmem>> -> memref<1x80xi32, #tpu.memory_space<vmem>>
      %dma_start3A_142 = tpu.memref_squeeze %dma_start3A_141 : memref<1x80xi32, #tpu.memory_space<vmem>> -> memref<80xi32, #tpu.memory_space<vmem>>
      %dma_start3A_143 = tpu.memref_slice %arg4[%multiple_of3A_138] : memref<640000xi32, #tpu.memory_space<hbm>> -> memref<80xi32, #tpu.memory_space<hbm>>
      %dma_start3A_144 = arith.constant 0 : i32
      %dma_start3A_145 = tpu.memref_slice %arg8[%dma_start3A_139, %dma_start3A_144] : memref<4x80xi32, #tpu.memory_space<vmem>> -> memref<1x80xi32, #tpu.memory_space<vmem>>
      %dma_start3A_146 = tpu.memref_squeeze %dma_start3A_145 : memref<1x80xi32, #tpu.memory_space<vmem>> -> memref<80xi32, #tpu.memory_space<vmem>>
      %dma_start3A_147 = tpu.memref_slice %arg4[%multiple_of3A_138] : memref<640000xi32, #tpu.memory_space<hbm>> -> memref<80xi32, #tpu.memory_space<hbm>>
      tpu.enqueue_dma source(%dma_start3A_147 : memref<80xi32, #tpu.memory_space<hbm>>) target(%dma_start3A_146 : memref<80xi32, #tpu.memory_space<vmem>>) target_semaphore(%arg11 : memref<!tpu.dma_semaphore, #tpu.memory_space<semaphore_mem>>)
      %add3A_148 = arith.constant 80 : i32
      %add3A_149 = arith.addi %add3A_121, %add3A_148 : i32
      %multiple_of3A_150 = tpu.assume_multiple %add3A_149, 8 : i32
      %dma_start3A_151 = arith.constant 1 : i32
      %dma_start3A_152 = arith.constant 0 : i32
      %dma_start3A_153 = tpu.memref_slice %arg7[%dma_start3A_151, %dma_start3A_152] : memref<4x80xi32, #tpu.memory_space<vmem>> -> memref<1x80xi32, #tpu.memory_space<vmem>>
      %dma_start3A_154 = tpu.memref_squeeze %dma_start3A_153 : memref<1x80xi32, #tpu.memory_space<vmem>> -> memref<80xi32, #tpu.memory_space<vmem>>
      %dma_start3A_155 = tpu.memref_slice %arg3[%multiple_of3A_150] : memref<320000xi32, #tpu.memory_space<hbm>> -> memref<80xi32, #tpu.memory_space<hbm>>
      %dma_start3A_156 = arith.constant 0 : i32
      %dma_start3A_157 = tpu.memref_slice %arg7[%dma_start3A_151, %dma_start3A_156] : memref<4x80xi32, #tpu.memory_space<vmem>> -> memref<1x80xi32, #tpu.memory_space<vmem>>
      %dma_start3A_158 = tpu.memref_squeeze %dma_start3A_157 : memref<1x80xi32, #tpu.memory_space<vmem>> -> memref<80xi32, #tpu.memory_space<vmem>>
      %dma_start3A_159 = tpu.memref_slice %arg3[%multiple_of3A_150] : memref<320000xi32, #tpu.memory_space<hbm>> -> memref<80xi32, #tpu.memory_space<hbm>>
      tpu.enqueue_dma source(%dma_start3A_159 : memref<80xi32, #tpu.memory_space<hbm>>) target(%dma_start3A_158 : memref<80xi32, #tpu.memory_space<vmem>>) target_semaphore(%arg11 : memref<!tpu.dma_semaphore, #tpu.memory_space<semaphore_mem>>)
      %add3A_160 = arith.constant 320000 : i32
      %add3A_161 = arith.addi %add3A_160, %add3A_121 : i32
      %add3A_162 = arith.constant 80 : i32
      %add3A_163 = arith.addi %add3A_161, %add3A_162 : i32
      %multiple_of3A_164 = tpu.assume_multiple %add3A_163, 8 : i32
      %dma_start3A_165 = arith.constant 1 : i32
      %dma_start3A_166 = arith.constant 0 : i32
      %dma_start3A_167 = tpu.memref_slice %arg8[%dma_start3A_165, %dma_start3A_166] : memref<4x80xi32, #tpu.memory_space<vmem>> -> memref<1x80xi32, #tpu.memory_space<vmem>>
      %dma_start3A_168 = tpu.memref_squeeze %dma_start3A_167 : memref<1x80xi32, #tpu.memory_space<vmem>> -> memref<80xi32, #tpu.memory_space<vmem>>
      %dma_start3A_169 = tpu.memref_slice %arg4[%multiple_of3A_164] : memref<640000xi32, #tpu.memory_space<hbm>> -> memref<80xi32, #tpu.memory_space<hbm>>
      %dma_start3A_170 = arith.constant 0 : i32
      %dma_start3A_171 = tpu.memref_slice %arg8[%dma_start3A_165, %dma_start3A_170] : memref<4x80xi32, #tpu.memory_space<vmem>> -> memref<1x80xi32, #tpu.memory_space<vmem>>
      %dma_start3A_172 = tpu.memref_squeeze %dma_start3A_171 : memref<1x80xi32, #tpu.memory_space<vmem>> -> memref<80xi32, #tpu.memory_space<vmem>>
      %dma_start3A_173 = tpu.memref_slice %arg4[%multiple_of3A_164] : memref<640000xi32, #tpu.memory_space<hbm>> -> memref<80xi32, #tpu.memory_space<hbm>>
      tpu.enqueue_dma source(%dma_start3A_173 : memref<80xi32, #tpu.memory_space<hbm>>) target(%dma_start3A_172 : memref<80xi32, #tpu.memory_space<vmem>>) target_semaphore(%arg11 : memref<!tpu.dma_semaphore, #tpu.memory_space<semaphore_mem>>)
      %add3A_174 = arith.constant 160 : i32
      %add3A_175 = arith.addi %add3A_121, %add3A_174 : i32
      %multiple_of3A_176 = tpu.assume_multiple %add3A_175, 8 : i32
      %dma_start3A_177 = arith.constant 2 : i32
      %dma_start3A_178 = arith.constant 0 : i32
      %dma_start3A_179 = tpu.memref_slice %arg7[%dma_start3A_177, %dma_start3A_178] : memref<4x80xi32, #tpu.memory_space<vmem>> -> memref<1x80xi32, #tpu.memory_space<vmem>>
      %dma_start3A_180 = tpu.memref_squeeze %dma_start3A_179 : memref<1x80xi32, #tpu.memory_space<vmem>> -> memref<80xi32, #tpu.memory_space<vmem>>
      %dma_start3A_181 = tpu.memref_slice %arg3[%multiple_of3A_176] : memref<320000xi32, #tpu.memory_space<hbm>> -> memref<80xi32, #tpu.memory_space<hbm>>
      %dma_start3A_182 = arith.constant 0 : i32
      %dma_start3A_183 = tpu.memref_slice %arg7[%dma_start3A_177, %dma_start3A_182] : memref<4x80xi32, #tpu.memory_space<vmem>> -> memref<1x80xi32, #tpu.memory_space<vmem>>
      %dma_start3A_184 = tpu.memref_squeeze %dma_start3A_183 : memref<1x80xi32, #tpu.memory_space<vmem>> -> memref<80xi32, #tpu.memory_space<vmem>>
      %dma_start3A_185 = tpu.memref_slice %arg3[%multiple_of3A_176] : memref<320000xi32, #tpu.memory_space<hbm>> -> memref<80xi32, #tpu.memory_space<hbm>>
      tpu.enqueue_dma source(%dma_start3A_185 : memref<80xi32, #tpu.memory_space<hbm>>) target(%dma_start3A_184 : memref<80xi32, #tpu.memory_space<vmem>>) target_semaphore(%arg11 : memref<!tpu.dma_semaphore, #tpu.memory_space<semaphore_mem>>)
      %add3A_186 = arith.constant 320000 : i32
      %add3A_187 = arith.addi %add3A_186, %add3A_121 : i32
      %add3A_188 = arith.constant 160 : i32
      %add3A_189 = arith.addi %add3A_187, %add3A_188 : i32
      %multiple_of3A_190 = tpu.assume_multiple %add3A_189, 8 : i32
      %dma_start3A_191 = arith.constant 2 : i32
      %dma_start3A_192 = arith.constant 0 : i32
      %dma_start3A_193 = tpu.memref_slice %arg8[%dma_start3A_191, %dma_start3A_192] : memref<4x80xi32, #tpu.memory_space<vmem>> -> memref<1x80xi32, #tpu.memory_space<vmem>>
      %dma_start3A_194 = tpu.memref_squeeze %dma_start3A_193 : memref<1x80xi32, #tpu.memory_space<vmem>> -> memref<80xi32, #tpu.memory_space<vmem>>
      %dma_start3A_195 = tpu.memref_slice %arg4[%multiple_of3A_190] : memref<640000xi32, #tpu.memory_space<hbm>> -> memref<80xi32, #tpu.memory_space<hbm>>
      %dma_start3A_196 = arith.constant 0 : i32
      %dma_start3A_197 = tpu.memref_slice %arg8[%dma_start3A_191, %dma_start3A_196] : memref<4x80xi32, #tpu.memory_space<vmem>> -> memref<1x80xi32, #tpu.memory_space<vmem>>
      %dma_start3A_198 = tpu.memref_squeeze %dma_start3A_197 : memref<1x80xi32, #tpu.memory_space<vmem>> -> memref<80xi32, #tpu.memory_space<vmem>>
      %dma_start3A_199 = tpu.memref_slice %arg4[%multiple_of3A_190] : memref<640000xi32, #tpu.memory_space<hbm>> -> memref<80xi32, #tpu.memory_space<hbm>>
      tpu.enqueue_dma source(%dma_start3A_199 : memref<80xi32, #tpu.memory_space<hbm>>) target(%dma_start3A_198 : memref<80xi32, #tpu.memory_space<vmem>>) target_semaphore(%arg11 : memref<!tpu.dma_semaphore, #tpu.memory_space<semaphore_mem>>)
      %add3A_200 = arith.constant 240 : i32
      %add3A_201 = arith.addi %add3A_121, %add3A_200 : i32
      %multiple_of3A_202 = tpu.assume_multiple %add3A_201, 8 : i32
      %dma_start3A_203 = arith.constant 3 : i32
      %dma_start3A_204 = arith.constant 0 : i32
      %dma_start3A_205 = tpu.memref_slice %arg7[%dma_start3A_203, %dma_start3A_204] : memref<4x80xi32, #tpu.memory_space<vmem>> -> memref<1x80xi32, #tpu.memory_space<vmem>>
      %dma_start3A_206 = tpu.memref_squeeze %dma_start3A_205 : memref<1x80xi32, #tpu.memory_space<vmem>> -> memref<80xi32, #tpu.memory_space<vmem>>
      %dma_start3A_207 = tpu.memref_slice %arg3[%multiple_of3A_202] : memref<320000xi32, #tpu.memory_space<hbm>> -> memref<80xi32, #tpu.memory_space<hbm>>
      %dma_start3A_208 = arith.constant 0 : i32
      %dma_start3A_209 = tpu.memref_slice %arg7[%dma_start3A_203, %dma_start3A_208] : memref<4x80xi32, #tpu.memory_space<vmem>> -> memref<1x80xi32, #tpu.memory_space<vmem>>
      %dma_start3A_210 = tpu.memref_squeeze %dma_start3A_209 : memref<1x80xi32, #tpu.memory_space<vmem>> -> memref<80xi32, #tpu.memory_space<vmem>>
      %dma_start3A_211 = tpu.memref_slice %arg3[%multiple_of3A_202] : memref<320000xi32, #tpu.memory_space<hbm>> -> memref<80xi32, #tpu.memory_space<hbm>>
      tpu.enqueue_dma source(%dma_start3A_211 : memref<80xi32, #tpu.memory_space<hbm>>) target(%dma_start3A_210 : memref<80xi32, #tpu.memory_space<vmem>>) target_semaphore(%arg11 : memref<!tpu.dma_semaphore, #tpu.memory_space<semaphore_mem>>)
      %add3A_212 = arith.constant 320000 : i32
      %add3A_213 = arith.addi %add3A_212, %add3A_121 : i32
      %add3A_214 = arith.constant 240 : i32
      %add3A_215 = arith.addi %add3A_213, %add3A_214 : i32
      %multiple_of3A_216 = tpu.assume_multiple %add3A_215, 8 : i32
      %dma_start3A_217 = arith.constant 3 : i32
      %dma_start3A_218 = arith.constant 0 : i32
      %dma_start3A_219 = tpu.memref_slice %arg8[%dma_start3A_217, %dma_start3A_218] : memref<4x80xi32, #tpu.memory_space<vmem>> -> memref<1x80xi32, #tpu.memory_space<vmem>>
      %dma_start3A_220 = tpu.memref_squeeze %dma_start3A_219 : memref<1x80xi32, #tpu.memory_space<vmem>> -> memref<80xi32, #tpu.memory_space<vmem>>
      %dma_start3A_221 = tpu.memref_slice %arg4[%multiple_of3A_216] : memref<640000xi32, #tpu.memory_space<hbm>> -> memref<80xi32, #tpu.memory_space<hbm>>
      %dma_start3A_222 = arith.constant 0 : i32
      %dma_start3A_223 = tpu.memref_slice %arg8[%dma_start3A_217, %dma_start3A_222] : memref<4x80xi32, #tpu.memory_space<vmem>> -> memref<1x80xi32, #tpu.memory_space<vmem>>
      %dma_start3A_224 = tpu.memref_squeeze %dma_start3A_223 : memref<1x80xi32, #tpu.memory_space<vmem>> -> memref<80xi32, #tpu.memory_space<vmem>>
      %dma_start3A_225 = tpu.memref_slice %arg4[%multiple_of3A_216] : memref<640000xi32, #tpu.memory_space<hbm>> -> memref<80xi32, #tpu.memory_space<hbm>>
      tpu.enqueue_dma source(%dma_start3A_225 : memref<80xi32, #tpu.memory_space<hbm>>) target(%dma_start3A_224 : memref<80xi32, #tpu.memory_space<vmem>>) target_semaphore(%arg11 : memref<!tpu.dma_semaphore, #tpu.memory_space<semaphore_mem>>)
      %dma_wait3A_226 = arith.constant 0 : i32
      %dma_wait3A_227 = arith.constant 0 : i32
      %dma_wait3A_228 = tpu.memref_slice %arg7[%dma_wait3A_226, %dma_wait3A_227] : memref<4x80xi32, #tpu.memory_space<vmem>> -> memref<1x80xi32, #tpu.memory_space<vmem>>
      %dma_wait3A_229 = tpu.memref_squeeze %dma_wait3A_228 : memref<1x80xi32, #tpu.memory_space<vmem>> -> memref<80xi32, #tpu.memory_space<vmem>>
      %dma_wait3A_230 = tpu.memref_slice %arg3[%multiple_of3A_124] : memref<320000xi32, #tpu.memory_space<hbm>> -> memref<80xi32, #tpu.memory_space<hbm>>
      %dma_wait3A_231 = arith.constant 0 : i32
      %dma_wait3A_232 = tpu.memref_slice %arg7[%dma_wait3A_226, %dma_wait3A_231] : memref<4x80xi32, #tpu.memory_space<vmem>> -> memref<1x80xi32, #tpu.memory_space<vmem>>
      %dma_wait3A_233 = tpu.memref_squeeze %dma_wait3A_232 : memref<1x80xi32, #tpu.memory_space<vmem>> -> memref<80xi32, #tpu.memory_space<vmem>>
      %dma_wait3A_234 = tpu.memref_slice %arg3[%multiple_of3A_124] : memref<320000xi32, #tpu.memory_space<hbm>> -> memref<80xi32, #tpu.memory_space<hbm>>
      tpu.wait_dma2 semaphore(%arg11 : memref<!tpu.dma_semaphore, #tpu.memory_space<semaphore_mem>>) src(%dma_wait3A_234 : memref<80xi32, #tpu.memory_space<hbm>>) dst(%dma_wait3A_233 : memref<80xi32, #tpu.memory_space<vmem>>)
      %dma_wait3A_235 = arith.constant 0 : i32
      %dma_wait3A_236 = arith.constant 0 : i32
      %dma_wait3A_237 = tpu.memref_slice %arg8[%dma_wait3A_235, %dma_wait3A_236] : memref<4x80xi32, #tpu.memory_space<vmem>> -> memref<1x80xi32, #tpu.memory_space<vmem>>
      %dma_wait3A_238 = tpu.memref_squeeze %dma_wait3A_237 : memref<1x80xi32, #tpu.memory_space<vmem>> -> memref<80xi32, #tpu.memory_space<vmem>>
      %dma_wait3A_239 = tpu.memref_slice %arg4[%multiple_of3A_138] : memref<640000xi32, #tpu.memory_space<hbm>> -> memref<80xi32, #tpu.memory_space<hbm>>
      %dma_wait3A_240 = arith.constant 0 : i32
      %dma_wait3A_241 = tpu.memref_slice %arg8[%dma_wait3A_235, %dma_wait3A_240] : memref<4x80xi32, #tpu.memory_space<vmem>> -> memref<1x80xi32, #tpu.memory_space<vmem>>
      %dma_wait3A_242 = tpu.memref_squeeze %dma_wait3A_241 : memref<1x80xi32, #tpu.memory_space<vmem>> -> memref<80xi32, #tpu.memory_space<vmem>>
      %dma_wait3A_243 = tpu.memref_slice %arg4[%multiple_of3A_138] : memref<640000xi32, #tpu.memory_space<hbm>> -> memref<80xi32, #tpu.memory_space<hbm>>
      tpu.wait_dma2 semaphore(%arg11 : memref<!tpu.dma_semaphore, #tpu.memory_space<semaphore_mem>>) src(%dma_wait3A_243 : memref<80xi32, #tpu.memory_space<hbm>>) dst(%dma_wait3A_242 : memref<80xi32, #tpu.memory_space<vmem>>)
      %dma_wait3A_244 = arith.constant 1 : i32
      %dma_wait3A_245 = arith.constant 0 : i32
      %dma_wait3A_246 = tpu.memref_slice %arg7[%dma_wait3A_244, %dma_wait3A_245] : memref<4x80xi32, #tpu.memory_space<vmem>> -> memref<1x80xi32, #tpu.memory_space<vmem>>
      %dma_wait3A_247 = tpu.memref_squeeze %dma_wait3A_246 : memref<1x80xi32, #tpu.memory_space<vmem>> -> memref<80xi32, #tpu.memory_space<vmem>>
      %dma_wait3A_248 = tpu.memref_slice %arg3[%multiple_of3A_150] : memref<320000xi32, #tpu.memory_space<hbm>> -> memref<80xi32, #tpu.memory_space<hbm>>
      %dma_wait3A_249 = arith.constant 0 : i32
      %dma_wait3A_250 = tpu.memref_slice %arg7[%dma_wait3A_244, %dma_wait3A_249] : memref<4x80xi32, #tpu.memory_space<vmem>> -> memref<1x80xi32, #tpu.memory_space<vmem>>
      %dma_wait3A_251 = tpu.memref_squeeze %dma_wait3A_250 : memref<1x80xi32, #tpu.memory_space<vmem>> -> memref<80xi32, #tpu.memory_space<vmem>>
      %dma_wait3A_252 = tpu.memref_slice %arg3[%multiple_of3A_150] : memref<320000xi32, #tpu.memory_space<hbm>> -> memref<80xi32, #tpu.memory_space<hbm>>
      tpu.wait_dma2 semaphore(%arg11 : memref<!tpu.dma_semaphore, #tpu.memory_space<semaphore_mem>>) src(%dma_wait3A_252 : memref<80xi32, #tpu.memory_space<hbm>>) dst(%dma_wait3A_251 : memref<80xi32, #tpu.memory_space<vmem>>)
      %dma_wait3A_253 = arith.constant 1 : i32
      %dma_wait3A_254 = arith.constant 0 : i32
      %dma_wait3A_255 = tpu.memref_slice %arg8[%dma_wait3A_253, %dma_wait3A_254] : memref<4x80xi32, #tpu.memory_space<vmem>> -> memref<1x80xi32, #tpu.memory_space<vmem>>
      %dma_wait3A_256 = tpu.memref_squeeze %dma_wait3A_255 : memref<1x80xi32, #tpu.memory_space<vmem>> -> memref<80xi32, #tpu.memory_space<vmem>>
      %dma_wait3A_257 = tpu.memref_slice %arg4[%multiple_of3A_164] : memref<640000xi32, #tpu.memory_space<hbm>> -> memref<80xi32, #tpu.memory_space<hbm>>
      %dma_wait3A_258 = arith.constant 0 : i32
      %dma_wait3A_259 = tpu.memref_slice %arg8[%dma_wait3A_253, %dma_wait3A_258] : memref<4x80xi32, #tpu.memory_space<vmem>> -> memref<1x80xi32, #tpu.memory_space<vmem>>
      %dma_wait3A_260 = tpu.memref_squeeze %dma_wait3A_259 : memref<1x80xi32, #tpu.memory_space<vmem>> -> memref<80xi32, #tpu.memory_space<vmem>>
      %dma_wait3A_261 = tpu.memref_slice %arg4[%multiple_of3A_164] : memref<640000xi32, #tpu.memory_space<hbm>> -> memref<80xi32, #tpu.memory_space<hbm>>
      tpu.wait_dma2 semaphore(%arg11 : memref<!tpu.dma_semaphore, #tpu.memory_space<semaphore_mem>>) src(%dma_wait3A_261 : memref<80xi32, #tpu.memory_space<hbm>>) dst(%dma_wait3A_260 : memref<80xi32, #tpu.memory_space<vmem>>)
      %dma_wait3A_262 = arith.constant 2 : i32
      %dma_wait3A_263 = arith.constant 0 : i32
      %dma_wait3A_264 = tpu.memref_slice %arg7[%dma_wait3A_262, %dma_wait3A_263] : memref<4x80xi32, #tpu.memory_space<vmem>> -> memref<1x80xi32, #tpu.memory_space<vmem>>
      %dma_wait3A_265 = tpu.memref_squeeze %dma_wait3A_264 : memref<1x80xi32, #tpu.memory_space<vmem>> -> memref<80xi32, #tpu.memory_space<vmem>>
      %dma_wait3A_266 = tpu.memref_slice %arg3[%multiple_of3A_176] : memref<320000xi32, #tpu.memory_space<hbm>> -> memref<80xi32, #tpu.memory_space<hbm>>
      %dma_wait3A_267 = arith.constant 0 : i32
      %dma_wait3A_268 = tpu.memref_slice %arg7[%dma_wait3A_262, %dma_wait3A_267] : memref<4x80xi32, #tpu.memory_space<vmem>> -> memref<1x80xi32, #tpu.memory_space<vmem>>
      %dma_wait3A_269 = tpu.memref_squeeze %dma_wait3A_268 : memref<1x80xi32, #tpu.memory_space<vmem>> -> memref<80xi32, #tpu.memory_space<vmem>>
      %dma_wait3A_270 = tpu.memref_slice %arg3[%multiple_of3A_176] : memref<320000xi32, #tpu.memory_space<hbm>> -> memref<80xi32, #tpu.memory_space<hbm>>
      tpu.wait_dma2 semaphore(%arg11 : memref<!tpu.dma_semaphore, #tpu.memory_space<semaphore_mem>>) src(%dma_wait3A_270 : memref<80xi32, #tpu.memory_space<hbm>>) dst(%dma_wait3A_269 : memref<80xi32, #tpu.memory_space<vmem>>)
      %dma_wait3A_271 = arith.constant 2 : i32
      %dma_wait3A_272 = arith.constant 0 : i32
      %dma_wait3A_273 = tpu.memref_slice %arg8[%dma_wait3A_271, %dma_wait3A_272] : memref<4x80xi32, #tpu.memory_space<vmem>> -> memref<1x80xi32, #tpu.memory_space<vmem>>
      %dma_wait3A_274 = tpu.memref_squeeze %dma_wait3A_273 : memref<1x80xi32, #tpu.memory_space<vmem>> -> memref<80xi32, #tpu.memory_space<vmem>>
      %dma_wait3A_275 = tpu.memref_slice %arg4[%multiple_of3A_190] : memref<640000xi32, #tpu.memory_space<hbm>> -> memref<80xi32, #tpu.memory_space<hbm>>
      %dma_wait3A_276 = arith.constant 0 : i32
      %dma_wait3A_277 = tpu.memref_slice %arg8[%dma_wait3A_271, %dma_wait3A_276] : memref<4x80xi32, #tpu.memory_space<vmem>> -> memref<1x80xi32, #tpu.memory_space<vmem>>
      %dma_wait3A_278 = tpu.memref_squeeze %dma_wait3A_277 : memref<1x80xi32, #tpu.memory_space<vmem>> -> memref<80xi32, #tpu.memory_space<vmem>>
      %dma_wait3A_279 = tpu.memref_slice %arg4[%multiple_of3A_190] : memref<640000xi32, #tpu.memory_space<hbm>> -> memref<80xi32, #tpu.memory_space<hbm>>
      tpu.wait_dma2 semaphore(%arg11 : memref<!tpu.dma_semaphore, #tpu.memory_space<semaphore_mem>>) src(%dma_wait3A_279 : memref<80xi32, #tpu.memory_space<hbm>>) dst(%dma_wait3A_278 : memref<80xi32, #tpu.memory_space<vmem>>)
      %dma_wait3A_280 = arith.constant 3 : i32
      %dma_wait3A_281 = arith.constant 0 : i32
      %dma_wait3A_282 = tpu.memref_slice %arg7[%dma_wait3A_280, %dma_wait3A_281] : memref<4x80xi32, #tpu.memory_space<vmem>> -> memref<1x80xi32, #tpu.memory_space<vmem>>
      %dma_wait3A_283 = tpu.memref_squeeze %dma_wait3A_282 : memref<1x80xi32, #tpu.memory_space<vmem>> -> memref<80xi32, #tpu.memory_space<vmem>>
      %dma_wait3A_284 = tpu.memref_slice %arg3[%multiple_of3A_202] : memref<320000xi32, #tpu.memory_space<hbm>> -> memref<80xi32, #tpu.memory_space<hbm>>
      %dma_wait3A_285 = arith.constant 0 : i32
      %dma_wait3A_286 = tpu.memref_slice %arg7[%dma_wait3A_280, %dma_wait3A_285] : memref<4x80xi32, #tpu.memory_space<vmem>> -> memref<1x80xi32, #tpu.memory_space<vmem>>
      %dma_wait3A_287 = tpu.memref_squeeze %dma_wait3A_286 : memref<1x80xi32, #tpu.memory_space<vmem>> -> memref<80xi32, #tpu.memory_space<vmem>>
      %dma_wait3A_288 = tpu.memref_slice %arg3[%multiple_of3A_202] : memref<320000xi32, #tpu.memory_space<hbm>> -> memref<80xi32, #tpu.memory_space<hbm>>
      tpu.wait_dma2 semaphore(%arg11 : memref<!tpu.dma_semaphore, #tpu.memory_space<semaphore_mem>>) src(%dma_wait3A_288 : memref<80xi32, #tpu.memory_space<hbm>>) dst(%dma_wait3A_287 : memref<80xi32, #tpu.memory_space<vmem>>)
      %dma_wait3A_289 = arith.constant 3 : i32
      %dma_wait3A_290 = arith.constant 0 : i32
      %dma_wait3A_291 = tpu.memref_slice %arg8[%dma_wait3A_289, %dma_wait3A_290] : memref<4x80xi32, #tpu.memory_space<vmem>> -> memref<1x80xi32, #tpu.memory_space<vmem>>
      %dma_wait3A_292 = tpu.memref_squeeze %dma_wait3A_291 : memref<1x80xi32, #tpu.memory_space<vmem>> -> memref<80xi32, #tpu.memory_space<vmem>>
      %dma_wait3A_293 = tpu.memref_slice %arg4[%multiple_of3A_216] : memref<640000xi32, #tpu.memory_space<hbm>> -> memref<80xi32, #tpu.memory_space<hbm>>
      %dma_wait3A_294 = arith.constant 0 : i32
      %dma_wait3A_295 = tpu.memref_slice %arg8[%dma_wait3A_289, %dma_wait3A_294] : memref<4x80xi32, #tpu.memory_space<vmem>> -> memref<1x80xi32, #tpu.memory_space<vmem>>
      %dma_wait3A_296 = tpu.memref_squeeze %dma_wait3A_295 : memref<1x80xi32, #tpu.memory_space<vmem>> -> memref<80xi32, #tpu.memory_space<vmem>>
      %dma_wait3A_297 = tpu.memref_slice %arg4[%multiple_of3A_216] : memref<640000xi32, #tpu.memory_space<hbm>> -> memref<80xi32, #tpu.memory_space<hbm>>
      tpu.wait_dma2 semaphore(%arg11 : memref<!tpu.dma_semaphore, #tpu.memory_space<semaphore_mem>>) src(%dma_wait3A_297 : memref<80xi32, #tpu.memory_space<hbm>>) dst(%dma_wait3A_296 : memref<80xi32, #tpu.memory_space<vmem>>)
      %dma_start3A_298 = arith.constant 0 : i32
      %dma_start3A_299 = arith.constant 0 : i32
      %dma_start3A_300 = arith.constant 0 : i32
      %dma_start3A_301 = tpu.memref_slice %arg9[%dma_start3A_299, %dma_start3A_300] : memref<320x128xf32, #tpu.memory_space<vmem>> -> memref<80x128xf32, #tpu.memory_space<vmem>>
      %dma_start3A_302 = arith.constant 0 : i32
      %dma_start3A_303 = tpu.memref_slice %arg7[%dma_start3A_298, %dma_start3A_302] : memref<4x80xi32, #tpu.memory_space<vmem>> -> memref<1x80xi32, #tpu.memory_space<vmem>>
      %dma_start3A_304 = tpu.memref_squeeze %dma_start3A_303 : memref<1x80xi32, #tpu.memory_space<vmem>> -> memref<80xi32, #tpu.memory_space<vmem>>
      %dma_start3A_305 = arith.constant 0 : i32
      %dma_start3A_306 = arith.constant 0 : i32
      %dma_start3A_307 = tpu.memref_slice %arg2[%dma_start3A_305, %dma_start3A_306] : memref<163840x128xf32, #tpu.memory_space<hbm>> -> memref<163840x128xf32, #tpu.memory_space<hbm>>
      tpu.enqueue_indirect_dma source(%dma_start3A_307 : memref<163840x128xf32, #tpu.memory_space<hbm>>) target(%dma_start3A_301 : memref<80x128xf32, #tpu.memory_space<vmem>>) offsets(%dma_start3A_304 : memref<80xi32, #tpu.memory_space<vmem>>) semaphore(%arg12 : memref<!tpu.dma_semaphore, #tpu.memory_space<semaphore_mem>>)
      %dma_start3A_308 = arith.constant 1 : i32
      %dma_start3A_309 = arith.constant 80 : i32
      %dma_start3A_310 = arith.constant 0 : i32
      %dma_start3A_311 = tpu.memref_slice %arg9[%dma_start3A_309, %dma_start3A_310] : memref<320x128xf32, #tpu.memory_space<vmem>> -> memref<80x128xf32, #tpu.memory_space<vmem>>
      %dma_start3A_312 = arith.constant 0 : i32
      %dma_start3A_313 = tpu.memref_slice %arg7[%dma_start3A_308, %dma_start3A_312] : memref<4x80xi32, #tpu.memory_space<vmem>> -> memref<1x80xi32, #tpu.memory_space<vmem>>
      %dma_start3A_314 = tpu.memref_squeeze %dma_start3A_313 : memref<1x80xi32, #tpu.memory_space<vmem>> -> memref<80xi32, #tpu.memory_space<vmem>>
      %dma_start3A_315 = arith.constant 0 : i32
      %dma_start3A_316 = arith.constant 0 : i32
      %dma_start3A_317 = tpu.memref_slice %arg2[%dma_start3A_315, %dma_start3A_316] : memref<163840x128xf32, #tpu.memory_space<hbm>> -> memref<163840x128xf32, #tpu.memory_space<hbm>>
      tpu.enqueue_indirect_dma source(%dma_start3A_317 : memref<163840x128xf32, #tpu.memory_space<hbm>>) target(%dma_start3A_311 : memref<80x128xf32, #tpu.memory_space<vmem>>) offsets(%dma_start3A_314 : memref<80xi32, #tpu.memory_space<vmem>>) semaphore(%arg13 : memref<!tpu.dma_semaphore, #tpu.memory_space<semaphore_mem>>)
      %dma_start3A_318 = arith.constant 2 : i32
      %dma_start3A_319 = arith.constant 160 : i32
      %dma_start3A_320 = arith.constant 0 : i32
      %dma_start3A_321 = tpu.memref_slice %arg9[%dma_start3A_319, %dma_start3A_320] : memref<320x128xf32, #tpu.memory_space<vmem>> -> memref<80x128xf32, #tpu.memory_space<vmem>>
      %dma_start3A_322 = arith.constant 0 : i32
      %dma_start3A_323 = tpu.memref_slice %arg7[%dma_start3A_318, %dma_start3A_322] : memref<4x80xi32, #tpu.memory_space<vmem>> -> memref<1x80xi32, #tpu.memory_space<vmem>>
      %dma_start3A_324 = tpu.memref_squeeze %dma_start3A_323 : memref<1x80xi32, #tpu.memory_space<vmem>> -> memref<80xi32, #tpu.memory_space<vmem>>
      %dma_start3A_325 = arith.constant 0 : i32
      %dma_start3A_326 = arith.constant 0 : i32
      %dma_start3A_327 = tpu.memref_slice %arg2[%dma_start3A_325, %dma_start3A_326] : memref<163840x128xf32, #tpu.memory_space<hbm>> -> memref<163840x128xf32, #tpu.memory_space<hbm>>
      tpu.enqueue_indirect_dma source(%dma_start3A_327 : memref<163840x128xf32, #tpu.memory_space<hbm>>) target(%dma_start3A_321 : memref<80x128xf32, #tpu.memory_space<vmem>>) offsets(%dma_start3A_324 : memref<80xi32, #tpu.memory_space<vmem>>) semaphore(%arg14 : memref<!tpu.dma_semaphore, #tpu.memory_space<semaphore_mem>>)
      %dma_start3A_328 = arith.constant 3 : i32
      %dma_start3A_329 = arith.constant 240 : i32
      %dma_start3A_330 = arith.constant 0 : i32
      %dma_start3A_331 = tpu.memref_slice %arg9[%dma_start3A_329, %dma_start3A_330] : memref<320x128xf32, #tpu.memory_space<vmem>> -> memref<80x128xf32, #tpu.memory_space<vmem>>
      %dma_start3A_332 = arith.constant 0 : i32
      %dma_start3A_333 = tpu.memref_slice %arg7[%dma_start3A_328, %dma_start3A_332] : memref<4x80xi32, #tpu.memory_space<vmem>> -> memref<1x80xi32, #tpu.memory_space<vmem>>
      %dma_start3A_334 = tpu.memref_squeeze %dma_start3A_333 : memref<1x80xi32, #tpu.memory_space<vmem>> -> memref<80xi32, #tpu.memory_space<vmem>>
      %dma_start3A_335 = arith.constant 0 : i32
      %dma_start3A_336 = arith.constant 0 : i32
      %dma_start3A_337 = tpu.memref_slice %arg2[%dma_start3A_335, %dma_start3A_336] : memref<163840x128xf32, #tpu.memory_space<hbm>> -> memref<163840x128xf32, #tpu.memory_space<hbm>>
      tpu.enqueue_indirect_dma source(%dma_start3A_337 : memref<163840x128xf32, #tpu.memory_space<hbm>>) target(%dma_start3A_331 : memref<80x128xf32, #tpu.memory_space<vmem>>) offsets(%dma_start3A_334 : memref<80xi32, #tpu.memory_space<vmem>>) semaphore(%arg15 : memref<!tpu.dma_semaphore, #tpu.memory_space<semaphore_mem>>)
      %dma_wait3A_338 = arith.constant 0 : i32
      %dma_wait3A_339 = arith.constant 0 : i32
      %dma_wait3A_340 = arith.constant 0 : i32
      %dma_wait3A_341 = tpu.memref_slice %arg9[%dma_wait3A_339, %dma_wait3A_340] : memref<320x128xf32, #tpu.memory_space<vmem>> -> memref<80x128xf32, #tpu.memory_space<vmem>>
      %dma_wait3A_342 = arith.constant 0 : i32
      %dma_wait3A_343 = tpu.memref_slice %arg7[%dma_wait3A_338, %dma_wait3A_342] : memref<4x80xi32, #tpu.memory_space<vmem>> -> memref<1x80xi32, #tpu.memory_space<vmem>>
      %dma_wait3A_344 = tpu.memref_squeeze %dma_wait3A_343 : memref<1x80xi32, #tpu.memory_space<vmem>> -> memref<80xi32, #tpu.memory_space<vmem>>
      %dma_wait3A_345 = arith.constant 0 : i32
      %dma_wait3A_346 = arith.constant 0 : i32
      %dma_wait3A_347 = tpu.memref_slice %arg2[%dma_wait3A_345, %dma_wait3A_346] : memref<163840x128xf32, #tpu.memory_space<hbm>> -> memref<163840x128xf32, #tpu.memory_space<hbm>>
      tpu.wait_indirect_dma semaphore(%arg12 : memref<!tpu.dma_semaphore, #tpu.memory_space<semaphore_mem>>) src(%dma_wait3A_347 : memref<163840x128xf32, #tpu.memory_space<hbm>>) dst(%dma_wait3A_341 : memref<80x128xf32, #tpu.memory_space<vmem>>)
      %dma_start3A_348 = arith.constant 0 : i32
      %dma_start3A_349 = arith.constant 0 : i32
      %dma_start3A_350 = arith.constant 0 : i32
      %dma_start3A_351 = tpu.memref_slice %arg9[%dma_start3A_349, %dma_start3A_350] : memref<320x128xf32, #tpu.memory_space<vmem>> -> memref<80x128xf32, #tpu.memory_space<vmem>>
      %dma_start3A_352 = arith.constant 0 : i32
      %dma_start3A_353 = tpu.memref_slice %arg8[%dma_start3A_348, %dma_start3A_352] : memref<4x80xi32, #tpu.memory_space<vmem>> -> memref<1x80xi32, #tpu.memory_space<vmem>>
      %dma_start3A_354 = tpu.memref_squeeze %dma_start3A_353 : memref<1x80xi32, #tpu.memory_space<vmem>> -> memref<80xi32, #tpu.memory_space<vmem>>
      %dma_start3A_355 = arith.constant 0 : i32
      %dma_start3A_356 = arith.constant 0 : i32
      %dma_start3A_357 = tpu.memref_slice %arg10[%dma_start3A_355, %dma_start3A_356] : memref<10240x128xf32, #tpu.memory_space<vmem_shared>> -> memref<10240x128xf32, #tpu.memory_space<vmem_shared>>
      tpu.enqueue_indirect_dma source(%dma_start3A_351 : memref<80x128xf32, #tpu.memory_space<vmem>>) target(%dma_start3A_357 : memref<10240x128xf32, #tpu.memory_space<vmem_shared>>) offsets(%dma_start3A_354 : memref<80xi32, #tpu.memory_space<vmem>>) semaphore(%arg16 : memref<!tpu.dma_semaphore, #tpu.memory_space<semaphore_mem>>) {add = true}
      %dma_wait3A_358 = arith.constant 1 : i32
      %dma_wait3A_359 = arith.constant 80 : i32
      %dma_wait3A_360 = arith.constant 0 : i32
      %dma_wait3A_361 = tpu.memref_slice %arg9[%dma_wait3A_359, %dma_wait3A_360] : memref<320x128xf32, #tpu.memory_space<vmem>> -> memref<80x128xf32, #tpu.memory_space<vmem>>
      %dma_wait3A_362 = arith.constant 0 : i32
      %dma_wait3A_363 = tpu.memref_slice %arg7[%dma_wait3A_358, %dma_wait3A_362] : memref<4x80xi32, #tpu.memory_space<vmem>> -> memref<1x80xi32, #tpu.memory_space<vmem>>
      %dma_wait3A_364 = tpu.memref_squeeze %dma_wait3A_363 : memref<1x80xi32, #tpu.memory_space<vmem>> -> memref<80xi32, #tpu.memory_space<vmem>>
      %dma_wait3A_365 = arith.constant 0 : i32
      %dma_wait3A_366 = arith.constant 0 : i32
      %dma_wait3A_367 = tpu.memref_slice %arg2[%dma_wait3A_365, %dma_wait3A_366] : memref<163840x128xf32, #tpu.memory_space<hbm>> -> memref<163840x128xf32, #tpu.memory_space<hbm>>
      tpu.wait_indirect_dma semaphore(%arg13 : memref<!tpu.dma_semaphore, #tpu.memory_space<semaphore_mem>>) src(%dma_wait3A_367 : memref<163840x128xf32, #tpu.memory_space<hbm>>) dst(%dma_wait3A_361 : memref<80x128xf32, #tpu.memory_space<vmem>>)
      %dma_start3A_368 = arith.constant 1 : i32
      %dma_start3A_369 = arith.constant 80 : i32
      %dma_start3A_370 = arith.constant 0 : i32
      %dma_start3A_371 = tpu.memref_slice %arg9[%dma_start3A_369, %dma_start3A_370] : memref<320x128xf32, #tpu.memory_space<vmem>> -> memref<80x128xf32, #tpu.memory_space<vmem>>
      %dma_start3A_372 = arith.constant 0 : i32
      %dma_start3A_373 = tpu.memref_slice %arg8[%dma_start3A_368, %dma_start3A_372] : memref<4x80xi32, #tpu.memory_space<vmem>> -> memref<1x80xi32, #tpu.memory_space<vmem>>
      %dma_start3A_374 = tpu.memref_squeeze %dma_start3A_373 : memref<1x80xi32, #tpu.memory_space<vmem>> -> memref<80xi32, #tpu.memory_space<vmem>>
      %dma_start3A_375 = arith.constant 0 : i32
      %dma_start3A_376 = arith.constant 0 : i32
      %dma_start3A_377 = tpu.memref_slice %arg10[%dma_start3A_375, %dma_start3A_376] : memref<10240x128xf32, #tpu.memory_space<vmem_shared>> -> memref<10240x128xf32, #tpu.memory_space<vmem_shared>>
      tpu.enqueue_indirect_dma source(%dma_start3A_371 : memref<80x128xf32, #tpu.memory_space<vmem>>) target(%dma_start3A_377 : memref<10240x128xf32, #tpu.memory_space<vmem_shared>>) offsets(%dma_start3A_374 : memref<80xi32, #tpu.memory_space<vmem>>) semaphore(%arg16 : memref<!tpu.dma_semaphore, #tpu.memory_space<semaphore_mem>>) {add = true}
      %dma_wait3A_378 = arith.constant 2 : i32
      %dma_wait3A_379 = arith.constant 160 : i32
      %dma_wait3A_380 = arith.constant 0 : i32
      %dma_wait3A_381 = tpu.memref_slice %arg9[%dma_wait3A_379, %dma_wait3A_380] : memref<320x128xf32, #tpu.memory_space<vmem>> -> memref<80x128xf32, #tpu.memory_space<vmem>>
      %dma_wait3A_382 = arith.constant 0 : i32
      %dma_wait3A_383 = tpu.memref_slice %arg7[%dma_wait3A_378, %dma_wait3A_382] : memref<4x80xi32, #tpu.memory_space<vmem>> -> memref<1x80xi32, #tpu.memory_space<vmem>>
      %dma_wait3A_384 = tpu.memref_squeeze %dma_wait3A_383 : memref<1x80xi32, #tpu.memory_space<vmem>> -> memref<80xi32, #tpu.memory_space<vmem>>
      %dma_wait3A_385 = arith.constant 0 : i32
      %dma_wait3A_386 = arith.constant 0 : i32
      %dma_wait3A_387 = tpu.memref_slice %arg2[%dma_wait3A_385, %dma_wait3A_386] : memref<163840x128xf32, #tpu.memory_space<hbm>> -> memref<163840x128xf32, #tpu.memory_space<hbm>>
      tpu.wait_indirect_dma semaphore(%arg14 : memref<!tpu.dma_semaphore, #tpu.memory_space<semaphore_mem>>) src(%dma_wait3A_387 : memref<163840x128xf32, #tpu.memory_space<hbm>>) dst(%dma_wait3A_381 : memref<80x128xf32, #tpu.memory_space<vmem>>)
      %dma_start3A_388 = arith.constant 2 : i32
      %dma_start3A_389 = arith.constant 160 : i32
      %dma_start3A_390 = arith.constant 0 : i32
      %dma_start3A_391 = tpu.memref_slice %arg9[%dma_start3A_389, %dma_start3A_390] : memref<320x128xf32, #tpu.memory_space<vmem>> -> memref<80x128xf32, #tpu.memory_space<vmem>>
      %dma_start3A_392 = arith.constant 0 : i32
      %dma_start3A_393 = tpu.memref_slice %arg8[%dma_start3A_388, %dma_start3A_392] : memref<4x80xi32, #tpu.memory_space<vmem>> -> memref<1x80xi32, #tpu.memory_space<vmem>>
      %dma_start3A_394 = tpu.memref_squeeze %dma_start3A_393 : memref<1x80xi32, #tpu.memory_space<vmem>> -> memref<80xi32, #tpu.memory_space<vmem>>
      %dma_start3A_395 = arith.constant 0 : i32
      %dma_start3A_396 = arith.constant 0 : i32
      %dma_start3A_397 = tpu.memref_slice %arg10[%dma_start3A_395, %dma_start3A_396] : memref<10240x128xf32, #tpu.memory_space<vmem_shared>> -> memref<10240x128xf32, #tpu.memory_space<vmem_shared>>
      tpu.enqueue_indirect_dma source(%dma_start3A_391 : memref<80x128xf32, #tpu.memory_space<vmem>>) target(%dma_start3A_397 : memref<10240x128xf32, #tpu.memory_space<vmem_shared>>) offsets(%dma_start3A_394 : memref<80xi32, #tpu.memory_space<vmem>>) semaphore(%arg16 : memref<!tpu.dma_semaphore, #tpu.memory_space<semaphore_mem>>) {add = true}
      %dma_wait3A_398 = arith.constant 3 : i32
      %dma_wait3A_399 = arith.constant 240 : i32
      %dma_wait3A_400 = arith.constant 0 : i32
      %dma_wait3A_401 = tpu.memref_slice %arg9[%dma_wait3A_399, %dma_wait3A_400] : memref<320x128xf32, #tpu.memory_space<vmem>> -> memref<80x128xf32, #tpu.memory_space<vmem>>
      %dma_wait3A_402 = arith.constant 0 : i32
      %dma_wait3A_403 = tpu.memref_slice %arg7[%dma_wait3A_398, %dma_wait3A_402] : memref<4x80xi32, #tpu.memory_space<vmem>> -> memref<1x80xi32, #tpu.memory_space<vmem>>
      %dma_wait3A_404 = tpu.memref_squeeze %dma_wait3A_403 : memref<1x80xi32, #tpu.memory_space<vmem>> -> memref<80xi32, #tpu.memory_space<vmem>>
      %dma_wait3A_405 = arith.constant 0 : i32
      %dma_wait3A_406 = arith.constant 0 : i32
      %dma_wait3A_407 = tpu.memref_slice %arg2[%dma_wait3A_405, %dma_wait3A_406] : memref<163840x128xf32, #tpu.memory_space<hbm>> -> memref<163840x128xf32, #tpu.memory_space<hbm>>
      tpu.wait_indirect_dma semaphore(%arg15 : memref<!tpu.dma_semaphore, #tpu.memory_space<semaphore_mem>>) src(%dma_wait3A_407 : memref<163840x128xf32, #tpu.memory_space<hbm>>) dst(%dma_wait3A_401 : memref<80x128xf32, #tpu.memory_space<vmem>>)
      %dma_start3A_408 = arith.constant 3 : i32
      %dma_start3A_409 = arith.constant 240 : i32
      %dma_start3A_410 = arith.constant 0 : i32
      %dma_start3A_411 = tpu.memref_slice %arg9[%dma_start3A_409, %dma_start3A_410] : memref<320x128xf32, #tpu.memory_space<vmem>> -> memref<80x128xf32, #tpu.memory_space<vmem>>
      %dma_start3A_412 = arith.constant 0 : i32
      %dma_start3A_413 = tpu.memref_slice %arg8[%dma_start3A_408, %dma_start3A_412] : memref<4x80xi32, #tpu.memory_space<vmem>> -> memref<1x80xi32, #tpu.memory_space<vmem>>
      %dma_start3A_414 = tpu.memref_squeeze %dma_start3A_413 : memref<1x80xi32, #tpu.memory_space<vmem>> -> memref<80xi32, #tpu.memory_space<vmem>>
      %dma_start3A_415 = arith.constant 0 : i32
      %dma_start3A_416 = arith.constant 0 : i32
      %dma_start3A_417 = tpu.memref_slice %arg10[%dma_start3A_415, %dma_start3A_416] : memref<10240x128xf32, #tpu.memory_space<vmem_shared>> -> memref<10240x128xf32, #tpu.memory_space<vmem_shared>>
      tpu.enqueue_indirect_dma source(%dma_start3A_411 : memref<80x128xf32, #tpu.memory_space<vmem>>) target(%dma_start3A_417 : memref<10240x128xf32, #tpu.memory_space<vmem_shared>>) offsets(%dma_start3A_414 : memref<80xi32, #tpu.memory_space<vmem>>) semaphore(%arg16 : memref<!tpu.dma_semaphore, #tpu.memory_space<semaphore_mem>>) {add = true}
      %dma_wait3A_418 = arith.constant 0 : i32
      %dma_wait3A_419 = arith.constant 0 : i32
      %dma_wait3A_420 = arith.constant 0 : i32
      %dma_wait3A_421 = tpu.memref_slice %arg9[%dma_wait3A_419, %dma_wait3A_420] : memref<320x128xf32, #tpu.memory_space<vmem>> -> memref<80x128xf32, #tpu.memory_space<vmem>>
      %dma_wait3A_422 = arith.constant 0 : i32
      %dma_wait3A_423 = tpu.memref_slice %arg8[%dma_wait3A_418, %dma_wait3A_422] : memref<4x80xi32, #tpu.memory_space<vmem>> -> memref<1x80xi32, #tpu.memory_space<vmem>>
      %dma_wait3A_424 = tpu.memref_squeeze %dma_wait3A_423 : memref<1x80xi32, #tpu.memory_space<vmem>> -> memref<80xi32, #tpu.memory_space<vmem>>
      %dma_wait3A_425 = arith.constant 0 : i32
      %dma_wait3A_426 = arith.constant 0 : i32
      %dma_wait3A_427 = tpu.memref_slice %arg10[%dma_wait3A_425, %dma_wait3A_426] : memref<10240x128xf32, #tpu.memory_space<vmem_shared>> -> memref<10240x128xf32, #tpu.memory_space<vmem_shared>>
      tpu.wait_indirect_dma semaphore(%arg16 : memref<!tpu.dma_semaphore, #tpu.memory_space<semaphore_mem>>) src(%dma_wait3A_421 : memref<80x128xf32, #tpu.memory_space<vmem>>) dst(%dma_wait3A_427 : memref<10240x128xf32, #tpu.memory_space<vmem_shared>>)
      %dma_wait3A_428 = arith.constant 1 : i32
      %dma_wait3A_429 = arith.constant 80 : i32
      %dma_wait3A_430 = arith.constant 0 : i32
      %dma_wait3A_431 = tpu.memref_slice %arg9[%dma_wait3A_429, %dma_wait3A_430] : memref<320x128xf32, #tpu.memory_space<vmem>> -> memref<80x128xf32, #tpu.memory_space<vmem>>
      %dma_wait3A_432 = arith.constant 0 : i32
      %dma_wait3A_433 = tpu.memref_slice %arg8[%dma_wait3A_428, %dma_wait3A_432] : memref<4x80xi32, #tpu.memory_space<vmem>> -> memref<1x80xi32, #tpu.memory_space<vmem>>
      %dma_wait3A_434 = tpu.memref_squeeze %dma_wait3A_433 : memref<1x80xi32, #tpu.memory_space<vmem>> -> memref<80xi32, #tpu.memory_space<vmem>>
      %dma_wait3A_435 = arith.constant 0 : i32
      %dma_wait3A_436 = arith.constant 0 : i32
      %dma_wait3A_437 = tpu.memref_slice %arg10[%dma_wait3A_435, %dma_wait3A_436] : memref<10240x128xf32, #tpu.memory_space<vmem_shared>> -> memref<10240x128xf32, #tpu.memory_space<vmem_shared>>
      tpu.wait_indirect_dma semaphore(%arg16 : memref<!tpu.dma_semaphore, #tpu.memory_space<semaphore_mem>>) src(%dma_wait3A_431 : memref<80x128xf32, #tpu.memory_space<vmem>>) dst(%dma_wait3A_437 : memref<10240x128xf32, #tpu.memory_space<vmem_shared>>)
      %dma_wait3A_438 = arith.constant 2 : i32
      %dma_wait3A_439 = arith.constant 160 : i32
      %dma_wait3A_440 = arith.constant 0 : i32
      %dma_wait3A_441 = tpu.memref_slice %arg9[%dma_wait3A_439, %dma_wait3A_440] : memref<320x128xf32, #tpu.memory_space<vmem>> -> memref<80x128xf32, #tpu.memory_space<vmem>>
      %dma_wait3A_442 = arith.constant 0 : i32
      %dma_wait3A_443 = tpu.memref_slice %arg8[%dma_wait3A_438, %dma_wait3A_442] : memref<4x80xi32, #tpu.memory_space<vmem>> -> memref<1x80xi32, #tpu.memory_space<vmem>>
      %dma_wait3A_444 = tpu.memref_squeeze %dma_wait3A_443 : memref<1x80xi32, #tpu.memory_space<vmem>> -> memref<80xi32, #tpu.memory_space<vmem>>
      %dma_wait3A_445 = arith.constant 0 : i32
      %dma_wait3A_446 = arith.constant 0 : i32
      %dma_wait3A_447 = tpu.memref_slice %arg10[%dma_wait3A_445, %dma_wait3A_446] : memref<10240x128xf32, #tpu.memory_space<vmem_shared>> -> memref<10240x128xf32, #tpu.memory_space<vmem_shared>>
      tpu.wait_indirect_dma semaphore(%arg16 : memref<!tpu.dma_semaphore, #tpu.memory_space<semaphore_mem>>) src(%dma_wait3A_441 : memref<80x128xf32, #tpu.memory_space<vmem>>) dst(%dma_wait3A_447 : memref<10240x128xf32, #tpu.memory_space<vmem_shared>>)
      %dma_wait3A_448 = arith.constant 3 : i32
      %dma_wait3A_449 = arith.constant 240 : i32
      %dma_wait3A_450 = arith.constant 0 : i32
      %dma_wait3A_451 = tpu.memref_slice %arg9[%dma_wait3A_449, %dma_wait3A_450] : memref<320x128xf32, #tpu.memory_space<vmem>> -> memref<80x128xf32, #tpu.memory_space<vmem>>
      %dma_wait3A_452 = arith.constant 0 : i32
      %dma_wait3A_453 = tpu.memref_slice %arg8[%dma_wait3A_448, %dma_wait3A_452] : memref<4x80xi32, #tpu.memory_space<vmem>> -> memref<1x80xi32, #tpu.memory_space<vmem>>
      %dma_wait3A_454 = tpu.memref_squeeze %dma_wait3A_453 : memref<1x80xi32, #tpu.memory_space<vmem>> -> memref<80xi32, #tpu.memory_space<vmem>>
      %dma_wait3A_455 = arith.constant 0 : i32
      %dma_wait3A_456 = arith.constant 0 : i32
      %dma_wait3A_457 = tpu.memref_slice %arg10[%dma_wait3A_455, %dma_wait3A_456] : memref<10240x128xf32, #tpu.memory_space<vmem_shared>> -> memref<10240x128xf32, #tpu.memory_space<vmem_shared>>
      tpu.wait_indirect_dma semaphore(%arg16 : memref<!tpu.dma_semaphore, #tpu.memory_space<semaphore_mem>>) src(%dma_wait3A_451 : memref<80x128xf32, #tpu.memory_space<vmem>>) dst(%dma_wait3A_457 : memref<10240x128xf32, #tpu.memory_space<vmem_shared>>)
      %scan3A_458 = arith.constant 0 : i32
      scf.yield %scan3A_458 : i32
    }
    %scan3A_21 = arith.constant 31 : i32
    %mul3A_22 = arith.constant 10000 : i32
    %mul3A_23 = arith.muli %add3A, %mul3A_22 : i32
    %add3A_24 = arith.constant 9920 : i32
    %add3A_25 = arith.addi %mul3A_23, %add3A_24 : i32
    %add3A_26 = arith.constant 0 : i32
    %add3A_27 = arith.addi %add3A_25, %add3A_26 : i32
    %multiple_of3A = tpu.assume_multiple %add3A_27, 8 : i32
    %dma_start3A = arith.constant 0 : i32
    %dma_start3A_28 = arith.constant 0 : i32
    %dma_start3A_29 = tpu.memref_slice %arg7[%dma_start3A, %dma_start3A_28] : memref<4x80xi32, #tpu.memory_space<vmem>> -> memref<1x80xi32, #tpu.memory_space<vmem>>
    %dma_start3A_30 = tpu.memref_squeeze %dma_start3A_29 : memref<1x80xi32, #tpu.memory_space<vmem>> -> memref<80xi32, #tpu.memory_space<vmem>>
    %dma_start3A_31 = tpu.memref_slice %arg3[%multiple_of3A] : memref<320000xi32, #tpu.memory_space<hbm>> -> memref<80xi32, #tpu.memory_space<hbm>>
    %dma_start3A_32 = arith.constant 0 : i32
    %dma_start3A_33 = tpu.memref_slice %arg7[%dma_start3A, %dma_start3A_32] : memref<4x80xi32, #tpu.memory_space<vmem>> -> memref<1x80xi32, #tpu.memory_space<vmem>>
    %dma_start3A_34 = tpu.memref_squeeze %dma_start3A_33 : memref<1x80xi32, #tpu.memory_space<vmem>> -> memref<80xi32, #tpu.memory_space<vmem>>
    %dma_start3A_35 = tpu.memref_slice %arg3[%multiple_of3A] : memref<320000xi32, #tpu.memory_space<hbm>> -> memref<80xi32, #tpu.memory_space<hbm>>
    tpu.enqueue_dma source(%dma_start3A_35 : memref<80xi32, #tpu.memory_space<hbm>>) target(%dma_start3A_34 : memref<80xi32, #tpu.memory_space<vmem>>) target_semaphore(%arg11 : memref<!tpu.dma_semaphore, #tpu.memory_space<semaphore_mem>>)
    %add3A_36 = arith.constant 320000 : i32
    %add3A_37 = arith.addi %add3A_36, %add3A_25 : i32
    %add3A_38 = arith.constant 0 : i32
    %add3A_39 = arith.addi %add3A_37, %add3A_38 : i32
    %multiple_of3A_40 = tpu.assume_multiple %add3A_39, 8 : i32
    %dma_start3A_41 = arith.constant 0 : i32
    %dma_start3A_42 = arith.constant 0 : i32
    %dma_start3A_43 = tpu.memref_slice %arg8[%dma_start3A_41, %dma_start3A_42] : memref<4x80xi32, #tpu.memory_space<vmem>> -> memref<1x80xi32, #tpu.memory_space<vmem>>
    %dma_start3A_44 = tpu.memref_squeeze %dma_start3A_43 : memref<1x80xi32, #tpu.memory_space<vmem>> -> memref<80xi32, #tpu.memory_space<vmem>>
    %dma_start3A_45 = tpu.memref_slice %arg4[%multiple_of3A_40] : memref<640000xi32, #tpu.memory_space<hbm>> -> memref<80xi32, #tpu.memory_space<hbm>>
    %dma_start3A_46 = arith.constant 0 : i32
    %dma_start3A_47 = tpu.memref_slice %arg8[%dma_start3A_41, %dma_start3A_46] : memref<4x80xi32, #tpu.memory_space<vmem>> -> memref<1x80xi32, #tpu.memory_space<vmem>>
    %dma_start3A_48 = tpu.memref_squeeze %dma_start3A_47 : memref<1x80xi32, #tpu.memory_space<vmem>> -> memref<80xi32, #tpu.memory_space<vmem>>
    %dma_start3A_49 = tpu.memref_slice %arg4[%multiple_of3A_40] : memref<640000xi32, #tpu.memory_space<hbm>> -> memref<80xi32, #tpu.memory_space<hbm>>
    tpu.enqueue_dma source(%dma_start3A_49 : memref<80xi32, #tpu.memory_space<hbm>>) target(%dma_start3A_48 : memref<80xi32, #tpu.memory_space<vmem>>) target_semaphore(%arg11 : memref<!tpu.dma_semaphore, #tpu.memory_space<semaphore_mem>>)
    %dma_wait3A = arith.constant 0 : i32
    %dma_wait3A_50 = arith.constant 0 : i32
    %dma_wait3A_51 = tpu.memref_slice %arg7[%dma_wait3A, %dma_wait3A_50] : memref<4x80xi32, #tpu.memory_space<vmem>> -> memref<1x80xi32, #tpu.memory_space<vmem>>
    %dma_wait3A_52 = tpu.memref_squeeze %dma_wait3A_51 : memref<1x80xi32, #tpu.memory_space<vmem>> -> memref<80xi32, #tpu.memory_space<vmem>>
    %dma_wait3A_53 = tpu.memref_slice %arg3[%multiple_of3A] : memref<320000xi32, #tpu.memory_space<hbm>> -> memref<80xi32, #tpu.memory_space<hbm>>
    %dma_wait3A_54 = arith.constant 0 : i32
    %dma_wait3A_55 = tpu.memref_slice %arg7[%dma_wait3A, %dma_wait3A_54] : memref<4x80xi32, #tpu.memory_space<vmem>> -> memref<1x80xi32, #tpu.memory_space<vmem>>
    %dma_wait3A_56 = tpu.memref_squeeze %dma_wait3A_55 : memref<1x80xi32, #tpu.memory_space<vmem>> -> memref<80xi32, #tpu.memory_space<vmem>>
    %dma_wait3A_57 = tpu.memref_slice %arg3[%multiple_of3A] : memref<320000xi32, #tpu.memory_space<hbm>> -> memref<80xi32, #tpu.memory_space<hbm>>
    tpu.wait_dma2 semaphore(%arg11 : memref<!tpu.dma_semaphore, #tpu.memory_space<semaphore_mem>>) src(%dma_wait3A_57 : memref<80xi32, #tpu.memory_space<hbm>>) dst(%dma_wait3A_56 : memref<80xi32, #tpu.memory_space<vmem>>)
    %dma_wait3A_58 = arith.constant 0 : i32
    %dma_wait3A_59 = arith.constant 0 : i32
    %dma_wait3A_60 = tpu.memref_slice %arg8[%dma_wait3A_58, %dma_wait3A_59] : memref<4x80xi32, #tpu.memory_space<vmem>> -> memref<1x80xi32, #tpu.memory_space<vmem>>
    %dma_wait3A_61 = tpu.memref_squeeze %dma_wait3A_60 : memref<1x80xi32, #tpu.memory_space<vmem>> -> memref<80xi32, #tpu.memory_space<vmem>>
    %dma_wait3A_62 = tpu.memref_slice %arg4[%multiple_of3A_40] : memref<640000xi32, #tpu.memory_space<hbm>> -> memref<80xi32, #tpu.memory_space<hbm>>
    %dma_wait3A_63 = arith.constant 0 : i32
    %dma_wait3A_64 = tpu.memref_slice %arg8[%dma_wait3A_58, %dma_wait3A_63] : memref<4x80xi32, #tpu.memory_space<vmem>> -> memref<1x80xi32, #tpu.memory_space<vmem>>
    %dma_wait3A_65 = tpu.memref_squeeze %dma_wait3A_64 : memref<1x80xi32, #tpu.memory_space<vmem>> -> memref<80xi32, #tpu.memory_space<vmem>>
    %dma_wait3A_66 = tpu.memref_slice %arg4[%multiple_of3A_40] : memref<640000xi32, #tpu.memory_space<hbm>> -> memref<80xi32, #tpu.memory_space<hbm>>
    tpu.wait_dma2 semaphore(%arg11 : memref<!tpu.dma_semaphore, #tpu.memory_space<semaphore_mem>>) src(%dma_wait3A_66 : memref<80xi32, #tpu.memory_space<hbm>>) dst(%dma_wait3A_65 : memref<80xi32, #tpu.memory_space<vmem>>)
    %dma_start3A_67 = arith.constant 0 : i32
    %dma_start3A_68 = arith.constant 0 : i32
    %dma_start3A_69 = arith.constant 0 : i32
    %dma_start3A_70 = tpu.memref_slice %arg9[%dma_start3A_68, %dma_start3A_69] : memref<320x128xf32, #tpu.memory_space<vmem>> -> memref<80x128xf32, #tpu.memory_space<vmem>>
    %dma_start3A_71 = arith.constant 0 : i32
    %dma_start3A_72 = tpu.memref_slice %arg7[%dma_start3A_67, %dma_start3A_71] : memref<4x80xi32, #tpu.memory_space<vmem>> -> memref<1x80xi32, #tpu.memory_space<vmem>>
    %dma_start3A_73 = tpu.memref_squeeze %dma_start3A_72 : memref<1x80xi32, #tpu.memory_space<vmem>> -> memref<80xi32, #tpu.memory_space<vmem>>
    %dma_start3A_74 = arith.constant 0 : i32
    %dma_start3A_75 = arith.constant 0 : i32
    %dma_start3A_76 = tpu.memref_slice %arg2[%dma_start3A_74, %dma_start3A_75] : memref<163840x128xf32, #tpu.memory_space<hbm>> -> memref<163840x128xf32, #tpu.memory_space<hbm>>
    tpu.enqueue_indirect_dma source(%dma_start3A_76 : memref<163840x128xf32, #tpu.memory_space<hbm>>) target(%dma_start3A_70 : memref<80x128xf32, #tpu.memory_space<vmem>>) offsets(%dma_start3A_73 : memref<80xi32, #tpu.memory_space<vmem>>) semaphore(%arg12 : memref<!tpu.dma_semaphore, #tpu.memory_space<semaphore_mem>>)
    %dma_wait3A_77 = arith.constant 0 : i32
    %dma_wait3A_78 = arith.constant 0 : i32
    %dma_wait3A_79 = arith.constant 0 : i32
    %dma_wait3A_80 = tpu.memref_slice %arg9[%dma_wait3A_78, %dma_wait3A_79] : memref<320x128xf32, #tpu.memory_space<vmem>> -> memref<80x128xf32, #tpu.memory_space<vmem>>
    %dma_wait3A_81 = arith.constant 0 : i32
    %dma_wait3A_82 = tpu.memref_slice %arg7[%dma_wait3A_77, %dma_wait3A_81] : memref<4x80xi32, #tpu.memory_space<vmem>> -> memref<1x80xi32, #tpu.memory_space<vmem>>
    %dma_wait3A_83 = tpu.memref_squeeze %dma_wait3A_82 : memref<1x80xi32, #tpu.memory_space<vmem>> -> memref<80xi32, #tpu.memory_space<vmem>>
    %dma_wait3A_84 = arith.constant 0 : i32
    %dma_wait3A_85 = arith.constant 0 : i32
    %dma_wait3A_86 = tpu.memref_slice %arg2[%dma_wait3A_84, %dma_wait3A_85] : memref<163840x128xf32, #tpu.memory_space<hbm>> -> memref<163840x128xf32, #tpu.memory_space<hbm>>
    tpu.wait_indirect_dma semaphore(%arg12 : memref<!tpu.dma_semaphore, #tpu.memory_space<semaphore_mem>>) src(%dma_wait3A_86 : memref<163840x128xf32, #tpu.memory_space<hbm>>) dst(%dma_wait3A_80 : memref<80x128xf32, #tpu.memory_space<vmem>>)
    %dma_start3A_87 = arith.constant 0 : i32
    %dma_start3A_88 = arith.constant 0 : i32
    %dma_start3A_89 = arith.constant 0 : i32
    %dma_start3A_90 = tpu.memref_slice %arg9[%dma_start3A_88, %dma_start3A_89] : memref<320x128xf32, #tpu.memory_space<vmem>> -> memref<80x128xf32, #tpu.memory_space<vmem>>
    %dma_start3A_91 = arith.constant 0 : i32
    %dma_start3A_92 = tpu.memref_slice %arg8[%dma_start3A_87, %dma_start3A_91] : memref<4x80xi32, #tpu.memory_space<vmem>> -> memref<1x80xi32, #tpu.memory_space<vmem>>
    %dma_start3A_93 = tpu.memref_squeeze %dma_start3A_92 : memref<1x80xi32, #tpu.memory_space<vmem>> -> memref<80xi32, #tpu.memory_space<vmem>>
    %dma_start3A_94 = arith.constant 0 : i32
    %dma_start3A_95 = arith.constant 0 : i32
    %dma_start3A_96 = tpu.memref_slice %arg10[%dma_start3A_94, %dma_start3A_95] : memref<10240x128xf32, #tpu.memory_space<vmem_shared>> -> memref<10240x128xf32, #tpu.memory_space<vmem_shared>>
    tpu.enqueue_indirect_dma source(%dma_start3A_90 : memref<80x128xf32, #tpu.memory_space<vmem>>) target(%dma_start3A_96 : memref<10240x128xf32, #tpu.memory_space<vmem_shared>>) offsets(%dma_start3A_93 : memref<80xi32, #tpu.memory_space<vmem>>) semaphore(%arg16 : memref<!tpu.dma_semaphore, #tpu.memory_space<semaphore_mem>>) {add = true}
    %dma_wait3A_97 = arith.constant 0 : i32
    %dma_wait3A_98 = arith.constant 0 : i32
    %dma_wait3A_99 = arith.constant 0 : i32
    %dma_wait3A_100 = tpu.memref_slice %arg9[%dma_wait3A_98, %dma_wait3A_99] : memref<320x128xf32, #tpu.memory_space<vmem>> -> memref<80x128xf32, #tpu.memory_space<vmem>>
    %dma_wait3A_101 = arith.constant 0 : i32
    %dma_wait3A_102 = tpu.memref_slice %arg8[%dma_wait3A_97, %dma_wait3A_101] : memref<4x80xi32, #tpu.memory_space<vmem>> -> memref<1x80xi32, #tpu.memory_space<vmem>>
    %dma_wait3A_103 = tpu.memref_squeeze %dma_wait3A_102 : memref<1x80xi32, #tpu.memory_space<vmem>> -> memref<80xi32, #tpu.memory_space<vmem>>
    %dma_wait3A_104 = arith.constant 0 : i32
    %dma_wait3A_105 = arith.constant 0 : i32
    %dma_wait3A_106 = tpu.memref_slice %arg10[%dma_wait3A_104, %dma_wait3A_105] : memref<10240x128xf32, #tpu.memory_space<vmem_shared>> -> memref<10240x128xf32, #tpu.memory_space<vmem_shared>>
    tpu.wait_indirect_dma semaphore(%arg16 : memref<!tpu.dma_semaphore, #tpu.memory_space<semaphore_mem>>) src(%dma_wait3A_100 : memref<80x128xf32, #tpu.memory_space<vmem>>) dst(%dma_wait3A_106 : memref<10240x128xf32, #tpu.memory_space<vmem_shared>>)
    %barrier3A_107 = arith.constant 0 : index
    tpu.barrier barrier_id(%barrier3A_107)
    %scan3A_108 = arith.constant 0 : i32
    %scan3A_109 = arith.constant 0 : i32
    %scan3A_110 = arith.constant 8 : i32
    %scan3A_111 = arith.addi %scan3A_109, %scan3A_110 : i32
    %scan3A_112 = arith.constant 1 : i32
    %scan3A_113 = scf.for %scan3A_115 = %scan3A_109 to %scan3A_111 step %scan3A_112 iter_args(%scan3A_116 = %scan3A_108) -> (i32)  : i32 {
      %mul3A_117 = arith.constant 640 : i32
      %mul3A_118 = arith.muli %arg1, %mul3A_117 : i32
      %mul3A_119 = arith.constant 80 : i32
      %mul3A_120 = arith.muli %mul3A_119, %scan3A_115 : i32
      %add3A_121 = arith.addi %mul3A_118, %mul3A_120 : i32
      %multiple_of3A_122 = tpu.assume_multiple %add3A_121, 8 : i32
      %eq3A = arith.constant 0 : i32
      %eq3A_123 = arith.cmpi eq, %arg0, %eq3A : i32
      %convert_element_type3A = arith.extui %eq3A_123 : i1 to i32
      %cond3A = arith.constant 0 : i32
      %cond3A_124 = arith.cmpi ne, %convert_element_type3A, %cond3A : i32
      scf.if %cond3A_124 {
        "tpu.region"() ({
          %run_scoped3A = tpu.sem_alloc : memref<!tpu.dma_semaphore, #tpu.memory_space<semaphore_mem>>
          %dma_start3A_131 = arith.constant 0 : i32
          %dma_start3A_132 = tpu.memref_slice %arg5[%multiple_of3A_122, %dma_start3A_131] : memref<10240x128xf32, #tpu.memory_space<hbm>> -> memref<80x128xf32, #tpu.memory_space<hbm>>
          %dma_start3A_133 = arith.constant 0 : i32
          %dma_start3A_134 = tpu.memref_slice %arg10[%multiple_of3A_122, %dma_start3A_133] : memref<10240x128xf32, #tpu.memory_space<vmem_shared>> -> memref<80x128xf32, #tpu.memory_space<vmem_shared>>
          tpu.enqueue_dma source(%dma_start3A_134 : memref<80x128xf32, #tpu.memory_space<vmem_shared>>) target(%dma_start3A_132 : memref<80x128xf32, #tpu.memory_space<hbm>>) target_semaphore(%run_scoped3A : memref<!tpu.dma_semaphore, #tpu.memory_space<semaphore_mem>>)
          %dma_wait3A_135 = arith.constant 0 : i32
          %dma_wait3A_136 = tpu.memref_slice %arg5[%multiple_of3A_122, %dma_wait3A_135] : memref<10240x128xf32, #tpu.memory_space<hbm>> -> memref<80x128xf32, #tpu.memory_space<hbm>>
          %dma_wait3A_137 = arith.constant 0 : i32
          %dma_wait3A_138 = tpu.memref_slice %arg10[%multiple_of3A_122, %dma_wait3A_137] : memref<10240x128xf32, #tpu.memory_space<vmem_shared>> -> memref<80x128xf32, #tpu.memory_space<vmem_shared>>
          tpu.wait_dma2 semaphore(%run_scoped3A : memref<!tpu.dma_semaphore, #tpu.memory_space<semaphore_mem>>) src(%dma_wait3A_138 : memref<80x128xf32, #tpu.memory_space<vmem_shared>>) dst(%dma_wait3A_136 : memref<80x128xf32, #tpu.memory_space<hbm>>)
          tpu.yield
        }) : () -> ()
      } else {
      }
      %eq3A_125 = arith.constant 1 : i32
      %eq3A_126 = arith.cmpi eq, %arg0, %eq3A_125 : i32
      %convert_element_type3A_127 = arith.extui %eq3A_126 : i1 to i32
      %cond3A_128 = arith.constant 0 : i32
      %cond3A_129 = arith.cmpi ne, %convert_element_type3A_127, %cond3A_128 : i32
      scf.if %cond3A_129 {
        "tpu.region"() ({
          %run_scoped3A = tpu.sem_alloc : memref<!tpu.dma_semaphore, #tpu.memory_space<semaphore_mem>>
          %dma_start3A_131 = arith.constant 0 : i32
          %dma_start3A_132 = tpu.memref_slice %arg6[%multiple_of3A_122, %dma_start3A_131] : memref<10240x128xf32, #tpu.memory_space<hbm>> -> memref<80x128xf32, #tpu.memory_space<hbm>>
          %dma_start3A_133 = arith.constant 0 : i32
          %dma_start3A_134 = tpu.memref_slice %arg10[%multiple_of3A_122, %dma_start3A_133] : memref<10240x128xf32, #tpu.memory_space<vmem_shared>> -> memref<80x128xf32, #tpu.memory_space<vmem_shared>>
          tpu.enqueue_dma source(%dma_start3A_134 : memref<80x128xf32, #tpu.memory_space<vmem_shared>>) target(%dma_start3A_132 : memref<80x128xf32, #tpu.memory_space<hbm>>) target_semaphore(%run_scoped3A : memref<!tpu.dma_semaphore, #tpu.memory_space<semaphore_mem>>)
          %dma_wait3A_135 = arith.constant 0 : i32
          %dma_wait3A_136 = tpu.memref_slice %arg6[%multiple_of3A_122, %dma_wait3A_135] : memref<10240x128xf32, #tpu.memory_space<hbm>> -> memref<80x128xf32, #tpu.memory_space<hbm>>
          %dma_wait3A_137 = arith.constant 0 : i32
          %dma_wait3A_138 = tpu.memref_slice %arg10[%multiple_of3A_122, %dma_wait3A_137] : memref<10240x128xf32, #tpu.memory_space<vmem_shared>> -> memref<80x128xf32, #tpu.memory_space<vmem_shared>>
          tpu.wait_dma2 semaphore(%run_scoped3A : memref<!tpu.dma_semaphore, #tpu.memory_space<semaphore_mem>>) src(%dma_wait3A_138 : memref<80x128xf32, #tpu.memory_space<vmem_shared>>) dst(%dma_wait3A_136 : memref<80x128xf32, #tpu.memory_space<hbm>>)
          tpu.yield
        }) : () -> ()
      } else {
      }
      %scan3A_130 = arith.constant 0 : i32
      scf.yield %scan3A_130 : i32
    }
    %scan3A_114 = arith.constant 8 : i32
    return
  }
}

#map = affine_map<(d0, d1) -> (0, 0)>
#map1 = affine_map<(d0, d1) -> (0)>
module attributes {stable_mosaic.version = 14 : i64} {
  func.func @_msg_kernel(%arg0: i32, %arg1: i32, %arg2: memref<163840x128xf32, #tpu.memory_space<hbm>>, %arg3: memref<320000xi32, #tpu.memory_space<hbm>>, %arg4: memref<640000xi32, #tpu.memory_space<hbm>>, %arg5: memref<10240x128xf32, #tpu.memory_space<hbm>>, %arg6: memref<10240x128xf32, #tpu.memory_space<hbm>>, %arg7: memref<4x80xi32, #tpu.memory_space<vmem>>, %arg8: memref<4x80xi32, #tpu.memory_space<vmem>>, %arg9: memref<320x128xf32, #tpu.memory_space<vmem>>, %arg10: memref<10240x128xf32, #tpu.memory_space<vmem_shared>>, %arg11: memref<!tpu.dma_semaphore, #tpu.memory_space<semaphore_mem>>, %arg12: memref<!tpu.dma_semaphore, #tpu.memory_space<semaphore_mem>>, %arg13: memref<!tpu.dma_semaphore, #tpu.memory_space<semaphore_mem>>, %arg14: memref<!tpu.dma_semaphore, #tpu.memory_space<semaphore_mem>>, %arg15: memref<!tpu.dma_semaphore, #tpu.memory_space<semaphore_mem>>, %arg16: memref<!tpu.dma_semaphore, #tpu.memory_space<semaphore_mem>>) attributes {dimension_semantics = [#tpu.dimension_semantics<core_parallel>, #tpu.dimension_semantics<subcore_parallel>], iteration_bounds = array<i64: 2, 16>, scalar_prefetch = 0 : i64, scratch_operands = 10 : i64, tpu.core_type = #tpu.core_type<sc_vector_subcore>, window_params = [{transform_indices = #map}, {transform_indices = #map1}, {transform_indices = #map1}, {transform_indices = #map}, {transform_indices = #map}]} {
    %mul3A = arith.constant 16 : i32
    %mul3A_0 = arith.muli %arg0, %mul3A : i32
    %add3A = arith.addi %mul3A_0, %arg1 : i32
    %broadcast_in_dim3A = arith.constant 0.000000e+00 : f32
    %broadcast_in_dim3A_1 = vector.broadcast %broadcast_in_dim3A : f32 to vector<16xf32>
    %scan3A = arith.constant 0 : i32
    %scan3A_2 = arith.constant 0 : i32
    %scan3A_3 = arith.constant 640 : i32
    %scan3A_4 = arith.addi %scan3A_2, %scan3A_3 : i32
    %scan3A_5 = arith.constant 1 : i32
    %scan3A_6 = scf.for %scan3A_115 = %scan3A_2 to %scan3A_4 step %scan3A_5 iter_args(%scan3A_116 = %scan3A) -> (i32)  : i32 {
      %jit3A = arith.constant 8 : i32
      %div3A = arith.divsi %scan3A_115, %jit3A : i32
      %sign3A = arith.constant 0 : i32
      %sign3A_117 = arith.cmpi sgt, %scan3A_115, %sign3A : i32
      %sign3A_118 = arith.extui %sign3A_117 : i1 to i32
      %sign3A_119 = arith.constant 0 : i32
      %sign3A_120 = arith.cmpi slt, %scan3A_115, %sign3A_119 : i32
      %sign3A_121 = arith.extui %sign3A_120 : i1 to i32
      %sign3A_122 = arith.subi %sign3A_118, %sign3A_121 : i32
      %sign3A_123 = arith.constant 0 : i32
      %sign3A_124 = arith.cmpi sgt, %jit3A, %sign3A_123 : i32
      %sign3A_125 = arith.extui %sign3A_124 : i1 to i32
      %sign3A_126 = arith.constant 0 : i32
      %sign3A_127 = arith.cmpi slt, %jit3A, %sign3A_126 : i32
      %sign3A_128 = arith.extui %sign3A_127 : i1 to i32
      %sign3A_129 = arith.subi %sign3A_125, %sign3A_128 : i32
      %ne3A = arith.cmpi ne, %sign3A_122, %sign3A_129 : i32
      %rem3A = arith.remsi %scan3A_115, %jit3A : i32
      %ne3A_130 = arith.constant 0 : i32
      %ne3A_131 = arith.cmpi ne, %rem3A, %ne3A_130 : i32
      %and3A = arith.andi %ne3A, %ne3A_131 : i1
      %sub3A = arith.constant 1 : i32
      %sub3A_132 = arith.subi %div3A, %sub3A : i32
      %select_n3A = arith.select %and3A, %sub3A_132, %div3A : i32
      %jit3A_133 = arith.constant 8 : i32
      %eq3A = arith.constant 0 : i32
      %eq3A_134 = arith.cmpi eq, %jit3A_133, %eq3A : i32
      %jit3A_135 = arith.constant 1 : i32
      %select_n3A_136 = arith.select %eq3A_134, %jit3A_135, %jit3A_133 : i32
      %rem3A_137 = arith.remsi %scan3A_115, %select_n3A_136 : i32
      %ne3A_138 = arith.constant 0 : i32
      %ne3A_139 = arith.cmpi ne, %rem3A_137, %ne3A_138 : i32
      %lt3A = arith.constant 0 : i32
      %lt3A_140 = arith.cmpi slt, %rem3A_137, %lt3A : i32
      %lt3A_141 = arith.constant 0 : i32
      %lt3A_142 = arith.cmpi slt, %select_n3A_136, %lt3A_141 : i32
      %ne3A_143 = arith.xori %lt3A_140, %lt3A_142 : i1
      %and3A_144 = arith.andi %ne3A_143, %ne3A_139 : i1
      %add3A_145 = arith.addi %rem3A_137, %select_n3A_136 : i32
      %select_n3A_146 = arith.select %and3A_144, %add3A_145, %rem3A_137 : i32
      %mul3A_147 = arith.constant 16 : i32
      %mul3A_148 = arith.muli %select_n3A_146, %mul3A_147 : i32
      %swap3A = arith.index_cast %select_n3A : i32 to index
      %swap3A_149 = arith.index_cast %mul3A_148 : i32 to index
      %swap3A_150 = tpu.vector_load %arg9[%swap3A, %swap3A_149] {strides = array<i32>} : memref<320x128xf32, #tpu.memory_space<vmem>>, vector<16xf32>,
      tpu.vector_store %arg9[%swap3A, %swap3A_149], %broadcast_in_dim3A_1 {strides = array<i32>} : memref<320x128xf32, #tpu.memory_space<vmem>>, vector<16xf32>,
      %scan3A_151 = arith.constant 0 : i32
      scf.yield %scan3A_151 : i32
    }
    %scan3A_7 = arith.constant 640 : i32
    %scan3A_8 = arith.constant 0 : i32
    %scan3A_9 = arith.constant 0 : i32
    %scan3A_10 = arith.constant 8 : i32
    %scan3A_11 = arith.addi %scan3A_9, %scan3A_10 : i32
    %scan3A_12 = arith.constant 1 : i32
    %scan3A_13 = scf.for %scan3A_115 = %scan3A_9 to %scan3A_11 step %scan3A_12 iter_args(%scan3A_116 = %scan3A_8) -> (i32)  : i32 {
      %mul3A_117 = arith.constant 640 : i32
      %mul3A_118 = arith.muli %arg1, %mul3A_117 : i32
      %mul3A_119 = arith.constant 80 : i32
      %mul3A_120 = arith.muli %mul3A_119, %scan3A_115 : i32
      %add3A_121 = arith.addi %mul3A_118, %mul3A_120 : i32
      %multiple_of3A_122 = tpu.assume_multiple %add3A_121, 8 : i32
      "tpu.region"() ({
        %run_scoped3A = tpu.sem_alloc : memref<!tpu.dma_semaphore, #tpu.memory_space<semaphore_mem>>
        %dma_start3A_124 = arith.constant 0 : i32
        %dma_start3A_125 = arith.constant 0 : i32
        %dma_start3A_126 = tpu.memref_slice %arg9[%dma_start3A_124, %dma_start3A_125] : memref<320x128xf32, #tpu.memory_space<vmem>> -> memref<80x128xf32, #tpu.memory_space<vmem>>
        %dma_start3A_127 = arith.constant 0 : i32
        %dma_start3A_128 = tpu.memref_slice %arg10[%multiple_of3A_122, %dma_start3A_127] : memref<10240x128xf32, #tpu.memory_space<vmem_shared>> -> memref<80x128xf32, #tpu.memory_space<vmem_shared>>
        %dma_start3A_129 = arith.constant 0 : i32
        %dma_start3A_130 = tpu.memref_slice %arg10[%multiple_of3A_122, %dma_start3A_129] : memref<10240x128xf32, #tpu.memory_space<vmem_shared>> -> memref<80x128xf32, #tpu.memory_space<vmem_shared>>
        %dma_start3A_131 = arith.constant 0 : i32
        %dma_start3A_132 = arith.constant 0 : i32
        %dma_start3A_133 = tpu.memref_slice %arg9[%dma_start3A_131, %dma_start3A_132] : memref<320x128xf32, #tpu.memory_space<vmem>> -> memref<80x128xf32, #tpu.memory_space<vmem>>
        tpu.enqueue_dma source(%dma_start3A_133 : memref<80x128xf32, #tpu.memory_space<vmem>>) target(%dma_start3A_130 : memref<80x128xf32, #tpu.memory_space<vmem_shared>>) target_semaphore(%run_scoped3A : memref<!tpu.dma_semaphore, #tpu.memory_space<semaphore_mem>>)
        %dma_wait3A_134 = arith.constant 0 : i32
        %dma_wait3A_135 = arith.constant 0 : i32
        %dma_wait3A_136 = tpu.memref_slice %arg9[%dma_wait3A_134, %dma_wait3A_135] : memref<320x128xf32, #tpu.memory_space<vmem>> -> memref<80x128xf32, #tpu.memory_space<vmem>>
        %dma_wait3A_137 = arith.constant 0 : i32
        %dma_wait3A_138 = tpu.memref_slice %arg10[%multiple_of3A_122, %dma_wait3A_137] : memref<10240x128xf32, #tpu.memory_space<vmem_shared>> -> memref<80x128xf32, #tpu.memory_space<vmem_shared>>
        %dma_wait3A_139 = arith.constant 0 : i32
        %dma_wait3A_140 = tpu.memref_slice %arg10[%multiple_of3A_122, %dma_wait3A_139] : memref<10240x128xf32, #tpu.memory_space<vmem_shared>> -> memref<80x128xf32, #tpu.memory_space<vmem_shared>>
        %dma_wait3A_141 = arith.constant 0 : i32
        %dma_wait3A_142 = arith.constant 0 : i32
        %dma_wait3A_143 = tpu.memref_slice %arg9[%dma_wait3A_141, %dma_wait3A_142] : memref<320x128xf32, #tpu.memory_space<vmem>> -> memref<80x128xf32, #tpu.memory_space<vmem>>
        tpu.wait_dma2 semaphore(%run_scoped3A : memref<!tpu.dma_semaphore, #tpu.memory_space<semaphore_mem>>) src(%dma_wait3A_143 : memref<80x128xf32, #tpu.memory_space<vmem>>) dst(%dma_wait3A_140 : memref<80x128xf32, #tpu.memory_space<vmem_shared>>)
        tpu.yield
      }) : () -> ()
      %scan3A_123 = arith.constant 0 : i32
      scf.yield %scan3A_123 : i32
    }
    %scan3A_14 = arith.constant 8 : i32
    %barrier3A = arith.constant 0 : index
    tpu.barrier barrier_id(%barrier3A)
    %scan3A_15 = arith.constant 0 : i32
    %scan3A_16 = arith.constant 0 : i32
    %scan3A_17 = arith.constant 31 : i32
    %scan3A_18 = arith.addi %scan3A_16, %scan3A_17 : i32
    %scan3A_19 = arith.constant 1 : i32
    %scan3A_20 = scf.for %scan3A_115 = %scan3A_16 to %scan3A_18 step %scan3A_19 iter_args(%scan3A_116 = %scan3A_15) -> (i32)  : i32 {
      %mul3A_117 = arith.constant 10000 : i32
      %mul3A_118 = arith.muli %add3A, %mul3A_117 : i32
      %mul3A_119 = arith.constant 320 : i32
      %mul3A_120 = arith.muli %mul3A_119, %scan3A_115 : i32
      %add3A_121 = arith.addi %mul3A_118, %mul3A_120 : i32
      %add3A_122 = arith.constant 0 : i32
      %add3A_123 = arith.addi %add3A_121, %add3A_122 : i32
      %multiple_of3A_124 = tpu.assume_multiple %add3A_123, 8 : i32
      %dma_start3A_125 = arith.constant 0 : i32
      %dma_start3A_126 = arith.constant 0 : i32
      %dma_start3A_127 = tpu.memref_slice %arg7[%dma_start3A_125, %dma_start3A_126] : memref<4x80xi32, #tpu.memory_space<vmem>> -> memref<1x80xi32, #tpu.memory_space<vmem>>
      %dma_start3A_128 = tpu.memref_squeeze %dma_start3A_127 : memref<1x80xi32, #tpu.memory_space<vmem>> -> memref<80xi32, #tpu.memory_space<vmem>>
      %dma_start3A_129 = tpu.memref_slice %arg3[%multiple_of3A_124] : memref<320000xi32, #tpu.memory_space<hbm>> -> memref<80xi32, #tpu.memory_space<hbm>>
      %dma_start3A_130 = arith.constant 0 : i32
      %dma_start3A_131 = tpu.memref_slice %arg7[%dma_start3A_125, %dma_start3A_130] : memref<4x80xi32, #tpu.memory_space<vmem>> -> memref<1x80xi32, #tpu.memory_space<vmem>>
      %dma_start3A_132 = tpu.memref_squeeze %dma_start3A_131 : memref<1x80xi32, #tpu.memory_space<vmem>> -> memref<80xi32, #tpu.memory_space<vmem>>
      %dma_start3A_133 = tpu.memref_slice %arg3[%multiple_of3A_124] : memref<320000xi32, #tpu.memory_space<hbm>> -> memref<80xi32, #tpu.memory_space<hbm>>
      tpu.enqueue_dma source(%dma_start3A_133 : memref<80xi32, #tpu.memory_space<hbm>>) target(%dma_start3A_132 : memref<80xi32, #tpu.memory_space<vmem>>) target_semaphore(%arg11 : memref<!tpu.dma_semaphore, #tpu.memory_space<semaphore_mem>>)
      %add3A_134 = arith.constant 320000 : i32
      %add3A_135 = arith.addi %add3A_134, %add3A_121 : i32
      %add3A_136 = arith.constant 0 : i32
      %add3A_137 = arith.addi %add3A_135, %add3A_136 : i32
      %multiple_of3A_138 = tpu.assume_multiple %add3A_137, 8 : i32
      %dma_start3A_139 = arith.constant 0 : i32
      %dma_start3A_140 = arith.constant 0 : i32
      %dma_start3A_141 = tpu.memref_slice %arg8[%dma_start3A_139, %dma_start3A_140] : memref<4x80xi32, #tpu.memory_space<vmem>> -> memref<1x80xi32, #tpu.memory_space<vmem>>
      %dma_start3A_142 = tpu.memref_squeeze %dma_start3A_141 : memref<1x80xi32, #tpu.memory_space<vmem>> -> memref<80xi32, #tpu.memory_space<vmem>>
      %dma_start3A_143 = tpu.memref_slice %arg4[%multiple_of3A_138] : memref<640000xi32, #tpu.memory_space<hbm>> -> memref<80xi32, #tpu.memory_space<hbm>>
      %dma_start3A_144 = arith.constant 0 : i32
      %dma_start3A_145 = tpu.memref_slice %arg8[%dma_start3A_139, %dma_start3A_144] : memref<4x80xi32, #tpu.memory_space<vmem>> -> memref<1x80xi32, #tpu.memory_space<vmem>>
      %dma_start3A_146 = tpu.memref_squeeze %dma_start3A_145 : memref<1x80xi32, #tpu.memory_space<vmem>> -> memref<80xi32, #tpu.memory_space<vmem>>
      %dma_start3A_147 = tpu.memref_slice %arg4[%multiple_of3A_138] : memref<640000xi32, #tpu.memory_space<hbm>> -> memref<80xi32, #tpu.memory_space<hbm>>
      tpu.enqueue_dma source(%dma_start3A_147 : memref<80xi32, #tpu.memory_space<hbm>>) target(%dma_start3A_146 : memref<80xi32, #tpu.memory_space<vmem>>) target_semaphore(%arg11 : memref<!tpu.dma_semaphore, #tpu.memory_space<semaphore_mem>>)
      %add3A_148 = arith.constant 80 : i32
      %add3A_149 = arith.addi %add3A_121, %add3A_148 : i32
      %multiple_of3A_150 = tpu.assume_multiple %add3A_149, 8 : i32
      %dma_start3A_151 = arith.constant 1 : i32
      %dma_start3A_152 = arith.constant 0 : i32
      %dma_start3A_153 = tpu.memref_slice %arg7[%dma_start3A_151, %dma_start3A_152] : memref<4x80xi32, #tpu.memory_space<vmem>> -> memref<1x80xi32, #tpu.memory_space<vmem>>
      %dma_start3A_154 = tpu.memref_squeeze %dma_start3A_153 : memref<1x80xi32, #tpu.memory_space<vmem>> -> memref<80xi32, #tpu.memory_space<vmem>>
      %dma_start3A_155 = tpu.memref_slice %arg3[%multiple_of3A_150] : memref<320000xi32, #tpu.memory_space<hbm>> -> memref<80xi32, #tpu.memory_space<hbm>>
      %dma_start3A_156 = arith.constant 0 : i32
      %dma_start3A_157 = tpu.memref_slice %arg7[%dma_start3A_151, %dma_start3A_156] : memref<4x80xi32, #tpu.memory_space<vmem>> -> memref<1x80xi32, #tpu.memory_space<vmem>>
      %dma_start3A_158 = tpu.memref_squeeze %dma_start3A_157 : memref<1x80xi32, #tpu.memory_space<vmem>> -> memref<80xi32, #tpu.memory_space<vmem>>
      %dma_start3A_159 = tpu.memref_slice %arg3[%multiple_of3A_150] : memref<320000xi32, #tpu.memory_space<hbm>> -> memref<80xi32, #tpu.memory_space<hbm>>
      tpu.enqueue_dma source(%dma_start3A_159 : memref<80xi32, #tpu.memory_space<hbm>>) target(%dma_start3A_158 : memref<80xi32, #tpu.memory_space<vmem>>) target_semaphore(%arg11 : memref<!tpu.dma_semaphore, #tpu.memory_space<semaphore_mem>>)
      %add3A_160 = arith.constant 320000 : i32
      %add3A_161 = arith.addi %add3A_160, %add3A_121 : i32
      %add3A_162 = arith.constant 80 : i32
      %add3A_163 = arith.addi %add3A_161, %add3A_162 : i32
      %multiple_of3A_164 = tpu.assume_multiple %add3A_163, 8 : i32
      %dma_start3A_165 = arith.constant 1 : i32
      %dma_start3A_166 = arith.constant 0 : i32
      %dma_start3A_167 = tpu.memref_slice %arg8[%dma_start3A_165, %dma_start3A_166] : memref<4x80xi32, #tpu.memory_space<vmem>> -> memref<1x80xi32, #tpu.memory_space<vmem>>
      %dma_start3A_168 = tpu.memref_squeeze %dma_start3A_167 : memref<1x80xi32, #tpu.memory_space<vmem>> -> memref<80xi32, #tpu.memory_space<vmem>>
      %dma_start3A_169 = tpu.memref_slice %arg4[%multiple_of3A_164] : memref<640000xi32, #tpu.memory_space<hbm>> -> memref<80xi32, #tpu.memory_space<hbm>>
      %dma_start3A_170 = arith.constant 0 : i32
      %dma_start3A_171 = tpu.memref_slice %arg8[%dma_start3A_165, %dma_start3A_170] : memref<4x80xi32, #tpu.memory_space<vmem>> -> memref<1x80xi32, #tpu.memory_space<vmem>>
      %dma_start3A_172 = tpu.memref_squeeze %dma_start3A_171 : memref<1x80xi32, #tpu.memory_space<vmem>> -> memref<80xi32, #tpu.memory_space<vmem>>
      %dma_start3A_173 = tpu.memref_slice %arg4[%multiple_of3A_164] : memref<640000xi32, #tpu.memory_space<hbm>> -> memref<80xi32, #tpu.memory_space<hbm>>
      tpu.enqueue_dma source(%dma_start3A_173 : memref<80xi32, #tpu.memory_space<hbm>>) target(%dma_start3A_172 : memref<80xi32, #tpu.memory_space<vmem>>) target_semaphore(%arg11 : memref<!tpu.dma_semaphore, #tpu.memory_space<semaphore_mem>>)
      %add3A_174 = arith.constant 160 : i32
      %add3A_175 = arith.addi %add3A_121, %add3A_174 : i32
      %multiple_of3A_176 = tpu.assume_multiple %add3A_175, 8 : i32
      %dma_start3A_177 = arith.constant 2 : i32
      %dma_start3A_178 = arith.constant 0 : i32
      %dma_start3A_179 = tpu.memref_slice %arg7[%dma_start3A_177, %dma_start3A_178] : memref<4x80xi32, #tpu.memory_space<vmem>> -> memref<1x80xi32, #tpu.memory_space<vmem>>
      %dma_start3A_180 = tpu.memref_squeeze %dma_start3A_179 : memref<1x80xi32, #tpu.memory_space<vmem>> -> memref<80xi32, #tpu.memory_space<vmem>>
      %dma_start3A_181 = tpu.memref_slice %arg3[%multiple_of3A_176] : memref<320000xi32, #tpu.memory_space<hbm>> -> memref<80xi32, #tpu.memory_space<hbm>>
      %dma_start3A_182 = arith.constant 0 : i32
      %dma_start3A_183 = tpu.memref_slice %arg7[%dma_start3A_177, %dma_start3A_182] : memref<4x80xi32, #tpu.memory_space<vmem>> -> memref<1x80xi32, #tpu.memory_space<vmem>>
      %dma_start3A_184 = tpu.memref_squeeze %dma_start3A_183 : memref<1x80xi32, #tpu.memory_space<vmem>> -> memref<80xi32, #tpu.memory_space<vmem>>
      %dma_start3A_185 = tpu.memref_slice %arg3[%multiple_of3A_176] : memref<320000xi32, #tpu.memory_space<hbm>> -> memref<80xi32, #tpu.memory_space<hbm>>
      tpu.enqueue_dma source(%dma_start3A_185 : memref<80xi32, #tpu.memory_space<hbm>>) target(%dma_start3A_184 : memref<80xi32, #tpu.memory_space<vmem>>) target_semaphore(%arg11 : memref<!tpu.dma_semaphore, #tpu.memory_space<semaphore_mem>>)
      %add3A_186 = arith.constant 320000 : i32
      %add3A_187 = arith.addi %add3A_186, %add3A_121 : i32
      %add3A_188 = arith.constant 160 : i32
      %add3A_189 = arith.addi %add3A_187, %add3A_188 : i32
      %multiple_of3A_190 = tpu.assume_multiple %add3A_189, 8 : i32
      %dma_start3A_191 = arith.constant 2 : i32
      %dma_start3A_192 = arith.constant 0 : i32
      %dma_start3A_193 = tpu.memref_slice %arg8[%dma_start3A_191, %dma_start3A_192] : memref<4x80xi32, #tpu.memory_space<vmem>> -> memref<1x80xi32, #tpu.memory_space<vmem>>
      %dma_start3A_194 = tpu.memref_squeeze %dma_start3A_193 : memref<1x80xi32, #tpu.memory_space<vmem>> -> memref<80xi32, #tpu.memory_space<vmem>>
      %dma_start3A_195 = tpu.memref_slice %arg4[%multiple_of3A_190] : memref<640000xi32, #tpu.memory_space<hbm>> -> memref<80xi32, #tpu.memory_space<hbm>>
      %dma_start3A_196 = arith.constant 0 : i32
      %dma_start3A_197 = tpu.memref_slice %arg8[%dma_start3A_191, %dma_start3A_196] : memref<4x80xi32, #tpu.memory_space<vmem>> -> memref<1x80xi32, #tpu.memory_space<vmem>>
      %dma_start3A_198 = tpu.memref_squeeze %dma_start3A_197 : memref<1x80xi32, #tpu.memory_space<vmem>> -> memref<80xi32, #tpu.memory_space<vmem>>
      %dma_start3A_199 = tpu.memref_slice %arg4[%multiple_of3A_190] : memref<640000xi32, #tpu.memory_space<hbm>> -> memref<80xi32, #tpu.memory_space<hbm>>
      tpu.enqueue_dma source(%dma_start3A_199 : memref<80xi32, #tpu.memory_space<hbm>>) target(%dma_start3A_198 : memref<80xi32, #tpu.memory_space<vmem>>) target_semaphore(%arg11 : memref<!tpu.dma_semaphore, #tpu.memory_space<semaphore_mem>>)
      %add3A_200 = arith.constant 240 : i32
      %add3A_201 = arith.addi %add3A_121, %add3A_200 : i32
      %multiple_of3A_202 = tpu.assume_multiple %add3A_201, 8 : i32
      %dma_start3A_203 = arith.constant 3 : i32
      %dma_start3A_204 = arith.constant 0 : i32
      %dma_start3A_205 = tpu.memref_slice %arg7[%dma_start3A_203, %dma_start3A_204] : memref<4x80xi32, #tpu.memory_space<vmem>> -> memref<1x80xi32, #tpu.memory_space<vmem>>
      %dma_start3A_206 = tpu.memref_squeeze %dma_start3A_205 : memref<1x80xi32, #tpu.memory_space<vmem>> -> memref<80xi32, #tpu.memory_space<vmem>>
      %dma_start3A_207 = tpu.memref_slice %arg3[%multiple_of3A_202] : memref<320000xi32, #tpu.memory_space<hbm>> -> memref<80xi32, #tpu.memory_space<hbm>>
      %dma_start3A_208 = arith.constant 0 : i32
      %dma_start3A_209 = tpu.memref_slice %arg7[%dma_start3A_203, %dma_start3A_208] : memref<4x80xi32, #tpu.memory_space<vmem>> -> memref<1x80xi32, #tpu.memory_space<vmem>>
      %dma_start3A_210 = tpu.memref_squeeze %dma_start3A_209 : memref<1x80xi32, #tpu.memory_space<vmem>> -> memref<80xi32, #tpu.memory_space<vmem>>
      %dma_start3A_211 = tpu.memref_slice %arg3[%multiple_of3A_202] : memref<320000xi32, #tpu.memory_space<hbm>> -> memref<80xi32, #tpu.memory_space<hbm>>
      tpu.enqueue_dma source(%dma_start3A_211 : memref<80xi32, #tpu.memory_space<hbm>>) target(%dma_start3A_210 : memref<80xi32, #tpu.memory_space<vmem>>) target_semaphore(%arg11 : memref<!tpu.dma_semaphore, #tpu.memory_space<semaphore_mem>>)
      %add3A_212 = arith.constant 320000 : i32
      %add3A_213 = arith.addi %add3A_212, %add3A_121 : i32
      %add3A_214 = arith.constant 240 : i32
      %add3A_215 = arith.addi %add3A_213, %add3A_214 : i32
      %multiple_of3A_216 = tpu.assume_multiple %add3A_215, 8 : i32
      %dma_start3A_217 = arith.constant 3 : i32
      %dma_start3A_218 = arith.constant 0 : i32
      %dma_start3A_219 = tpu.memref_slice %arg8[%dma_start3A_217, %dma_start3A_218] : memref<4x80xi32, #tpu.memory_space<vmem>> -> memref<1x80xi32, #tpu.memory_space<vmem>>
      %dma_start3A_220 = tpu.memref_squeeze %dma_start3A_219 : memref<1x80xi32, #tpu.memory_space<vmem>> -> memref<80xi32, #tpu.memory_space<vmem>>
      %dma_start3A_221 = tpu.memref_slice %arg4[%multiple_of3A_216] : memref<640000xi32, #tpu.memory_space<hbm>> -> memref<80xi32, #tpu.memory_space<hbm>>
      %dma_start3A_222 = arith.constant 0 : i32
      %dma_start3A_223 = tpu.memref_slice %arg8[%dma_start3A_217, %dma_start3A_222] : memref<4x80xi32, #tpu.memory_space<vmem>> -> memref<1x80xi32, #tpu.memory_space<vmem>>
      %dma_start3A_224 = tpu.memref_squeeze %dma_start3A_223 : memref<1x80xi32, #tpu.memory_space<vmem>> -> memref<80xi32, #tpu.memory_space<vmem>>
      %dma_start3A_225 = tpu.memref_slice %arg4[%multiple_of3A_216] : memref<640000xi32, #tpu.memory_space<hbm>> -> memref<80xi32, #tpu.memory_space<hbm>>
      tpu.enqueue_dma source(%dma_start3A_225 : memref<80xi32, #tpu.memory_space<hbm>>) target(%dma_start3A_224 : memref<80xi32, #tpu.memory_space<vmem>>) target_semaphore(%arg11 : memref<!tpu.dma_semaphore, #tpu.memory_space<semaphore_mem>>)
      %dma_wait3A_226 = arith.constant 0 : i32
      %dma_wait3A_227 = arith.constant 0 : i32
      %dma_wait3A_228 = tpu.memref_slice %arg7[%dma_wait3A_226, %dma_wait3A_227] : memref<4x80xi32, #tpu.memory_space<vmem>> -> memref<1x80xi32, #tpu.memory_space<vmem>>
      %dma_wait3A_229 = tpu.memref_squeeze %dma_wait3A_228 : memref<1x80xi32, #tpu.memory_space<vmem>> -> memref<80xi32, #tpu.memory_space<vmem>>
      %dma_wait3A_230 = tpu.memref_slice %arg3[%multiple_of3A_124] : memref<320000xi32, #tpu.memory_space<hbm>> -> memref<80xi32, #tpu.memory_space<hbm>>
      %dma_wait3A_231 = arith.constant 0 : i32
      %dma_wait3A_232 = tpu.memref_slice %arg7[%dma_wait3A_226, %dma_wait3A_231] : memref<4x80xi32, #tpu.memory_space<vmem>> -> memref<1x80xi32, #tpu.memory_space<vmem>>
      %dma_wait3A_233 = tpu.memref_squeeze %dma_wait3A_232 : memref<1x80xi32, #tpu.memory_space<vmem>> -> memref<80xi32, #tpu.memory_space<vmem>>
      %dma_wait3A_234 = tpu.memref_slice %arg3[%multiple_of3A_124] : memref<320000xi32, #tpu.memory_space<hbm>> -> memref<80xi32, #tpu.memory_space<hbm>>
      tpu.wait_dma2 semaphore(%arg11 : memref<!tpu.dma_semaphore, #tpu.memory_space<semaphore_mem>>) src(%dma_wait3A_234 : memref<80xi32, #tpu.memory_space<hbm>>) dst(%dma_wait3A_233 : memref<80xi32, #tpu.memory_space<vmem>>)
      %dma_wait3A_235 = arith.constant 0 : i32
      %dma_wait3A_236 = arith.constant 0 : i32
      %dma_wait3A_237 = tpu.memref_slice %arg8[%dma_wait3A_235, %dma_wait3A_236] : memref<4x80xi32, #tpu.memory_space<vmem>> -> memref<1x80xi32, #tpu.memory_space<vmem>>
      %dma_wait3A_238 = tpu.memref_squeeze %dma_wait3A_237 : memref<1x80xi32, #tpu.memory_space<vmem>> -> memref<80xi32, #tpu.memory_space<vmem>>
      %dma_wait3A_239 = tpu.memref_slice %arg4[%multiple_of3A_138] : memref<640000xi32, #tpu.memory_space<hbm>> -> memref<80xi32, #tpu.memory_space<hbm>>
      %dma_wait3A_240 = arith.constant 0 : i32
      %dma_wait3A_241 = tpu.memref_slice %arg8[%dma_wait3A_235, %dma_wait3A_240] : memref<4x80xi32, #tpu.memory_space<vmem>> -> memref<1x80xi32, #tpu.memory_space<vmem>>
      %dma_wait3A_242 = tpu.memref_squeeze %dma_wait3A_241 : memref<1x80xi32, #tpu.memory_space<vmem>> -> memref<80xi32, #tpu.memory_space<vmem>>
      %dma_wait3A_243 = tpu.memref_slice %arg4[%multiple_of3A_138] : memref<640000xi32, #tpu.memory_space<hbm>> -> memref<80xi32, #tpu.memory_space<hbm>>
      tpu.wait_dma2 semaphore(%arg11 : memref<!tpu.dma_semaphore, #tpu.memory_space<semaphore_mem>>) src(%dma_wait3A_243 : memref<80xi32, #tpu.memory_space<hbm>>) dst(%dma_wait3A_242 : memref<80xi32, #tpu.memory_space<vmem>>)
      %dma_wait3A_244 = arith.constant 1 : i32
      %dma_wait3A_245 = arith.constant 0 : i32
      %dma_wait3A_246 = tpu.memref_slice %arg7[%dma_wait3A_244, %dma_wait3A_245] : memref<4x80xi32, #tpu.memory_space<vmem>> -> memref<1x80xi32, #tpu.memory_space<vmem>>
      %dma_wait3A_247 = tpu.memref_squeeze %dma_wait3A_246 : memref<1x80xi32, #tpu.memory_space<vmem>> -> memref<80xi32, #tpu.memory_space<vmem>>
      %dma_wait3A_248 = tpu.memref_slice %arg3[%multiple_of3A_150] : memref<320000xi32, #tpu.memory_space<hbm>> -> memref<80xi32, #tpu.memory_space<hbm>>
      %dma_wait3A_249 = arith.constant 0 : i32
      %dma_wait3A_250 = tpu.memref_slice %arg7[%dma_wait3A_244, %dma_wait3A_249] : memref<4x80xi32, #tpu.memory_space<vmem>> -> memref<1x80xi32, #tpu.memory_space<vmem>>
      %dma_wait3A_251 = tpu.memref_squeeze %dma_wait3A_250 : memref<1x80xi32, #tpu.memory_space<vmem>> -> memref<80xi32, #tpu.memory_space<vmem>>
      %dma_wait3A_252 = tpu.memref_slice %arg3[%multiple_of3A_150] : memref<320000xi32, #tpu.memory_space<hbm>> -> memref<80xi32, #tpu.memory_space<hbm>>
      tpu.wait_dma2 semaphore(%arg11 : memref<!tpu.dma_semaphore, #tpu.memory_space<semaphore_mem>>) src(%dma_wait3A_252 : memref<80xi32, #tpu.memory_space<hbm>>) dst(%dma_wait3A_251 : memref<80xi32, #tpu.memory_space<vmem>>)
      %dma_wait3A_253 = arith.constant 1 : i32
      %dma_wait3A_254 = arith.constant 0 : i32
      %dma_wait3A_255 = tpu.memref_slice %arg8[%dma_wait3A_253, %dma_wait3A_254] : memref<4x80xi32, #tpu.memory_space<vmem>> -> memref<1x80xi32, #tpu.memory_space<vmem>>
      %dma_wait3A_256 = tpu.memref_squeeze %dma_wait3A_255 : memref<1x80xi32, #tpu.memory_space<vmem>> -> memref<80xi32, #tpu.memory_space<vmem>>
      %dma_wait3A_257 = tpu.memref_slice %arg4[%multiple_of3A_164] : memref<640000xi32, #tpu.memory_space<hbm>> -> memref<80xi32, #tpu.memory_space<hbm>>
      %dma_wait3A_258 = arith.constant 0 : i32
      %dma_wait3A_259 = tpu.memref_slice %arg8[%dma_wait3A_253, %dma_wait3A_258] : memref<4x80xi32, #tpu.memory_space<vmem>> -> memref<1x80xi32, #tpu.memory_space<vmem>>
      %dma_wait3A_260 = tpu.memref_squeeze %dma_wait3A_259 : memref<1x80xi32, #tpu.memory_space<vmem>> -> memref<80xi32, #tpu.memory_space<vmem>>
      %dma_wait3A_261 = tpu.memref_slice %arg4[%multiple_of3A_164] : memref<640000xi32, #tpu.memory_space<hbm>> -> memref<80xi32, #tpu.memory_space<hbm>>
      tpu.wait_dma2 semaphore(%arg11 : memref<!tpu.dma_semaphore, #tpu.memory_space<semaphore_mem>>) src(%dma_wait3A_261 : memref<80xi32, #tpu.memory_space<hbm>>) dst(%dma_wait3A_260 : memref<80xi32, #tpu.memory_space<vmem>>)
      %dma_wait3A_262 = arith.constant 2 : i32
      %dma_wait3A_263 = arith.constant 0 : i32
      %dma_wait3A_264 = tpu.memref_slice %arg7[%dma_wait3A_262, %dma_wait3A_263] : memref<4x80xi32, #tpu.memory_space<vmem>> -> memref<1x80xi32, #tpu.memory_space<vmem>>
      %dma_wait3A_265 = tpu.memref_squeeze %dma_wait3A_264 : memref<1x80xi32, #tpu.memory_space<vmem>> -> memref<80xi32, #tpu.memory_space<vmem>>
      %dma_wait3A_266 = tpu.memref_slice %arg3[%multiple_of3A_176] : memref<320000xi32, #tpu.memory_space<hbm>> -> memref<80xi32, #tpu.memory_space<hbm>>
      %dma_wait3A_267 = arith.constant 0 : i32
      %dma_wait3A_268 = tpu.memref_slice %arg7[%dma_wait3A_262, %dma_wait3A_267] : memref<4x80xi32, #tpu.memory_space<vmem>> -> memref<1x80xi32, #tpu.memory_space<vmem>>
      %dma_wait3A_269 = tpu.memref_squeeze %dma_wait3A_268 : memref<1x80xi32, #tpu.memory_space<vmem>> -> memref<80xi32, #tpu.memory_space<vmem>>
      %dma_wait3A_270 = tpu.memref_slice %arg3[%multiple_of3A_176] : memref<320000xi32, #tpu.memory_space<hbm>> -> memref<80xi32, #tpu.memory_space<hbm>>
      tpu.wait_dma2 semaphore(%arg11 : memref<!tpu.dma_semaphore, #tpu.memory_space<semaphore_mem>>) src(%dma_wait3A_270 : memref<80xi32, #tpu.memory_space<hbm>>) dst(%dma_wait3A_269 : memref<80xi32, #tpu.memory_space<vmem>>)
      %dma_wait3A_271 = arith.constant 2 : i32
      %dma_wait3A_272 = arith.constant 0 : i32
      %dma_wait3A_273 = tpu.memref_slice %arg8[%dma_wait3A_271, %dma_wait3A_272] : memref<4x80xi32, #tpu.memory_space<vmem>> -> memref<1x80xi32, #tpu.memory_space<vmem>>
      %dma_wait3A_274 = tpu.memref_squeeze %dma_wait3A_273 : memref<1x80xi32, #tpu.memory_space<vmem>> -> memref<80xi32, #tpu.memory_space<vmem>>
      %dma_wait3A_275 = tpu.memref_slice %arg4[%multiple_of3A_190] : memref<640000xi32, #tpu.memory_space<hbm>> -> memref<80xi32, #tpu.memory_space<hbm>>
      %dma_wait3A_276 = arith.constant 0 : i32
      %dma_wait3A_277 = tpu.memref_slice %arg8[%dma_wait3A_271, %dma_wait3A_276] : memref<4x80xi32, #tpu.memory_space<vmem>> -> memref<1x80xi32, #tpu.memory_space<vmem>>
      %dma_wait3A_278 = tpu.memref_squeeze %dma_wait3A_277 : memref<1x80xi32, #tpu.memory_space<vmem>> -> memref<80xi32, #tpu.memory_space<vmem>>
      %dma_wait3A_279 = tpu.memref_slice %arg4[%multiple_of3A_190] : memref<640000xi32, #tpu.memory_space<hbm>> -> memref<80xi32, #tpu.memory_space<hbm>>
      tpu.wait_dma2 semaphore(%arg11 : memref<!tpu.dma_semaphore, #tpu.memory_space<semaphore_mem>>) src(%dma_wait3A_279 : memref<80xi32, #tpu.memory_space<hbm>>) dst(%dma_wait3A_278 : memref<80xi32, #tpu.memory_space<vmem>>)
      %dma_wait3A_280 = arith.constant 3 : i32
      %dma_wait3A_281 = arith.constant 0 : i32
      %dma_wait3A_282 = tpu.memref_slice %arg7[%dma_wait3A_280, %dma_wait3A_281] : memref<4x80xi32, #tpu.memory_space<vmem>> -> memref<1x80xi32, #tpu.memory_space<vmem>>
      %dma_wait3A_283 = tpu.memref_squeeze %dma_wait3A_282 : memref<1x80xi32, #tpu.memory_space<vmem>> -> memref<80xi32, #tpu.memory_space<vmem>>
      %dma_wait3A_284 = tpu.memref_slice %arg3[%multiple_of3A_202] : memref<320000xi32, #tpu.memory_space<hbm>> -> memref<80xi32, #tpu.memory_space<hbm>>
      %dma_wait3A_285 = arith.constant 0 : i32
      %dma_wait3A_286 = tpu.memref_slice %arg7[%dma_wait3A_280, %dma_wait3A_285] : memref<4x80xi32, #tpu.memory_space<vmem>> -> memref<1x80xi32, #tpu.memory_space<vmem>>
      %dma_wait3A_287 = tpu.memref_squeeze %dma_wait3A_286 : memref<1x80xi32, #tpu.memory_space<vmem>> -> memref<80xi32, #tpu.memory_space<vmem>>
      %dma_wait3A_288 = tpu.memref_slice %arg3[%multiple_of3A_202] : memref<320000xi32, #tpu.memory_space<hbm>> -> memref<80xi32, #tpu.memory_space<hbm>>
      tpu.wait_dma2 semaphore(%arg11 : memref<!tpu.dma_semaphore, #tpu.memory_space<semaphore_mem>>) src(%dma_wait3A_288 : memref<80xi32, #tpu.memory_space<hbm>>) dst(%dma_wait3A_287 : memref<80xi32, #tpu.memory_space<vmem>>)
      %dma_wait3A_289 = arith.constant 3 : i32
      %dma_wait3A_290 = arith.constant 0 : i32
      %dma_wait3A_291 = tpu.memref_slice %arg8[%dma_wait3A_289, %dma_wait3A_290] : memref<4x80xi32, #tpu.memory_space<vmem>> -> memref<1x80xi32, #tpu.memory_space<vmem>>
      %dma_wait3A_292 = tpu.memref_squeeze %dma_wait3A_291 : memref<1x80xi32, #tpu.memory_space<vmem>> -> memref<80xi32, #tpu.memory_space<vmem>>
      %dma_wait3A_293 = tpu.memref_slice %arg4[%multiple_of3A_216] : memref<640000xi32, #tpu.memory_space<hbm>> -> memref<80xi32, #tpu.memory_space<hbm>>
      %dma_wait3A_294 = arith.constant 0 : i32
      %dma_wait3A_295 = tpu.memref_slice %arg8[%dma_wait3A_289, %dma_wait3A_294] : memref<4x80xi32, #tpu.memory_space<vmem>> -> memref<1x80xi32, #tpu.memory_space<vmem>>
      %dma_wait3A_296 = tpu.memref_squeeze %dma_wait3A_295 : memref<1x80xi32, #tpu.memory_space<vmem>> -> memref<80xi32, #tpu.memory_space<vmem>>
      %dma_wait3A_297 = tpu.memref_slice %arg4[%multiple_of3A_216] : memref<640000xi32, #tpu.memory_space<hbm>> -> memref<80xi32, #tpu.memory_space<hbm>>
      tpu.wait_dma2 semaphore(%arg11 : memref<!tpu.dma_semaphore, #tpu.memory_space<semaphore_mem>>) src(%dma_wait3A_297 : memref<80xi32, #tpu.memory_space<hbm>>) dst(%dma_wait3A_296 : memref<80xi32, #tpu.memory_space<vmem>>)
      %dma_start3A_298 = arith.constant 0 : i32
      %dma_start3A_299 = arith.constant 0 : i32
      %dma_start3A_300 = arith.constant 0 : i32
      %dma_start3A_301 = tpu.memref_slice %arg9[%dma_start3A_299, %dma_start3A_300] : memref<320x128xf32, #tpu.memory_space<vmem>> -> memref<80x128xf32, #tpu.memory_space<vmem>>
      %dma_start3A_302 = arith.constant 0 : i32
      %dma_start3A_303 = tpu.memref_slice %arg7[%dma_start3A_298, %dma_start3A_302] : memref<4x80xi32, #tpu.memory_space<vmem>> -> memref<1x80xi32, #tpu.memory_space<vmem>>
      %dma_start3A_304 = tpu.memref_squeeze %dma_start3A_303 : memref<1x80xi32, #tpu.memory_space<vmem>> -> memref<80xi32, #tpu.memory_space<vmem>>
      %dma_start3A_305 = arith.constant 0 : i32
      %dma_start3A_306 = arith.constant 0 : i32
      %dma_start3A_307 = tpu.memref_slice %arg2[%dma_start3A_305, %dma_start3A_306] : memref<163840x128xf32, #tpu.memory_space<hbm>> -> memref<163840x128xf32, #tpu.memory_space<hbm>>
      tpu.enqueue_indirect_dma source(%dma_start3A_307 : memref<163840x128xf32, #tpu.memory_space<hbm>>) target(%dma_start3A_301 : memref<80x128xf32, #tpu.memory_space<vmem>>) offsets(%dma_start3A_304 : memref<80xi32, #tpu.memory_space<vmem>>) semaphore(%arg12 : memref<!tpu.dma_semaphore, #tpu.memory_space<semaphore_mem>>)
      %dma_start3A_308 = arith.constant 1 : i32
      %dma_start3A_309 = arith.constant 80 : i32
      %dma_start3A_310 = arith.constant 0 : i32
      %dma_start3A_311 = tpu.memref_slice %arg9[%dma_start3A_309, %dma_start3A_310] : memref<320x128xf32, #tpu.memory_space<vmem>> -> memref<80x128xf32, #tpu.memory_space<vmem>>
      %dma_start3A_312 = arith.constant 0 : i32
      %dma_start3A_313 = tpu.memref_slice %arg7[%dma_start3A_308, %dma_start3A_312] : memref<4x80xi32, #tpu.memory_space<vmem>> -> memref<1x80xi32, #tpu.memory_space<vmem>>
      %dma_start3A_314 = tpu.memref_squeeze %dma_start3A_313 : memref<1x80xi32, #tpu.memory_space<vmem>> -> memref<80xi32, #tpu.memory_space<vmem>>
      %dma_start3A_315 = arith.constant 0 : i32
      %dma_start3A_316 = arith.constant 0 : i32
      %dma_start3A_317 = tpu.memref_slice %arg2[%dma_start3A_315, %dma_start3A_316] : memref<163840x128xf32, #tpu.memory_space<hbm>> -> memref<163840x128xf32, #tpu.memory_space<hbm>>
      tpu.enqueue_indirect_dma source(%dma_start3A_317 : memref<163840x128xf32, #tpu.memory_space<hbm>>) target(%dma_start3A_311 : memref<80x128xf32, #tpu.memory_space<vmem>>) offsets(%dma_start3A_314 : memref<80xi32, #tpu.memory_space<vmem>>) semaphore(%arg13 : memref<!tpu.dma_semaphore, #tpu.memory_space<semaphore_mem>>)
      %dma_start3A_318 = arith.constant 2 : i32
      %dma_start3A_319 = arith.constant 160 : i32
      %dma_start3A_320 = arith.constant 0 : i32
      %dma_start3A_321 = tpu.memref_slice %arg9[%dma_start3A_319, %dma_start3A_320] : memref<320x128xf32, #tpu.memory_space<vmem>> -> memref<80x128xf32, #tpu.memory_space<vmem>>
      %dma_start3A_322 = arith.constant 0 : i32
      %dma_start3A_323 = tpu.memref_slice %arg7[%dma_start3A_318, %dma_start3A_322] : memref<4x80xi32, #tpu.memory_space<vmem>> -> memref<1x80xi32, #tpu.memory_space<vmem>>
      %dma_start3A_324 = tpu.memref_squeeze %dma_start3A_323 : memref<1x80xi32, #tpu.memory_space<vmem>> -> memref<80xi32, #tpu.memory_space<vmem>>
      %dma_start3A_325 = arith.constant 0 : i32
      %dma_start3A_326 = arith.constant 0 : i32
      %dma_start3A_327 = tpu.memref_slice %arg2[%dma_start3A_325, %dma_start3A_326] : memref<163840x128xf32, #tpu.memory_space<hbm>> -> memref<163840x128xf32, #tpu.memory_space<hbm>>
      tpu.enqueue_indirect_dma source(%dma_start3A_327 : memref<163840x128xf32, #tpu.memory_space<hbm>>) target(%dma_start3A_321 : memref<80x128xf32, #tpu.memory_space<vmem>>) offsets(%dma_start3A_324 : memref<80xi32, #tpu.memory_space<vmem>>) semaphore(%arg14 : memref<!tpu.dma_semaphore, #tpu.memory_space<semaphore_mem>>)
      %dma_start3A_328 = arith.constant 3 : i32
      %dma_start3A_329 = arith.constant 240 : i32
      %dma_start3A_330 = arith.constant 0 : i32
      %dma_start3A_331 = tpu.memref_slice %arg9[%dma_start3A_329, %dma_start3A_330] : memref<320x128xf32, #tpu.memory_space<vmem>> -> memref<80x128xf32, #tpu.memory_space<vmem>>
      %dma_start3A_332 = arith.constant 0 : i32
      %dma_start3A_333 = tpu.memref_slice %arg7[%dma_start3A_328, %dma_start3A_332] : memref<4x80xi32, #tpu.memory_space<vmem>> -> memref<1x80xi32, #tpu.memory_space<vmem>>
      %dma_start3A_334 = tpu.memref_squeeze %dma_start3A_333 : memref<1x80xi32, #tpu.memory_space<vmem>> -> memref<80xi32, #tpu.memory_space<vmem>>
      %dma_start3A_335 = arith.constant 0 : i32
      %dma_start3A_336 = arith.constant 0 : i32
      %dma_start3A_337 = tpu.memref_slice %arg2[%dma_start3A_335, %dma_start3A_336] : memref<163840x128xf32, #tpu.memory_space<hbm>> -> memref<163840x128xf32, #tpu.memory_space<hbm>>
      tpu.enqueue_indirect_dma source(%dma_start3A_337 : memref<163840x128xf32, #tpu.memory_space<hbm>>) target(%dma_start3A_331 : memref<80x128xf32, #tpu.memory_space<vmem>>) offsets(%dma_start3A_334 : memref<80xi32, #tpu.memory_space<vmem>>) semaphore(%arg15 : memref<!tpu.dma_semaphore, #tpu.memory_space<semaphore_mem>>)
      %dma_wait3A_338 = arith.constant 0 : i32
      %dma_wait3A_339 = arith.constant 0 : i32
      %dma_wait3A_340 = arith.constant 0 : i32
      %dma_wait3A_341 = tpu.memref_slice %arg9[%dma_wait3A_339, %dma_wait3A_340] : memref<320x128xf32, #tpu.memory_space<vmem>> -> memref<80x128xf32, #tpu.memory_space<vmem>>
      %dma_wait3A_342 = arith.constant 0 : i32
      %dma_wait3A_343 = tpu.memref_slice %arg7[%dma_wait3A_338, %dma_wait3A_342] : memref<4x80xi32, #tpu.memory_space<vmem>> -> memref<1x80xi32, #tpu.memory_space<vmem>>
      %dma_wait3A_344 = tpu.memref_squeeze %dma_wait3A_343 : memref<1x80xi32, #tpu.memory_space<vmem>> -> memref<80xi32, #tpu.memory_space<vmem>>
      %dma_wait3A_345 = arith.constant 0 : i32
      %dma_wait3A_346 = arith.constant 0 : i32
      %dma_wait3A_347 = tpu.memref_slice %arg2[%dma_wait3A_345, %dma_wait3A_346] : memref<163840x128xf32, #tpu.memory_space<hbm>> -> memref<163840x128xf32, #tpu.memory_space<hbm>>
      tpu.wait_indirect_dma semaphore(%arg12 : memref<!tpu.dma_semaphore, #tpu.memory_space<semaphore_mem>>) src(%dma_wait3A_347 : memref<163840x128xf32, #tpu.memory_space<hbm>>) dst(%dma_wait3A_341 : memref<80x128xf32, #tpu.memory_space<vmem>>)
      %dma_start3A_348 = arith.constant 0 : i32
      %dma_start3A_349 = arith.constant 0 : i32
      %dma_start3A_350 = arith.constant 0 : i32
      %dma_start3A_351 = tpu.memref_slice %arg9[%dma_start3A_349, %dma_start3A_350] : memref<320x128xf32, #tpu.memory_space<vmem>> -> memref<80x128xf32, #tpu.memory_space<vmem>>
      %dma_start3A_352 = arith.constant 0 : i32
      %dma_start3A_353 = tpu.memref_slice %arg8[%dma_start3A_348, %dma_start3A_352] : memref<4x80xi32, #tpu.memory_space<vmem>> -> memref<1x80xi32, #tpu.memory_space<vmem>>
      %dma_start3A_354 = tpu.memref_squeeze %dma_start3A_353 : memref<1x80xi32, #tpu.memory_space<vmem>> -> memref<80xi32, #tpu.memory_space<vmem>>
      %dma_start3A_355 = arith.constant 0 : i32
      %dma_start3A_356 = arith.constant 0 : i32
      %dma_start3A_357 = tpu.memref_slice %arg10[%dma_start3A_355, %dma_start3A_356] : memref<10240x128xf32, #tpu.memory_space<vmem_shared>> -> memref<10240x128xf32, #tpu.memory_space<vmem_shared>>
      tpu.enqueue_indirect_dma source(%dma_start3A_351 : memref<80x128xf32, #tpu.memory_space<vmem>>) target(%dma_start3A_357 : memref<10240x128xf32, #tpu.memory_space<vmem_shared>>) offsets(%dma_start3A_354 : memref<80xi32, #tpu.memory_space<vmem>>) semaphore(%arg16 : memref<!tpu.dma_semaphore, #tpu.memory_space<semaphore_mem>>) {add = true}
      %dma_wait3A_358 = arith.constant 1 : i32
      %dma_wait3A_359 = arith.constant 80 : i32
      %dma_wait3A_360 = arith.constant 0 : i32
      %dma_wait3A_361 = tpu.memref_slice %arg9[%dma_wait3A_359, %dma_wait3A_360] : memref<320x128xf32, #tpu.memory_space<vmem>> -> memref<80x128xf32, #tpu.memory_space<vmem>>
      %dma_wait3A_362 = arith.constant 0 : i32
      %dma_wait3A_363 = tpu.memref_slice %arg7[%dma_wait3A_358, %dma_wait3A_362] : memref<4x80xi32, #tpu.memory_space<vmem>> -> memref<1x80xi32, #tpu.memory_space<vmem>>
      %dma_wait3A_364 = tpu.memref_squeeze %dma_wait3A_363 : memref<1x80xi32, #tpu.memory_space<vmem>> -> memref<80xi32, #tpu.memory_space<vmem>>
      %dma_wait3A_365 = arith.constant 0 : i32
      %dma_wait3A_366 = arith.constant 0 : i32
      %dma_wait3A_367 = tpu.memref_slice %arg2[%dma_wait3A_365, %dma_wait3A_366] : memref<163840x128xf32, #tpu.memory_space<hbm>> -> memref<163840x128xf32, #tpu.memory_space<hbm>>
      tpu.wait_indirect_dma semaphore(%arg13 : memref<!tpu.dma_semaphore, #tpu.memory_space<semaphore_mem>>) src(%dma_wait3A_367 : memref<163840x128xf32, #tpu.memory_space<hbm>>) dst(%dma_wait3A_361 : memref<80x128xf32, #tpu.memory_space<vmem>>)
      %dma_start3A_368 = arith.constant 1 : i32
      %dma_start3A_369 = arith.constant 80 : i32
      %dma_start3A_370 = arith.constant 0 : i32
      %dma_start3A_371 = tpu.memref_slice %arg9[%dma_start3A_369, %dma_start3A_370] : memref<320x128xf32, #tpu.memory_space<vmem>> -> memref<80x128xf32, #tpu.memory_space<vmem>>
      %dma_start3A_372 = arith.constant 0 : i32
      %dma_start3A_373 = tpu.memref_slice %arg8[%dma_start3A_368, %dma_start3A_372] : memref<4x80xi32, #tpu.memory_space<vmem>> -> memref<1x80xi32, #tpu.memory_space<vmem>>
      %dma_start3A_374 = tpu.memref_squeeze %dma_start3A_373 : memref<1x80xi32, #tpu.memory_space<vmem>> -> memref<80xi32, #tpu.memory_space<vmem>>
      %dma_start3A_375 = arith.constant 0 : i32
      %dma_start3A_376 = arith.constant 0 : i32
      %dma_start3A_377 = tpu.memref_slice %arg10[%dma_start3A_375, %dma_start3A_376] : memref<10240x128xf32, #tpu.memory_space<vmem_shared>> -> memref<10240x128xf32, #tpu.memory_space<vmem_shared>>
      tpu.enqueue_indirect_dma source(%dma_start3A_371 : memref<80x128xf32, #tpu.memory_space<vmem>>) target(%dma_start3A_377 : memref<10240x128xf32, #tpu.memory_space<vmem_shared>>) offsets(%dma_start3A_374 : memref<80xi32, #tpu.memory_space<vmem>>) semaphore(%arg16 : memref<!tpu.dma_semaphore, #tpu.memory_space<semaphore_mem>>) {add = true}
      %dma_wait3A_378 = arith.constant 2 : i32
      %dma_wait3A_379 = arith.constant 160 : i32
      %dma_wait3A_380 = arith.constant 0 : i32
      %dma_wait3A_381 = tpu.memref_slice %arg9[%dma_wait3A_379, %dma_wait3A_380] : memref<320x128xf32, #tpu.memory_space<vmem>> -> memref<80x128xf32, #tpu.memory_space<vmem>>
      %dma_wait3A_382 = arith.constant 0 : i32
      %dma_wait3A_383 = tpu.memref_slice %arg7[%dma_wait3A_378, %dma_wait3A_382] : memref<4x80xi32, #tpu.memory_space<vmem>> -> memref<1x80xi32, #tpu.memory_space<vmem>>
      %dma_wait3A_384 = tpu.memref_squeeze %dma_wait3A_383 : memref<1x80xi32, #tpu.memory_space<vmem>> -> memref<80xi32, #tpu.memory_space<vmem>>
      %dma_wait3A_385 = arith.constant 0 : i32
      %dma_wait3A_386 = arith.constant 0 : i32
      %dma_wait3A_387 = tpu.memref_slice %arg2[%dma_wait3A_385, %dma_wait3A_386] : memref<163840x128xf32, #tpu.memory_space<hbm>> -> memref<163840x128xf32, #tpu.memory_space<hbm>>
      tpu.wait_indirect_dma semaphore(%arg14 : memref<!tpu.dma_semaphore, #tpu.memory_space<semaphore_mem>>) src(%dma_wait3A_387 : memref<163840x128xf32, #tpu.memory_space<hbm>>) dst(%dma_wait3A_381 : memref<80x128xf32, #tpu.memory_space<vmem>>)
      %dma_start3A_388 = arith.constant 2 : i32
      %dma_start3A_389 = arith.constant 160 : i32
      %dma_start3A_390 = arith.constant 0 : i32
      %dma_start3A_391 = tpu.memref_slice %arg9[%dma_start3A_389, %dma_start3A_390] : memref<320x128xf32, #tpu.memory_space<vmem>> -> memref<80x128xf32, #tpu.memory_space<vmem>>
      %dma_start3A_392 = arith.constant 0 : i32
      %dma_start3A_393 = tpu.memref_slice %arg8[%dma_start3A_388, %dma_start3A_392] : memref<4x80xi32, #tpu.memory_space<vmem>> -> memref<1x80xi32, #tpu.memory_space<vmem>>
      %dma_start3A_394 = tpu.memref_squeeze %dma_start3A_393 : memref<1x80xi32, #tpu.memory_space<vmem>> -> memref<80xi32, #tpu.memory_space<vmem>>
      %dma_start3A_395 = arith.constant 0 : i32
      %dma_start3A_396 = arith.constant 0 : i32
      %dma_start3A_397 = tpu.memref_slice %arg10[%dma_start3A_395, %dma_start3A_396] : memref<10240x128xf32, #tpu.memory_space<vmem_shared>> -> memref<10240x128xf32, #tpu.memory_space<vmem_shared>>
      tpu.enqueue_indirect_dma source(%dma_start3A_391 : memref<80x128xf32, #tpu.memory_space<vmem>>) target(%dma_start3A_397 : memref<10240x128xf32, #tpu.memory_space<vmem_shared>>) offsets(%dma_start3A_394 : memref<80xi32, #tpu.memory_space<vmem>>) semaphore(%arg16 : memref<!tpu.dma_semaphore, #tpu.memory_space<semaphore_mem>>) {add = true}
      %dma_wait3A_398 = arith.constant 3 : i32
      %dma_wait3A_399 = arith.constant 240 : i32
      %dma_wait3A_400 = arith.constant 0 : i32
      %dma_wait3A_401 = tpu.memref_slice %arg9[%dma_wait3A_399, %dma_wait3A_400] : memref<320x128xf32, #tpu.memory_space<vmem>> -> memref<80x128xf32, #tpu.memory_space<vmem>>
      %dma_wait3A_402 = arith.constant 0 : i32
      %dma_wait3A_403 = tpu.memref_slice %arg7[%dma_wait3A_398, %dma_wait3A_402] : memref<4x80xi32, #tpu.memory_space<vmem>> -> memref<1x80xi32, #tpu.memory_space<vmem>>
      %dma_wait3A_404 = tpu.memref_squeeze %dma_wait3A_403 : memref<1x80xi32, #tpu.memory_space<vmem>> -> memref<80xi32, #tpu.memory_space<vmem>>
      %dma_wait3A_405 = arith.constant 0 : i32
      %dma_wait3A_406 = arith.constant 0 : i32
      %dma_wait3A_407 = tpu.memref_slice %arg2[%dma_wait3A_405, %dma_wait3A_406] : memref<163840x128xf32, #tpu.memory_space<hbm>> -> memref<163840x128xf32, #tpu.memory_space<hbm>>
      tpu.wait_indirect_dma semaphore(%arg15 : memref<!tpu.dma_semaphore, #tpu.memory_space<semaphore_mem>>) src(%dma_wait3A_407 : memref<163840x128xf32, #tpu.memory_space<hbm>>) dst(%dma_wait3A_401 : memref<80x128xf32, #tpu.memory_space<vmem>>)
      %dma_start3A_408 = arith.constant 3 : i32
      %dma_start3A_409 = arith.constant 240 : i32
      %dma_start3A_410 = arith.constant 0 : i32
      %dma_start3A_411 = tpu.memref_slice %arg9[%dma_start3A_409, %dma_start3A_410] : memref<320x128xf32, #tpu.memory_space<vmem>> -> memref<80x128xf32, #tpu.memory_space<vmem>>
      %dma_start3A_412 = arith.constant 0 : i32
      %dma_start3A_413 = tpu.memref_slice %arg8[%dma_start3A_408, %dma_start3A_412] : memref<4x80xi32, #tpu.memory_space<vmem>> -> memref<1x80xi32, #tpu.memory_space<vmem>>
      %dma_start3A_414 = tpu.memref_squeeze %dma_start3A_413 : memref<1x80xi32, #tpu.memory_space<vmem>> -> memref<80xi32, #tpu.memory_space<vmem>>
      %dma_start3A_415 = arith.constant 0 : i32
      %dma_start3A_416 = arith.constant 0 : i32
      %dma_start3A_417 = tpu.memref_slice %arg10[%dma_start3A_415, %dma_start3A_416] : memref<10240x128xf32, #tpu.memory_space<vmem_shared>> -> memref<10240x128xf32, #tpu.memory_space<vmem_shared>>
      tpu.enqueue_indirect_dma source(%dma_start3A_411 : memref<80x128xf32, #tpu.memory_space<vmem>>) target(%dma_start3A_417 : memref<10240x128xf32, #tpu.memory_space<vmem_shared>>) offsets(%dma_start3A_414 : memref<80xi32, #tpu.memory_space<vmem>>) semaphore(%arg16 : memref<!tpu.dma_semaphore, #tpu.memory_space<semaphore_mem>>) {add = true}
      %dma_wait3A_418 = arith.constant 0 : i32
      %dma_wait3A_419 = arith.constant 0 : i32
      %dma_wait3A_420 = arith.constant 0 : i32
      %dma_wait3A_421 = tpu.memref_slice %arg9[%dma_wait3A_419, %dma_wait3A_420] : memref<320x128xf32, #tpu.memory_space<vmem>> -> memref<80x128xf32, #tpu.memory_space<vmem>>
      %dma_wait3A_422 = arith.constant 0 : i32
      %dma_wait3A_423 = tpu.memref_slice %arg8[%dma_wait3A_418, %dma_wait3A_422] : memref<4x80xi32, #tpu.memory_space<vmem>> -> memref<1x80xi32, #tpu.memory_space<vmem>>
      %dma_wait3A_424 = tpu.memref_squeeze %dma_wait3A_423 : memref<1x80xi32, #tpu.memory_space<vmem>> -> memref<80xi32, #tpu.memory_space<vmem>>
      %dma_wait3A_425 = arith.constant 0 : i32
      %dma_wait3A_426 = arith.constant 0 : i32
      %dma_wait3A_427 = tpu.memref_slice %arg10[%dma_wait3A_425, %dma_wait3A_426] : memref<10240x128xf32, #tpu.memory_space<vmem_shared>> -> memref<10240x128xf32, #tpu.memory_space<vmem_shared>>
      tpu.wait_indirect_dma semaphore(%arg16 : memref<!tpu.dma_semaphore, #tpu.memory_space<semaphore_mem>>) src(%dma_wait3A_421 : memref<80x128xf32, #tpu.memory_space<vmem>>) dst(%dma_wait3A_427 : memref<10240x128xf32, #tpu.memory_space<vmem_shared>>)
      %dma_wait3A_428 = arith.constant 1 : i32
      %dma_wait3A_429 = arith.constant 80 : i32
      %dma_wait3A_430 = arith.constant 0 : i32
      %dma_wait3A_431 = tpu.memref_slice %arg9[%dma_wait3A_429, %dma_wait3A_430] : memref<320x128xf32, #tpu.memory_space<vmem>> -> memref<80x128xf32, #tpu.memory_space<vmem>>
      %dma_wait3A_432 = arith.constant 0 : i32
      %dma_wait3A_433 = tpu.memref_slice %arg8[%dma_wait3A_428, %dma_wait3A_432] : memref<4x80xi32, #tpu.memory_space<vmem>> -> memref<1x80xi32, #tpu.memory_space<vmem>>
      %dma_wait3A_434 = tpu.memref_squeeze %dma_wait3A_433 : memref<1x80xi32, #tpu.memory_space<vmem>> -> memref<80xi32, #tpu.memory_space<vmem>>
      %dma_wait3A_435 = arith.constant 0 : i32
      %dma_wait3A_436 = arith.constant 0 : i32
      %dma_wait3A_437 = tpu.memref_slice %arg10[%dma_wait3A_435, %dma_wait3A_436] : memref<10240x128xf32, #tpu.memory_space<vmem_shared>> -> memref<10240x128xf32, #tpu.memory_space<vmem_shared>>
      tpu.wait_indirect_dma semaphore(%arg16 : memref<!tpu.dma_semaphore, #tpu.memory_space<semaphore_mem>>) src(%dma_wait3A_431 : memref<80x128xf32, #tpu.memory_space<vmem>>) dst(%dma_wait3A_437 : memref<10240x128xf32, #tpu.memory_space<vmem_shared>>)
      %dma_wait3A_438 = arith.constant 2 : i32
      %dma_wait3A_439 = arith.constant 160 : i32
      %dma_wait3A_440 = arith.constant 0 : i32
      %dma_wait3A_441 = tpu.memref_slice %arg9[%dma_wait3A_439, %dma_wait3A_440] : memref<320x128xf32, #tpu.memory_space<vmem>> -> memref<80x128xf32, #tpu.memory_space<vmem>>
      %dma_wait3A_442 = arith.constant 0 : i32
      %dma_wait3A_443 = tpu.memref_slice %arg8[%dma_wait3A_438, %dma_wait3A_442] : memref<4x80xi32, #tpu.memory_space<vmem>> -> memref<1x80xi32, #tpu.memory_space<vmem>>
      %dma_wait3A_444 = tpu.memref_squeeze %dma_wait3A_443 : memref<1x80xi32, #tpu.memory_space<vmem>> -> memref<80xi32, #tpu.memory_space<vmem>>
      %dma_wait3A_445 = arith.constant 0 : i32
      %dma_wait3A_446 = arith.constant 0 : i32
      %dma_wait3A_447 = tpu.memref_slice %arg10[%dma_wait3A_445, %dma_wait3A_446] : memref<10240x128xf32, #tpu.memory_space<vmem_shared>> -> memref<10240x128xf32, #tpu.memory_space<vmem_shared>>
      tpu.wait_indirect_dma semaphore(%arg16 : memref<!tpu.dma_semaphore, #tpu.memory_space<semaphore_mem>>) src(%dma_wait3A_441 : memref<80x128xf32, #tpu.memory_space<vmem>>) dst(%dma_wait3A_447 : memref<10240x128xf32, #tpu.memory_space<vmem_shared>>)
      %dma_wait3A_448 = arith.constant 3 : i32
      %dma_wait3A_449 = arith.constant 240 : i32
      %dma_wait3A_450 = arith.constant 0 : i32
      %dma_wait3A_451 = tpu.memref_slice %arg9[%dma_wait3A_449, %dma_wait3A_450] : memref<320x128xf32, #tpu.memory_space<vmem>> -> memref<80x128xf32, #tpu.memory_space<vmem>>
      %dma_wait3A_452 = arith.constant 0 : i32
      %dma_wait3A_453 = tpu.memref_slice %arg8[%dma_wait3A_448, %dma_wait3A_452] : memref<4x80xi32, #tpu.memory_space<vmem>> -> memref<1x80xi32, #tpu.memory_space<vmem>>
      %dma_wait3A_454 = tpu.memref_squeeze %dma_wait3A_453 : memref<1x80xi32, #tpu.memory_space<vmem>> -> memref<80xi32, #tpu.memory_space<vmem>>
      %dma_wait3A_455 = arith.constant 0 : i32
      %dma_wait3A_456 = arith.constant 0 : i32
      %dma_wait3A_457 = tpu.memref_slice %arg10[%dma_wait3A_455, %dma_wait3A_456] : memref<10240x128xf32, #tpu.memory_space<vmem_shared>> -> memref<10240x128xf32, #tpu.memory_space<vmem_shared>>
      tpu.wait_indirect_dma semaphore(%arg16 : memref<!tpu.dma_semaphore, #tpu.memory_space<semaphore_mem>>) src(%dma_wait3A_451 : memref<80x128xf32, #tpu.memory_space<vmem>>) dst(%dma_wait3A_457 : memref<10240x128xf32, #tpu.memory_space<vmem_shared>>)
      %scan3A_458 = arith.constant 0 : i32
      scf.yield %scan3A_458 : i32
    }
    %scan3A_21 = arith.constant 31 : i32
    %mul3A_22 = arith.constant 10000 : i32
    %mul3A_23 = arith.muli %add3A, %mul3A_22 : i32
    %add3A_24 = arith.constant 9920 : i32
    %add3A_25 = arith.addi %mul3A_23, %add3A_24 : i32
    %add3A_26 = arith.constant 0 : i32
    %add3A_27 = arith.addi %add3A_25, %add3A_26 : i32
    %multiple_of3A = tpu.assume_multiple %add3A_27, 8 : i32
    %dma_start3A = arith.constant 0 : i32
    %dma_start3A_28 = arith.constant 0 : i32
    %dma_start3A_29 = tpu.memref_slice %arg7[%dma_start3A, %dma_start3A_28] : memref<4x80xi32, #tpu.memory_space<vmem>> -> memref<1x80xi32, #tpu.memory_space<vmem>>
    %dma_start3A_30 = tpu.memref_squeeze %dma_start3A_29 : memref<1x80xi32, #tpu.memory_space<vmem>> -> memref<80xi32, #tpu.memory_space<vmem>>
    %dma_start3A_31 = tpu.memref_slice %arg3[%multiple_of3A] : memref<320000xi32, #tpu.memory_space<hbm>> -> memref<80xi32, #tpu.memory_space<hbm>>
    %dma_start3A_32 = arith.constant 0 : i32
    %dma_start3A_33 = tpu.memref_slice %arg7[%dma_start3A, %dma_start3A_32] : memref<4x80xi32, #tpu.memory_space<vmem>> -> memref<1x80xi32, #tpu.memory_space<vmem>>
    %dma_start3A_34 = tpu.memref_squeeze %dma_start3A_33 : memref<1x80xi32, #tpu.memory_space<vmem>> -> memref<80xi32, #tpu.memory_space<vmem>>
    %dma_start3A_35 = tpu.memref_slice %arg3[%multiple_of3A] : memref<320000xi32, #tpu.memory_space<hbm>> -> memref<80xi32, #tpu.memory_space<hbm>>
    tpu.enqueue_dma source(%dma_start3A_35 : memref<80xi32, #tpu.memory_space<hbm>>) target(%dma_start3A_34 : memref<80xi32, #tpu.memory_space<vmem>>) target_semaphore(%arg11 : memref<!tpu.dma_semaphore, #tpu.memory_space<semaphore_mem>>)
    %add3A_36 = arith.constant 320000 : i32
    %add3A_37 = arith.addi %add3A_36, %add3A_25 : i32
    %add3A_38 = arith.constant 0 : i32
    %add3A_39 = arith.addi %add3A_37, %add3A_38 : i32
    %multiple_of3A_40 = tpu.assume_multiple %add3A_39, 8 : i32
    %dma_start3A_41 = arith.constant 0 : i32
    %dma_start3A_42 = arith.constant 0 : i32
    %dma_start3A_43 = tpu.memref_slice %arg8[%dma_start3A_41, %dma_start3A_42] : memref<4x80xi32, #tpu.memory_space<vmem>> -> memref<1x80xi32, #tpu.memory_space<vmem>>
    %dma_start3A_44 = tpu.memref_squeeze %dma_start3A_43 : memref<1x80xi32, #tpu.memory_space<vmem>> -> memref<80xi32, #tpu.memory_space<vmem>>
    %dma_start3A_45 = tpu.memref_slice %arg4[%multiple_of3A_40] : memref<640000xi32, #tpu.memory_space<hbm>> -> memref<80xi32, #tpu.memory_space<hbm>>
    %dma_start3A_46 = arith.constant 0 : i32
    %dma_start3A_47 = tpu.memref_slice %arg8[%dma_start3A_41, %dma_start3A_46] : memref<4x80xi32, #tpu.memory_space<vmem>> -> memref<1x80xi32, #tpu.memory_space<vmem>>
    %dma_start3A_48 = tpu.memref_squeeze %dma_start3A_47 : memref<1x80xi32, #tpu.memory_space<vmem>> -> memref<80xi32, #tpu.memory_space<vmem>>
    %dma_start3A_49 = tpu.memref_slice %arg4[%multiple_of3A_40] : memref<640000xi32, #tpu.memory_space<hbm>> -> memref<80xi32, #tpu.memory_space<hbm>>
    tpu.enqueue_dma source(%dma_start3A_49 : memref<80xi32, #tpu.memory_space<hbm>>) target(%dma_start3A_48 : memref<80xi32, #tpu.memory_space<vmem>>) target_semaphore(%arg11 : memref<!tpu.dma_semaphore, #tpu.memory_space<semaphore_mem>>)
    %dma_wait3A = arith.constant 0 : i32
    %dma_wait3A_50 = arith.constant 0 : i32
    %dma_wait3A_51 = tpu.memref_slice %arg7[%dma_wait3A, %dma_wait3A_50] : memref<4x80xi32, #tpu.memory_space<vmem>> -> memref<1x80xi32, #tpu.memory_space<vmem>>
    %dma_wait3A_52 = tpu.memref_squeeze %dma_wait3A_51 : memref<1x80xi32, #tpu.memory_space<vmem>> -> memref<80xi32, #tpu.memory_space<vmem>>
    %dma_wait3A_53 = tpu.memref_slice %arg3[%multiple_of3A] : memref<320000xi32, #tpu.memory_space<hbm>> -> memref<80xi32, #tpu.memory_space<hbm>>
    %dma_wait3A_54 = arith.constant 0 : i32
    %dma_wait3A_55 = tpu.memref_slice %arg7[%dma_wait3A, %dma_wait3A_54] : memref<4x80xi32, #tpu.memory_space<vmem>> -> memref<1x80xi32, #tpu.memory_space<vmem>>
    %dma_wait3A_56 = tpu.memref_squeeze %dma_wait3A_55 : memref<1x80xi32, #tpu.memory_space<vmem>> -> memref<80xi32, #tpu.memory_space<vmem>>
    %dma_wait3A_57 = tpu.memref_slice %arg3[%multiple_of3A] : memref<320000xi32, #tpu.memory_space<hbm>> -> memref<80xi32, #tpu.memory_space<hbm>>
    tpu.wait_dma2 semaphore(%arg11 : memref<!tpu.dma_semaphore, #tpu.memory_space<semaphore_mem>>) src(%dma_wait3A_57 : memref<80xi32, #tpu.memory_space<hbm>>) dst(%dma_wait3A_56 : memref<80xi32, #tpu.memory_space<vmem>>)
    %dma_wait3A_58 = arith.constant 0 : i32
    %dma_wait3A_59 = arith.constant 0 : i32
    %dma_wait3A_60 = tpu.memref_slice %arg8[%dma_wait3A_58, %dma_wait3A_59] : memref<4x80xi32, #tpu.memory_space<vmem>> -> memref<1x80xi32, #tpu.memory_space<vmem>>
    %dma_wait3A_61 = tpu.memref_squeeze %dma_wait3A_60 : memref<1x80xi32, #tpu.memory_space<vmem>> -> memref<80xi32, #tpu.memory_space<vmem>>
    %dma_wait3A_62 = tpu.memref_slice %arg4[%multiple_of3A_40] : memref<640000xi32, #tpu.memory_space<hbm>> -> memref<80xi32, #tpu.memory_space<hbm>>
    %dma_wait3A_63 = arith.constant 0 : i32
    %dma_wait3A_64 = tpu.memref_slice %arg8[%dma_wait3A_58, %dma_wait3A_63] : memref<4x80xi32, #tpu.memory_space<vmem>> -> memref<1x80xi32, #tpu.memory_space<vmem>>
    %dma_wait3A_65 = tpu.memref_squeeze %dma_wait3A_64 : memref<1x80xi32, #tpu.memory_space<vmem>> -> memref<80xi32, #tpu.memory_space<vmem>>
    %dma_wait3A_66 = tpu.memref_slice %arg4[%multiple_of3A_40] : memref<640000xi32, #tpu.memory_space<hbm>> -> memref<80xi32, #tpu.memory_space<hbm>>
    tpu.wait_dma2 semaphore(%arg11 : memref<!tpu.dma_semaphore, #tpu.memory_space<semaphore_mem>>) src(%dma_wait3A_66 : memref<80xi32, #tpu.memory_space<hbm>>) dst(%dma_wait3A_65 : memref<80xi32, #tpu.memory_space<vmem>>)
    %dma_start3A_67 = arith.constant 0 : i32
    %dma_start3A_68 = arith.constant 0 : i32
    %dma_start3A_69 = arith.constant 0 : i32
    %dma_start3A_70 = tpu.memref_slice %arg9[%dma_start3A_68, %dma_start3A_69] : memref<320x128xf32, #tpu.memory_space<vmem>> -> memref<80x128xf32, #tpu.memory_space<vmem>>
    %dma_start3A_71 = arith.constant 0 : i32
    %dma_start3A_72 = tpu.memref_slice %arg7[%dma_start3A_67, %dma_start3A_71] : memref<4x80xi32, #tpu.memory_space<vmem>> -> memref<1x80xi32, #tpu.memory_space<vmem>>
    %dma_start3A_73 = tpu.memref_squeeze %dma_start3A_72 : memref<1x80xi32, #tpu.memory_space<vmem>> -> memref<80xi32, #tpu.memory_space<vmem>>
    %dma_start3A_74 = arith.constant 0 : i32
    %dma_start3A_75 = arith.constant 0 : i32
    %dma_start3A_76 = tpu.memref_slice %arg2[%dma_start3A_74, %dma_start3A_75] : memref<163840x128xf32, #tpu.memory_space<hbm>> -> memref<163840x128xf32, #tpu.memory_space<hbm>>
    tpu.enqueue_indirect_dma source(%dma_start3A_76 : memref<163840x128xf32, #tpu.memory_space<hbm>>) target(%dma_start3A_70 : memref<80x128xf32, #tpu.memory_space<vmem>>) offsets(%dma_start3A_73 : memref<80xi32, #tpu.memory_space<vmem>>) semaphore(%arg12 : memref<!tpu.dma_semaphore, #tpu.memory_space<semaphore_mem>>)
    %dma_wait3A_77 = arith.constant 0 : i32
    %dma_wait3A_78 = arith.constant 0 : i32
    %dma_wait3A_79 = arith.constant 0 : i32
    %dma_wait3A_80 = tpu.memref_slice %arg9[%dma_wait3A_78, %dma_wait3A_79] : memref<320x128xf32, #tpu.memory_space<vmem>> -> memref<80x128xf32, #tpu.memory_space<vmem>>
    %dma_wait3A_81 = arith.constant 0 : i32
    %dma_wait3A_82 = tpu.memref_slice %arg7[%dma_wait3A_77, %dma_wait3A_81] : memref<4x80xi32, #tpu.memory_space<vmem>> -> memref<1x80xi32, #tpu.memory_space<vmem>>
    %dma_wait3A_83 = tpu.memref_squeeze %dma_wait3A_82 : memref<1x80xi32, #tpu.memory_space<vmem>> -> memref<80xi32, #tpu.memory_space<vmem>>
    %dma_wait3A_84 = arith.constant 0 : i32
    %dma_wait3A_85 = arith.constant 0 : i32
    %dma_wait3A_86 = tpu.memref_slice %arg2[%dma_wait3A_84, %dma_wait3A_85] : memref<163840x128xf32, #tpu.memory_space<hbm>> -> memref<163840x128xf32, #tpu.memory_space<hbm>>
    tpu.wait_indirect_dma semaphore(%arg12 : memref<!tpu.dma_semaphore, #tpu.memory_space<semaphore_mem>>) src(%dma_wait3A_86 : memref<163840x128xf32, #tpu.memory_space<hbm>>) dst(%dma_wait3A_80 : memref<80x128xf32, #tpu.memory_space<vmem>>)
    %dma_start3A_87 = arith.constant 0 : i32
    %dma_start3A_88 = arith.constant 0 : i32
    %dma_start3A_89 = arith.constant 0 : i32
    %dma_start3A_90 = tpu.memref_slice %arg9[%dma_start3A_88, %dma_start3A_89] : memref<320x128xf32, #tpu.memory_space<vmem>> -> memref<80x128xf32, #tpu.memory_space<vmem>>
    %dma_start3A_91 = arith.constant 0 : i32
    %dma_start3A_92 = tpu.memref_slice %arg8[%dma_start3A_87, %dma_start3A_91] : memref<4x80xi32, #tpu.memory_space<vmem>> -> memref<1x80xi32, #tpu.memory_space<vmem>>
    %dma_start3A_93 = tpu.memref_squeeze %dma_start3A_92 : memref<1x80xi32, #tpu.memory_space<vmem>> -> memref<80xi32, #tpu.memory_space<vmem>>
    %dma_start3A_94 = arith.constant 0 : i32
    %dma_start3A_95 = arith.constant 0 : i32
    %dma_start3A_96 = tpu.memref_slice %arg10[%dma_start3A_94, %dma_start3A_95] : memref<10240x128xf32, #tpu.memory_space<vmem_shared>> -> memref<10240x128xf32, #tpu.memory_space<vmem_shared>>
    tpu.enqueue_indirect_dma source(%dma_start3A_90 : memref<80x128xf32, #tpu.memory_space<vmem>>) target(%dma_start3A_96 : memref<10240x128xf32, #tpu.memory_space<vmem_shared>>) offsets(%dma_start3A_93 : memref<80xi32, #tpu.memory_space<vmem>>) semaphore(%arg16 : memref<!tpu.dma_semaphore, #tpu.memory_space<semaphore_mem>>) {add = true}
    %dma_wait3A_97 = arith.constant 0 : i32
    %dma_wait3A_98 = arith.constant 0 : i32
    %dma_wait3A_99 = arith.constant 0 : i32
    %dma_wait3A_100 = tpu.memref_slice %arg9[%dma_wait3A_98, %dma_wait3A_99] : memref<320x128xf32, #tpu.memory_space<vmem>> -> memref<80x128xf32, #tpu.memory_space<vmem>>
    %dma_wait3A_101 = arith.constant 0 : i32
    %dma_wait3A_102 = tpu.memref_slice %arg8[%dma_wait3A_97, %dma_wait3A_101] : memref<4x80xi32, #tpu.memory_space<vmem>> -> memref<1x80xi32, #tpu.memory_space<vmem>>
    %dma_wait3A_103 = tpu.memref_squeeze %dma_wait3A_102 : memref<1x80xi32, #tpu.memory_space<vmem>> -> memref<80xi32, #tpu.memory_space<vmem>>
    %dma_wait3A_104 = arith.constant 0 : i32
    %dma_wait3A_105 = arith.constant 0 : i32
    %dma_wait3A_106 = tpu.memref_slice %arg10[%dma_wait3A_104, %dma_wait3A_105] : memref<10240x128xf32, #tpu.memory_space<vmem_shared>> -> memref<10240x128xf32, #tpu.memory_space<vmem_shared>>
    tpu.wait_indirect_dma semaphore(%arg16 : memref<!tpu.dma_semaphore, #tpu.memory_space<semaphore_mem>>) src(%dma_wait3A_100 : memref<80x128xf32, #tpu.memory_space<vmem>>) dst(%dma_wait3A_106 : memref<10240x128xf32, #tpu.memory_space<vmem_shared>>)
    %barrier3A_107 = arith.constant 0 : index
    tpu.barrier barrier_id(%barrier3A_107)
    %scan3A_108 = arith.constant 0 : i32
    %scan3A_109 = arith.constant 0 : i32
    %scan3A_110 = arith.constant 8 : i32
    %scan3A_111 = arith.addi %scan3A_109, %scan3A_110 : i32
    %scan3A_112 = arith.constant 1 : i32
    %scan3A_113 = scf.for %scan3A_115 = %scan3A_109 to %scan3A_111 step %scan3A_112 iter_args(%scan3A_116 = %scan3A_108) -> (i32)  : i32 {
      %mul3A_117 = arith.constant 640 : i32
      %mul3A_118 = arith.muli %arg1, %mul3A_117 : i32
      %mul3A_119 = arith.constant 80 : i32
      %mul3A_120 = arith.muli %mul3A_119, %scan3A_115 : i32
      %add3A_121 = arith.addi %mul3A_118, %mul3A_120 : i32
      %multiple_of3A_122 = tpu.assume_multiple %add3A_121, 8 : i32
      %eq3A = arith.constant 0 : i32
      %eq3A_123 = arith.cmpi eq, %arg0, %eq3A : i32
      %convert_element_type3A = arith.extui %eq3A_123 : i1 to i32
      %cond3A = arith.constant 0 : i32
      %cond3A_124 = arith.cmpi ne, %convert_element_type3A, %cond3A : i32
      scf.if %cond3A_124 {
        "tpu.region"() ({
          %run_scoped3A = tpu.sem_alloc : memref<!tpu.dma_semaphore, #tpu.memory_space<semaphore_mem>>
          %dma_start3A_131 = arith.constant 0 : i32
          %dma_start3A_132 = tpu.memref_slice %arg5[%multiple_of3A_122, %dma_start3A_131] : memref<10240x128xf32, #tpu.memory_space<hbm>> -> memref<80x128xf32, #tpu.memory_space<hbm>>
          %dma_start3A_133 = arith.constant 0 : i32
          %dma_start3A_134 = tpu.memref_slice %arg10[%multiple_of3A_122, %dma_start3A_133] : memref<10240x128xf32, #tpu.memory_space<vmem_shared>> -> memref<80x128xf32, #tpu.memory_space<vmem_shared>>
          tpu.enqueue_dma source(%dma_start3A_134 : memref<80x128xf32, #tpu.memory_space<vmem_shared>>) target(%dma_start3A_132 : memref<80x128xf32, #tpu.memory_space<hbm>>) target_semaphore(%run_scoped3A : memref<!tpu.dma_semaphore, #tpu.memory_space<semaphore_mem>>)
          %dma_wait3A_135 = arith.constant 0 : i32
          %dma_wait3A_136 = tpu.memref_slice %arg5[%multiple_of3A_122, %dma_wait3A_135] : memref<10240x128xf32, #tpu.memory_space<hbm>> -> memref<80x128xf32, #tpu.memory_space<hbm>>
          %dma_wait3A_137 = arith.constant 0 : i32
          %dma_wait3A_138 = tpu.memref_slice %arg10[%multiple_of3A_122, %dma_wait3A_137] : memref<10240x128xf32, #tpu.memory_space<vmem_shared>> -> memref<80x128xf32, #tpu.memory_space<vmem_shared>>
          tpu.wait_dma2 semaphore(%run_scoped3A : memref<!tpu.dma_semaphore, #tpu.memory_space<semaphore_mem>>) src(%dma_wait3A_138 : memref<80x128xf32, #tpu.memory_space<vmem_shared>>) dst(%dma_wait3A_136 : memref<80x128xf32, #tpu.memory_space<hbm>>)
          tpu.yield
        }) : () -> ()
      } else {
      }
      %eq3A_125 = arith.constant 1 : i32
      %eq3A_126 = arith.cmpi eq, %arg0, %eq3A_125 : i32
      %convert_element_type3A_127 = arith.extui %eq3A_126 : i1 to i32
      %cond3A_128 = arith.constant 0 : i32
      %cond3A_129 = arith.cmpi ne, %convert_element_type3A_127, %cond3A_128 : i32
      scf.if %cond3A_129 {
        "tpu.region"() ({
          %run_scoped3A = tpu.sem_alloc : memref<!tpu.dma_semaphore, #tpu.memory_space<semaphore_mem>>
          %dma_start3A_131 = arith.constant 0 : i32
          %dma_start3A_132 = tpu.memref_slice %arg6[%multiple_of3A_122, %dma_start3A_131] : memref<10240x128xf32, #tpu.memory_space<hbm>> -> memref<80x128xf32, #tpu.memory_space<hbm>>
          %dma_start3A_133 = arith.constant 0 : i32
          %dma_start3A_134 = tpu.memref_slice %arg10[%multiple_of3A_122, %dma_start3A_133] : memref<10240x128xf32, #tpu.memory_space<vmem_shared>> -> memref<80x128xf32, #tpu.memory_space<vmem_shared>>
          tpu.enqueue_dma source(%dma_start3A_134 : memref<80x128xf32, #tpu.memory_space<vmem_shared>>) target(%dma_start3A_132 : memref<80x128xf32, #tpu.memory_space<hbm>>) target_semaphore(%run_scoped3A : memref<!tpu.dma_semaphore, #tpu.memory_space<semaphore_mem>>)
          %dma_wait3A_135 = arith.constant 0 : i32
          %dma_wait3A_136 = tpu.memref_slice %arg6[%multiple_of3A_122, %dma_wait3A_135] : memref<10240x128xf32, #tpu.memory_space<hbm>> -> memref<80x128xf32, #tpu.memory_space<hbm>>
          %dma_wait3A_137 = arith.constant 0 : i32
          %dma_wait3A_138 = tpu.memref_slice %arg10[%multiple_of3A_122, %dma_wait3A_137] : memref<10240x128xf32, #tpu.memory_space<vmem_shared>> -> memref<80x128xf32, #tpu.memory_space<vmem_shared>>
          tpu.wait_dma2 semaphore(%run_scoped3A : memref<!tpu.dma_semaphore, #tpu.memory_space<semaphore_mem>>) src(%dma_wait3A_138 : memref<80x128xf32, #tpu.memory_space<vmem_shared>>) dst(%dma_wait3A_136 : memref<80x128xf32, #tpu.memory_space<hbm>>)
          tpu.yield
        }) : () -> ()
      } else {
      }
      %scan3A_130 = arith.constant 0 : i32
      scf.yield %scan3A_130 : i32
    }
    %scan3A_114 = arith.constant 8 : i32
    return
  }
}

#map = affine_map<(d0, d1) -> (0, 0)>
#map1 = affine_map<(d0, d1) -> (0)>
module attributes {stable_mosaic.version = 14 : i64} {
  func.func @_msg_kernel(%arg0: i32, %arg1: i32, %arg2: memref<163840x128xf32, #tpu.memory_space<hbm>>, %arg3: memref<320000xi32, #tpu.memory_space<hbm>>, %arg4: memref<640000xi32, #tpu.memory_space<hbm>>, %arg5: memref<10240x128xf32, #tpu.memory_space<hbm>>, %arg6: memref<10240x128xf32, #tpu.memory_space<hbm>>, %arg7: memref<4x80xi32, #tpu.memory_space<vmem>>, %arg8: memref<4x80xi32, #tpu.memory_space<vmem>>, %arg9: memref<320x128xf32, #tpu.memory_space<vmem>>, %arg10: memref<10240x128xf32, #tpu.memory_space<vmem_shared>>, %arg11: memref<!tpu.dma_semaphore, #tpu.memory_space<semaphore_mem>>, %arg12: memref<!tpu.dma_semaphore, #tpu.memory_space<semaphore_mem>>, %arg13: memref<!tpu.dma_semaphore, #tpu.memory_space<semaphore_mem>>, %arg14: memref<!tpu.dma_semaphore, #tpu.memory_space<semaphore_mem>>, %arg15: memref<!tpu.dma_semaphore, #tpu.memory_space<semaphore_mem>>, %arg16: memref<!tpu.dma_semaphore, #tpu.memory_space<semaphore_mem>>) attributes {dimension_semantics = [#tpu.dimension_semantics<core_parallel>, #tpu.dimension_semantics<subcore_parallel>], iteration_bounds = array<i64: 2, 16>, scalar_prefetch = 0 : i64, scratch_operands = 10 : i64, tpu.core_type = #tpu.core_type<sc_vector_subcore>, window_params = [{transform_indices = #map}, {transform_indices = #map1}, {transform_indices = #map1}, {transform_indices = #map}, {transform_indices = #map}]} {
    %mul3A = arith.constant 16 : i32
    %mul3A_0 = arith.muli %arg0, %mul3A : i32
    %add3A = arith.addi %mul3A_0, %arg1 : i32
    %broadcast_in_dim3A = arith.constant 0.000000e+00 : f32
    %broadcast_in_dim3A_1 = vector.broadcast %broadcast_in_dim3A : f32 to vector<16xf32>
    %scan3A = arith.constant 0 : i32
    %scan3A_2 = arith.constant 0 : i32
    %scan3A_3 = arith.constant 640 : i32
    %scan3A_4 = arith.addi %scan3A_2, %scan3A_3 : i32
    %scan3A_5 = arith.constant 1 : i32
    %scan3A_6 = scf.for %scan3A_115 = %scan3A_2 to %scan3A_4 step %scan3A_5 iter_args(%scan3A_116 = %scan3A) -> (i32)  : i32 {
      %jit3A = arith.constant 8 : i32
      %div3A = arith.divsi %scan3A_115, %jit3A : i32
      %sign3A = arith.constant 0 : i32
      %sign3A_117 = arith.cmpi sgt, %scan3A_115, %sign3A : i32
      %sign3A_118 = arith.extui %sign3A_117 : i1 to i32
      %sign3A_119 = arith.constant 0 : i32
      %sign3A_120 = arith.cmpi slt, %scan3A_115, %sign3A_119 : i32
      %sign3A_121 = arith.extui %sign3A_120 : i1 to i32
      %sign3A_122 = arith.subi %sign3A_118, %sign3A_121 : i32
      %sign3A_123 = arith.constant 0 : i32
      %sign3A_124 = arith.cmpi sgt, %jit3A, %sign3A_123 : i32
      %sign3A_125 = arith.extui %sign3A_124 : i1 to i32
      %sign3A_126 = arith.constant 0 : i32
      %sign3A_127 = arith.cmpi slt, %jit3A, %sign3A_126 : i32
      %sign3A_128 = arith.extui %sign3A_127 : i1 to i32
      %sign3A_129 = arith.subi %sign3A_125, %sign3A_128 : i32
      %ne3A = arith.cmpi ne, %sign3A_122, %sign3A_129 : i32
      %rem3A = arith.remsi %scan3A_115, %jit3A : i32
      %ne3A_130 = arith.constant 0 : i32
      %ne3A_131 = arith.cmpi ne, %rem3A, %ne3A_130 : i32
      %and3A = arith.andi %ne3A, %ne3A_131 : i1
      %sub3A = arith.constant 1 : i32
      %sub3A_132 = arith.subi %div3A, %sub3A : i32
      %select_n3A = arith.select %and3A, %sub3A_132, %div3A : i32
      %jit3A_133 = arith.constant 8 : i32
      %eq3A = arith.constant 0 : i32
      %eq3A_134 = arith.cmpi eq, %jit3A_133, %eq3A : i32
      %jit3A_135 = arith.constant 1 : i32
      %select_n3A_136 = arith.select %eq3A_134, %jit3A_135, %jit3A_133 : i32
      %rem3A_137 = arith.remsi %scan3A_115, %select_n3A_136 : i32
      %ne3A_138 = arith.constant 0 : i32
      %ne3A_139 = arith.cmpi ne, %rem3A_137, %ne3A_138 : i32
      %lt3A = arith.constant 0 : i32
      %lt3A_140 = arith.cmpi slt, %rem3A_137, %lt3A : i32
      %lt3A_141 = arith.constant 0 : i32
      %lt3A_142 = arith.cmpi slt, %select_n3A_136, %lt3A_141 : i32
      %ne3A_143 = arith.xori %lt3A_140, %lt3A_142 : i1
      %and3A_144 = arith.andi %ne3A_143, %ne3A_139 : i1
      %add3A_145 = arith.addi %rem3A_137, %select_n3A_136 : i32
      %select_n3A_146 = arith.select %and3A_144, %add3A_145, %rem3A_137 : i32
      %mul3A_147 = arith.constant 16 : i32
      %mul3A_148 = arith.muli %select_n3A_146, %mul3A_147 : i32
      %swap3A = arith.index_cast %select_n3A : i32 to index
      %swap3A_149 = arith.index_cast %mul3A_148 : i32 to index
      %swap3A_150 = tpu.vector_load %arg9[%swap3A, %swap3A_149] {strides = array<i32>} : memref<320x128xf32, #tpu.memory_space<vmem>>, vector<16xf32>,
      tpu.vector_store %arg9[%swap3A, %swap3A_149], %broadcast_in_dim3A_1 {strides = array<i32>} : memref<320x128xf32, #tpu.memory_space<vmem>>, vector<16xf32>,
      %scan3A_151 = arith.constant 0 : i32
      scf.yield %scan3A_151 : i32
    }
    %scan3A_7 = arith.constant 640 : i32
    %scan3A_8 = arith.constant 0 : i32
    %scan3A_9 = arith.constant 0 : i32
    %scan3A_10 = arith.constant 8 : i32
    %scan3A_11 = arith.addi %scan3A_9, %scan3A_10 : i32
    %scan3A_12 = arith.constant 1 : i32
    %scan3A_13 = scf.for %scan3A_115 = %scan3A_9 to %scan3A_11 step %scan3A_12 iter_args(%scan3A_116 = %scan3A_8) -> (i32)  : i32 {
      %mul3A_117 = arith.constant 640 : i32
      %mul3A_118 = arith.muli %arg1, %mul3A_117 : i32
      %mul3A_119 = arith.constant 80 : i32
      %mul3A_120 = arith.muli %mul3A_119, %scan3A_115 : i32
      %add3A_121 = arith.addi %mul3A_118, %mul3A_120 : i32
      %multiple_of3A_122 = tpu.assume_multiple %add3A_121, 8 : i32
      "tpu.region"() ({
        %run_scoped3A = tpu.sem_alloc : memref<!tpu.dma_semaphore, #tpu.memory_space<semaphore_mem>>
        %dma_start3A_124 = arith.constant 0 : i32
        %dma_start3A_125 = arith.constant 0 : i32
        %dma_start3A_126 = tpu.memref_slice %arg9[%dma_start3A_124, %dma_start3A_125] : memref<320x128xf32, #tpu.memory_space<vmem>> -> memref<80x128xf32, #tpu.memory_space<vmem>>
        %dma_start3A_127 = arith.constant 0 : i32
        %dma_start3A_128 = tpu.memref_slice %arg10[%multiple_of3A_122, %dma_start3A_127] : memref<10240x128xf32, #tpu.memory_space<vmem_shared>> -> memref<80x128xf32, #tpu.memory_space<vmem_shared>>
        %dma_start3A_129 = arith.constant 0 : i32
        %dma_start3A_130 = tpu.memref_slice %arg10[%multiple_of3A_122, %dma_start3A_129] : memref<10240x128xf32, #tpu.memory_space<vmem_shared>> -> memref<80x128xf32, #tpu.memory_space<vmem_shared>>
        %dma_start3A_131 = arith.constant 0 : i32
        %dma_start3A_132 = arith.constant 0 : i32
        %dma_start3A_133 = tpu.memref_slice %arg9[%dma_start3A_131, %dma_start3A_132] : memref<320x128xf32, #tpu.memory_space<vmem>> -> memref<80x128xf32, #tpu.memory_space<vmem>>
        tpu.enqueue_dma source(%dma_start3A_133 : memref<80x128xf32, #tpu.memory_space<vmem>>) target(%dma_start3A_130 : memref<80x128xf32, #tpu.memory_space<vmem_shared>>) target_semaphore(%run_scoped3A : memref<!tpu.dma_semaphore, #tpu.memory_space<semaphore_mem>>)
        %dma_wait3A_134 = arith.constant 0 : i32
        %dma_wait3A_135 = arith.constant 0 : i32
        %dma_wait3A_136 = tpu.memref_slice %arg9[%dma_wait3A_134, %dma_wait3A_135] : memref<320x128xf32, #tpu.memory_space<vmem>> -> memref<80x128xf32, #tpu.memory_space<vmem>>
        %dma_wait3A_137 = arith.constant 0 : i32
        %dma_wait3A_138 = tpu.memref_slice %arg10[%multiple_of3A_122, %dma_wait3A_137] : memref<10240x128xf32, #tpu.memory_space<vmem_shared>> -> memref<80x128xf32, #tpu.memory_space<vmem_shared>>
        %dma_wait3A_139 = arith.constant 0 : i32
        %dma_wait3A_140 = tpu.memref_slice %arg10[%multiple_of3A_122, %dma_wait3A_139] : memref<10240x128xf32, #tpu.memory_space<vmem_shared>> -> memref<80x128xf32, #tpu.memory_space<vmem_shared>>
        %dma_wait3A_141 = arith.constant 0 : i32
        %dma_wait3A_142 = arith.constant 0 : i32
        %dma_wait3A_143 = tpu.memref_slice %arg9[%dma_wait3A_141, %dma_wait3A_142] : memref<320x128xf32, #tpu.memory_space<vmem>> -> memref<80x128xf32, #tpu.memory_space<vmem>>
        tpu.wait_dma2 semaphore(%run_scoped3A : memref<!tpu.dma_semaphore, #tpu.memory_space<semaphore_mem>>) src(%dma_wait3A_143 : memref<80x128xf32, #tpu.memory_space<vmem>>) dst(%dma_wait3A_140 : memref<80x128xf32, #tpu.memory_space<vmem_shared>>)
        tpu.yield
      }) : () -> ()
      %scan3A_123 = arith.constant 0 : i32
      scf.yield %scan3A_123 : i32
    }
    %scan3A_14 = arith.constant 8 : i32
    %barrier3A = arith.constant 0 : index
    tpu.barrier barrier_id(%barrier3A)
    %scan3A_15 = arith.constant 0 : i32
    %scan3A_16 = arith.constant 0 : i32
    %scan3A_17 = arith.constant 31 : i32
    %scan3A_18 = arith.addi %scan3A_16, %scan3A_17 : i32
    %scan3A_19 = arith.constant 1 : i32
    %scan3A_20 = scf.for %scan3A_115 = %scan3A_16 to %scan3A_18 step %scan3A_19 iter_args(%scan3A_116 = %scan3A_15) -> (i32)  : i32 {
      %mul3A_117 = arith.constant 10000 : i32
      %mul3A_118 = arith.muli %add3A, %mul3A_117 : i32
      %mul3A_119 = arith.constant 320 : i32
      %mul3A_120 = arith.muli %mul3A_119, %scan3A_115 : i32
      %add3A_121 = arith.addi %mul3A_118, %mul3A_120 : i32
      %add3A_122 = arith.constant 0 : i32
      %add3A_123 = arith.addi %add3A_121, %add3A_122 : i32
      %multiple_of3A_124 = tpu.assume_multiple %add3A_123, 8 : i32
      %dma_start3A_125 = arith.constant 0 : i32
      %dma_start3A_126 = arith.constant 0 : i32
      %dma_start3A_127 = tpu.memref_slice %arg7[%dma_start3A_125, %dma_start3A_126] : memref<4x80xi32, #tpu.memory_space<vmem>> -> memref<1x80xi32, #tpu.memory_space<vmem>>
      %dma_start3A_128 = tpu.memref_squeeze %dma_start3A_127 : memref<1x80xi32, #tpu.memory_space<vmem>> -> memref<80xi32, #tpu.memory_space<vmem>>
      %dma_start3A_129 = tpu.memref_slice %arg3[%multiple_of3A_124] : memref<320000xi32, #tpu.memory_space<hbm>> -> memref<80xi32, #tpu.memory_space<hbm>>
      %dma_start3A_130 = arith.constant 0 : i32
      %dma_start3A_131 = tpu.memref_slice %arg7[%dma_start3A_125, %dma_start3A_130] : memref<4x80xi32, #tpu.memory_space<vmem>> -> memref<1x80xi32, #tpu.memory_space<vmem>>
      %dma_start3A_132 = tpu.memref_squeeze %dma_start3A_131 : memref<1x80xi32, #tpu.memory_space<vmem>> -> memref<80xi32, #tpu.memory_space<vmem>>
      %dma_start3A_133 = tpu.memref_slice %arg3[%multiple_of3A_124] : memref<320000xi32, #tpu.memory_space<hbm>> -> memref<80xi32, #tpu.memory_space<hbm>>
      tpu.enqueue_dma source(%dma_start3A_133 : memref<80xi32, #tpu.memory_space<hbm>>) target(%dma_start3A_132 : memref<80xi32, #tpu.memory_space<vmem>>) target_semaphore(%arg11 : memref<!tpu.dma_semaphore, #tpu.memory_space<semaphore_mem>>)
      %add3A_134 = arith.constant 320000 : i32
      %add3A_135 = arith.addi %add3A_134, %add3A_121 : i32
      %add3A_136 = arith.constant 0 : i32
      %add3A_137 = arith.addi %add3A_135, %add3A_136 : i32
      %multiple_of3A_138 = tpu.assume_multiple %add3A_137, 8 : i32
      %dma_start3A_139 = arith.constant 0 : i32
      %dma_start3A_140 = arith.constant 0 : i32
      %dma_start3A_141 = tpu.memref_slice %arg8[%dma_start3A_139, %dma_start3A_140] : memref<4x80xi32, #tpu.memory_space<vmem>> -> memref<1x80xi32, #tpu.memory_space<vmem>>
      %dma_start3A_142 = tpu.memref_squeeze %dma_start3A_141 : memref<1x80xi32, #tpu.memory_space<vmem>> -> memref<80xi32, #tpu.memory_space<vmem>>
      %dma_start3A_143 = tpu.memref_slice %arg4[%multiple_of3A_138] : memref<640000xi32, #tpu.memory_space<hbm>> -> memref<80xi32, #tpu.memory_space<hbm>>
      %dma_start3A_144 = arith.constant 0 : i32
      %dma_start3A_145 = tpu.memref_slice %arg8[%dma_start3A_139, %dma_start3A_144] : memref<4x80xi32, #tpu.memory_space<vmem>> -> memref<1x80xi32, #tpu.memory_space<vmem>>
      %dma_start3A_146 = tpu.memref_squeeze %dma_start3A_145 : memref<1x80xi32, #tpu.memory_space<vmem>> -> memref<80xi32, #tpu.memory_space<vmem>>
      %dma_start3A_147 = tpu.memref_slice %arg4[%multiple_of3A_138] : memref<640000xi32, #tpu.memory_space<hbm>> -> memref<80xi32, #tpu.memory_space<hbm>>
      tpu.enqueue_dma source(%dma_start3A_147 : memref<80xi32, #tpu.memory_space<hbm>>) target(%dma_start3A_146 : memref<80xi32, #tpu.memory_space<vmem>>) target_semaphore(%arg11 : memref<!tpu.dma_semaphore, #tpu.memory_space<semaphore_mem>>)
      %add3A_148 = arith.constant 80 : i32
      %add3A_149 = arith.addi %add3A_121, %add3A_148 : i32
      %multiple_of3A_150 = tpu.assume_multiple %add3A_149, 8 : i32
      %dma_start3A_151 = arith.constant 1 : i32
      %dma_start3A_152 = arith.constant 0 : i32
      %dma_start3A_153 = tpu.memref_slice %arg7[%dma_start3A_151, %dma_start3A_152] : memref<4x80xi32, #tpu.memory_space<vmem>> -> memref<1x80xi32, #tpu.memory_space<vmem>>
      %dma_start3A_154 = tpu.memref_squeeze %dma_start3A_153 : memref<1x80xi32, #tpu.memory_space<vmem>> -> memref<80xi32, #tpu.memory_space<vmem>>
      %dma_start3A_155 = tpu.memref_slice %arg3[%multiple_of3A_150] : memref<320000xi32, #tpu.memory_space<hbm>> -> memref<80xi32, #tpu.memory_space<hbm>>
      %dma_start3A_156 = arith.constant 0 : i32
      %dma_start3A_157 = tpu.memref_slice %arg7[%dma_start3A_151, %dma_start3A_156] : memref<4x80xi32, #tpu.memory_space<vmem>> -> memref<1x80xi32, #tpu.memory_space<vmem>>
      %dma_start3A_158 = tpu.memref_squeeze %dma_start3A_157 : memref<1x80xi32, #tpu.memory_space<vmem>> -> memref<80xi32, #tpu.memory_space<vmem>>
      %dma_start3A_159 = tpu.memref_slice %arg3[%multiple_of3A_150] : memref<320000xi32, #tpu.memory_space<hbm>> -> memref<80xi32, #tpu.memory_space<hbm>>
      tpu.enqueue_dma source(%dma_start3A_159 : memref<80xi32, #tpu.memory_space<hbm>>) target(%dma_start3A_158 : memref<80xi32, #tpu.memory_space<vmem>>) target_semaphore(%arg11 : memref<!tpu.dma_semaphore, #tpu.memory_space<semaphore_mem>>)
      %add3A_160 = arith.constant 320000 : i32
      %add3A_161 = arith.addi %add3A_160, %add3A_121 : i32
      %add3A_162 = arith.constant 80 : i32
      %add3A_163 = arith.addi %add3A_161, %add3A_162 : i32
      %multiple_of3A_164 = tpu.assume_multiple %add3A_163, 8 : i32
      %dma_start3A_165 = arith.constant 1 : i32
      %dma_start3A_166 = arith.constant 0 : i32
      %dma_start3A_167 = tpu.memref_slice %arg8[%dma_start3A_165, %dma_start3A_166] : memref<4x80xi32, #tpu.memory_space<vmem>> -> memref<1x80xi32, #tpu.memory_space<vmem>>
      %dma_start3A_168 = tpu.memref_squeeze %dma_start3A_167 : memref<1x80xi32, #tpu.memory_space<vmem>> -> memref<80xi32, #tpu.memory_space<vmem>>
      %dma_start3A_169 = tpu.memref_slice %arg4[%multiple_of3A_164] : memref<640000xi32, #tpu.memory_space<hbm>> -> memref<80xi32, #tpu.memory_space<hbm>>
      %dma_start3A_170 = arith.constant 0 : i32
      %dma_start3A_171 = tpu.memref_slice %arg8[%dma_start3A_165, %dma_start3A_170] : memref<4x80xi32, #tpu.memory_space<vmem>> -> memref<1x80xi32, #tpu.memory_space<vmem>>
      %dma_start3A_172 = tpu.memref_squeeze %dma_start3A_171 : memref<1x80xi32, #tpu.memory_space<vmem>> -> memref<80xi32, #tpu.memory_space<vmem>>
      %dma_start3A_173 = tpu.memref_slice %arg4[%multiple_of3A_164] : memref<640000xi32, #tpu.memory_space<hbm>> -> memref<80xi32, #tpu.memory_space<hbm>>
      tpu.enqueue_dma source(%dma_start3A_173 : memref<80xi32, #tpu.memory_space<hbm>>) target(%dma_start3A_172 : memref<80xi32, #tpu.memory_space<vmem>>) target_semaphore(%arg11 : memref<!tpu.dma_semaphore, #tpu.memory_space<semaphore_mem>>)
      %add3A_174 = arith.constant 160 : i32
      %add3A_175 = arith.addi %add3A_121, %add3A_174 : i32
      %multiple_of3A_176 = tpu.assume_multiple %add3A_175, 8 : i32
      %dma_start3A_177 = arith.constant 2 : i32
      %dma_start3A_178 = arith.constant 0 : i32
      %dma_start3A_179 = tpu.memref_slice %arg7[%dma_start3A_177, %dma_start3A_178] : memref<4x80xi32, #tpu.memory_space<vmem>> -> memref<1x80xi32, #tpu.memory_space<vmem>>
      %dma_start3A_180 = tpu.memref_squeeze %dma_start3A_179 : memref<1x80xi32, #tpu.memory_space<vmem>> -> memref<80xi32, #tpu.memory_space<vmem>>
      %dma_start3A_181 = tpu.memref_slice %arg3[%multiple_of3A_176] : memref<320000xi32, #tpu.memory_space<hbm>> -> memref<80xi32, #tpu.memory_space<hbm>>
      %dma_start3A_182 = arith.constant 0 : i32
      %dma_start3A_183 = tpu.memref_slice %arg7[%dma_start3A_177, %dma_start3A_182] : memref<4x80xi32, #tpu.memory_space<vmem>> -> memref<1x80xi32, #tpu.memory_space<vmem>>
      %dma_start3A_184 = tpu.memref_squeeze %dma_start3A_183 : memref<1x80xi32, #tpu.memory_space<vmem>> -> memref<80xi32, #tpu.memory_space<vmem>>
      %dma_start3A_185 = tpu.memref_slice %arg3[%multiple_of3A_176] : memref<320000xi32, #tpu.memory_space<hbm>> -> memref<80xi32, #tpu.memory_space<hbm>>
      tpu.enqueue_dma source(%dma_start3A_185 : memref<80xi32, #tpu.memory_space<hbm>>) target(%dma_start3A_184 : memref<80xi32, #tpu.memory_space<vmem>>) target_semaphore(%arg11 : memref<!tpu.dma_semaphore, #tpu.memory_space<semaphore_mem>>)
      %add3A_186 = arith.constant 320000 : i32
      %add3A_187 = arith.addi %add3A_186, %add3A_121 : i32
      %add3A_188 = arith.constant 160 : i32
      %add3A_189 = arith.addi %add3A_187, %add3A_188 : i32
      %multiple_of3A_190 = tpu.assume_multiple %add3A_189, 8 : i32
      %dma_start3A_191 = arith.constant 2 : i32
      %dma_start3A_192 = arith.constant 0 : i32
      %dma_start3A_193 = tpu.memref_slice %arg8[%dma_start3A_191, %dma_start3A_192] : memref<4x80xi32, #tpu.memory_space<vmem>> -> memref<1x80xi32, #tpu.memory_space<vmem>>
      %dma_start3A_194 = tpu.memref_squeeze %dma_start3A_193 : memref<1x80xi32, #tpu.memory_space<vmem>> -> memref<80xi32, #tpu.memory_space<vmem>>
      %dma_start3A_195 = tpu.memref_slice %arg4[%multiple_of3A_190] : memref<640000xi32, #tpu.memory_space<hbm>> -> memref<80xi32, #tpu.memory_space<hbm>>
      %dma_start3A_196 = arith.constant 0 : i32
      %dma_start3A_197 = tpu.memref_slice %arg8[%dma_start3A_191, %dma_start3A_196] : memref<4x80xi32, #tpu.memory_space<vmem>> -> memref<1x80xi32, #tpu.memory_space<vmem>>
      %dma_start3A_198 = tpu.memref_squeeze %dma_start3A_197 : memref<1x80xi32, #tpu.memory_space<vmem>> -> memref<80xi32, #tpu.memory_space<vmem>>
      %dma_start3A_199 = tpu.memref_slice %arg4[%multiple_of3A_190] : memref<640000xi32, #tpu.memory_space<hbm>> -> memref<80xi32, #tpu.memory_space<hbm>>
      tpu.enqueue_dma source(%dma_start3A_199 : memref<80xi32, #tpu.memory_space<hbm>>) target(%dma_start3A_198 : memref<80xi32, #tpu.memory_space<vmem>>) target_semaphore(%arg11 : memref<!tpu.dma_semaphore, #tpu.memory_space<semaphore_mem>>)
      %add3A_200 = arith.constant 240 : i32
      %add3A_201 = arith.addi %add3A_121, %add3A_200 : i32
      %multiple_of3A_202 = tpu.assume_multiple %add3A_201, 8 : i32
      %dma_start3A_203 = arith.constant 3 : i32
      %dma_start3A_204 = arith.constant 0 : i32
      %dma_start3A_205 = tpu.memref_slice %arg7[%dma_start3A_203, %dma_start3A_204] : memref<4x80xi32, #tpu.memory_space<vmem>> -> memref<1x80xi32, #tpu.memory_space<vmem>>
      %dma_start3A_206 = tpu.memref_squeeze %dma_start3A_205 : memref<1x80xi32, #tpu.memory_space<vmem>> -> memref<80xi32, #tpu.memory_space<vmem>>
      %dma_start3A_207 = tpu.memref_slice %arg3[%multiple_of3A_202] : memref<320000xi32, #tpu.memory_space<hbm>> -> memref<80xi32, #tpu.memory_space<hbm>>
      %dma_start3A_208 = arith.constant 0 : i32
      %dma_start3A_209 = tpu.memref_slice %arg7[%dma_start3A_203, %dma_start3A_208] : memref<4x80xi32, #tpu.memory_space<vmem>> -> memref<1x80xi32, #tpu.memory_space<vmem>>
      %dma_start3A_210 = tpu.memref_squeeze %dma_start3A_209 : memref<1x80xi32, #tpu.memory_space<vmem>> -> memref<80xi32, #tpu.memory_space<vmem>>
      %dma_start3A_211 = tpu.memref_slice %arg3[%multiple_of3A_202] : memref<320000xi32, #tpu.memory_space<hbm>> -> memref<80xi32, #tpu.memory_space<hbm>>
      tpu.enqueue_dma source(%dma_start3A_211 : memref<80xi32, #tpu.memory_space<hbm>>) target(%dma_start3A_210 : memref<80xi32, #tpu.memory_space<vmem>>) target_semaphore(%arg11 : memref<!tpu.dma_semaphore, #tpu.memory_space<semaphore_mem>>)
      %add3A_212 = arith.constant 320000 : i32
      %add3A_213 = arith.addi %add3A_212, %add3A_121 : i32
      %add3A_214 = arith.constant 240 : i32
      %add3A_215 = arith.addi %add3A_213, %add3A_214 : i32
      %multiple_of3A_216 = tpu.assume_multiple %add3A_215, 8 : i32
      %dma_start3A_217 = arith.constant 3 : i32
      %dma_start3A_218 = arith.constant 0 : i32
      %dma_start3A_219 = tpu.memref_slice %arg8[%dma_start3A_217, %dma_start3A_218] : memref<4x80xi32, #tpu.memory_space<vmem>> -> memref<1x80xi32, #tpu.memory_space<vmem>>
      %dma_start3A_220 = tpu.memref_squeeze %dma_start3A_219 : memref<1x80xi32, #tpu.memory_space<vmem>> -> memref<80xi32, #tpu.memory_space<vmem>>
      %dma_start3A_221 = tpu.memref_slice %arg4[%multiple_of3A_216] : memref<640000xi32, #tpu.memory_space<hbm>> -> memref<80xi32, #tpu.memory_space<hbm>>
      %dma_start3A_222 = arith.constant 0 : i32
      %dma_start3A_223 = tpu.memref_slice %arg8[%dma_start3A_217, %dma_start3A_222] : memref<4x80xi32, #tpu.memory_space<vmem>> -> memref<1x80xi32, #tpu.memory_space<vmem>>
      %dma_start3A_224 = tpu.memref_squeeze %dma_start3A_223 : memref<1x80xi32, #tpu.memory_space<vmem>> -> memref<80xi32, #tpu.memory_space<vmem>>
      %dma_start3A_225 = tpu.memref_slice %arg4[%multiple_of3A_216] : memref<640000xi32, #tpu.memory_space<hbm>> -> memref<80xi32, #tpu.memory_space<hbm>>
      tpu.enqueue_dma source(%dma_start3A_225 : memref<80xi32, #tpu.memory_space<hbm>>) target(%dma_start3A_224 : memref<80xi32, #tpu.memory_space<vmem>>) target_semaphore(%arg11 : memref<!tpu.dma_semaphore, #tpu.memory_space<semaphore_mem>>)
      %dma_wait3A_226 = arith.constant 0 : i32
      %dma_wait3A_227 = arith.constant 0 : i32
      %dma_wait3A_228 = tpu.memref_slice %arg7[%dma_wait3A_226, %dma_wait3A_227] : memref<4x80xi32, #tpu.memory_space<vmem>> -> memref<1x80xi32, #tpu.memory_space<vmem>>
      %dma_wait3A_229 = tpu.memref_squeeze %dma_wait3A_228 : memref<1x80xi32, #tpu.memory_space<vmem>> -> memref<80xi32, #tpu.memory_space<vmem>>
      %dma_wait3A_230 = tpu.memref_slice %arg3[%multiple_of3A_124] : memref<320000xi32, #tpu.memory_space<hbm>> -> memref<80xi32, #tpu.memory_space<hbm>>
      %dma_wait3A_231 = arith.constant 0 : i32
      %dma_wait3A_232 = tpu.memref_slice %arg7[%dma_wait3A_226, %dma_wait3A_231] : memref<4x80xi32, #tpu.memory_space<vmem>> -> memref<1x80xi32, #tpu.memory_space<vmem>>
      %dma_wait3A_233 = tpu.memref_squeeze %dma_wait3A_232 : memref<1x80xi32, #tpu.memory_space<vmem>> -> memref<80xi32, #tpu.memory_space<vmem>>
      %dma_wait3A_234 = tpu.memref_slice %arg3[%multiple_of3A_124] : memref<320000xi32, #tpu.memory_space<hbm>> -> memref<80xi32, #tpu.memory_space<hbm>>
      tpu.wait_dma2 semaphore(%arg11 : memref<!tpu.dma_semaphore, #tpu.memory_space<semaphore_mem>>) src(%dma_wait3A_234 : memref<80xi32, #tpu.memory_space<hbm>>) dst(%dma_wait3A_233 : memref<80xi32, #tpu.memory_space<vmem>>)
      %dma_wait3A_235 = arith.constant 0 : i32
      %dma_wait3A_236 = arith.constant 0 : i32
      %dma_wait3A_237 = tpu.memref_slice %arg8[%dma_wait3A_235, %dma_wait3A_236] : memref<4x80xi32, #tpu.memory_space<vmem>> -> memref<1x80xi32, #tpu.memory_space<vmem>>
      %dma_wait3A_238 = tpu.memref_squeeze %dma_wait3A_237 : memref<1x80xi32, #tpu.memory_space<vmem>> -> memref<80xi32, #tpu.memory_space<vmem>>
      %dma_wait3A_239 = tpu.memref_slice %arg4[%multiple_of3A_138] : memref<640000xi32, #tpu.memory_space<hbm>> -> memref<80xi32, #tpu.memory_space<hbm>>
      %dma_wait3A_240 = arith.constant 0 : i32
      %dma_wait3A_241 = tpu.memref_slice %arg8[%dma_wait3A_235, %dma_wait3A_240] : memref<4x80xi32, #tpu.memory_space<vmem>> -> memref<1x80xi32, #tpu.memory_space<vmem>>
      %dma_wait3A_242 = tpu.memref_squeeze %dma_wait3A_241 : memref<1x80xi32, #tpu.memory_space<vmem>> -> memref<80xi32, #tpu.memory_space<vmem>>
      %dma_wait3A_243 = tpu.memref_slice %arg4[%multiple_of3A_138] : memref<640000xi32, #tpu.memory_space<hbm>> -> memref<80xi32, #tpu.memory_space<hbm>>
      tpu.wait_dma2 semaphore(%arg11 : memref<!tpu.dma_semaphore, #tpu.memory_space<semaphore_mem>>) src(%dma_wait3A_243 : memref<80xi32, #tpu.memory_space<hbm>>) dst(%dma_wait3A_242 : memref<80xi32, #tpu.memory_space<vmem>>)
      %dma_wait3A_244 = arith.constant 1 : i32
      %dma_wait3A_245 = arith.constant 0 : i32
      %dma_wait3A_246 = tpu.memref_slice %arg7[%dma_wait3A_244, %dma_wait3A_245] : memref<4x80xi32, #tpu.memory_space<vmem>> -> memref<1x80xi32, #tpu.memory_space<vmem>>
      %dma_wait3A_247 = tpu.memref_squeeze %dma_wait3A_246 : memref<1x80xi32, #tpu.memory_space<vmem>> -> memref<80xi32, #tpu.memory_space<vmem>>
      %dma_wait3A_248 = tpu.memref_slice %arg3[%multiple_of3A_150] : memref<320000xi32, #tpu.memory_space<hbm>> -> memref<80xi32, #tpu.memory_space<hbm>>
      %dma_wait3A_249 = arith.constant 0 : i32
      %dma_wait3A_250 = tpu.memref_slice %arg7[%dma_wait3A_244, %dma_wait3A_249] : memref<4x80xi32, #tpu.memory_space<vmem>> -> memref<1x80xi32, #tpu.memory_space<vmem>>
      %dma_wait3A_251 = tpu.memref_squeeze %dma_wait3A_250 : memref<1x80xi32, #tpu.memory_space<vmem>> -> memref<80xi32, #tpu.memory_space<vmem>>
      %dma_wait3A_252 = tpu.memref_slice %arg3[%multiple_of3A_150] : memref<320000xi32, #tpu.memory_space<hbm>> -> memref<80xi32, #tpu.memory_space<hbm>>
      tpu.wait_dma2 semaphore(%arg11 : memref<!tpu.dma_semaphore, #tpu.memory_space<semaphore_mem>>) src(%dma_wait3A_252 : memref<80xi32, #tpu.memory_space<hbm>>) dst(%dma_wait3A_251 : memref<80xi32, #tpu.memory_space<vmem>>)
      %dma_wait3A_253 = arith.constant 1 : i32
      %dma_wait3A_254 = arith.constant 0 : i32
      %dma_wait3A_255 = tpu.memref_slice %arg8[%dma_wait3A_253, %dma_wait3A_254] : memref<4x80xi32, #tpu.memory_space<vmem>> -> memref<1x80xi32, #tpu.memory_space<vmem>>
      %dma_wait3A_256 = tpu.memref_squeeze %dma_wait3A_255 : memref<1x80xi32, #tpu.memory_space<vmem>> -> memref<80xi32, #tpu.memory_space<vmem>>
      %dma_wait3A_257 = tpu.memref_slice %arg4[%multiple_of3A_164] : memref<640000xi32, #tpu.memory_space<hbm>> -> memref<80xi32, #tpu.memory_space<hbm>>
      %dma_wait3A_258 = arith.constant 0 : i32
      %dma_wait3A_259 = tpu.memref_slice %arg8[%dma_wait3A_253, %dma_wait3A_258] : memref<4x80xi32, #tpu.memory_space<vmem>> -> memref<1x80xi32, #tpu.memory_space<vmem>>
      %dma_wait3A_260 = tpu.memref_squeeze %dma_wait3A_259 : memref<1x80xi32, #tpu.memory_space<vmem>> -> memref<80xi32, #tpu.memory_space<vmem>>
      %dma_wait3A_261 = tpu.memref_slice %arg4[%multiple_of3A_164] : memref<640000xi32, #tpu.memory_space<hbm>> -> memref<80xi32, #tpu.memory_space<hbm>>
      tpu.wait_dma2 semaphore(%arg11 : memref<!tpu.dma_semaphore, #tpu.memory_space<semaphore_mem>>) src(%dma_wait3A_261 : memref<80xi32, #tpu.memory_space<hbm>>) dst(%dma_wait3A_260 : memref<80xi32, #tpu.memory_space<vmem>>)
      %dma_wait3A_262 = arith.constant 2 : i32
      %dma_wait3A_263 = arith.constant 0 : i32
      %dma_wait3A_264 = tpu.memref_slice %arg7[%dma_wait3A_262, %dma_wait3A_263] : memref<4x80xi32, #tpu.memory_space<vmem>> -> memref<1x80xi32, #tpu.memory_space<vmem>>
      %dma_wait3A_265 = tpu.memref_squeeze %dma_wait3A_264 : memref<1x80xi32, #tpu.memory_space<vmem>> -> memref<80xi32, #tpu.memory_space<vmem>>
      %dma_wait3A_266 = tpu.memref_slice %arg3[%multiple_of3A_176] : memref<320000xi32, #tpu.memory_space<hbm>> -> memref<80xi32, #tpu.memory_space<hbm>>
      %dma_wait3A_267 = arith.constant 0 : i32
      %dma_wait3A_268 = tpu.memref_slice %arg7[%dma_wait3A_262, %dma_wait3A_267] : memref<4x80xi32, #tpu.memory_space<vmem>> -> memref<1x80xi32, #tpu.memory_space<vmem>>
      %dma_wait3A_269 = tpu.memref_squeeze %dma_wait3A_268 : memref<1x80xi32, #tpu.memory_space<vmem>> -> memref<80xi32, #tpu.memory_space<vmem>>
      %dma_wait3A_270 = tpu.memref_slice %arg3[%multiple_of3A_176] : memref<320000xi32, #tpu.memory_space<hbm>> -> memref<80xi32, #tpu.memory_space<hbm>>
      tpu.wait_dma2 semaphore(%arg11 : memref<!tpu.dma_semaphore, #tpu.memory_space<semaphore_mem>>) src(%dma_wait3A_270 : memref<80xi32, #tpu.memory_space<hbm>>) dst(%dma_wait3A_269 : memref<80xi32, #tpu.memory_space<vmem>>)
      %dma_wait3A_271 = arith.constant 2 : i32
      %dma_wait3A_272 = arith.constant 0 : i32
      %dma_wait3A_273 = tpu.memref_slice %arg8[%dma_wait3A_271, %dma_wait3A_272] : memref<4x80xi32, #tpu.memory_space<vmem>> -> memref<1x80xi32, #tpu.memory_space<vmem>>
      %dma_wait3A_274 = tpu.memref_squeeze %dma_wait3A_273 : memref<1x80xi32, #tpu.memory_space<vmem>> -> memref<80xi32, #tpu.memory_space<vmem>>
      %dma_wait3A_275 = tpu.memref_slice %arg4[%multiple_of3A_190] : memref<640000xi32, #tpu.memory_space<hbm>> -> memref<80xi32, #tpu.memory_space<hbm>>
      %dma_wait3A_276 = arith.constant 0 : i32
      %dma_wait3A_277 = tpu.memref_slice %arg8[%dma_wait3A_271, %dma_wait3A_276] : memref<4x80xi32, #tpu.memory_space<vmem>> -> memref<1x80xi32, #tpu.memory_space<vmem>>
      %dma_wait3A_278 = tpu.memref_squeeze %dma_wait3A_277 : memref<1x80xi32, #tpu.memory_space<vmem>> -> memref<80xi32, #tpu.memory_space<vmem>>
      %dma_wait3A_279 = tpu.memref_slice %arg4[%multiple_of3A_190] : memref<640000xi32, #tpu.memory_space<hbm>> -> memref<80xi32, #tpu.memory_space<hbm>>
      tpu.wait_dma2 semaphore(%arg11 : memref<!tpu.dma_semaphore, #tpu.memory_space<semaphore_mem>>) src(%dma_wait3A_279 : memref<80xi32, #tpu.memory_space<hbm>>) dst(%dma_wait3A_278 : memref<80xi32, #tpu.memory_space<vmem>>)
      %dma_wait3A_280 = arith.constant 3 : i32
      %dma_wait3A_281 = arith.constant 0 : i32
      %dma_wait3A_282 = tpu.memref_slice %arg7[%dma_wait3A_280, %dma_wait3A_281] : memref<4x80xi32, #tpu.memory_space<vmem>> -> memref<1x80xi32, #tpu.memory_space<vmem>>
      %dma_wait3A_283 = tpu.memref_squeeze %dma_wait3A_282 : memref<1x80xi32, #tpu.memory_space<vmem>> -> memref<80xi32, #tpu.memory_space<vmem>>
      %dma_wait3A_284 = tpu.memref_slice %arg3[%multiple_of3A_202] : memref<320000xi32, #tpu.memory_space<hbm>> -> memref<80xi32, #tpu.memory_space<hbm>>
      %dma_wait3A_285 = arith.constant 0 : i32
      %dma_wait3A_286 = tpu.memref_slice %arg7[%dma_wait3A_280, %dma_wait3A_285] : memref<4x80xi32, #tpu.memory_space<vmem>> -> memref<1x80xi32, #tpu.memory_space<vmem>>
      %dma_wait3A_287 = tpu.memref_squeeze %dma_wait3A_286 : memref<1x80xi32, #tpu.memory_space<vmem>> -> memref<80xi32, #tpu.memory_space<vmem>>
      %dma_wait3A_288 = tpu.memref_slice %arg3[%multiple_of3A_202] : memref<320000xi32, #tpu.memory_space<hbm>> -> memref<80xi32, #tpu.memory_space<hbm>>
      tpu.wait_dma2 semaphore(%arg11 : memref<!tpu.dma_semaphore, #tpu.memory_space<semaphore_mem>>) src(%dma_wait3A_288 : memref<80xi32, #tpu.memory_space<hbm>>) dst(%dma_wait3A_287 : memref<80xi32, #tpu.memory_space<vmem>>)
      %dma_wait3A_289 = arith.constant 3 : i32
      %dma_wait3A_290 = arith.constant 0 : i32
      %dma_wait3A_291 = tpu.memref_slice %arg8[%dma_wait3A_289, %dma_wait3A_290] : memref<4x80xi32, #tpu.memory_space<vmem>> -> memref<1x80xi32, #tpu.memory_space<vmem>>
      %dma_wait3A_292 = tpu.memref_squeeze %dma_wait3A_291 : memref<1x80xi32, #tpu.memory_space<vmem>> -> memref<80xi32, #tpu.memory_space<vmem>>
      %dma_wait3A_293 = tpu.memref_slice %arg4[%multiple_of3A_216] : memref<640000xi32, #tpu.memory_space<hbm>> -> memref<80xi32, #tpu.memory_space<hbm>>
      %dma_wait3A_294 = arith.constant 0 : i32
      %dma_wait3A_295 = tpu.memref_slice %arg8[%dma_wait3A_289, %dma_wait3A_294] : memref<4x80xi32, #tpu.memory_space<vmem>> -> memref<1x80xi32, #tpu.memory_space<vmem>>
      %dma_wait3A_296 = tpu.memref_squeeze %dma_wait3A_295 : memref<1x80xi32, #tpu.memory_space<vmem>> -> memref<80xi32, #tpu.memory_space<vmem>>
      %dma_wait3A_297 = tpu.memref_slice %arg4[%multiple_of3A_216] : memref<640000xi32, #tpu.memory_space<hbm>> -> memref<80xi32, #tpu.memory_space<hbm>>
      tpu.wait_dma2 semaphore(%arg11 : memref<!tpu.dma_semaphore, #tpu.memory_space<semaphore_mem>>) src(%dma_wait3A_297 : memref<80xi32, #tpu.memory_space<hbm>>) dst(%dma_wait3A_296 : memref<80xi32, #tpu.memory_space<vmem>>)
      %dma_start3A_298 = arith.constant 0 : i32
      %dma_start3A_299 = arith.constant 0 : i32
      %dma_start3A_300 = arith.constant 0 : i32
      %dma_start3A_301 = tpu.memref_slice %arg9[%dma_start3A_299, %dma_start3A_300] : memref<320x128xf32, #tpu.memory_space<vmem>> -> memref<80x128xf32, #tpu.memory_space<vmem>>
      %dma_start3A_302 = arith.constant 0 : i32
      %dma_start3A_303 = tpu.memref_slice %arg7[%dma_start3A_298, %dma_start3A_302] : memref<4x80xi32, #tpu.memory_space<vmem>> -> memref<1x80xi32, #tpu.memory_space<vmem>>
      %dma_start3A_304 = tpu.memref_squeeze %dma_start3A_303 : memref<1x80xi32, #tpu.memory_space<vmem>> -> memref<80xi32, #tpu.memory_space<vmem>>
      %dma_start3A_305 = arith.constant 0 : i32
      %dma_start3A_306 = arith.constant 0 : i32
      %dma_start3A_307 = tpu.memref_slice %arg2[%dma_start3A_305, %dma_start3A_306] : memref<163840x128xf32, #tpu.memory_space<hbm>> -> memref<163840x128xf32, #tpu.memory_space<hbm>>
      tpu.enqueue_indirect_dma source(%dma_start3A_307 : memref<163840x128xf32, #tpu.memory_space<hbm>>) target(%dma_start3A_301 : memref<80x128xf32, #tpu.memory_space<vmem>>) offsets(%dma_start3A_304 : memref<80xi32, #tpu.memory_space<vmem>>) semaphore(%arg12 : memref<!tpu.dma_semaphore, #tpu.memory_space<semaphore_mem>>)
      %dma_start3A_308 = arith.constant 1 : i32
      %dma_start3A_309 = arith.constant 80 : i32
      %dma_start3A_310 = arith.constant 0 : i32
      %dma_start3A_311 = tpu.memref_slice %arg9[%dma_start3A_309, %dma_start3A_310] : memref<320x128xf32, #tpu.memory_space<vmem>> -> memref<80x128xf32, #tpu.memory_space<vmem>>
      %dma_start3A_312 = arith.constant 0 : i32
      %dma_start3A_313 = tpu.memref_slice %arg7[%dma_start3A_308, %dma_start3A_312] : memref<4x80xi32, #tpu.memory_space<vmem>> -> memref<1x80xi32, #tpu.memory_space<vmem>>
      %dma_start3A_314 = tpu.memref_squeeze %dma_start3A_313 : memref<1x80xi32, #tpu.memory_space<vmem>> -> memref<80xi32, #tpu.memory_space<vmem>>
      %dma_start3A_315 = arith.constant 0 : i32
      %dma_start3A_316 = arith.constant 0 : i32
      %dma_start3A_317 = tpu.memref_slice %arg2[%dma_start3A_315, %dma_start3A_316] : memref<163840x128xf32, #tpu.memory_space<hbm>> -> memref<163840x128xf32, #tpu.memory_space<hbm>>
      tpu.enqueue_indirect_dma source(%dma_start3A_317 : memref<163840x128xf32, #tpu.memory_space<hbm>>) target(%dma_start3A_311 : memref<80x128xf32, #tpu.memory_space<vmem>>) offsets(%dma_start3A_314 : memref<80xi32, #tpu.memory_space<vmem>>) semaphore(%arg13 : memref<!tpu.dma_semaphore, #tpu.memory_space<semaphore_mem>>)
      %dma_start3A_318 = arith.constant 2 : i32
      %dma_start3A_319 = arith.constant 160 : i32
      %dma_start3A_320 = arith.constant 0 : i32
      %dma_start3A_321 = tpu.memref_slice %arg9[%dma_start3A_319, %dma_start3A_320] : memref<320x128xf32, #tpu.memory_space<vmem>> -> memref<80x128xf32, #tpu.memory_space<vmem>>
      %dma_start3A_322 = arith.constant 0 : i32
      %dma_start3A_323 = tpu.memref_slice %arg7[%dma_start3A_318, %dma_start3A_322] : memref<4x80xi32, #tpu.memory_space<vmem>> -> memref<1x80xi32, #tpu.memory_space<vmem>>
      %dma_start3A_324 = tpu.memref_squeeze %dma_start3A_323 : memref<1x80xi32, #tpu.memory_space<vmem>> -> memref<80xi32, #tpu.memory_space<vmem>>
      %dma_start3A_325 = arith.constant 0 : i32
      %dma_start3A_326 = arith.constant 0 : i32
      %dma_start3A_327 = tpu.memref_slice %arg2[%dma_start3A_325, %dma_start3A_326] : memref<163840x128xf32, #tpu.memory_space<hbm>> -> memref<163840x128xf32, #tpu.memory_space<hbm>>
      tpu.enqueue_indirect_dma source(%dma_start3A_327 : memref<163840x128xf32, #tpu.memory_space<hbm>>) target(%dma_start3A_321 : memref<80x128xf32, #tpu.memory_space<vmem>>) offsets(%dma_start3A_324 : memref<80xi32, #tpu.memory_space<vmem>>) semaphore(%arg14 : memref<!tpu.dma_semaphore, #tpu.memory_space<semaphore_mem>>)
      %dma_start3A_328 = arith.constant 3 : i32
      %dma_start3A_329 = arith.constant 240 : i32
      %dma_start3A_330 = arith.constant 0 : i32
      %dma_start3A_331 = tpu.memref_slice %arg9[%dma_start3A_329, %dma_start3A_330] : memref<320x128xf32, #tpu.memory_space<vmem>> -> memref<80x128xf32, #tpu.memory_space<vmem>>
      %dma_start3A_332 = arith.constant 0 : i32
      %dma_start3A_333 = tpu.memref_slice %arg7[%dma_start3A_328, %dma_start3A_332] : memref<4x80xi32, #tpu.memory_space<vmem>> -> memref<1x80xi32, #tpu.memory_space<vmem>>
      %dma_start3A_334 = tpu.memref_squeeze %dma_start3A_333 : memref<1x80xi32, #tpu.memory_space<vmem>> -> memref<80xi32, #tpu.memory_space<vmem>>
      %dma_start3A_335 = arith.constant 0 : i32
      %dma_start3A_336 = arith.constant 0 : i32
      %dma_start3A_337 = tpu.memref_slice %arg2[%dma_start3A_335, %dma_start3A_336] : memref<163840x128xf32, #tpu.memory_space<hbm>> -> memref<163840x128xf32, #tpu.memory_space<hbm>>
      tpu.enqueue_indirect_dma source(%dma_start3A_337 : memref<163840x128xf32, #tpu.memory_space<hbm>>) target(%dma_start3A_331 : memref<80x128xf32, #tpu.memory_space<vmem>>) offsets(%dma_start3A_334 : memref<80xi32, #tpu.memory_space<vmem>>) semaphore(%arg15 : memref<!tpu.dma_semaphore, #tpu.memory_space<semaphore_mem>>)
      %dma_wait3A_338 = arith.constant 0 : i32
      %dma_wait3A_339 = arith.constant 0 : i32
      %dma_wait3A_340 = arith.constant 0 : i32
      %dma_wait3A_341 = tpu.memref_slice %arg9[%dma_wait3A_339, %dma_wait3A_340] : memref<320x128xf32, #tpu.memory_space<vmem>> -> memref<80x128xf32, #tpu.memory_space<vmem>>
      %dma_wait3A_342 = arith.constant 0 : i32
      %dma_wait3A_343 = tpu.memref_slice %arg7[%dma_wait3A_338, %dma_wait3A_342] : memref<4x80xi32, #tpu.memory_space<vmem>> -> memref<1x80xi32, #tpu.memory_space<vmem>>
      %dma_wait3A_344 = tpu.memref_squeeze %dma_wait3A_343 : memref<1x80xi32, #tpu.memory_space<vmem>> -> memref<80xi32, #tpu.memory_space<vmem>>
      %dma_wait3A_345 = arith.constant 0 : i32
      %dma_wait3A_346 = arith.constant 0 : i32
      %dma_wait3A_347 = tpu.memref_slice %arg2[%dma_wait3A_345, %dma_wait3A_346] : memref<163840x128xf32, #tpu.memory_space<hbm>> -> memref<163840x128xf32, #tpu.memory_space<hbm>>
      tpu.wait_indirect_dma semaphore(%arg12 : memref<!tpu.dma_semaphore, #tpu.memory_space<semaphore_mem>>) src(%dma_wait3A_347 : memref<163840x128xf32, #tpu.memory_space<hbm>>) dst(%dma_wait3A_341 : memref<80x128xf32, #tpu.memory_space<vmem>>)
      %dma_start3A_348 = arith.constant 0 : i32
      %dma_start3A_349 = arith.constant 0 : i32
      %dma_start3A_350 = arith.constant 0 : i32
      %dma_start3A_351 = tpu.memref_slice %arg9[%dma_start3A_349, %dma_start3A_350] : memref<320x128xf32, #tpu.memory_space<vmem>> -> memref<80x128xf32, #tpu.memory_space<vmem>>
      %dma_start3A_352 = arith.constant 0 : i32
      %dma_start3A_353 = tpu.memref_slice %arg8[%dma_start3A_348, %dma_start3A_352] : memref<4x80xi32, #tpu.memory_space<vmem>> -> memref<1x80xi32, #tpu.memory_space<vmem>>
      %dma_start3A_354 = tpu.memref_squeeze %dma_start3A_353 : memref<1x80xi32, #tpu.memory_space<vmem>> -> memref<80xi32, #tpu.memory_space<vmem>>
      %dma_start3A_355 = arith.constant 0 : i32
      %dma_start3A_356 = arith.constant 0 : i32
      %dma_start3A_357 = tpu.memref_slice %arg10[%dma_start3A_355, %dma_start3A_356] : memref<10240x128xf32, #tpu.memory_space<vmem_shared>> -> memref<10240x128xf32, #tpu.memory_space<vmem_shared>>
      tpu.enqueue_indirect_dma source(%dma_start3A_351 : memref<80x128xf32, #tpu.memory_space<vmem>>) target(%dma_start3A_357 : memref<10240x128xf32, #tpu.memory_space<vmem_shared>>) offsets(%dma_start3A_354 : memref<80xi32, #tpu.memory_space<vmem>>) semaphore(%arg16 : memref<!tpu.dma_semaphore, #tpu.memory_space<semaphore_mem>>) {add = true}
      %dma_wait3A_358 = arith.constant 1 : i32
      %dma_wait3A_359 = arith.constant 80 : i32
      %dma_wait3A_360 = arith.constant 0 : i32
      %dma_wait3A_361 = tpu.memref_slice %arg9[%dma_wait3A_359, %dma_wait3A_360] : memref<320x128xf32, #tpu.memory_space<vmem>> -> memref<80x128xf32, #tpu.memory_space<vmem>>
      %dma_wait3A_362 = arith.constant 0 : i32
      %dma_wait3A_363 = tpu.memref_slice %arg7[%dma_wait3A_358, %dma_wait3A_362] : memref<4x80xi32, #tpu.memory_space<vmem>> -> memref<1x80xi32, #tpu.memory_space<vmem>>
      %dma_wait3A_364 = tpu.memref_squeeze %dma_wait3A_363 : memref<1x80xi32, #tpu.memory_space<vmem>> -> memref<80xi32, #tpu.memory_space<vmem>>
      %dma_wait3A_365 = arith.constant 0 : i32
      %dma_wait3A_366 = arith.constant 0 : i32
      %dma_wait3A_367 = tpu.memref_slice %arg2[%dma_wait3A_365, %dma_wait3A_366] : memref<163840x128xf32, #tpu.memory_space<hbm>> -> memref<163840x128xf32, #tpu.memory_space<hbm>>
      tpu.wait_indirect_dma semaphore(%arg13 : memref<!tpu.dma_semaphore, #tpu.memory_space<semaphore_mem>>) src(%dma_wait3A_367 : memref<163840x128xf32, #tpu.memory_space<hbm>>) dst(%dma_wait3A_361 : memref<80x128xf32, #tpu.memory_space<vmem>>)
      %dma_start3A_368 = arith.constant 1 : i32
      %dma_start3A_369 = arith.constant 80 : i32
      %dma_start3A_370 = arith.constant 0 : i32
      %dma_start3A_371 = tpu.memref_slice %arg9[%dma_start3A_369, %dma_start3A_370] : memref<320x128xf32, #tpu.memory_space<vmem>> -> memref<80x128xf32, #tpu.memory_space<vmem>>
      %dma_start3A_372 = arith.constant 0 : i32
      %dma_start3A_373 = tpu.memref_slice %arg8[%dma_start3A_368, %dma_start3A_372] : memref<4x80xi32, #tpu.memory_space<vmem>> -> memref<1x80xi32, #tpu.memory_space<vmem>>
      %dma_start3A_374 = tpu.memref_squeeze %dma_start3A_373 : memref<1x80xi32, #tpu.memory_space<vmem>> -> memref<80xi32, #tpu.memory_space<vmem>>
      %dma_start3A_375 = arith.constant 0 : i32
      %dma_start3A_376 = arith.constant 0 : i32
      %dma_start3A_377 = tpu.memref_slice %arg10[%dma_start3A_375, %dma_start3A_376] : memref<10240x128xf32, #tpu.memory_space<vmem_shared>> -> memref<10240x128xf32, #tpu.memory_space<vmem_shared>>
      tpu.enqueue_indirect_dma source(%dma_start3A_371 : memref<80x128xf32, #tpu.memory_space<vmem>>) target(%dma_start3A_377 : memref<10240x128xf32, #tpu.memory_space<vmem_shared>>) offsets(%dma_start3A_374 : memref<80xi32, #tpu.memory_space<vmem>>) semaphore(%arg16 : memref<!tpu.dma_semaphore, #tpu.memory_space<semaphore_mem>>) {add = true}
      %dma_wait3A_378 = arith.constant 2 : i32
      %dma_wait3A_379 = arith.constant 160 : i32
      %dma_wait3A_380 = arith.constant 0 : i32
      %dma_wait3A_381 = tpu.memref_slice %arg9[%dma_wait3A_379, %dma_wait3A_380] : memref<320x128xf32, #tpu.memory_space<vmem>> -> memref<80x128xf32, #tpu.memory_space<vmem>>
      %dma_wait3A_382 = arith.constant 0 : i32
      %dma_wait3A_383 = tpu.memref_slice %arg7[%dma_wait3A_378, %dma_wait3A_382] : memref<4x80xi32, #tpu.memory_space<vmem>> -> memref<1x80xi32, #tpu.memory_space<vmem>>
      %dma_wait3A_384 = tpu.memref_squeeze %dma_wait3A_383 : memref<1x80xi32, #tpu.memory_space<vmem>> -> memref<80xi32, #tpu.memory_space<vmem>>
      %dma_wait3A_385 = arith.constant 0 : i32
      %dma_wait3A_386 = arith.constant 0 : i32
      %dma_wait3A_387 = tpu.memref_slice %arg2[%dma_wait3A_385, %dma_wait3A_386] : memref<163840x128xf32, #tpu.memory_space<hbm>> -> memref<163840x128xf32, #tpu.memory_space<hbm>>
      tpu.wait_indirect_dma semaphore(%arg14 : memref<!tpu.dma_semaphore, #tpu.memory_space<semaphore_mem>>) src(%dma_wait3A_387 : memref<163840x128xf32, #tpu.memory_space<hbm>>) dst(%dma_wait3A_381 : memref<80x128xf32, #tpu.memory_space<vmem>>)
      %dma_start3A_388 = arith.constant 2 : i32
      %dma_start3A_389 = arith.constant 160 : i32
      %dma_start3A_390 = arith.constant 0 : i32
      %dma_start3A_391 = tpu.memref_slice %arg9[%dma_start3A_389, %dma_start3A_390] : memref<320x128xf32, #tpu.memory_space<vmem>> -> memref<80x128xf32, #tpu.memory_space<vmem>>
      %dma_start3A_392 = arith.constant 0 : i32
      %dma_start3A_393 = tpu.memref_slice %arg8[%dma_start3A_388, %dma_start3A_392] : memref<4x80xi32, #tpu.memory_space<vmem>> -> memref<1x80xi32, #tpu.memory_space<vmem>>
      %dma_start3A_394 = tpu.memref_squeeze %dma_start3A_393 : memref<1x80xi32, #tpu.memory_space<vmem>> -> memref<80xi32, #tpu.memory_space<vmem>>
      %dma_start3A_395 = arith.constant 0 : i32
      %dma_start3A_396 = arith.constant 0 : i32
      %dma_start3A_397 = tpu.memref_slice %arg10[%dma_start3A_395, %dma_start3A_396] : memref<10240x128xf32, #tpu.memory_space<vmem_shared>> -> memref<10240x128xf32, #tpu.memory_space<vmem_shared>>
      tpu.enqueue_indirect_dma source(%dma_start3A_391 : memref<80x128xf32, #tpu.memory_space<vmem>>) target(%dma_start3A_397 : memref<10240x128xf32, #tpu.memory_space<vmem_shared>>) offsets(%dma_start3A_394 : memref<80xi32, #tpu.memory_space<vmem>>) semaphore(%arg16 : memref<!tpu.dma_semaphore, #tpu.memory_space<semaphore_mem>>) {add = true}
      %dma_wait3A_398 = arith.constant 3 : i32
      %dma_wait3A_399 = arith.constant 240 : i32
      %dma_wait3A_400 = arith.constant 0 : i32
      %dma_wait3A_401 = tpu.memref_slice %arg9[%dma_wait3A_399, %dma_wait3A_400] : memref<320x128xf32, #tpu.memory_space<vmem>> -> memref<80x128xf32, #tpu.memory_space<vmem>>
      %dma_wait3A_402 = arith.constant 0 : i32
      %dma_wait3A_403 = tpu.memref_slice %arg7[%dma_wait3A_398, %dma_wait3A_402] : memref<4x80xi32, #tpu.memory_space<vmem>> -> memref<1x80xi32, #tpu.memory_space<vmem>>
      %dma_wait3A_404 = tpu.memref_squeeze %dma_wait3A_403 : memref<1x80xi32, #tpu.memory_space<vmem>> -> memref<80xi32, #tpu.memory_space<vmem>>
      %dma_wait3A_405 = arith.constant 0 : i32
      %dma_wait3A_406 = arith.constant 0 : i32
      %dma_wait3A_407 = tpu.memref_slice %arg2[%dma_wait3A_405, %dma_wait3A_406] : memref<163840x128xf32, #tpu.memory_space<hbm>> -> memref<163840x128xf32, #tpu.memory_space<hbm>>
      tpu.wait_indirect_dma semaphore(%arg15 : memref<!tpu.dma_semaphore, #tpu.memory_space<semaphore_mem>>) src(%dma_wait3A_407 : memref<163840x128xf32, #tpu.memory_space<hbm>>) dst(%dma_wait3A_401 : memref<80x128xf32, #tpu.memory_space<vmem>>)
      %dma_start3A_408 = arith.constant 3 : i32
      %dma_start3A_409 = arith.constant 240 : i32
      %dma_start3A_410 = arith.constant 0 : i32
      %dma_start3A_411 = tpu.memref_slice %arg9[%dma_start3A_409, %dma_start3A_410] : memref<320x128xf32, #tpu.memory_space<vmem>> -> memref<80x128xf32, #tpu.memory_space<vmem>>
      %dma_start3A_412 = arith.constant 0 : i32
      %dma_start3A_413 = tpu.memref_slice %arg8[%dma_start3A_408, %dma_start3A_412] : memref<4x80xi32, #tpu.memory_space<vmem>> -> memref<1x80xi32, #tpu.memory_space<vmem>>
      %dma_start3A_414 = tpu.memref_squeeze %dma_start3A_413 : memref<1x80xi32, #tpu.memory_space<vmem>> -> memref<80xi32, #tpu.memory_space<vmem>>
      %dma_start3A_415 = arith.constant 0 : i32
      %dma_start3A_416 = arith.constant 0 : i32
      %dma_start3A_417 = tpu.memref_slice %arg10[%dma_start3A_415, %dma_start3A_416] : memref<10240x128xf32, #tpu.memory_space<vmem_shared>> -> memref<10240x128xf32, #tpu.memory_space<vmem_shared>>
      tpu.enqueue_indirect_dma source(%dma_start3A_411 : memref<80x128xf32, #tpu.memory_space<vmem>>) target(%dma_start3A_417 : memref<10240x128xf32, #tpu.memory_space<vmem_shared>>) offsets(%dma_start3A_414 : memref<80xi32, #tpu.memory_space<vmem>>) semaphore(%arg16 : memref<!tpu.dma_semaphore, #tpu.memory_space<semaphore_mem>>) {add = true}
      %dma_wait3A_418 = arith.constant 0 : i32
      %dma_wait3A_419 = arith.constant 0 : i32
      %dma_wait3A_420 = arith.constant 0 : i32
      %dma_wait3A_421 = tpu.memref_slice %arg9[%dma_wait3A_419, %dma_wait3A_420] : memref<320x128xf32, #tpu.memory_space<vmem>> -> memref<80x128xf32, #tpu.memory_space<vmem>>
      %dma_wait3A_422 = arith.constant 0 : i32
      %dma_wait3A_423 = tpu.memref_slice %arg8[%dma_wait3A_418, %dma_wait3A_422] : memref<4x80xi32, #tpu.memory_space<vmem>> -> memref<1x80xi32, #tpu.memory_space<vmem>>
      %dma_wait3A_424 = tpu.memref_squeeze %dma_wait3A_423 : memref<1x80xi32, #tpu.memory_space<vmem>> -> memref<80xi32, #tpu.memory_space<vmem>>
      %dma_wait3A_425 = arith.constant 0 : i32
      %dma_wait3A_426 = arith.constant 0 : i32
      %dma_wait3A_427 = tpu.memref_slice %arg10[%dma_wait3A_425, %dma_wait3A_426] : memref<10240x128xf32, #tpu.memory_space<vmem_shared>> -> memref<10240x128xf32, #tpu.memory_space<vmem_shared>>
      tpu.wait_indirect_dma semaphore(%arg16 : memref<!tpu.dma_semaphore, #tpu.memory_space<semaphore_mem>>) src(%dma_wait3A_421 : memref<80x128xf32, #tpu.memory_space<vmem>>) dst(%dma_wait3A_427 : memref<10240x128xf32, #tpu.memory_space<vmem_shared>>)
      %dma_wait3A_428 = arith.constant 1 : i32
      %dma_wait3A_429 = arith.constant 80 : i32
      %dma_wait3A_430 = arith.constant 0 : i32
      %dma_wait3A_431 = tpu.memref_slice %arg9[%dma_wait3A_429, %dma_wait3A_430] : memref<320x128xf32, #tpu.memory_space<vmem>> -> memref<80x128xf32, #tpu.memory_space<vmem>>
      %dma_wait3A_432 = arith.constant 0 : i32
      %dma_wait3A_433 = tpu.memref_slice %arg8[%dma_wait3A_428, %dma_wait3A_432] : memref<4x80xi32, #tpu.memory_space<vmem>> -> memref<1x80xi32, #tpu.memory_space<vmem>>
      %dma_wait3A_434 = tpu.memref_squeeze %dma_wait3A_433 : memref<1x80xi32, #tpu.memory_space<vmem>> -> memref<80xi32, #tpu.memory_space<vmem>>
      %dma_wait3A_435 = arith.constant 0 : i32
      %dma_wait3A_436 = arith.constant 0 : i32
      %dma_wait3A_437 = tpu.memref_slice %arg10[%dma_wait3A_435, %dma_wait3A_436] : memref<10240x128xf32, #tpu.memory_space<vmem_shared>> -> memref<10240x128xf32, #tpu.memory_space<vmem_shared>>
      tpu.wait_indirect_dma semaphore(%arg16 : memref<!tpu.dma_semaphore, #tpu.memory_space<semaphore_mem>>) src(%dma_wait3A_431 : memref<80x128xf32, #tpu.memory_space<vmem>>) dst(%dma_wait3A_437 : memref<10240x128xf32, #tpu.memory_space<vmem_shared>>)
      %dma_wait3A_438 = arith.constant 2 : i32
      %dma_wait3A_439 = arith.constant 160 : i32
      %dma_wait3A_440 = arith.constant 0 : i32
      %dma_wait3A_441 = tpu.memref_slice %arg9[%dma_wait3A_439, %dma_wait3A_440] : memref<320x128xf32, #tpu.memory_space<vmem>> -> memref<80x128xf32, #tpu.memory_space<vmem>>
      %dma_wait3A_442 = arith.constant 0 : i32
      %dma_wait3A_443 = tpu.memref_slice %arg8[%dma_wait3A_438, %dma_wait3A_442] : memref<4x80xi32, #tpu.memory_space<vmem>> -> memref<1x80xi32, #tpu.memory_space<vmem>>
      %dma_wait3A_444 = tpu.memref_squeeze %dma_wait3A_443 : memref<1x80xi32, #tpu.memory_space<vmem>> -> memref<80xi32, #tpu.memory_space<vmem>>
      %dma_wait3A_445 = arith.constant 0 : i32
      %dma_wait3A_446 = arith.constant 0 : i32
      %dma_wait3A_447 = tpu.memref_slice %arg10[%dma_wait3A_445, %dma_wait3A_446] : memref<10240x128xf32, #tpu.memory_space<vmem_shared>> -> memref<10240x128xf32, #tpu.memory_space<vmem_shared>>
      tpu.wait_indirect_dma semaphore(%arg16 : memref<!tpu.dma_semaphore, #tpu.memory_space<semaphore_mem>>) src(%dma_wait3A_441 : memref<80x128xf32, #tpu.memory_space<vmem>>) dst(%dma_wait3A_447 : memref<10240x128xf32, #tpu.memory_space<vmem_shared>>)
      %dma_wait3A_448 = arith.constant 3 : i32
      %dma_wait3A_449 = arith.constant 240 : i32
      %dma_wait3A_450 = arith.constant 0 : i32
      %dma_wait3A_451 = tpu.memref_slice %arg9[%dma_wait3A_449, %dma_wait3A_450] : memref<320x128xf32, #tpu.memory_space<vmem>> -> memref<80x128xf32, #tpu.memory_space<vmem>>
      %dma_wait3A_452 = arith.constant 0 : i32
      %dma_wait3A_453 = tpu.memref_slice %arg8[%dma_wait3A_448, %dma_wait3A_452] : memref<4x80xi32, #tpu.memory_space<vmem>> -> memref<1x80xi32, #tpu.memory_space<vmem>>
      %dma_wait3A_454 = tpu.memref_squeeze %dma_wait3A_453 : memref<1x80xi32, #tpu.memory_space<vmem>> -> memref<80xi32, #tpu.memory_space<vmem>>
      %dma_wait3A_455 = arith.constant 0 : i32
      %dma_wait3A_456 = arith.constant 0 : i32
      %dma_wait3A_457 = tpu.memref_slice %arg10[%dma_wait3A_455, %dma_wait3A_456] : memref<10240x128xf32, #tpu.memory_space<vmem_shared>> -> memref<10240x128xf32, #tpu.memory_space<vmem_shared>>
      tpu.wait_indirect_dma semaphore(%arg16 : memref<!tpu.dma_semaphore, #tpu.memory_space<semaphore_mem>>) src(%dma_wait3A_451 : memref<80x128xf32, #tpu.memory_space<vmem>>) dst(%dma_wait3A_457 : memref<10240x128xf32, #tpu.memory_space<vmem_shared>>)
      %scan3A_458 = arith.constant 0 : i32
      scf.yield %scan3A_458 : i32
    }
    %scan3A_21 = arith.constant 31 : i32
    %mul3A_22 = arith.constant 10000 : i32
    %mul3A_23 = arith.muli %add3A, %mul3A_22 : i32
    %add3A_24 = arith.constant 9920 : i32
    %add3A_25 = arith.addi %mul3A_23, %add3A_24 : i32
    %add3A_26 = arith.constant 0 : i32
    %add3A_27 = arith.addi %add3A_25, %add3A_26 : i32
    %multiple_of3A = tpu.assume_multiple %add3A_27, 8 : i32
    %dma_start3A = arith.constant 0 : i32
    %dma_start3A_28 = arith.constant 0 : i32
    %dma_start3A_29 = tpu.memref_slice %arg7[%dma_start3A, %dma_start3A_28] : memref<4x80xi32, #tpu.memory_space<vmem>> -> memref<1x80xi32, #tpu.memory_space<vmem>>
    %dma_start3A_30 = tpu.memref_squeeze %dma_start3A_29 : memref<1x80xi32, #tpu.memory_space<vmem>> -> memref<80xi32, #tpu.memory_space<vmem>>
    %dma_start3A_31 = tpu.memref_slice %arg3[%multiple_of3A] : memref<320000xi32, #tpu.memory_space<hbm>> -> memref<80xi32, #tpu.memory_space<hbm>>
    %dma_start3A_32 = arith.constant 0 : i32
    %dma_start3A_33 = tpu.memref_slice %arg7[%dma_start3A, %dma_start3A_32] : memref<4x80xi32, #tpu.memory_space<vmem>> -> memref<1x80xi32, #tpu.memory_space<vmem>>
    %dma_start3A_34 = tpu.memref_squeeze %dma_start3A_33 : memref<1x80xi32, #tpu.memory_space<vmem>> -> memref<80xi32, #tpu.memory_space<vmem>>
    %dma_start3A_35 = tpu.memref_slice %arg3[%multiple_of3A] : memref<320000xi32, #tpu.memory_space<hbm>> -> memref<80xi32, #tpu.memory_space<hbm>>
    tpu.enqueue_dma source(%dma_start3A_35 : memref<80xi32, #tpu.memory_space<hbm>>) target(%dma_start3A_34 : memref<80xi32, #tpu.memory_space<vmem>>) target_semaphore(%arg11 : memref<!tpu.dma_semaphore, #tpu.memory_space<semaphore_mem>>)
    %add3A_36 = arith.constant 320000 : i32
    %add3A_37 = arith.addi %add3A_36, %add3A_25 : i32
    %add3A_38 = arith.constant 0 : i32
    %add3A_39 = arith.addi %add3A_37, %add3A_38 : i32
    %multiple_of3A_40 = tpu.assume_multiple %add3A_39, 8 : i32
    %dma_start3A_41 = arith.constant 0 : i32
    %dma_start3A_42 = arith.constant 0 : i32
    %dma_start3A_43 = tpu.memref_slice %arg8[%dma_start3A_41, %dma_start3A_42] : memref<4x80xi32, #tpu.memory_space<vmem>> -> memref<1x80xi32, #tpu.memory_space<vmem>>
    %dma_start3A_44 = tpu.memref_squeeze %dma_start3A_43 : memref<1x80xi32, #tpu.memory_space<vmem>> -> memref<80xi32, #tpu.memory_space<vmem>>
    %dma_start3A_45 = tpu.memref_slice %arg4[%multiple_of3A_40] : memref<640000xi32, #tpu.memory_space<hbm>> -> memref<80xi32, #tpu.memory_space<hbm>>
    %dma_start3A_46 = arith.constant 0 : i32
    %dma_start3A_47 = tpu.memref_slice %arg8[%dma_start3A_41, %dma_start3A_46] : memref<4x80xi32, #tpu.memory_space<vmem>> -> memref<1x80xi32, #tpu.memory_space<vmem>>
    %dma_start3A_48 = tpu.memref_squeeze %dma_start3A_47 : memref<1x80xi32, #tpu.memory_space<vmem>> -> memref<80xi32, #tpu.memory_space<vmem>>
    %dma_start3A_49 = tpu.memref_slice %arg4[%multiple_of3A_40] : memref<640000xi32, #tpu.memory_space<hbm>> -> memref<80xi32, #tpu.memory_space<hbm>>
    tpu.enqueue_dma source(%dma_start3A_49 : memref<80xi32, #tpu.memory_space<hbm>>) target(%dma_start3A_48 : memref<80xi32, #tpu.memory_space<vmem>>) target_semaphore(%arg11 : memref<!tpu.dma_semaphore, #tpu.memory_space<semaphore_mem>>)
    %dma_wait3A = arith.constant 0 : i32
    %dma_wait3A_50 = arith.constant 0 : i32
    %dma_wait3A_51 = tpu.memref_slice %arg7[%dma_wait3A, %dma_wait3A_50] : memref<4x80xi32, #tpu.memory_space<vmem>> -> memref<1x80xi32, #tpu.memory_space<vmem>>
    %dma_wait3A_52 = tpu.memref_squeeze %dma_wait3A_51 : memref<1x80xi32, #tpu.memory_space<vmem>> -> memref<80xi32, #tpu.memory_space<vmem>>
    %dma_wait3A_53 = tpu.memref_slice %arg3[%multiple_of3A] : memref<320000xi32, #tpu.memory_space<hbm>> -> memref<80xi32, #tpu.memory_space<hbm>>
    %dma_wait3A_54 = arith.constant 0 : i32
    %dma_wait3A_55 = tpu.memref_slice %arg7[%dma_wait3A, %dma_wait3A_54] : memref<4x80xi32, #tpu.memory_space<vmem>> -> memref<1x80xi32, #tpu.memory_space<vmem>>
    %dma_wait3A_56 = tpu.memref_squeeze %dma_wait3A_55 : memref<1x80xi32, #tpu.memory_space<vmem>> -> memref<80xi32, #tpu.memory_space<vmem>>
    %dma_wait3A_57 = tpu.memref_slice %arg3[%multiple_of3A] : memref<320000xi32, #tpu.memory_space<hbm>> -> memref<80xi32, #tpu.memory_space<hbm>>
    tpu.wait_dma2 semaphore(%arg11 : memref<!tpu.dma_semaphore, #tpu.memory_space<semaphore_mem>>) src(%dma_wait3A_57 : memref<80xi32, #tpu.memory_space<hbm>>) dst(%dma_wait3A_56 : memref<80xi32, #tpu.memory_space<vmem>>)
    %dma_wait3A_58 = arith.constant 0 : i32
    %dma_wait3A_59 = arith.constant 0 : i32
    %dma_wait3A_60 = tpu.memref_slice %arg8[%dma_wait3A_58, %dma_wait3A_59] : memref<4x80xi32, #tpu.memory_space<vmem>> -> memref<1x80xi32, #tpu.memory_space<vmem>>
    %dma_wait3A_61 = tpu.memref_squeeze %dma_wait3A_60 : memref<1x80xi32, #tpu.memory_space<vmem>> -> memref<80xi32, #tpu.memory_space<vmem>>
    %dma_wait3A_62 = tpu.memref_slice %arg4[%multiple_of3A_40] : memref<640000xi32, #tpu.memory_space<hbm>> -> memref<80xi32, #tpu.memory_space<hbm>>
    %dma_wait3A_63 = arith.constant 0 : i32
    %dma_wait3A_64 = tpu.memref_slice %arg8[%dma_wait3A_58, %dma_wait3A_63] : memref<4x80xi32, #tpu.memory_space<vmem>> -> memref<1x80xi32, #tpu.memory_space<vmem>>
    %dma_wait3A_65 = tpu.memref_squeeze %dma_wait3A_64 : memref<1x80xi32, #tpu.memory_space<vmem>> -> memref<80xi32, #tpu.memory_space<vmem>>
    %dma_wait3A_66 = tpu.memref_slice %arg4[%multiple_of3A_40] : memref<640000xi32, #tpu.memory_space<hbm>> -> memref<80xi32, #tpu.memory_space<hbm>>
    tpu.wait_dma2 semaphore(%arg11 : memref<!tpu.dma_semaphore, #tpu.memory_space<semaphore_mem>>) src(%dma_wait3A_66 : memref<80xi32, #tpu.memory_space<hbm>>) dst(%dma_wait3A_65 : memref<80xi32, #tpu.memory_space<vmem>>)
    %dma_start3A_67 = arith.constant 0 : i32
    %dma_start3A_68 = arith.constant 0 : i32
    %dma_start3A_69 = arith.constant 0 : i32
    %dma_start3A_70 = tpu.memref_slice %arg9[%dma_start3A_68, %dma_start3A_69] : memref<320x128xf32, #tpu.memory_space<vmem>> -> memref<80x128xf32, #tpu.memory_space<vmem>>
    %dma_start3A_71 = arith.constant 0 : i32
    %dma_start3A_72 = tpu.memref_slice %arg7[%dma_start3A_67, %dma_start3A_71] : memref<4x80xi32, #tpu.memory_space<vmem>> -> memref<1x80xi32, #tpu.memory_space<vmem>>
    %dma_start3A_73 = tpu.memref_squeeze %dma_start3A_72 : memref<1x80xi32, #tpu.memory_space<vmem>> -> memref<80xi32, #tpu.memory_space<vmem>>
    %dma_start3A_74 = arith.constant 0 : i32
    %dma_start3A_75 = arith.constant 0 : i32
    %dma_start3A_76 = tpu.memref_slice %arg2[%dma_start3A_74, %dma_start3A_75] : memref<163840x128xf32, #tpu.memory_space<hbm>> -> memref<163840x128xf32, #tpu.memory_space<hbm>>
    tpu.enqueue_indirect_dma source(%dma_start3A_76 : memref<163840x128xf32, #tpu.memory_space<hbm>>) target(%dma_start3A_70 : memref<80x128xf32, #tpu.memory_space<vmem>>) offsets(%dma_start3A_73 : memref<80xi32, #tpu.memory_space<vmem>>) semaphore(%arg12 : memref<!tpu.dma_semaphore, #tpu.memory_space<semaphore_mem>>)
    %dma_wait3A_77 = arith.constant 0 : i32
    %dma_wait3A_78 = arith.constant 0 : i32
    %dma_wait3A_79 = arith.constant 0 : i32
    %dma_wait3A_80 = tpu.memref_slice %arg9[%dma_wait3A_78, %dma_wait3A_79] : memref<320x128xf32, #tpu.memory_space<vmem>> -> memref<80x128xf32, #tpu.memory_space<vmem>>
    %dma_wait3A_81 = arith.constant 0 : i32
    %dma_wait3A_82 = tpu.memref_slice %arg7[%dma_wait3A_77, %dma_wait3A_81] : memref<4x80xi32, #tpu.memory_space<vmem>> -> memref<1x80xi32, #tpu.memory_space<vmem>>
    %dma_wait3A_83 = tpu.memref_squeeze %dma_wait3A_82 : memref<1x80xi32, #tpu.memory_space<vmem>> -> memref<80xi32, #tpu.memory_space<vmem>>
    %dma_wait3A_84 = arith.constant 0 : i32
    %dma_wait3A_85 = arith.constant 0 : i32
    %dma_wait3A_86 = tpu.memref_slice %arg2[%dma_wait3A_84, %dma_wait3A_85] : memref<163840x128xf32, #tpu.memory_space<hbm>> -> memref<163840x128xf32, #tpu.memory_space<hbm>>
    tpu.wait_indirect_dma semaphore(%arg12 : memref<!tpu.dma_semaphore, #tpu.memory_space<semaphore_mem>>) src(%dma_wait3A_86 : memref<163840x128xf32, #tpu.memory_space<hbm>>) dst(%dma_wait3A_80 : memref<80x128xf32, #tpu.memory_space<vmem>>)
    %dma_start3A_87 = arith.constant 0 : i32
    %dma_start3A_88 = arith.constant 0 : i32
    %dma_start3A_89 = arith.constant 0 : i32
    %dma_start3A_90 = tpu.memref_slice %arg9[%dma_start3A_88, %dma_start3A_89] : memref<320x128xf32, #tpu.memory_space<vmem>> -> memref<80x128xf32, #tpu.memory_space<vmem>>
    %dma_start3A_91 = arith.constant 0 : i32
    %dma_start3A_92 = tpu.memref_slice %arg8[%dma_start3A_87, %dma_start3A_91] : memref<4x80xi32, #tpu.memory_space<vmem>> -> memref<1x80xi32, #tpu.memory_space<vmem>>
    %dma_start3A_93 = tpu.memref_squeeze %dma_start3A_92 : memref<1x80xi32, #tpu.memory_space<vmem>> -> memref<80xi32, #tpu.memory_space<vmem>>
    %dma_start3A_94 = arith.constant 0 : i32
    %dma_start3A_95 = arith.constant 0 : i32
    %dma_start3A_96 = tpu.memref_slice %arg10[%dma_start3A_94, %dma_start3A_95] : memref<10240x128xf32, #tpu.memory_space<vmem_shared>> -> memref<10240x128xf32, #tpu.memory_space<vmem_shared>>
    tpu.enqueue_indirect_dma source(%dma_start3A_90 : memref<80x128xf32, #tpu.memory_space<vmem>>) target(%dma_start3A_96 : memref<10240x128xf32, #tpu.memory_space<vmem_shared>>) offsets(%dma_start3A_93 : memref<80xi32, #tpu.memory_space<vmem>>) semaphore(%arg16 : memref<!tpu.dma_semaphore, #tpu.memory_space<semaphore_mem>>) {add = true}
    %dma_wait3A_97 = arith.constant 0 : i32
    %dma_wait3A_98 = arith.constant 0 : i32
    %dma_wait3A_99 = arith.constant 0 : i32
    %dma_wait3A_100 = tpu.memref_slice %arg9[%dma_wait3A_98, %dma_wait3A_99] : memref<320x128xf32, #tpu.memory_space<vmem>> -> memref<80x128xf32, #tpu.memory_space<vmem>>
    %dma_wait3A_101 = arith.constant 0 : i32
    %dma_wait3A_102 = tpu.memref_slice %arg8[%dma_wait3A_97, %dma_wait3A_101] : memref<4x80xi32, #tpu.memory_space<vmem>> -> memref<1x80xi32, #tpu.memory_space<vmem>>
    %dma_wait3A_103 = tpu.memref_squeeze %dma_wait3A_102 : memref<1x80xi32, #tpu.memory_space<vmem>> -> memref<80xi32, #tpu.memory_space<vmem>>
    %dma_wait3A_104 = arith.constant 0 : i32
    %dma_wait3A_105 = arith.constant 0 : i32
    %dma_wait3A_106 = tpu.memref_slice %arg10[%dma_wait3A_104, %dma_wait3A_105] : memref<10240x128xf32, #tpu.memory_space<vmem_shared>> -> memref<10240x128xf32, #tpu.memory_space<vmem_shared>>
    tpu.wait_indirect_dma semaphore(%arg16 : memref<!tpu.dma_semaphore, #tpu.memory_space<semaphore_mem>>) src(%dma_wait3A_100 : memref<80x128xf32, #tpu.memory_space<vmem>>) dst(%dma_wait3A_106 : memref<10240x128xf32, #tpu.memory_space<vmem_shared>>)
    %barrier3A_107 = arith.constant 0 : index
    tpu.barrier barrier_id(%barrier3A_107)
    %scan3A_108 = arith.constant 0 : i32
    %scan3A_109 = arith.constant 0 : i32
    %scan3A_110 = arith.constant 8 : i32
    %scan3A_111 = arith.addi %scan3A_109, %scan3A_110 : i32
    %scan3A_112 = arith.constant 1 : i32
    %scan3A_113 = scf.for %scan3A_115 = %scan3A_109 to %scan3A_111 step %scan3A_112 iter_args(%scan3A_116 = %scan3A_108) -> (i32)  : i32 {
      %mul3A_117 = arith.constant 640 : i32
      %mul3A_118 = arith.muli %arg1, %mul3A_117 : i32
      %mul3A_119 = arith.constant 80 : i32
      %mul3A_120 = arith.muli %mul3A_119, %scan3A_115 : i32
      %add3A_121 = arith.addi %mul3A_118, %mul3A_120 : i32
      %multiple_of3A_122 = tpu.assume_multiple %add3A_121, 8 : i32
      %eq3A = arith.constant 0 : i32
      %eq3A_123 = arith.cmpi eq, %arg0, %eq3A : i32
      %convert_element_type3A = arith.extui %eq3A_123 : i1 to i32
      %cond3A = arith.constant 0 : i32
      %cond3A_124 = arith.cmpi ne, %convert_element_type3A, %cond3A : i32
      scf.if %cond3A_124 {
        "tpu.region"() ({
          %run_scoped3A = tpu.sem_alloc : memref<!tpu.dma_semaphore, #tpu.memory_space<semaphore_mem>>
          %dma_start3A_131 = arith.constant 0 : i32
          %dma_start3A_132 = tpu.memref_slice %arg5[%multiple_of3A_122, %dma_start3A_131] : memref<10240x128xf32, #tpu.memory_space<hbm>> -> memref<80x128xf32, #tpu.memory_space<hbm>>
          %dma_start3A_133 = arith.constant 0 : i32
          %dma_start3A_134 = tpu.memref_slice %arg10[%multiple_of3A_122, %dma_start3A_133] : memref<10240x128xf32, #tpu.memory_space<vmem_shared>> -> memref<80x128xf32, #tpu.memory_space<vmem_shared>>
          tpu.enqueue_dma source(%dma_start3A_134 : memref<80x128xf32, #tpu.memory_space<vmem_shared>>) target(%dma_start3A_132 : memref<80x128xf32, #tpu.memory_space<hbm>>) target_semaphore(%run_scoped3A : memref<!tpu.dma_semaphore, #tpu.memory_space<semaphore_mem>>)
          %dma_wait3A_135 = arith.constant 0 : i32
          %dma_wait3A_136 = tpu.memref_slice %arg5[%multiple_of3A_122, %dma_wait3A_135] : memref<10240x128xf32, #tpu.memory_space<hbm>> -> memref<80x128xf32, #tpu.memory_space<hbm>>
          %dma_wait3A_137 = arith.constant 0 : i32
          %dma_wait3A_138 = tpu.memref_slice %arg10[%multiple_of3A_122, %dma_wait3A_137] : memref<10240x128xf32, #tpu.memory_space<vmem_shared>> -> memref<80x128xf32, #tpu.memory_space<vmem_shared>>
          tpu.wait_dma2 semaphore(%run_scoped3A : memref<!tpu.dma_semaphore, #tpu.memory_space<semaphore_mem>>) src(%dma_wait3A_138 : memref<80x128xf32, #tpu.memory_space<vmem_shared>>) dst(%dma_wait3A_136 : memref<80x128xf32, #tpu.memory_space<hbm>>)
          tpu.yield
        }) : () -> ()
      } else {
      }
      %eq3A_125 = arith.constant 1 : i32
      %eq3A_126 = arith.cmpi eq, %arg0, %eq3A_125 : i32
      %convert_element_type3A_127 = arith.extui %eq3A_126 : i1 to i32
      %cond3A_128 = arith.constant 0 : i32
      %cond3A_129 = arith.cmpi ne, %convert_element_type3A_127, %cond3A_128 : i32
      scf.if %cond3A_129 {
        "tpu.region"() ({
          %run_scoped3A = tpu.sem_alloc : memref<!tpu.dma_semaphore, #tpu.memory_space<semaphore_mem>>
          %dma_start3A_131 = arith.constant 0 : i32
          %dma_start3A_132 = tpu.memref_slice %arg6[%multiple_of3A_122, %dma_start3A_131] : memref<10240x128xf32, #tpu.memory_space<hbm>> -> memref<80x128xf32, #tpu.memory_space<hbm>>
          %dma_start3A_133 = arith.constant 0 : i32
          %dma_start3A_134 = tpu.memref_slice %arg10[%multiple_of3A_122, %dma_start3A_133] : memref<10240x128xf32, #tpu.memory_space<vmem_shared>> -> memref<80x128xf32, #tpu.memory_space<vmem_shared>>
          tpu.enqueue_dma source(%dma_start3A_134 : memref<80x128xf32, #tpu.memory_space<vmem_shared>>) target(%dma_start3A_132 : memref<80x128xf32, #tpu.memory_space<hbm>>) target_semaphore(%run_scoped3A : memref<!tpu.dma_semaphore, #tpu.memory_space<semaphore_mem>>)
          %dma_wait3A_135 = arith.constant 0 : i32
          %dma_wait3A_136 = tpu.memref_slice %arg6[%multiple_of3A_122, %dma_wait3A_135] : memref<10240x128xf32, #tpu.memory_space<hbm>> -> memref<80x128xf32, #tpu.memory_space<hbm>>
          %dma_wait3A_137 = arith.constant 0 : i32
          %dma_wait3A_138 = tpu.memref_slice %arg10[%multiple_of3A_122, %dma_wait3A_137] : memref<10240x128xf32, #tpu.memory_space<vmem_shared>> -> memref<80x128xf32, #tpu.memory_space<vmem_shared>>
          tpu.wait_dma2 semaphore(%run_scoped3A : memref<!tpu.dma_semaphore, #tpu.memory_space<semaphore_mem>>) src(%dma_wait3A_138 : memref<80x128xf32, #tpu.memory_space<vmem_shared>>) dst(%dma_wait3A_136 : memref<80x128xf32, #tpu.memory_space<hbm>>)
          tpu.yield
        }) : () -> ()
      } else {
      }
      %scan3A_130 = arith.constant 0 : i32
      scf.yield %scan3A_130 : i32
    }
    %scan3A_114 = arith.constant 8 : i32
    return
  }
}

#map = affine_map<(d0, d1) -> (0)>
#map1 = affine_map<(d0, d1) -> (0, 0)>
module attributes {stable_mosaic.version = 14 : i64} {
  func.func @_prep_kernel(%arg0: i32, %arg1: i32, %arg2: memref<640000xi32, #tpu.memory_space<hbm>>, %arg3: memref<320000x3xi32, #tpu.memory_space<hbm>>, %arg4: memref<320000xi32, #tpu.memory_space<hbm>>, %arg5: memref<400x3xi32, #tpu.memory_space<vmem>>, %arg6: memref<400xi32, #tpu.memory_space<vmem>>, %arg7: memref<400xi32, #tpu.memory_space<vmem>>, %arg8: memref<!tpu.dma_semaphore, #tpu.memory_space<semaphore_mem>>) attributes {dimension_semantics = [#tpu.dimension_semantics<core_parallel>, #tpu.dimension_semantics<subcore_parallel>], iteration_bounds = array<i64: 2, 16>, scalar_prefetch = 0 : i64, scratch_operands = 4 : i64, tpu.core_type = #tpu.core_type<sc_vector_subcore>, window_params = [{transform_indices = #map}, {transform_indices = #map1}, {transform_indices = #map}]} {
    %mul3A = arith.constant 16 : i32
    %mul3A_0 = arith.muli %arg0, %mul3A : i32
    %add3A = arith.addi %mul3A_0, %arg1 : i32
    %iota3A = tpu.iota {dimensions = array<i32: 0>} : vector<16xi32>
    %broadcast_in_dim3A = arith.constant 0 : i32
    %broadcast_in_dim3A_1 = vector.broadcast %broadcast_in_dim3A : i32 to vector<16xi32>
    %scan3A = arith.constant 0 : i32
    %scan3A_2 = arith.constant 0 : i32
    %scan3A_3 = arith.constant 25 : i32
    %scan3A_4 = arith.addi %scan3A_2, %scan3A_3 : i32
    %scan3A_5 = arith.constant 1 : i32
    %scan3A_6 = scf.for %scan3A_8 = %scan3A_2 to %scan3A_4 step %scan3A_5 iter_args(%scan3A_9 = %scan3A) -> (i32)  : i32 {
      %mul3A_10 = arith.constant 10000 : i32
      %mul3A_11 = arith.muli %add3A, %mul3A_10 : i32
      %mul3A_12 = arith.constant 400 : i32
      %mul3A_13 = arith.muli %mul3A_12, %scan3A_8 : i32
      %add3A_14 = arith.addi %mul3A_11, %mul3A_13 : i32
      %multiple_of3A = tpu.assume_multiple %add3A_14, 8 : i32
      %dma_start3A = arith.constant 0 : i32
      %dma_start3A_15 = tpu.memref_slice %arg3[%multiple_of3A, %dma_start3A] : memref<320000x3xi32, #tpu.memory_space<hbm>> -> memref<400x3xi32, #tpu.memory_space<hbm>>
      %dma_start3A_16 = arith.constant 0 : i32
      %dma_start3A_17 = tpu.memref_slice %arg3[%multiple_of3A, %dma_start3A_16] : memref<320000x3xi32, #tpu.memory_space<hbm>> -> memref<400x3xi32, #tpu.memory_space<hbm>>
      tpu.enqueue_dma source(%dma_start3A_17 : memref<400x3xi32, #tpu.memory_space<hbm>>) target(%arg5 : memref<400x3xi32, #tpu.memory_space<vmem>>) target_semaphore(%arg8 : memref<!tpu.dma_semaphore, #tpu.memory_space<semaphore_mem>>)
      %dma_start3A_18 = tpu.memref_slice %arg2[%multiple_of3A] : memref<640000xi32, #tpu.memory_space<hbm>> -> memref<400xi32, #tpu.memory_space<hbm>>
      %dma_start3A_19 = tpu.memref_slice %arg2[%multiple_of3A] : memref<640000xi32, #tpu.memory_space<hbm>> -> memref<400xi32, #tpu.memory_space<hbm>>
      tpu.enqueue_dma source(%dma_start3A_19 : memref<400xi32, #tpu.memory_space<hbm>>) target(%arg6 : memref<400xi32, #tpu.memory_space<vmem>>) target_semaphore(%arg8 : memref<!tpu.dma_semaphore, #tpu.memory_space<semaphore_mem>>)
      %dma_wait3A = arith.constant 0 : i32
      %dma_wait3A_20 = tpu.memref_slice %arg3[%multiple_of3A, %dma_wait3A] : memref<320000x3xi32, #tpu.memory_space<hbm>> -> memref<400x3xi32, #tpu.memory_space<hbm>>
      %dma_wait3A_21 = arith.constant 0 : i32
      %dma_wait3A_22 = tpu.memref_slice %arg3[%multiple_of3A, %dma_wait3A_21] : memref<320000x3xi32, #tpu.memory_space<hbm>> -> memref<400x3xi32, #tpu.memory_space<hbm>>
      tpu.wait_dma2 semaphore(%arg8 : memref<!tpu.dma_semaphore, #tpu.memory_space<semaphore_mem>>) src(%dma_wait3A_22 : memref<400x3xi32, #tpu.memory_space<hbm>>) dst(%arg5 : memref<400x3xi32, #tpu.memory_space<vmem>>)
      %dma_wait3A_23 = tpu.memref_slice %arg2[%multiple_of3A] : memref<640000xi32, #tpu.memory_space<hbm>> -> memref<400xi32, #tpu.memory_space<hbm>>
      %dma_wait3A_24 = tpu.memref_slice %arg2[%multiple_of3A] : memref<640000xi32, #tpu.memory_space<hbm>> -> memref<400xi32, #tpu.memory_space<hbm>>
      tpu.wait_dma2 semaphore(%arg8 : memref<!tpu.dma_semaphore, #tpu.memory_space<semaphore_mem>>) src(%dma_wait3A_24 : memref<400xi32, #tpu.memory_space<hbm>>) dst(%arg6 : memref<400xi32, #tpu.memory_space<vmem>>)
      %scan3A_25 = arith.constant 0 : i32
      %scan3A_26 = arith.constant 0 : i32
      %scan3A_27 = arith.constant 25 : i32
      %scan3A_28 = arith.addi %scan3A_26, %scan3A_27 : i32
      %scan3A_29 = arith.constant 1 : i32
      %scan3A_30 = scf.for %scan3A_33 = %scan3A_26 to %scan3A_28 step %scan3A_29 iter_args(%scan3A_34 = %scan3A_25) -> (i32)  : i32 {
        %mul3A_35 = arith.constant 16 : i32
        %mul3A_36 = arith.muli %mul3A_35, %scan3A_33 : i32
        %add3A_37 = vector.broadcast %mul3A_36 : i32 to vector<16xi32>
        %add3A_38 = arith.addi %iota3A, %add3A_37 : vector<16xi32>
        %gather3A = tpu.vector_load_idx %arg5[%add3A_38, %broadcast_in_dim3A_1] : memref<400x3xi32, #tpu.memory_space<vmem>>[vector<16xi32>, vector<16xi32>], vector<16xi32>,
        %add3A_39 = arith.constant 1 : i32
        %add3A_40 = vector.broadcast %add3A_39 : i32 to vector<16xi32>
        %add3A_41 = arith.addi %broadcast_in_dim3A_1, %add3A_40 : vector<16xi32>
        %gather3A_42 = tpu.vector_load_idx %arg5[%add3A_38, %add3A_41] : memref<400x3xi32, #tpu.memory_space<vmem>>[vector<16xi32>, vector<16xi32>], vector<16xi32>,
        %add3A_43 = arith.constant 2 : i32
        %add3A_44 = vector.broadcast %add3A_43 : i32 to vector<16xi32>
        %add3A_45 = arith.addi %broadcast_in_dim3A_1, %add3A_44 : vector<16xi32>
        %gather3A_46 = tpu.vector_load_idx %arg5[%add3A_38, %add3A_45] : memref<400x3xi32, #tpu.memory_space<vmem>>[vector<16xi32>, vector<16xi32>], vector<16xi32>,
        %mul3A_47 = arith.constant 3 : i32
        %mul3A_48 = vector.broadcast %mul3A_47 : i32 to vector<16xi32>
        %mul3A_49 = arith.muli %mul3A_48, %gather3A_42 : vector<16xi32>
        %add3A_50 = arith.addi %gather3A, %mul3A_49 : vector<16xi32>
        %mul3A_51 = arith.constant 7 : i32
        %mul3A_52 = vector.broadcast %mul3A_51 : i32 to vector<16xi32>
        %mul3A_53 = arith.muli %mul3A_52, %gather3A_46 : vector<16xi32>
        %add3A_54 = arith.addi %add3A_50, %mul3A_53 : vector<16xi32>
        %and3A = arith.constant 15 : i32
        %and3A_55 = vector.broadcast %and3A : i32 to vector<16xi32>
        %and3A_56 = arith.andi %add3A_54, %and3A_55 : vector<16xi32>
        %mul3A_57 = arith.constant 16 : i32
        %mul3A_58 = arith.muli %mul3A_57, %scan3A_33 : i32
        %get3A = arith.index_cast %mul3A_58 : i32 to index
        %get3A_59 = tpu.vector_load %arg6[%get3A] {strides = array<i32>} : memref<400xi32, #tpu.memory_space<vmem>>, vector<16xi32>,
        %mul3A_60 = arith.constant 16 : i32
        %mul3A_61 = vector.broadcast %mul3A_60 : i32 to vector<16xi32>
        %mul3A_62 = arith.muli %get3A_59, %mul3A_61 : vector<16xi32>
        %add3A_63 = arith.addi %mul3A_62, %and3A_56 : vector<16xi32>
        %mul3A_64 = arith.constant 16 : i32
        %mul3A_65 = arith.muli %mul3A_64, %scan3A_33 : i32
        %swap3A = arith.index_cast %mul3A_65 : i32 to index
        %swap3A_66 = tpu.vector_load %arg7[%swap3A] {strides = array<i32>} : memref<400xi32, #tpu.memory_space<vmem>>, vector<16xi32>,
        tpu.vector_store %arg7[%swap3A], %add3A_63 {strides = array<i32>} : memref<400xi32, #tpu.memory_space<vmem>>, vector<16xi32>,
        %scan3A_67 = arith.constant 0 : i32
        scf.yield %scan3A_67 : i32
      }
      %scan3A_31 = arith.constant 25 : i32
      "tpu.region"() ({
        %run_scoped3A = tpu.sem_alloc : memref<!tpu.dma_semaphore, #tpu.memory_space<semaphore_mem>>
        %dma_start3A_33 = tpu.memref_slice %arg4[%multiple_of3A] : memref<320000xi32, #tpu.memory_space<hbm>> -> memref<400xi32, #tpu.memory_space<hbm>>
        %dma_start3A_34 = tpu.memref_slice %arg4[%multiple_of3A] : memref<320000xi32, #tpu.memory_space<hbm>> -> memref<400xi32, #tpu.memory_space<hbm>>
        tpu.enqueue_dma source(%arg7 : memref<400xi32, #tpu.memory_space<vmem>>) target(%dma_start3A_34 : memref<400xi32, #tpu.memory_space<hbm>>) target_semaphore(%run_scoped3A : memref<!tpu.dma_semaphore, #tpu.memory_space<semaphore_mem>>)
        %dma_wait3A_35 = tpu.memref_slice %arg4[%multiple_of3A] : memref<320000xi32, #tpu.memory_space<hbm>> -> memref<400xi32, #tpu.memory_space<hbm>>
        %dma_wait3A_36 = tpu.memref_slice %arg4[%multiple_of3A] : memref<320000xi32, #tpu.memory_space<hbm>> -> memref<400xi32, #tpu.memory_space<hbm>>
        tpu.wait_dma2 semaphore(%run_scoped3A : memref<!tpu.dma_semaphore, #tpu.memory_space<semaphore_mem>>) src(%arg7 : memref<400xi32, #tpu.memory_space<vmem>>) dst(%dma_wait3A_36 : memref<400xi32, #tpu.memory_space<hbm>>)
        tpu.yield
      }) : () -> ()
      %scan3A_32 = arith.constant 0 : i32
      scf.yield %scan3A_32 : i32
    }
    %scan3A_7 = arith.constant 25 : i32
    return
  }
}

module attributes {stable_mosaic.version = 14 : i64} {
  func.func @_fold_body(%arg0: memref<192x128xf32, #tpu.memory_space<vmem>>, %arg1: memref<128x128xf32, #tpu.memory_space<vmem>>, %arg2: memref<192x128xf32, #tpu.memory_space<vmem>>, %arg3: memref<192x128xf32, #tpu.memory_space<vmem>>) attributes {dimension_semantics = [], scalar_prefetch = 0 : i64, scratch_operands = 0 : i64, tpu.core_type = #tpu.core_type<tc>} {
    %get3A = arith.constant 0 : index
    %get3A_0 = arith.constant 0 : index
    %get3A_1 = vector.load %arg0[%get3A, %get3A_0] : memref<192x128xf32, #tpu.memory_space<vmem>>, vector<192x128xf32>
    %get3A_2 = arith.constant 0 : index
    %get3A_3 = arith.constant 0 : index
    %get3A_4 = vector.load %arg1[%get3A_2, %get3A_3] : memref<128x128xf32, #tpu.memory_space<vmem>>, vector<128x128xf32>
    %dot_general3A = arith.constant dense<0.000000e+00> : vector<192x128xf32>
    %dot_general3A_5 = tpu.matmul %get3A_1, %get3A_4, %dot_general3A {dimension_numbers = #tpu.dot_dimension_numbers<[1], [0], [0], [1], [0, 0, 1, 1], [], []>, transpose_lhs_hint = false} : vector<192x128xf32>, vector<128x128xf32>, vector<192x128xf32> -> vector<192x128xf32>
    %get3A_6 = arith.constant 0 : index
    %get3A_7 = arith.constant 0 : index
    %get3A_8 = vector.load %arg2[%get3A_6, %get3A_7] : memref<192x128xf32, #tpu.memory_space<vmem>>, vector<192x128xf32>
    %add3A = arith.addf %dot_general3A_5, %get3A_8 : vector<192x128xf32>
    %swap3A = arith.constant 0 : index
    %swap3A_9 = arith.constant 0 : index
    %swap3A_10 = vector.load %arg3[%swap3A, %swap3A_9] : memref<192x128xf32, #tpu.memory_space<vmem>>, vector<192x128xf32>
    tpu.vector_store %arg3[%swap3A, %swap3A_9], %add3A {strides = array<i32>} : memref<192x128xf32, #tpu.memory_space<vmem>>, vector<192x128xf32>,
    return
  }
}

module attributes {stable_mosaic.version = 14 : i64} {
  func.func @_embed_body(%arg0: i32, %arg1: memref<512x8xi32, #tpu.memory_space<vmem>>, %arg2: memref<256x128xf32, #tpu.memory_space<vmem>>, %arg3: memref<16x128xf32, #tpu.memory_space<vmem>>, %arg4: memref<512x128xf32, #tpu.memory_space<vmem>>, %arg5: memref<512x16x128xf32, #tpu.memory_space<vmem>>) attributes {dimension_semantics = [#tpu.dimension_semantics<arbitrary>], iteration_bounds = array<i64: 20>, scalar_prefetch = 0 : i64, scratch_operands = 0 : i64, tpu.core_type = #tpu.core_type<tc>, window_params = [{transform_indices = @transform_0, window_bounds = array<i64: 512, 8>}, {pipeline_mode = #tpu.pipeline_mode<synchronous>, transform_indices = @transform_1, window_bounds = array<i64: 256, 128>}, {pipeline_mode = #tpu.pipeline_mode<synchronous>, transform_indices = @transform_2, window_bounds = array<i64: 16, 128>}, {transform_indices = @transform_3, window_bounds = array<i64: 512, 128>}, {transform_indices = @transform_4, window_bounds = array<i64: 512, 16, 128>}]} {
    %get3A = arith.constant 0 : index
    %get3A_0 = arith.constant 0 : index
    %get3A_1 = vector.load %arg1[%get3A, %get3A_0] : memref<512x8xi32, #tpu.memory_space<vmem>>, vector<512x8xi32>
    %broadcast_in_dim3A = arith.constant 0.000000e+00 : f32
    %broadcast_in_dim3A_2 = vector.broadcast %broadcast_in_dim3A : f32 to vector<512x256xf32>
    %slice3A = vector.extract_strided_slice %get3A_1 {offsets = [0, 0], sizes = [512, 1], strides = [1, 1]} : vector<512x8xi32> to vector<512x1xi32>
    %jit3A = arith.constant 0 : i32
    %jit3A_3 = arith.constant 119 : i32
    %max3A = vector.broadcast %jit3A : i32 to vector<512x1xi32>
    %max3A_4 = arith.maxsi %max3A, %slice3A : vector<512x1xi32>
    %min3A = vector.broadcast %jit3A_3 : i32 to vector<512x1xi32>
    %min3A_5 = arith.minsi %min3A, %max3A_4 : vector<512x1xi32>
    %add3A = arith.constant 0 : i32
    %add3A_6 = vector.broadcast %add3A : i32 to vector<512x1xi32>
    %add3A_7 = arith.addi %min3A_5, %add3A_6 : vector<512x1xi32>
    %iota3A = tpu.iota {dimensions = array<i32: 1>} : vector<512x256xi32>
    %eq3A = vector.broadcast %add3A_7 : vector<512x1xi32> to vector<512x256xi32>
    %eq3A_8 = arith.cmpi eq, %iota3A, %eq3A : vector<512x256xi32>
    %convert_element_type3A = arith.extui %eq3A_8 : vector<512x256xi1> to vector<512x256xi32>
    %convert_element_type3A_9 = arith.sitofp %convert_element_type3A : vector<512x256xi32> to vector<512x256xf32>
    %add3A_10 = arith.addf %broadcast_in_dim3A_2, %convert_element_type3A_9 : vector<512x256xf32>
    %slice3A_11 = vector.extract_strided_slice %get3A_1 {offsets = [0, 1], sizes = [512, 1], strides = [1, 1]} : vector<512x8xi32> to vector<512x1xi32>
    %jit3A_12 = arith.constant 0 : i32
    %jit3A_13 = arith.constant 9 : i32
    %max3A_14 = vector.broadcast %jit3A_12 : i32 to vector<512x1xi32>
    %max3A_15 = arith.maxsi %max3A_14, %slice3A_11 : vector<512x1xi32>
    %min3A_16 = vector.broadcast %jit3A_13 : i32 to vector<512x1xi32>
    %min3A_17 = arith.minsi %min3A_16, %max3A_15 : vector<512x1xi32>
    %add3A_18 = arith.constant 120 : i32
    %add3A_19 = vector.broadcast %add3A_18 : i32 to vector<512x1xi32>
    %add3A_20 = arith.addi %min3A_17, %add3A_19 : vector<512x1xi32>
    %iota3A_21 = tpu.iota {dimensions = array<i32: 1>} : vector<512x256xi32>
    %eq3A_22 = vector.broadcast %add3A_20 : vector<512x1xi32> to vector<512x256xi32>
    %eq3A_23 = arith.cmpi eq, %iota3A_21, %eq3A_22 : vector<512x256xi32>
    %convert_element_type3A_24 = arith.extui %eq3A_23 : vector<512x256xi1> to vector<512x256xi32>
    %convert_element_type3A_25 = arith.sitofp %convert_element_type3A_24 : vector<512x256xi32> to vector<512x256xf32>
    %add3A_26 = arith.addf %add3A_10, %convert_element_type3A_25 : vector<512x256xf32>
    %slice3A_27 = vector.extract_strided_slice %get3A_1 {offsets = [0, 2], sizes = [512, 1], strides = [1, 1]} : vector<512x8xi32> to vector<512x1xi32>
    %jit3A_28 = arith.constant 0 : i32
    %jit3A_29 = arith.constant 6 : i32
    %max3A_30 = vector.broadcast %jit3A_28 : i32 to vector<512x1xi32>
    %max3A_31 = arith.maxsi %max3A_30, %slice3A_27 : vector<512x1xi32>
    %min3A_32 = vector.broadcast %jit3A_29 : i32 to vector<512x1xi32>
    %min3A_33 = arith.minsi %min3A_32, %max3A_31 : vector<512x1xi32>
    %add3A_34 = arith.constant 130 : i32
    %add3A_35 = vector.broadcast %add3A_34 : i32 to vector<512x1xi32>
    %add3A_36 = arith.addi %min3A_33, %add3A_35 : vector<512x1xi32>
    %iota3A_37 = tpu.iota {dimensions = array<i32: 1>} : vector<512x256xi32>
    %eq3A_38 = vector.broadcast %add3A_36 : vector<512x1xi32> to vector<512x256xi32>
    %eq3A_39 = arith.cmpi eq, %iota3A_37, %eq3A_38 : vector<512x256xi32>
    %convert_element_type3A_40 = arith.extui %eq3A_39 : vector<512x256xi1> to vector<512x256xi32>
    %convert_element_type3A_41 = arith.sitofp %convert_element_type3A_40 : vector<512x256xi32> to vector<512x256xf32>
    %add3A_42 = arith.addf %add3A_26, %convert_element_type3A_41 : vector<512x256xf32>
    %slice3A_43 = vector.extract_strided_slice %get3A_1 {offsets = [0, 3], sizes = [512, 1], strides = [1, 1]} : vector<512x8xi32> to vector<512x1xi32>
    %jit3A_44 = arith.constant 0 : i32
    %jit3A_45 = arith.constant 4 : i32
    %max3A_46 = vector.broadcast %jit3A_44 : i32 to vector<512x1xi32>
    %max3A_47 = arith.maxsi %max3A_46, %slice3A_43 : vector<512x1xi32>
    %min3A_48 = vector.broadcast %jit3A_45 : i32 to vector<512x1xi32>
    %min3A_49 = arith.minsi %min3A_48, %max3A_47 : vector<512x1xi32>
    %add3A_50 = arith.constant 137 : i32
    %add3A_51 = vector.broadcast %add3A_50 : i32 to vector<512x1xi32>
    %add3A_52 = arith.addi %min3A_49, %add3A_51 : vector<512x1xi32>
    %iota3A_53 = tpu.iota {dimensions = array<i32: 1>} : vector<512x256xi32>
    %eq3A_54 = vector.broadcast %add3A_52 : vector<512x1xi32> to vector<512x256xi32>
    %eq3A_55 = arith.cmpi eq, %iota3A_53, %eq3A_54 : vector<512x256xi32>
    %convert_element_type3A_56 = arith.extui %eq3A_55 : vector<512x256xi1> to vector<512x256xi32>
    %convert_element_type3A_57 = arith.sitofp %convert_element_type3A_56 : vector<512x256xi32> to vector<512x256xf32>
    %add3A_58 = arith.addf %add3A_42, %convert_element_type3A_57 : vector<512x256xf32>
    %slice3A_59 = vector.extract_strided_slice %get3A_1 {offsets = [0, 4], sizes = [512, 1], strides = [1, 1]} : vector<512x8xi32> to vector<512x1xi32>
    %jit3A_60 = arith.constant 0 : i32
    %jit3A_61 = arith.constant 1 : i32
    %max3A_62 = vector.broadcast %jit3A_60 : i32 to vector<512x1xi32>
    %max3A_63 = arith.maxsi %max3A_62, %slice3A_59 : vector<512x1xi32>
    %min3A_64 = vector.broadcast %jit3A_61 : i32 to vector<512x1xi32>
    %min3A_65 = arith.minsi %min3A_64, %max3A_63 : vector<512x1xi32>
    %add3A_66 = arith.constant 142 : i32
    %add3A_67 = vector.broadcast %add3A_66 : i32 to vector<512x1xi32>
    %add3A_68 = arith.addi %min3A_65, %add3A_67 : vector<512x1xi32>
    %iota3A_69 = tpu.iota {dimensions = array<i32: 1>} : vector<512x256xi32>
    %eq3A_70 = vector.broadcast %add3A_68 : vector<512x1xi32> to vector<512x256xi32>
    %eq3A_71 = arith.cmpi eq, %iota3A_69, %eq3A_70 : vector<512x256xi32>
    %convert_element_type3A_72 = arith.extui %eq3A_71 : vector<512x256xi1> to vector<512x256xi32>
    %convert_element_type3A_73 = arith.sitofp %convert_element_type3A_72 : vector<512x256xi32> to vector<512x256xf32>
    %add3A_74 = arith.addf %add3A_58, %convert_element_type3A_73 : vector<512x256xf32>
    %get3A_75 = arith.constant 0 : index
    %get3A_76 = arith.constant 0 : index
    %get3A_77 = vector.load %arg2[%get3A_75, %get3A_76] : memref<256x128xf32, #tpu.memory_space<vmem>>, vector<256x128xf32>
    %dot_general3A = arith.constant dense<0.000000e+00> : vector<512x128xf32>
    %dot_general3A_78 = tpu.matmul %add3A_74, %get3A_77, %dot_general3A {dimension_numbers = #tpu.dot_dimension_numbers<[1], [0], [0], [1], [0, 0, 1, 1], [], []>, transpose_lhs_hint = false} : vector<512x256xf32>, vector<256x128xf32>, vector<512x128xf32> -> vector<512x128xf32>
    %swap3A = arith.constant 0 : index
    %swap3A_79 = arith.constant 0 : index
    %swap3A_80 = vector.load %arg4[%swap3A, %swap3A_79] : memref<512x128xf32, #tpu.memory_space<vmem>>, vector<512x128xf32>
    tpu.vector_store %arg4[%swap3A, %swap3A_79], %dot_general3A_78 {strides = array<i32>} : memref<512x128xf32, #tpu.memory_space<vmem>>, vector<512x128xf32>,
    %broadcast_in_dim3A_81 = vector.shape_cast %dot_general3A_78 : vector<512x128xf32> to vector<512x1x128xf32>
    %get3A_82 = arith.constant 0 : index
    %get3A_83 = arith.constant 0 : index
    %get3A_84 = vector.load %arg3[%get3A_82, %get3A_83] : memref<16x128xf32, #tpu.memory_space<vmem>>, vector<16x128xf32>
    %broadcast_in_dim3A_85 = vector.shape_cast %get3A_84 : vector<16x128xf32> to vector<1x16x128xf32>
    %add3A_86 = vector.broadcast %broadcast_in_dim3A_81 : vector<512x1x128xf32> to vector<512x16x128xf32>
    %add3A_87 = vector.broadcast %broadcast_in_dim3A_85 : vector<1x16x128xf32> to vector<512x16x128xf32>
    %add3A_88 = arith.addf %add3A_86, %add3A_87 : vector<512x16x128xf32>
    %max3A_89 = arith.constant 0.000000e+00 : f32
    %max3A_90 = vector.broadcast %max3A_89 : f32 to vector<512x16x128xf32>
    %max3A_91 = arith.maximumf %add3A_88, %max3A_90 : vector<512x16x128xf32>
    %swap3A_92 = arith.constant 0 : index
    %swap3A_93 = arith.constant 0 : index
    %swap3A_94 = arith.constant 0 : index
    %swap3A_95 = vector.load %arg5[%swap3A_92, %swap3A_93, %swap3A_94] : memref<512x16x128xf32, #tpu.memory_space<vmem>>, vector<512x16x128xf32>
    tpu.vector_store %arg5[%swap3A_92, %swap3A_93, %swap3A_94], %max3A_91 {strides = array<i32>} : memref<512x16x128xf32, #tpu.memory_space<vmem>>, vector<512x16x128xf32>,
    return
  }
  func.func @transform_0(%arg0: i32) -> (i32, i32) {
    %c0_i32 = arith.constant 0 : i32
    %c0_i32_0 = arith.constant 0 : i32
    return %arg0, %c0_i32 : i32, i32
  }
  func.func @transform_1(%arg0: i32) -> (i32, i32) {
    %c0_i32 = arith.constant 0 : i32
    %c0_i32_0 = arith.constant 0 : i32
    %c0_i32_1 = arith.constant 0 : i32
    return %c0_i32, %c0_i32_0 : i32, i32
  }
  func.func @transform_2(%arg0: i32) -> (i32, i32) {
    %c0_i32 = arith.constant 0 : i32
    %c0_i32_0 = arith.constant 0 : i32
    %c0_i32_1 = arith.constant 0 : i32
    return %c0_i32, %c0_i32_0 : i32, i32
  }
  func.func @transform_3(%arg0: i32) -> (i32, i32) {
    %c0_i32 = arith.constant 0 : i32
    %c0_i32_0 = arith.constant 0 : i32
    return %arg0, %c0_i32 : i32, i32
  }
  func.func @transform_4(%arg0: i32) -> (i32, i32, i32) {
    %c0_i32 = arith.constant 0 : i32
    %c0_i32_0 = arith.constant 0 : i32
    %c0_i32_1 = arith.constant 0 : i32
    return %arg0, %c0_i32, %c0_i32_0 : i32, i32, i32
  }
}

module attributes {stable_mosaic.version = 14 : i64} {
  func.func @_mlp_body(%arg0: i32, %arg1: memref<512x128xf32, #tpu.memory_space<vmem>>, %arg2: memref<512x128xf32, #tpu.memory_space<vmem>>, %arg3: memref<512x128xf32, #tpu.memory_space<vmem>>, %arg4: memref<1x128xf32, #tpu.memory_space<vmem>>, %arg5: memref<128x128xf32, #tpu.memory_space<vmem>>, %arg6: memref<1x128xf32, #tpu.memory_space<vmem>>, %arg7: memref<128x128xf32, #tpu.memory_space<vmem>>, %arg8: memref<1x128xf32, #tpu.memory_space<vmem>>, %arg9: memref<1x128xf32, #tpu.memory_space<vmem>>, %arg10: memref<1x128xf32, #tpu.memory_space<vmem>>, %arg11: memref<16x128xf32, #tpu.memory_space<vmem>>, %arg12: memref<512x128xf32, #tpu.memory_space<vmem>>, %arg13: memref<512x16x128xf32, #tpu.memory_space<vmem>>) attributes {dimension_semantics = [#tpu.dimension_semantics<arbitrary>], iteration_bounds = array<i64: 20>, scalar_prefetch = 0 : i64, scratch_operands = 0 : i64, tpu.core_type = #tpu.core_type<tc>, window_params = [{transform_indices = @transform_0, window_bounds = array<i64: 512, 128>}, {transform_indices = @transform_1, window_bounds = array<i64: 512, 128>}, {transform_indices = @transform_2, window_bounds = array<i64: 512, 128>}, {pipeline_mode = #tpu.pipeline_mode<synchronous>, transform_indices = @transform_3, window_bounds = array<i64: 1, 128>}, {pipeline_mode = #tpu.pipeline_mode<synchronous>, transform_indices = @transform_4, window_bounds = array<i64: 128, 128>}, {pipeline_mode = #tpu.pipeline_mode<synchronous>, transform_indices = @transform_5, window_bounds = array<i64: 1, 128>}, {pipeline_mode = #tpu.pipeline_mode<synchronous>, transform_indices = @transform_6, window_bounds = array<i64: 128, 128>}, {pipeline_mode = #tpu.pipeline_mode<synchronous>, transform_indices = @transform_7, window_bounds = array<i64: 1, 128>}, {pipeline_mode = #tpu.pipeline_mode<synchronous>, transform_indices = @transform_8, window_bounds = array<i64: 1, 128>}, {pipeline_mode = #tpu.pipeline_mode<synchronous>, transform_indices = @transform_9, window_bounds = array<i64: 1, 128>}, {pipeline_mode = #tpu.pipeline_mode<synchronous>, transform_indices = @transform_10, window_bounds = array<i64: 16, 128>}, {transform_indices = @transform_11, window_bounds = array<i64: 512, 128>}, {transform_indices = @transform_12, window_bounds = array<i64: 512, 16, 128>}]} {
    %get3A = arith.constant 0 : index
    %get3A_0 = arith.constant 0 : index
    %get3A_1 = vector.load %arg1[%get3A, %get3A_0] : memref<512x128xf32, #tpu.memory_space<vmem>>, vector<512x128xf32>
    %get3A_2 = arith.constant 0 : index
    %get3A_3 = arith.constant 0 : index
    %get3A_4 = vector.load %arg4[%get3A_2, %get3A_3] : memref<1x128xf32, #tpu.memory_space<vmem>>, vector<1x128xf32>
    %mul3A = vector.broadcast %get3A_4 : vector<1x128xf32> to vector<512x128xf32>
    %mul3A_5 = arith.mulf %get3A_1, %mul3A : vector<512x128xf32>
    %get3A_6 = arith.constant 0 : index
    %get3A_7 = arith.constant 0 : index
    %get3A_8 = vector.load %arg2[%get3A_6, %get3A_7] : memref<512x128xf32, #tpu.memory_space<vmem>>, vector<512x128xf32>
    %add3A = arith.addf %mul3A_5, %get3A_8 : vector<512x128xf32>
    %get3A_9 = arith.constant 0 : index
    %get3A_10 = arith.constant 0 : index
    %get3A_11 = vector.load %arg3[%get3A_9, %get3A_10] : memref<512x128xf32, #tpu.memory_space<vmem>>, vector<512x128xf32>
    %add3A_12 = arith.addf %add3A, %get3A_11 : vector<512x128xf32>
    %get3A_13 = arith.constant 0 : index
    %get3A_14 = arith.constant 0 : index
    %get3A_15 = vector.load %arg5[%get3A_13, %get3A_14] : memref<128x128xf32, #tpu.memory_space<vmem>>, vector<128x128xf32>
    %dot_general3A = arith.constant dense<0.000000e+00> : vector<512x128xf32>
    %dot_general3A_16 = tpu.matmul %add3A_12, %get3A_15, %dot_general3A {dimension_numbers = #tpu.dot_dimension_numbers<[1], [0], [0], [1], [0, 0, 1, 1], [], []>, transpose_lhs_hint = false} : vector<512x128xf32>, vector<128x128xf32>, vector<512x128xf32> -> vector<512x128xf32>
    %get3A_17 = arith.constant 0 : index
    %get3A_18 = arith.constant 0 : index
    %get3A_19 = vector.load %arg6[%get3A_17, %get3A_18] : memref<1x128xf32, #tpu.memory_space<vmem>>, vector<1x128xf32>
    %add3A_20 = vector.broadcast %get3A_19 : vector<1x128xf32> to vector<512x128xf32>
    %add3A_21 = arith.addf %dot_general3A_16, %add3A_20 : vector<512x128xf32>
    %max3A = arith.constant 0.000000e+00 : f32
    %max3A_22 = vector.broadcast %max3A : f32 to vector<512x128xf32>
    %max3A_23 = arith.maximumf %add3A_21, %max3A_22 : vector<512x128xf32>
    %get3A_24 = arith.constant 0 : index
    %get3A_25 = arith.constant 0 : index
    %get3A_26 = vector.load %arg7[%get3A_24, %get3A_25] : memref<128x128xf32, #tpu.memory_space<vmem>>, vector<128x128xf32>
    %dot_general3A_27 = arith.constant dense<0.000000e+00> : vector<512x128xf32>
    %dot_general3A_28 = tpu.matmul %max3A_23, %get3A_26, %dot_general3A_27 {dimension_numbers = #tpu.dot_dimension_numbers<[1], [0], [0], [1], [0, 0, 1, 1], [], []>, transpose_lhs_hint = false} : vector<512x128xf32>, vector<128x128xf32>, vector<512x128xf32> -> vector<512x128xf32>
    %get3A_29 = arith.constant 0 : index
    %get3A_30 = arith.constant 0 : index
    %get3A_31 = vector.load %arg8[%get3A_29, %get3A_30] : memref<1x128xf32, #tpu.memory_space<vmem>>, vector<1x128xf32>
    %add3A_32 = vector.broadcast %get3A_31 : vector<1x128xf32> to vector<512x128xf32>
    %add3A_33 = arith.addf %dot_general3A_28, %add3A_32 : vector<512x128xf32>
    %max3A_34 = arith.constant 0.000000e+00 : f32
    %max3A_35 = vector.broadcast %max3A_34 : f32 to vector<512x128xf32>
    %max3A_36 = arith.maximumf %add3A_33, %max3A_35 : vector<512x128xf32>
    %get3A_37 = arith.constant 0 : index
    %get3A_38 = arith.constant 0 : index
    %get3A_39 = vector.load %arg9[%get3A_37, %get3A_38] : memref<1x128xf32, #tpu.memory_space<vmem>>, vector<1x128xf32>
    %mul3A_40 = vector.broadcast %get3A_39 : vector<1x128xf32> to vector<512x128xf32>
    %mul3A_41 = arith.mulf %max3A_36, %mul3A_40 : vector<512x128xf32>
    %get3A_42 = arith.constant 0 : index
    %get3A_43 = arith.constant 0 : index
    %get3A_44 = vector.load %arg10[%get3A_42, %get3A_43] : memref<1x128xf32, #tpu.memory_space<vmem>>, vector<1x128xf32>
    %add3A_45 = vector.broadcast %get3A_44 : vector<1x128xf32> to vector<512x128xf32>
    %add3A_46 = arith.addf %mul3A_41, %add3A_45 : vector<512x128xf32>
    %swap3A = arith.constant 0 : index
    %swap3A_47 = arith.constant 0 : index
    %swap3A_48 = vector.load %arg12[%swap3A, %swap3A_47] : memref<512x128xf32, #tpu.memory_space<vmem>>, vector<512x128xf32>
    tpu.vector_store %arg12[%swap3A, %swap3A_47], %add3A_46 {strides = array<i32>} : memref<512x128xf32, #tpu.memory_space<vmem>>, vector<512x128xf32>,
    %broadcast_in_dim3A = vector.shape_cast %add3A_46 : vector<512x128xf32> to vector<512x1x128xf32>
    %get3A_49 = arith.constant 0 : index
    %get3A_50 = arith.constant 0 : index
    %get3A_51 = vector.load %arg11[%get3A_49, %get3A_50] : memref<16x128xf32, #tpu.memory_space<vmem>>, vector<16x128xf32>
    %broadcast_in_dim3A_52 = vector.shape_cast %get3A_51 : vector<16x128xf32> to vector<1x16x128xf32>
    %add3A_53 = vector.broadcast %broadcast_in_dim3A : vector<512x1x128xf32> to vector<512x16x128xf32>
    %add3A_54 = vector.broadcast %broadcast_in_dim3A_52 : vector<1x16x128xf32> to vector<512x16x128xf32>
    %add3A_55 = arith.addf %add3A_53, %add3A_54 : vector<512x16x128xf32>
    %max3A_56 = arith.constant 0.000000e+00 : f32
    %max3A_57 = vector.broadcast %max3A_56 : f32 to vector<512x16x128xf32>
    %max3A_58 = arith.maximumf %add3A_55, %max3A_57 : vector<512x16x128xf32>
    %swap3A_59 = arith.constant 0 : index
    %swap3A_60 = arith.constant 0 : index
    %swap3A_61 = arith.constant 0 : index
    %swap3A_62 = vector.load %arg13[%swap3A_59, %swap3A_60, %swap3A_61] : memref<512x16x128xf32, #tpu.memory_space<vmem>>, vector<512x16x128xf32>
    tpu.vector_store %arg13[%swap3A_59, %swap3A_60, %swap3A_61], %max3A_58 {strides = array<i32>} : memref<512x16x128xf32, #tpu.memory_space<vmem>>, vector<512x16x128xf32>,
    return
  }
  func.func @transform_0(%arg0: i32) -> (i32, i32) {
    %c0_i32 = arith.constant 0 : i32
    %c0_i32_0 = arith.constant 0 : i32
    return %arg0, %c0_i32 : i32, i32
  }
  func.func @transform_1(%arg0: i32) -> (i32, i32) {
    %c0_i32 = arith.constant 0 : i32
    %c0_i32_0 = arith.constant 0 : i32
    return %arg0, %c0_i32 : i32, i32
  }
  func.func @transform_2(%arg0: i32) -> (i32, i32) {
    %c0_i32 = arith.constant 0 : i32
    %c0_i32_0 = arith.constant 0 : i32
    return %arg0, %c0_i32 : i32, i32
  }
  func.func @transform_3(%arg0: i32) -> (i32, i32) {
    %c0_i32 = arith.constant 0 : i32
    %c0_i32_0 = arith.constant 0 : i32
    %c0_i32_1 = arith.constant 0 : i32
    return %c0_i32, %c0_i32_0 : i32, i32
  }
  func.func @transform_4(%arg0: i32) -> (i32, i32) {
    %c0_i32 = arith.constant 0 : i32
    %c0_i32_0 = arith.constant 0 : i32
    %c0_i32_1 = arith.constant 0 : i32
    return %c0_i32, %c0_i32_0 : i32, i32
  }
  func.func @transform_5(%arg0: i32) -> (i32, i32) {
    %c0_i32 = arith.constant 0 : i32
    %c0_i32_0 = arith.constant 0 : i32
    %c0_i32_1 = arith.constant 0 : i32
    return %c0_i32, %c0_i32_0 : i32, i32
  }
  func.func @transform_6(%arg0: i32) -> (i32, i32) {
    %c0_i32 = arith.constant 0 : i32
    %c0_i32_0 = arith.constant 0 : i32
    %c0_i32_1 = arith.constant 0 : i32
    return %c0_i32, %c0_i32_0 : i32, i32
  }
  func.func @transform_7(%arg0: i32) -> (i32, i32) {
    %c0_i32 = arith.constant 0 : i32
    %c0_i32_0 = arith.constant 0 : i32
    %c0_i32_1 = arith.constant 0 : i32
    return %c0_i32, %c0_i32_0 : i32, i32
  }
  func.func @transform_8(%arg0: i32) -> (i32, i32) {
    %c0_i32 = arith.constant 0 : i32
    %c0_i32_0 = arith.constant 0 : i32
    %c0_i32_1 = arith.constant 0 : i32
    return %c0_i32, %c0_i32_0 : i32, i32
  }
  func.func @transform_9(%arg0: i32) -> (i32, i32) {
    %c0_i32 = arith.constant 0 : i32
    %c0_i32_0 = arith.constant 0 : i32
    %c0_i32_1 = arith.constant 0 : i32
    return %c0_i32, %c0_i32_0 : i32, i32
  }
  func.func @transform_10(%arg0: i32) -> (i32, i32) {
    %c0_i32 = arith.constant 0 : i32
    %c0_i32_0 = arith.constant 0 : i32
    %c0_i32_1 = arith.constant 0 : i32
    return %c0_i32, %c0_i32_0 : i32, i32
  }
  func.func @transform_11(%arg0: i32) -> (i32, i32) {
    %c0_i32 = arith.constant 0 : i32
    %c0_i32_0 = arith.constant 0 : i32
    return %arg0, %c0_i32 : i32, i32
  }
  func.func @transform_12(%arg0: i32) -> (i32, i32, i32) {
    %c0_i32 = arith.constant 0 : i32
    %c0_i32_0 = arith.constant 0 : i32
    %c0_i32_1 = arith.constant 0 : i32
    return %arg0, %c0_i32, %c0_i32_0 : i32, i32, i32
  }
}

module attributes {stable_mosaic.version = 14 : i64} {
  func.func @_final_body(%arg0: i32, %arg1: memref<512x128xf32, #tpu.memory_space<vmem>>, %arg2: memref<512x128xf32, #tpu.memory_space<vmem>>, %arg3: memref<512x128xf32, #tpu.memory_space<vmem>>, %arg4: memref<1x128xf32, #tpu.memory_space<vmem>>, %arg5: memref<128x128xf32, #tpu.memory_space<vmem>>, %arg6: memref<1x128xf32, #tpu.memory_space<vmem>>, %arg7: memref<128x128xf32, #tpu.memory_space<vmem>>, %arg8: memref<1x128xf32, #tpu.memory_space<vmem>>, %arg9: memref<1x128xf32, #tpu.memory_space<vmem>>, %arg10: memref<128x128xf32, #tpu.memory_space<vmem>>, %arg11: memref<1x128xf32, #tpu.memory_space<vmem>>, %arg12: memref<128x128xf32, #tpu.memory_space<vmem>>, %arg13: memref<1x128xf32, #tpu.memory_space<vmem>>, %arg14: memref<8x128xf32, #tpu.memory_space<vmem>>, %arg15: memref<1xf32, #tpu.memory_space<smem>>, %arg16: memref<1xf32, #tpu.memory_space<smem>>, %arg17: memref<1x128xf32, #tpu.memory_space<vmem>>) attributes {dimension_semantics = [#tpu.dimension_semantics<arbitrary>], iteration_bounds = array<i64: 20>, scalar_prefetch = 0 : i64, scratch_operands = 3 : i64, tpu.core_type = #tpu.core_type<tc>, window_params = [{transform_indices = @transform_0, window_bounds = array<i64: 512, 128>}, {transform_indices = @transform_1, window_bounds = array<i64: 512, 128>}, {transform_indices = @transform_2, window_bounds = array<i64: 512, 128>}, {pipeline_mode = #tpu.pipeline_mode<synchronous>, transform_indices = @transform_3, window_bounds = array<i64: 1, 128>}, {pipeline_mode = #tpu.pipeline_mode<synchronous>, transform_indices = @transform_4, window_bounds = array<i64: 128, 128>}, {pipeline_mode = #tpu.pipeline_mode<synchronous>, transform_indices = @transform_5, window_bounds = array<i64: 1, 128>}, {pipeline_mode = #tpu.pipeline_mode<synchronous>, transform_indices = @transform_6, window_bounds = array<i64: 128, 128>}, {pipeline_mode = #tpu.pipeline_mode<synchronous>, transform_indices = @transform_7, window_bounds = array<i64: 1, 128>}, {pipeline_mode = #tpu.pipeline_mode<synchronous>, transform_indices = @transform_8, window_bounds = array<i64: 1, 128>}, {pipeline_mode = #tpu.pipeline_mode<synchronous>, transform_indices = @transform_9, window_bounds = array<i64: 128, 128>}, {pipeline_mode = #tpu.pipeline_mode<synchronous>, transform_indices = @transform_10, window_bounds = array<i64: 1, 128>}, {pipeline_mode = #tpu.pipeline_mode<synchronous>, transform_indices = @transform_11, window_bounds = array<i64: 128, 128>}, {pipeline_mode = #tpu.pipeline_mode<synchronous>, transform_indices = @transform_12, window_bounds = array<i64: 1, 128>}, {pipeline_mode = #tpu.pipeline_mode<synchronous>, transform_indices = @transform_13, window_bounds = array<i64: 8, 128>}]} {
    %eq3A = arith.constant 0 : i32
    %eq3A_0 = arith.cmpi eq, %arg0, %eq3A : i32
    %convert_element_type3A = arith.extui %eq3A_0 : i1 to i32
    %cond3A = arith.constant 0 : i32
    %cond3A_1 = arith.cmpi ne, %convert_element_type3A, %cond3A : i32
    scf.if %cond3A_1 {
      %swap3A_101 = arith.constant -1.000000e+30 : f32
      %swap3A_102 = arith.constant 0 : index
      %swap3A_103 = memref.load %arg15[%swap3A_102] : memref<1xf32, #tpu.memory_space<smem>>
      memref.store %swap3A_101, %arg15[%swap3A_102] : memref<1xf32, #tpu.memory_space<smem>>
      %swap3A_104 = arith.constant 0.000000e+00 : f32
      %swap3A_105 = arith.constant 0 : index
      %swap3A_106 = memref.load %arg16[%swap3A_105] : memref<1xf32, #tpu.memory_space<smem>>
      memref.store %swap3A_104, %arg16[%swap3A_105] : memref<1xf32, #tpu.memory_space<smem>>
      %broadcast_in_dim3A_107 = arith.constant 0.000000e+00 : f32
      %broadcast_in_dim3A_108 = vector.broadcast %broadcast_in_dim3A_107 : f32 to vector<1x128xf32>
      %swap3A_109 = arith.constant 0 : index
      %swap3A_110 = arith.constant 0 : index
      %swap3A_111 = vector.load %arg17[%swap3A_109, %swap3A_110] : memref<1x128xf32, #tpu.memory_space<vmem>>, vector<1x128xf32>
      tpu.vector_store %arg17[%swap3A_109, %swap3A_110], %broadcast_in_dim3A_108 {strides = array<i32>} : memref<1x128xf32, #tpu.memory_space<vmem>>, vector<1x128xf32>,
    } else {
    }
    %get3A = arith.constant 0 : index
    %get3A_2 = arith.constant 0 : index
    %get3A_3 = vector.load %arg1[%get3A, %get3A_2] : memref<512x128xf32, #tpu.memory_space<vmem>>, vector<512x128xf32>
    %get3A_4 = arith.constant 0 : index
    %get3A_5 = arith.constant 0 : index
    %get3A_6 = vector.load %arg4[%get3A_4, %get3A_5] : memref<1x128xf32, #tpu.memory_space<vmem>>, vector<1x128xf32>
    %mul3A = vector.broadcast %get3A_6 : vector<1x128xf32> to vector<512x128xf32>
    %mul3A_7 = arith.mulf %get3A_3, %mul3A : vector<512x128xf32>
    %get3A_8 = arith.constant 0 : index
    %get3A_9 = arith.constant 0 : index
    %get3A_10 = vector.load %arg2[%get3A_8, %get3A_9] : memref<512x128xf32, #tpu.memory_space<vmem>>, vector<512x128xf32>
    %add3A = arith.addf %mul3A_7, %get3A_10 : vector<512x128xf32>
    %get3A_11 = arith.constant 0 : index
    %get3A_12 = arith.constant 0 : index
    %get3A_13 = vector.load %arg3[%get3A_11, %get3A_12] : memref<512x128xf32, #tpu.memory_space<vmem>>, vector<512x128xf32>
    %add3A_14 = arith.addf %add3A, %get3A_13 : vector<512x128xf32>
    %get3A_15 = arith.constant 0 : index
    %get3A_16 = arith.constant 0 : index
    %get3A_17 = vector.load %arg5[%get3A_15, %get3A_16] : memref<128x128xf32, #tpu.memory_space<vmem>>, vector<128x128xf32>
    %dot_general3A = arith.constant dense<0.000000e+00> : vector<512x128xf32>
    %dot_general3A_18 = tpu.matmul %add3A_14, %get3A_17, %dot_general3A {dimension_numbers = #tpu.dot_dimension_numbers<[1], [0], [0], [1], [0, 0, 1, 1], [], []>, transpose_lhs_hint = false} : vector<512x128xf32>, vector<128x128xf32>, vector<512x128xf32> -> vector<512x128xf32>
    %get3A_19 = arith.constant 0 : index
    %get3A_20 = arith.constant 0 : index
    %get3A_21 = vector.load %arg6[%get3A_19, %get3A_20] : memref<1x128xf32, #tpu.memory_space<vmem>>, vector<1x128xf32>
    %add3A_22 = vector.broadcast %get3A_21 : vector<1x128xf32> to vector<512x128xf32>
    %add3A_23 = arith.addf %dot_general3A_18, %add3A_22 : vector<512x128xf32>
    %max3A = arith.constant 0.000000e+00 : f32
    %max3A_24 = vector.broadcast %max3A : f32 to vector<512x128xf32>
    %max3A_25 = arith.maximumf %add3A_23, %max3A_24 : vector<512x128xf32>
    %get3A_26 = arith.constant 0 : index
    %get3A_27 = arith.constant 0 : index
    %get3A_28 = vector.load %arg7[%get3A_26, %get3A_27] : memref<128x128xf32, #tpu.memory_space<vmem>>, vector<128x128xf32>
    %dot_general3A_29 = arith.constant dense<0.000000e+00> : vector<512x128xf32>
    %dot_general3A_30 = tpu.matmul %max3A_25, %get3A_28, %dot_general3A_29 {dimension_numbers = #tpu.dot_dimension_numbers<[1], [0], [0], [1], [0, 0, 1, 1], [], []>, transpose_lhs_hint = false} : vector<512x128xf32>, vector<128x128xf32>, vector<512x128xf32> -> vector<512x128xf32>
    %get3A_31 = arith.constant 0 : index
    %get3A_32 = arith.constant 0 : index
    %get3A_33 = vector.load %arg8[%get3A_31, %get3A_32] : memref<1x128xf32, #tpu.memory_space<vmem>>, vector<1x128xf32>
    %add3A_34 = vector.broadcast %get3A_33 : vector<1x128xf32> to vector<512x128xf32>
    %add3A_35 = arith.addf %dot_general3A_30, %add3A_34 : vector<512x128xf32>
    %max3A_36 = arith.constant 0.000000e+00 : f32
    %max3A_37 = vector.broadcast %max3A_36 : f32 to vector<512x128xf32>
    %max3A_38 = arith.maximumf %add3A_35, %max3A_37 : vector<512x128xf32>
    %mul3A_39 = arith.constant 512 : i32
    %mul3A_40 = arith.muli %arg0, %mul3A_39 : i32
    %iota3A = tpu.iota {dimensions = array<i32: 0>} : vector<512x1xi32>
    %add3A_41 = vector.broadcast %mul3A_40 : i32 to vector<512x1xi32>
    %add3A_42 = arith.addi %add3A_41, %iota3A : vector<512x1xi32>
    %lt3A = arith.constant 10000 : i32
    %lt3A_43 = vector.broadcast %lt3A : i32 to vector<512x1xi32>
    %lt3A_44 = arith.cmpi slt, %add3A_42, %lt3A_43 : vector<512x1xi32>
    %jit3A = arith.constant 0.000000e+00 : f32
    %broadcast_in_dim3A = vector.shape_cast %lt3A_44 : vector<512x1xi1> to vector<512x1xi1>
    %broadcast_in_dim3A_45 = vector.broadcast %broadcast_in_dim3A : vector<512x1xi1> to vector<512x128xi1>
    %broadcast_in_dim3A_46 = vector.broadcast %jit3A : f32 to vector<512x128xf32>
    %select_n3A = arith.select %broadcast_in_dim3A_45, %max3A_38, %broadcast_in_dim3A_46 : vector<512x128xi1>, vector<512x128xf32>
    %get3A_47 = arith.constant 0 : index
    %get3A_48 = arith.constant 0 : index
    %get3A_49 = vector.load %arg9[%get3A_47, %get3A_48] : memref<1x128xf32, #tpu.memory_space<vmem>>, vector<1x128xf32>
    %mul3A_50 = vector.broadcast %get3A_49 : vector<1x128xf32> to vector<512x128xf32>
    %mul3A_51 = arith.mulf %select_n3A, %mul3A_50 : vector<512x128xf32>
    %reduce_sum3A = arith.constant dense<0.000000e+00> : vector<512xf32>
    %reduce_sum3A_52 = vector.multi_reduction <add>, %mul3A_51, %reduce_sum3A [1] : vector<512x128xf32> to vector<512xf32>
    %broadcast_in_dim3A_53 = vector.shape_cast %reduce_sum3A_52 : vector<512xf32> to vector<512x1xf32>
    %jit3A_54 = arith.constant -1.000000e+30 : f32
    %broadcast_in_dim3A_55 = vector.broadcast %jit3A_54 : f32 to vector<512x1xf32>
    %select_n3A_56 = arith.select %lt3A_44, %broadcast_in_dim3A_53, %broadcast_in_dim3A_55 : vector<512x1xi1>, vector<512x1xf32>
    %get3A_57 = arith.constant 0 : index
    %get3A_58 = memref.load %arg15[%get3A_57] : memref<1xf32, #tpu.memory_space<smem>>
    %reduce_max3A = vector.shape_cast %select_n3A_56 : vector<512x1xf32> to vector<1x512x1xf32>
    %reduce_max3A_59 = arith.constant dense<0xFF800000> : vector<1xf32>
    %reduce_max3A_60 = vector.multi_reduction <maximumf>, %reduce_max3A, %reduce_max3A_59 [1, 2] : vector<1x512x1xf32> to vector<1xf32>
    %reduce_max3A_61 = vector.shape_cast %reduce_max3A_60 : vector<1xf32> to vector<1x1x1xf32>
    %reduce_max3A_62 = vector.extract %reduce_max3A_61[0, 0, 0] : f32 from vector<1x1x1xf32>
    %max3A_63 = arith.maximumf %get3A_58, %reduce_max3A_62 : f32
    %sub3A = arith.subf %get3A_58, %max3A_63 : f32
    %exp3A = math.exp %sub3A : f32
    %sub3A_64 = vector.broadcast %max3A_63 : f32 to vector<512x1xf32>
    %sub3A_65 = arith.subf %select_n3A_56, %sub3A_64 : vector<512x1xf32>
    %exp3A_66 = math.exp %sub3A_65 : vector<512x1xf32>
    %jit3A_67 = arith.constant 0.000000e+00 : f32
    %broadcast_in_dim3A_68 = vector.broadcast %jit3A_67 : f32 to vector<512x1xf32>
    %select_n3A_69 = arith.select %lt3A_44, %exp3A_66, %broadcast_in_dim3A_68 : vector<512x1xi1>, vector<512x1xf32>
    %get3A_70 = arith.constant 0 : index
    %get3A_71 = memref.load %arg16[%get3A_70] : memref<1xf32, #tpu.memory_space<smem>>
    %mul3A_72 = arith.mulf %get3A_71, %exp3A : f32
    %reduce_sum3A_73 = vector.shape_cast %select_n3A_69 : vector<512x1xf32> to vector<1x512x1xf32>
    %reduce_sum3A_74 = arith.constant dense<0.000000e+00> : vector<1xf32>
    %reduce_sum3A_75 = vector.multi_reduction <add>, %reduce_sum3A_73, %reduce_sum3A_74 [1, 2] : vector<1x512x1xf32> to vector<1xf32>
    %reduce_sum3A_76 = vector.shape_cast %reduce_sum3A_75 : vector<1xf32> to vector<1x1x1xf32>
    %reduce_sum3A_77 = vector.extract %reduce_sum3A_76[0, 0, 0] : f32 from vector<1x1x1xf32>
    %add3A_78 = arith.addf %mul3A_72, %reduce_sum3A_77 : f32
    %swap3A = arith.constant 0 : index
    %swap3A_79 = memref.load %arg16[%swap3A] : memref<1xf32, #tpu.memory_space<smem>>
    memref.store %add3A_78, %arg16[%swap3A] : memref<1xf32, #tpu.memory_space<smem>>
    %get3A_80 = arith.constant 0 : index
    %get3A_81 = arith.constant 0 : index
    %get3A_82 = vector.load %arg17[%get3A_80, %get3A_81] : memref<1x128xf32, #tpu.memory_space<vmem>>, vector<1x128xf32>
    %mul3A_83 = vector.broadcast %exp3A : f32 to vector<1x128xf32>
    %mul3A_84 = arith.mulf %get3A_82, %mul3A_83 : vector<1x128xf32>
    %mul3A_85 = vector.broadcast %select_n3A_69 : vector<512x1xf32> to vector<512x128xf32>
    %mul3A_86 = arith.mulf %mul3A_85, %select_n3A : vector<512x128xf32>
    %reduce_sum3A_87 = arith.constant dense<0.000000e+00> : vector<128xf32>
    %reduce_sum3A_88 = vector.multi_reduction <add>, %mul3A_86, %reduce_sum3A_87 [0] : vector<512x128xf32> to vector<128xf32>
    %broadcast_in_dim3A_89 = vector.shape_cast %reduce_sum3A_88 : vector<128xf32> to vector<1x128xf32>
    %add3A_90 = arith.addf %mul3A_84, %broadcast_in_dim3A_89 : vector<1x128xf32>
    %swap3A_91 = arith.constant 0 : index
    %swap3A_92 = arith.constant 0 : index
    %swap3A_93 = vector.load %arg17[%swap3A_91, %swap3A_92] : memref<1x128xf32, #tpu.memory_space<vmem>>, vector<1x128xf32>
    tpu.vector_store %arg17[%swap3A_91, %swap3A_92], %add3A_90 {strides = array<i32>} : memref<1x128xf32, #tpu.memory_space<vmem>>, vector<1x128xf32>,
    %swap3A_94 = arith.constant 0 : index
    %swap3A_95 = memref.load %arg15[%swap3A_94] : memref<1xf32, #tpu.memory_space<smem>>
    memref.store %max3A_63, %arg15[%swap3A_94] : memref<1xf32, #tpu.memory_space<smem>>
    %eq3A_96 = arith.constant 19 : i32
    %eq3A_97 = arith.cmpi eq, %arg0, %eq3A_96 : i32
    %convert_element_type3A_98 = arith.extui %eq3A_97 : i1 to i32
    %cond3A_99 = arith.constant 0 : i32
    %cond3A_100 = arith.cmpi ne, %convert_element_type3A_98, %cond3A_99 : i32
    scf.if %cond3A_100 {
      %get3A_101 = arith.constant 0 : index
      %get3A_102 = arith.constant 0 : index
      %get3A_103 = vector.load %arg17[%get3A_101, %get3A_102] : memref<1x128xf32, #tpu.memory_space<vmem>>, vector<1x128xf32>
      %get3A_104 = arith.constant 0 : index
      %get3A_105 = memref.load %arg16[%get3A_104] : memref<1xf32, #tpu.memory_space<smem>>
      %div3A = vector.broadcast %get3A_105 : f32 to vector<1x128xf32>
      %div3A_106 = arith.divf %get3A_103, %div3A : vector<1x128xf32>
      %get3A_107 = arith.constant 0 : index
      %get3A_108 = arith.constant 0 : index
      %get3A_109 = vector.load %arg10[%get3A_107, %get3A_108] : memref<128x128xf32, #tpu.memory_space<vmem>>, vector<128x128xf32>
      %dot_general3A_110 = arith.constant dense<0.000000e+00> : vector<1x128xf32>
      %dot_general3A_111 = tpu.matmul %div3A_106, %get3A_109, %dot_general3A_110 {dimension_numbers = #tpu.dot_dimension_numbers<[1], [0], [0], [1], [0, 0, 1, 1], [], []>, transpose_lhs_hint = false} : vector<1x128xf32>, vector<128x128xf32>, vector<1x128xf32> -> vector<1x128xf32>
      %get3A_112 = arith.constant 0 : index
      %get3A_113 = arith.constant 0 : index
      %get3A_114 = vector.load %arg11[%get3A_112, %get3A_113] : memref<1x128xf32, #tpu.memory_space<vmem>>, vector<1x128xf32>
      %add3A_115 = arith.addf %dot_general3A_111, %get3A_114 : vector<1x128xf32>
      %max3A_116 = arith.constant 0.000000e+00 : f32
      %max3A_117 = vector.broadcast %max3A_116 : f32 to vector<1x128xf32>
      %max3A_118 = arith.maximumf %add3A_115, %max3A_117 : vector<1x128xf32>
      %get3A_119 = arith.constant 0 : index
      %get3A_120 = arith.constant 0 : index
      %get3A_121 = vector.load %arg12[%get3A_119, %get3A_120] : memref<128x128xf32, #tpu.memory_space<vmem>>, vector<128x128xf32>
      %dot_general3A_122 = arith.constant dense<0.000000e+00> : vector<1x128xf32>
      %dot_general3A_123 = tpu.matmul %max3A_118, %get3A_121, %dot_general3A_122 {dimension_numbers = #tpu.dot_dimension_numbers<[1], [0], [0], [1], [0, 0, 1, 1], [], []>, transpose_lhs_hint = false} : vector<1x128xf32>, vector<128x128xf32>, vector<1x128xf32> -> vector<1x128xf32>
      %get3A_124 = arith.constant 0 : index
      %get3A_125 = arith.constant 0 : index
      %get3A_126 = vector.load %arg13[%get3A_124, %get3A_125] : memref<1x128xf32, #tpu.memory_space<vmem>>, vector<1x128xf32>
      %add3A_127 = arith.addf %dot_general3A_123, %get3A_126 : vector<1x128xf32>
      %broadcast_in_dim3A_128 = vector.shape_cast %add3A_127 : vector<1x128xf32> to vector<1x128xf32>
      %broadcast_in_dim3A_129 = vector.broadcast %broadcast_in_dim3A_128 : vector<1x128xf32> to vector<8x128xf32>
      %swap3A_130 = arith.constant 0 : index
      %swap3A_131 = arith.constant 0 : index
      %swap3A_132 = vector.load %arg14[%swap3A_130, %swap3A_131] : memref<8x128xf32, #tpu.memory_space<vmem>>, vector<8x128xf32>
      tpu.vector_store %arg14[%swap3A_130, %swap3A_131], %broadcast_in_dim3A_129 {strides = array<i32>} : memref<8x128xf32, #tpu.memory_space<vmem>>, vector<8x128xf32>,
    } else {
    }
    return
  }
  func.func @transform_0(%arg0: i32) -> (i32, i32) {
    %c0_i32 = arith.constant 0 : i32
    %c0_i32_0 = arith.constant 0 : i32
    return %arg0, %c0_i32 : i32, i32
  }
  func.func @transform_1(%arg0: i32) -> (i32, i32) {
    %c0_i32 = arith.constant 0 : i32
    %c0_i32_0 = arith.constant 0 : i32
    return %arg0, %c0_i32 : i32, i32
  }
  func.func @transform_2(%arg0: i32) -> (i32, i32) {
    %c0_i32 = arith.constant 0 : i32
    %c0_i32_0 = arith.constant 0 : i32
    return %arg0, %c0_i32 : i32, i32
  }
  func.func @transform_3(%arg0: i32) -> (i32, i32) {
    %c0_i32 = arith.constant 0 : i32
    %c0_i32_0 = arith.constant 0 : i32
    %c0_i32_1 = arith.constant 0 : i32
    return %c0_i32, %c0_i32_0 : i32, i32
  }
  func.func @transform_4(%arg0: i32) -> (i32, i32) {
    %c0_i32 = arith.constant 0 : i32
    %c0_i32_0 = arith.constant 0 : i32
    %c0_i32_1 = arith.constant 0 : i32
    return %c0_i32, %c0_i32_0 : i32, i32
  }
  func.func @transform_5(%arg0: i32) -> (i32, i32) {
    %c0_i32 = arith.constant 0 : i32
    %c0_i32_0 = arith.constant 0 : i32
    %c0_i32_1 = arith.constant 0 : i32
    return %c0_i32, %c0_i32_0 : i32, i32
  }
  func.func @transform_6(%arg0: i32) -> (i32, i32) {
    %c0_i32 = arith.constant 0 : i32
    %c0_i32_0 = arith.constant 0 : i32
    %c0_i32_1 = arith.constant 0 : i32
    return %c0_i32, %c0_i32_0 : i32, i32
  }
  func.func @transform_7(%arg0: i32) -> (i32, i32) {
    %c0_i32 = arith.constant 0 : i32
    %c0_i32_0 = arith.constant 0 : i32
    %c0_i32_1 = arith.constant 0 : i32
    return %c0_i32, %c0_i32_0 : i32, i32
  }
  func.func @transform_8(%arg0: i32) -> (i32, i32) {
    %c0_i32 = arith.constant 0 : i32
    %c0_i32_0 = arith.constant 0 : i32
    %c0_i32_1 = arith.constant 0 : i32
    return %c0_i32, %c0_i32_0 : i32, i32
  }
  func.func @transform_9(%arg0: i32) -> (i32, i32) {
    %c0_i32 = arith.constant 0 : i32
    %c0_i32_0 = arith.constant 0 : i32
    %c0_i32_1 = arith.constant 0 : i32
    return %c0_i32, %c0_i32_0 : i32, i32
  }
  func.func @transform_10(%arg0: i32) -> (i32, i32) {
    %c0_i32 = arith.constant 0 : i32
    %c0_i32_0 = arith.constant 0 : i32
    %c0_i32_1 = arith.constant 0 : i32
    return %c0_i32, %c0_i32_0 : i32, i32
  }
  func.func @transform_11(%arg0: i32) -> (i32, i32) {
    %c0_i32 = arith.constant 0 : i32
    %c0_i32_0 = arith.constant 0 : i32
    %c0_i32_1 = arith.constant 0 : i32
    return %c0_i32, %c0_i32_0 : i32, i32
  }
  func.func @transform_12(%arg0: i32) -> (i32, i32) {
    %c0_i32 = arith.constant 0 : i32
    %c0_i32_0 = arith.constant 0 : i32
    %c0_i32_1 = arith.constant 0 : i32
    return %c0_i32, %c0_i32_0 : i32, i32
  }
  func.func @transform_13(%arg0: i32) -> (i32, i32) {
    %c0_i32 = arith.constant 0 : i32
    %c0_i32_0 = arith.constant 0 : i32
    %c0_i32_1 = arith.constant 0 : i32
    return %c0_i32, %c0_i32_0 : i32, i32
  }
}

</mosaic_0001>

<sc_bundles>
// kernel: kernel.11.cloned.1.call-start
scs
__scs_entry_jumppad:
0x0: {  	(pc) =	sbr.rel $0x88, $3  }
0x1: {  	(tag) =	ssettag $0x0;
	lr =	simm.s32 $0x1  }
0x2: {  	[smem:$0x3F76] =	sst lr;
	_ =	strace $0xD0000000  }
0x3: {  	_ = 	snop  }
0x4: {  	_ = 	snop  }
0x5: {  	_ = 	snop  }
0x6: {  	_ = 	snop  }
0x7: {  	_ = 	snop  }
__scs_overlays_trampoline_lowered:
0x8: {  	[smem:$0x3F85] =	sst s0  }
0x9: {  	[smem:$0x3F86] =	sst s1  }
0xa: {  	[smem:$0x3F87] =	sst s2  }
0xb: {  	[smem:$0x3F88] =	sst s3  }
0xc: {  	[smem:$0x3F89] =	sst s4  }
0xd: {  	[smem:$0x3F8A] =	sst s5  }
0xe: {  	[smem:$0x3F8B] =	sst s6  }
0xf: {  	[smem:$0x3F8C] =	sst s7  }
0x10: {  	[smem:$0x3F8D] =	sst s8  }
0x11: {  	[smem:$0x3F8E] =	sst s9;
	s0 =	simm.s32 @!p0 $0x0  }
0x12: {  	s1 =	sld [smem:$0x3F74];
	s0 =	simm.s32 @p0 $0x1  }
0x13: {  	[smem:$0x3F8F] =	sst s0;
	s0 =	simm.s32 @!p1 $0x0  }
0x14: {  	s2 =	sld [smem:$0x3F73];
	s0 =	simm.s32 @p1 $0x1  }
0x15: {  	[smem:$0x3F90] =	sst s0;
	s0 =	simm.s32 @!p2 $0x0  }
0x16: {  	s3 =	sld [smem:$0x3FDB];
	s0 =	simm.s32 @p2 $0x1  }
0x17: {  	s4 =	simm.s32 $0x1BF5;
	[smem:$0x3F92] =	sst s0  }
0x18: {  	s0 =	sld [smem:$0x3F75];
	_ =	swait.ge [sflag:s4], $0x0  }
0x19: {  	s7 =	sld [smem:$0x3F76]  }
0x1a: {  	s8 =	sadd.s32 $0xFFFFE003, lr  }
0x1b: {  	s9 =	sadd.s32 $0xFFFFFEF7, lr;
	s5 =	simm.s32 $0xFFFFFFFF;
	p2 =	slt.u32 s8, $0xFFFFF086  }
0x1c: {  	p1 =	slt.u32 s9, $0xF7A;
	s5 =	simm.s32 @!p2 $0x0  }
0x1d: {  	s5 =	simm.s32 @p1 $0x1;
	p0 =	seq.s32 s7, s2  }
0x1e: {  	s7 =	smul.u32 @!p0 $0xF7A, s2;
	p2 =	seq.s32 @!p0 s5, $0x0  }
0x1f: {  	s9 =	smul.u32 $0xF7A, s1;
	s8 =	simm.s32 @!p0 $0x1BF5;
	p2 =	por !p2, p0  }
0x20: {  	[sflag:s8] =	ssyncset.s32 @!p0 $0xFFFFF086;
	s6 =	sadd.s32 @!p0 s3, s7;
	s7 =	simm.s32 @!p0 $0x108  }
0x21: {  	s3 =	sadd.s32 s3, s9;
	s6 =	sadd.s32 @!p0 $0x88, s6;
	s7 =	simm.s32 @p2 $0x1082  }
0x22: {  	[simem:s7], [sflag:s8] =	dma.local @!p0 [hbm:s6], $0xF7A  }
0x23: {  	s9 =	sor.u32 $0xD0000000, s2;
	s6 =	simm.s32 $0x108;
	_ =	swait.ge @!p0 [sflag:s8], $0x0  }
0x24: {  	s3 =	sadd.s32 $0x88, s3;
	s6 =	simm.s32 @!p1 $0x1082;
	[sflag:s4] =	ssyncset.s32 $0xFFFFF086  }
0x25: {  	[simem:s6], [sflag:s4] =	dma.local [hbm:s3], $0xF7A  }
0x26: {  	[smem:$0x3F76] =	sst s1;
	(tag) =	ssettag s2;
	_ =	strace s9  }
0x27: {  	s1 =	sld [smem:$0x3F86]  }
0x28: {  	s2 =	sld [smem:$0x3F87]  }
0x29: {  	s4 =	sld [smem:$0x3F89]  }
0x2a: {  	p0 =	seq.s32 s5, $0x0;
	s5 =	sld [smem:$0x3F8A]  }
0x2b: {  	s6 =	sld [smem:$0x3F8B]  }
0x2c: {  	s7 =	sld [smem:$0x3F8C]  }
0x2d: {  	s3 =	simm.s32 $0x108;
	s8 =	sld [smem:$0x3F8D]  }
0x2e: {  	s3 =	simm.s32 @!p0 $0x1082;
	s9 =	sld [smem:$0x3F8E]  }
0x2f: {  	lr =	sadd.s32 s0, s3;
	s0 =	sld [smem:$0x3F85]  }
0x30: {  	s3 =	sld [smem:$0x3F88]  }
0x31: {  	[smem:$0x3F91] =	sst s10  }
0x32: {  	s10 =	sld [smem:$0x3F8F];
	_ =	sdelay $0x3  }
0x33: {  	p0 =	seq.s32 s10, $0x1;
	s10 =	sld [smem:$0x3F91];
	_ =	sdelay $0x3  }
0x34: {  	[smem:$0x3F91] =	sst s10  }
0x35: {  	s10 =	sld [smem:$0x3F90];
	_ =	sdelay $0x3  }
0x36: {  	p1 =	seq.s32 s10, $0x1;
	s10 =	sld [smem:$0x3F91];
	_ =	sdelay $0x3  }
0x37: {  	[smem:$0x3F91] =	sst s10  }
0x38: {  	s10 =	sld [smem:$0x3F92]  }
0x39: {  	_ = 	snop;
	(pc) =	sbr.ind lr, $3  }
0x3a: {  	_ = 	snop  }
0x3b: {  	_ = 	snop  }
0x3c: {  	p2 =	seq.s32 s10, $0x1;
	s10 =	sld [smem:$0x3F91]  }
0x3d: {  	_ =	shalt  }
0x3e: {  	_ =	shalt  }
0x3f: {  	_ =	shalt  }
0x40: {  	_ =	shalt  }
0x41: {  	_ =	shalt  }
0x42: {  	_ =	shalt  }
0x43: {  	_ =	shalt  }
0x44: {  	_ =	shalt  }
0x45: {  	_ =	shalt  }
0x46: {  	_ =	shalt  }
0x47: {  	_ =	shalt  }
0x48: {  	_ =	shalt  }
0x49: {  	_ =	shalt  }
0x4a: {  	_ =	shalt  }
0x4b: {  	_ =	shalt  }
0x4c: {  	_ =	shalt  }
0x4d: {  	_ =	shalt  }
0x4e: {  	_ =	shalt  }
0x4f: {  	_ =	shalt  }
0x50: {  	_ =	shalt  }
0x51: {  	_ =	shalt  }
0x52: {  	_ =	shalt  }
0x53: {  	_ =	shalt  }
0x54: {  	_ =	shalt  }
0x55: {  	_ =	shalt  }
0x56: {  	_ =	shalt  }
0x57: {  	_ =	shalt  }
0x58: {  	_ =	shalt  }
0x59: {  	_ =	shalt  }
0x5a: {  	_ =	shalt  }
0x5b: {  	_ =	shalt  }
0x5c: {  	_ =	shalt  }
0x5d: {  	_ =	shalt  }
0x5e: {  	_ =	shalt  }
0x5f: {  	_ =	shalt  }
0x60: {  	_ =	shalt  }
0x61: {  	_ =	shalt  }
0x62: {  	_ =	shalt  }
0x63: {  	_ =	shalt  }
0x64: {  	_ =	shalt  }
0x65: {  	_ =	shalt  }
0x66: {  	_ =	shalt  }
0x67: {  	_ =	shalt  }
0x68: {  	_ =	shalt  }
0x69: {  	_ =	shalt  }
0x6a: {  	_ =	shalt  }
0x6b: {  	_ =	shalt  }
0x6c: {  	_ =	shalt  }
0x6d: {  	_ =	shalt  }
0x6e: {  	_ =	shalt  }
0x6f: {  	_ =	shalt  }
0x70: {  	_ =	shalt  }
0x71: {  	_ =	shalt  }
0x72: {  	_ =	shalt  }
0x73: {  	_ =	shalt  }
0x74: {  	_ =	shalt  }
0x75: {  	_ =	shalt  }
0x76: {  	_ =	shalt  }
0x77: {  	_ =	shalt  }
0x78: {  	_ =	shalt  }
0x79: {  	_ =	shalt  }
0x7a: {  	_ =	shalt  }
0x7b: {  	_ =	shalt  }
0x7c: {  	_ =	shalt  }
0x7d: {  	_ =	shalt  }
0x7e: {  	_ =	shalt  }
0x7f: {  	_ =	shalt  }
0x80: {  	_ =	shalt  }
0x81: {  	_ =	shalt  }
0x82: {  	_ =	shalt  }
0x83: {  	_ =	shalt  }
0x84: {  	_ =	shalt  }
0x85: {  	_ =	shalt  }
0x86: {  	_ =	shalt  }
0x87: {  	_ =	shalt  }
.Lfunc_end0:
.L_simem_size_0:
called_computation_lowered:
.L_overlay_start_0:
0x88: {  	s2 =	sld [smem:$0x3FD9]  }
0x89: {  	s3 =	sld [smem:$0x3FFE];
	_ =	sdelay $0x1  }
0x8a: {  	s1 =	srdreg.scid  }
0x8b: {  	s0 =	sand.u32 $0x1, s1  }
0x8c: {  	s16 =	sshll.u32 s0, $0xA;
	s2 =	sadd.s32 s3, s2  }
0x8d: {  	s2 =	sadd.s32 s2, s16  }
0x8e: {  	[smem:$0x3F9D] =	sst s2  }
0x8f: {  	_ = 	snop  }
0x90: {  	(tm) =	ssettm $0x1  }
0x91: {  	s17 =	sld [smem:$0x3FFB];
	_ =	sdelay $0x3  }
0x92: {  	_ =	strace s17  }
0x93: {  	s2 =	sld [smem:$0x3FFC];
	_ =	sdelay $0x3  }
0x94: {  	_ =	strace s2  }
0x95: {  	s2 =	sld [smem:$0x3FFD];
	_ =	sdelay $0x3  }
0x96: {  	_ =	strace s2  }
0x97: {  	_ =	strace $0x8FFFFFFF  }
0x98: {  	s18 =	sld [smem:$0x3FDB];
	_ =	sdelay $0x1  }
0x99: {  	s19 =	simm.s32 $_scs_section_size  }
0x9a: {  	s4 =	simm.s32 $_size__tile_overlayer_lowered;
	s5 =	simm.s32 $_tile_overlayer_lowered  }
0x9b: {  	s22 =	simm.s32 $0x1BFF;
	s21 =	sshll.u32 s5, $0x1;
	s2 =	sadd.s32 s19, s18  }
0x9c: {  	s6 =	simm.s32 $0x0;
	s20 =	sshll.u32 s4, $0x1;
	s4 =	sadd.s32 s21, s2  }
0x9d: {  	[timem:s6], [sflag:s22] =	dma.local [hbm:s4], s20  }
0x9e: {  	_ =	swait.ge [sflag:s22], s20  }
0x9f: {  	s3 =	ssub.s32 $0x0, s20;
	[sflag:s22] =	ssyncset.done $0x0  }
0xa0: {  	[sflag:s22] =	ssyncadd.s32 s3;
	_ =	sdelay $0x1  }
0xa1: {  	s23 =	simm.s32 $0x1B8B  }
0xa2: {  	_ =	swait.ge [sflag:s23], $0x1  }
0xa3: {  	[sflag:s23] =	ssyncset.done $0x0  }
0xa4: {  	s25 =	simm.s32 $0x1B8E;
	s24 =	sld [smem:$0x3FFE];
	[sflag:s23] =	ssyncadd.s32 $0xFFFFFFFF  }
0xa5: {  	s26 =	simm.s32 $execute0_lowered;
	[smem:$0x3FD2] =	sst s25  }
0xa6: {  	s4 =	sshll.u32 s26, $0x1;
	_ =	strace $0x80000046;
	[dreg:$0x1] =	wrdreg $0xFFFFFFFF  }
0xa7: {  	s28 =	simm.s32 $_size_execute0_lowered;
	s2 =	sadd.s32 s2, s4;
	[dreg:$0x0] =	wrdreg $0x0  }
0xa8: {  	s4 =	sshll.u32 s28, $0x1;
	[dreg:$0x2] =	wrdreg s2  }
0xa9: {  	[dreg:$0x3] =	wrdreg s4  }
0xaa: {  	[dreg:$0x4] =	wrdreg $0xC0  }
0xab: {  	_ =	task [dreg:s6], $0x5FFFF  }
0xac: {  	[dreg:$0x1] =	wrdreg $0xFFFFFFFF  }
0xad: {  	[dreg:$0x0] =	wrdreg $0x60  }
0xae: {  	[dreg:$0x2] =	wrdreg s24  }
0xaf: {  	[dreg:$0x3] =	wrdreg $0x9  }
0xb0: {  	_ =	task.clear_ibuf [dreg:s6], $0x4FFFF;
	_ =	strace $0x90000046  }
0xb1: {  	s29 =	simm.s32 $0x9;
	_ =	strace $0x80000048  }
0xb2: {  	_ =	swait.ge [sflag:s29], $0x1  }
0xb3: {  	[sflag:s29] =	ssyncadd.s32 $0xFFFFFFFF  }
0xb4: {  	_ =	strace $0x90000048  }
0xb5: {  	_ =	sfence  }
0xb6: {  	s30 =	sld [smem:$0x0];
	_ =	sdelay $0x2  }
0xb7: {  	s31 =	sshll.u32 s1, $0xD;
	s1 =	sshrl.u32 s1, $0x2  }
0xb8: {  	s3 =	sand.u32 $0x4000, s31;
	s1 =	sadd.s32 s1, s30  }
0xb9: {  	s0 =	sor.u32 s3, s0;
	s1 =	sshll.u32 s1, $0x11  }
0xba: {  	s0 =	sor.u32 s1, s0  }
0xbb: {  	s0 =	sadd.s32 $0x8F2B, s0  }
0xbc: {  	[sflag:s0] =	ssyncadd.remote.s32 $0x1  }
0xbd: {  	_ =	sfence.sel $0xFFFF  }
0xbe: {  	[dreg:$0x0] =	wrdreg $0xFFFFFFFF;
	(pc) =	sbr.abs _section_cstart, $3  }
0xbf: {  	[dreg:$0x1] =	wrdreg $0xFFFFFFFF  }
0xc0: {  	_ =	task.clear_ibuf [dreg:s6], $0x2FFFF;
	_ =	strace $0x9FFFFFFF  }
0xc1: {  	(tm) =	ssettm $0x7FFFFFFF  }
tec
execute0_lowered:
.L_overlay_start_1:
0x0: {  	(tag) =	ssettag $0x1  }
0x1: {  	s5 =	rddreg [dreg:$0x0]  }
0x2: {  	s0 =	rddreg [dreg:$0x1];
	s1 =	simm.s32 $0x0;
	s2 =	srdreg.scid  }
0x3: {  	s9 =	simm.s32 $0xCA00;
	s10 =	simm.s32 $0x2;
	s11 =	simm.s32 $0x0  }
0x4: {  	[smem:$0x7FF] =	sst s1;
	s6 =	sand.u32 $0x1, s2;
	s3 =	sadd.s32 $0x7C00, s5  }
0x5: {  	s4 =	sadd.s32 $0x1B600, s5;
	s2 =	stileid.u32;
	s7 =	ssub.s32 $0x2, s6  }
0x6: {  	s5 =	sadd.s32 $0x4FD600, s5;
	s6 =	sshll.u32 s6, $0x4;
	s8 =	sshrl.u32 s7, $0x1  }
0x7: {  	v0 =	vlaneseq.u32;
	_ =	strace $0x80000047;
	s6 =	sor.u32 s2, s6;
	s7 =	ssub.s32 s7, s8  }
0x8: {  	v0 =	vmul.u32 $0x80, v0;
	s6 =	smul.u32 $0x2710, s6;
	s8 =	simm.s32 $0x1;
	s7 =	smax.u32 s7, $0x1  }
.LBB2_1:
0x9: {  	s12 =	simm.s32 $0x0  }
.LBB2_2:
0xa: {  	s13 =	smul.u32 $0x190, s12;
	_ =	sdelay $0x1  }
0xb: {  	s13 =	sadd.s32 s6, s13  }
0xc: {  	s14 =	sshll.u32 s13, $0x4  }
0xd: {  	s15 =	simm.s32 $0x0;
	s13 =	sshrl.u32 s13, $0x3;
	s14 =	sadd.s32 s4, s14  }
0xe: {  	[tilespmem:s15], [sflag:$0x1] =	stream.linear.gather [hbm4b:s14+s15], $0xC800, $0x38;
	[tilespmem:$0xCC00] =	vst v63  }
0xf: {  	s16 =	simm.s32 $0xC800;
	v1 =	vmov s15;
	s29 =	sadd.s32 s3, s13  }
0x10: {  	v1 =	vshll.u32 v1, $0x7;
	[tilespmem:s16], [sflag:$0x1] =	stream.linear.gather [hbm4b:s29+s15], $0x190, $0x38;
	[tilespmem:$0xCC00] =	vst v63  }
0x11: {  	v1 =	vor.u32 v0, v1;
	_ =	swait.ge [sflag:s8], $0xC800  }
0x12: {  	v2 =	vor.u32 $0x1, v1;
	[sflag:s8] =	ssyncset.done $0x0  }
0x13: {  	v3 =	vor.u32 $0x2, v1;
	[sflag:s8] =	ssyncadd.s32 $0xFFFF3800  }
0x14: {  	_ =	swait.ge [sflag:s8], $0x190  }
0x15: {  	[sflag:s8] =	ssyncset.done $0x0  }
0x16: {  	[sflag:s8] =	ssyncadd.s32 $0xFFFFFE70  }
0x17: {  	v2 =	vld.idx.msk [tilespmem:v2+s1+$0x0], $0xffff  }
0x18: {  	v3 =	vld.idx.msk [tilespmem:v3+s1+$0x0], $0xffff  }
0x19: {  	v1 =	vld.idx.msk [tilespmem:v1+s1+$0x0], $0xffff  }
0x1a: {  	s30 =	simm.s32 $0x10  }
0x1b: {  	v4 =	vmov s30;
	v5 =	vld [tilespmem:s16+$0x0]  }
0x1c: {  	v4 =	vshll.u32 v4, $0x7;
	v2 =	vmul.u32 $0x3, v2  }
0x1d: {  	v6 =	vor.u32 v0, v4;
	v3 =	vmul.u32 $0x7, v3  }
0x1e: {  	v4 =	vor.u32 $0x1, v6;
	v1 =	vadd.s32 v1, v2  }
0x1f: {  	v2 =	vor.u32 $0x2, v6;
	v1 =	vadd.s32 v3, v1  }
0x20: {  	v3 =	vshll.u32 v5, $0x4;
	v1 =	vand.u32 $0xF, v1  }
0x21: {  	s14 =	simm.s32 $0xCA00;
	v1 =	vor.u32 v3, v1  }
0x22: {  	[tilespmem:s14+$0x0] =	vst v1  }
0x23: {  	v4 =	vld.idx.msk [tilespmem:v4+s1+$0x0], $0xffff  }
0x24: {  	v2 =	vld.idx.msk [tilespmem:v2+s1+$0x0], $0xffff  }
0x25: {  	v1 =	vld.idx.msk [tilespmem:v6+s1+$0x0], $0xffff  }
0x26: {  	s31 =	simm.s32 $0x20;
	s15 =	simm.s32 $0xC810  }
0x27: {  	s16 =	simm.s32 $0x30;
	v5 =	vmov s31;
	v3 =	vld [tilespmem:s15+$0x0]  }
.LBB2_3:
0x28: {  	p0 =	sne.s32 s16, $0x180;
	v5 =	vshll.u32 v5, $0x7;
	v4 =	vmul.u32 $0x3, v4  }
0x29: {  	v2 =	vmul.u32 $0x7, v2;
	v5 =	vor.u32 v0, v5  }
0x2a: {  	v6 =	vor.u32 $0x1, v5;
	v1 =	vadd.s32 v1, v4  }
0x2b: {  	v7 =	vor.u32 $0x2, v5;
	v1 =	vadd.s32 v2, v1  }
0x2c: {  	v1 =	vand.u32 $0xF, v1;
	v2 =	vshll.u32 v3, $0x4  }
0x2d: {  	s14 =	sadd.s32 $0x10, s14;
	v1 =	vor.u32 v2, v1  }
0x2e: {  	[tilespmem:s14+$0x0] =	vst v1  }
0x2f: {  	v4 =	vld.idx.msk [tilespmem:v6+s1+$0x0], $0xffff  }
.Ltmp0:
0x30: {  	v2 =	vld.idx.msk [tilespmem:v7+s1+$0x0], $0xffff;
	(pc) =	sbr.rel @p0 .LBB2_3-.Ltmp0, $3  }
0x31: {  	v1 =	vld.idx.msk [tilespmem:v5+s1+$0x0], $0xffff;
	_ =	sdelay $0x1  }
0x32: {  	s15 =	sadd.s32 $0x10, s15  }
0x33: {  	v5 =	vmov s16;
	s16 =	sadd.s32 $0x10, s16;
	v3 =	vld [tilespmem:s15+$0x0]  }
0x34: {  	v5 =	vshll.u32 v5, $0x7;
	v4 =	vmul.u32 $0x3, v4  }
0x35: {  	v2 =	vmul.u32 $0x7, v2;
	v5 =	vor.u32 v0, v5  }
0x36: {  	v6 =	vor.u32 $0x1, v5;
	v1 =	vadd.s32 v1, v4  }
0x37: {  	v62 =	vor.u32 $0x2, v5;
	v1 =	vadd.s32 v2, v1  }
0x38: {  	v1 =	vand.u32 $0xF, v1;
	v2 =	vshll.u32 v3, $0x4  }
0x39: {  	s14 =	sadd.s32 $0x10, s14;
	v1 =	vor.u32 v2, v1  }
0x3a: {  	[tilespmem:s14+$0x0] =	vst v1  }
0x3b: {  	v1 =	vld.idx.msk [tilespmem:v6+s1+$0x0], $0xffff  }
0x3c: {  	v2 =	vld.idx.msk [tilespmem:v62+s1+$0x0], $0xffff  }
0x3d: {  	v3 =	vld.idx.msk [tilespmem:v5+s1+$0x0], $0xffff  }
0x3e: {  	s15 =	sadd.s32 $0x10, s15  }
0x3f: {  	v63 =	vld [tilespmem:s15+$0x0]  }
0x40: {  	v1 =	vmul.u32 $0x3, v1  }
0x41: {  	v2 =	vmul.u32 $0x7, v2  }
0x42: {  	v1 =	vadd.s32 v3, v1  }
0x43: {  	v1 =	vadd.s32 v2, v1  }
0x44: {  	s12 =	sadd.s32 $0x1, s12;
	v2 =	vshll.u32 v63, $0x4;
	v1 =	vand.u32 $0xF, v1  }
0x45: {  	p0 =	sne.s32 s12, $0x19;
	s14 =	sadd.s32 $0x10, s14;
	v1 =	vor.u32 v2, v1  }
.Ltmp1:
0x46: {  	s13 =	sadd.s32 s5, s13;
	[tilespmem:s14+$0x0] =	vst v1;
	(pc) =	sbr.rel @p0 .LBB2_2-.Ltmp1, $4  }
0x47: {  	[hbm4b:s13+s1] =	stream.linear.scatter [tilespmem:s9], [sflag:$0x2], $0x190, $0x38;
	[tilespmem:$0xCC00] =	vst v63  }
0x48: {  	_ =	swait.ge [sflag:s10], $0x190  }
0x49: {  	[sflag:s10] =	ssyncset.done $0x0  }
0x4a: {  	[sflag:s10] =	ssyncadd.s32 $0xFFFFFE70  }
0x4b: {  	s11 =	sadd.s32 $0x1, s11  }
0x4c: {  	p0 =	sne.s32 s11, s7  }
.Ltmp2:
0x4d: {  	_ = 	snop;
	(pc) =	sbr.rel @p0 .LBB2_1-.Ltmp2, $1  }
0x4e: {  	_ =	sdelay $0x3  }
0x4f: {  	_ =	sfence.sel $0x180000  }
0x50: {  	[bflag:$0x0] =	sbarrier.arrive $0xFFFF  }
0x51: {  	p0 =	sne.s32 s2, $0x0;
	_ =	strace $0x90000047  }
0x52: {  	s0 =	sadd.s32 @!p0 $0x100000, s0;
	[bflag:$0x2] =	sbarrier.arrive $0xFFFF  }
0x53: {  	[sflag:s0] =	ssyncadd.tile.s32 @!p0 $0x1;
	_ =	shalt  }
.Lfunc_end2:
_tile_overlayer_lowered:
.L_overlay_start_2:
0x54: {  	(tag) =	ssettag $0x2  }
0x55: {  	s0 =	rddreg [dreg:$0x0];
	s2 =	stileid.u32  }
0x56: {  	s1 =	rddreg [dreg:$0x1];
	p0 =	sne.s32 s2, $0x0  }
0x57: {  	s3 =	rddreg [dreg:$0x2];
	[bflag:$0x3] =	sbarrier.arrive $0xFFFF;
	s2 =	simm.s32 @!p0 $0x1C02  }
0x58: {  	[timem:s3], [sflag:s2] =	dma.local @!p0 [hbm:s0], s1  }
0x59: {  	s0 =	simm.s32 @!p0 $0x2  }
0x5a: {  	_ =	swait.ge @!p0 [sflag:s0], s1  }
0x5b: {  	s1 =	ssub.s32 @!p0 $0x0, s1;
	[sflag:s0] =	ssyncset.done @!p0 $0x0  }
0x5c: {  	[sflag:s0] =	ssyncadd.s32 @!p0 s1  }
0x5d: {  	[bflag:$0x3] =	sbarrier.arrive $0xFFFF  }
0x5e: {  	_ =	shalt  }

// kernel: kernel.14.cloned.1.call-start
scs
__scs_entry_jumppad:
0x0: {  	(pc) =	sbr.rel $0x88, $3  }
0x1: {  	(tag) =	ssettag $0x0;
	lr =	simm.s32 $0x1  }
0x2: {  	[smem:$0x3F76] =	sst lr;
	_ =	strace $0xD0000000  }
0x3: {  	_ = 	snop  }
0x4: {  	_ = 	snop  }
0x5: {  	_ = 	snop  }
0x6: {  	_ = 	snop  }
0x7: {  	_ = 	snop  }
__scs_overlays_trampoline_lowered:
0x8: {  	[smem:$0x3F85] =	sst s0  }
0x9: {  	[smem:$0x3F86] =	sst s1  }
0xa: {  	[smem:$0x3F87] =	sst s2  }
0xb: {  	[smem:$0x3F88] =	sst s3  }
0xc: {  	[smem:$0x3F89] =	sst s4  }
0xd: {  	[smem:$0x3F8A] =	sst s5  }
0xe: {  	[smem:$0x3F8B] =	sst s6  }
0xf: {  	[smem:$0x3F8C] =	sst s7  }
0x10: {  	[smem:$0x3F8D] =	sst s8  }
0x11: {  	[smem:$0x3F8E] =	sst s9;
	s0 =	simm.s32 @!p0 $0x0  }
0x12: {  	s1 =	sld [smem:$0x3F74];
	s0 =	simm.s32 @p0 $0x1  }
0x13: {  	[smem:$0x3F8F] =	sst s0;
	s0 =	simm.s32 @!p1 $0x0  }
0x14: {  	s2 =	sld [smem:$0x3F73];
	s0 =	simm.s32 @p1 $0x1  }
0x15: {  	[smem:$0x3F90] =	sst s0;
	s0 =	simm.s32 @!p2 $0x0  }
0x16: {  	s3 =	sld [smem:$0x3FDB];
	s0 =	simm.s32 @p2 $0x1  }
0x17: {  	s4 =	simm.s32 $0x1BF5;
	[smem:$0x3F92] =	sst s0  }
0x18: {  	s0 =	sld [smem:$0x3F75];
	_ =	swait.ge [sflag:s4], $0x0  }
0x19: {  	s7 =	sld [smem:$0x3F76]  }
0x1a: {  	s8 =	sadd.s32 $0xFFFFE003, lr  }
0x1b: {  	s9 =	sadd.s32 $0xFFFFFEF7, lr;
	s5 =	simm.s32 $0xFFFFFFFF;
	p2 =	slt.u32 s8, $0xFFFFF086  }
0x1c: {  	p1 =	slt.u32 s9, $0xF7A;
	s5 =	simm.s32 @!p2 $0x0  }
0x1d: {  	s5 =	simm.s32 @p1 $0x1;
	p0 =	seq.s32 s7, s2  }
0x1e: {  	s7 =	smul.u32 @!p0 $0xF7A, s2;
	p2 =	seq.s32 @!p0 s5, $0x0  }
0x1f: {  	s9 =	smul.u32 $0xF7A, s1;
	s8 =	simm.s32 @!p0 $0x1BF5;
	p2 =	por !p2, p0  }
0x20: {  	[sflag:s8] =	ssyncset.s32 @!p0 $0xFFFFF086;
	s6 =	sadd.s32 @!p0 s3, s7;
	s7 =	simm.s32 @!p0 $0x108  }
0x21: {  	s3 =	sadd.s32 s3, s9;
	s6 =	sadd.s32 @!p0 $0x88, s6;
	s7 =	simm.s32 @p2 $0x1082  }
0x22: {  	[simem:s7], [sflag:s8] =	dma.local @!p0 [hbm:s6], $0xF7A  }
0x23: {  	s9 =	sor.u32 $0xD0000000, s2;
	s6 =	simm.s32 $0x108;
	_ =	swait.ge @!p0 [sflag:s8], $0x0  }
0x24: {  	s3 =	sadd.s32 $0x88, s3;
	s6 =	simm.s32 @!p1 $0x1082;
	[sflag:s4] =	ssyncset.s32 $0xFFFFF086  }
0x25: {  	[simem:s6], [sflag:s4] =	dma.local [hbm:s3], $0xF7A  }
0x26: {  	[smem:$0x3F76] =	sst s1;
	(tag) =	ssettag s2;
	_ =	strace s9  }
0x27: {  	s1 =	sld [smem:$0x3F86]  }
0x28: {  	s2 =	sld [smem:$0x3F87]  }
0x29: {  	s4 =	sld [smem:$0x3F89]  }
0x2a: {  	p0 =	seq.s32 s5, $0x0;
	s5 =	sld [smem:$0x3F8A]  }
0x2b: {  	s6 =	sld [smem:$0x3F8B]  }
0x2c: {  	s7 =	sld [smem:$0x3F8C]  }
0x2d: {  	s3 =	simm.s32 $0x108;
	s8 =	sld [smem:$0x3F8D]  }
0x2e: {  	s3 =	simm.s32 @!p0 $0x1082;
	s9 =	sld [smem:$0x3F8E]  }
0x2f: {  	lr =	sadd.s32 s0, s3;
	s0 =	sld [smem:$0x3F85]  }
0x30: {  	s3 =	sld [smem:$0x3F88]  }
0x31: {  	[smem:$0x3F91] =	sst s10  }
0x32: {  	s10 =	sld [smem:$0x3F8F];
	_ =	sdelay $0x3  }
0x33: {  	p0 =	seq.s32 s10, $0x1;
	s10 =	sld [smem:$0x3F91];
	_ =	sdelay $0x3  }
0x34: {  	[smem:$0x3F91] =	sst s10  }
0x35: {  	s10 =	sld [smem:$0x3F90];
	_ =	sdelay $0x3  }
0x36: {  	p1 =	seq.s32 s10, $0x1;
	s10 =	sld [smem:$0x3F91];
	_ =	sdelay $0x3  }
0x37: {  	[smem:$0x3F91] =	sst s10  }
0x38: {  	s10 =	sld [smem:$0x3F92]  }
0x39: {  	_ = 	snop;
	(pc) =	sbr.ind lr, $3  }
0x3a: {  	_ = 	snop  }
0x3b: {  	_ = 	snop  }
0x3c: {  	p2 =	seq.s32 s10, $0x1;
	s10 =	sld [smem:$0x3F91]  }
0x3d: {  	_ =	shalt  }
0x3e: {  	_ =	shalt  }
0x3f: {  	_ =	shalt  }
0x40: {  	_ =	shalt  }
0x41: {  	_ =	shalt  }
0x42: {  	_ =	shalt  }
0x43: {  	_ =	shalt  }
0x44: {  	_ =	shalt  }
0x45: {  	_ =	shalt  }
0x46: {  	_ =	shalt  }
0x47: {  	_ =	shalt  }
0x48: {  	_ =	shalt  }
0x49: {  	_ =	shalt  }
0x4a: {  	_ =	shalt  }
0x4b: {  	_ =	shalt  }
0x4c: {  	_ =	shalt  }
0x4d: {  	_ =	shalt  }
0x4e: {  	_ =	shalt  }
0x4f: {  	_ =	shalt  }
0x50: {  	_ =	shalt  }
0x51: {  	_ =	shalt  }
0x52: {  	_ =	shalt  }
0x53: {  	_ =	shalt  }
0x54: {  	_ =	shalt  }
0x55: {  	_ =	shalt  }
0x56: {  	_ =	shalt  }
0x57: {  	_ =	shalt  }
0x58: {  	_ =	shalt  }
0x59: {  	_ =	shalt  }
0x5a: {  	_ =	shalt  }
0x5b: {  	_ =	shalt  }
0x5c: {  	_ =	shalt  }
0x5d: {  	_ =	shalt  }
0x5e: {  	_ =	shalt  }
0x5f: {  	_ =	shalt  }
0x60: {  	_ =	shalt  }
0x61: {  	_ =	shalt  }
0x62: {  	_ =	shalt  }
0x63: {  	_ =	shalt  }
0x64: {  	_ =	shalt  }
0x65: {  	_ =	shalt  }
0x66: {  	_ =	shalt  }
0x67: {  	_ =	shalt  }
0x68: {  	_ =	shalt  }
0x69: {  	_ =	shalt  }
0x6a: {  	_ =	shalt  }
0x6b: {  	_ =	shalt  }
0x6c: {  	_ =	shalt  }
0x6d: {  	_ =	shalt  }
0x6e: {  	_ =	shalt  }
0x6f: {  	_ =	shalt  }
0x70: {  	_ =	shalt  }
0x71: {  	_ =	shalt  }
0x72: {  	_ =	shalt  }
0x73: {  	_ =	shalt  }
0x74: {  	_ =	shalt  }
0x75: {  	_ =	shalt  }
0x76: {  	_ =	shalt  }
0x77: {  	_ =	shalt  }
0x78: {  	_ =	shalt  }
0x79: {  	_ =	shalt  }
0x7a: {  	_ =	shalt  }
0x7b: {  	_ =	shalt  }
0x7c: {  	_ =	shalt  }
0x7d: {  	_ =	shalt  }
0x7e: {  	_ =	shalt  }
0x7f: {  	_ =	shalt  }
0x80: {  	_ =	shalt  }
0x81: {  	_ =	shalt  }
0x82: {  	_ =	shalt  }
0x83: {  	_ =	shalt  }
0x84: {  	_ =	shalt  }
0x85: {  	_ =	shalt  }
0x86: {  	_ =	shalt  }
0x87: {  	_ =	shalt  }
.Lfunc_end0:
.L_simem_size_0:
called_computation.1_lowered:
.L_overlay_start_0:
0x88: {  	s2 =	sld [smem:$0x3FD9]  }
0x89: {  	s3 =	sld [smem:$0x3FFE];
	_ =	sdelay $0x1  }
0x8a: {  	s1 =	srdreg.scid  }
0x8b: {  	s0 =	sand.u32 $0x1, s1  }
0x8c: {  	s16 =	sshll.u32 s0, $0xA;
	s2 =	sadd.s32 s3, s2  }
0x8d: {  	s2 =	sadd.s32 s2, s16  }
0x8e: {  	[smem:$0x3F9D] =	sst s2  }
0x8f: {  	_ = 	snop  }
0x90: {  	(tm) =	ssettm $0x1  }
0x91: {  	s17 =	sld [smem:$0x3FFB];
	_ =	sdelay $0x3  }
0x92: {  	_ =	strace s17  }
0x93: {  	s2 =	sld [smem:$0x3FFC];
	_ =	sdelay $0x3  }
0x94: {  	_ =	strace s2  }
0x95: {  	s2 =	sld [smem:$0x3FFD];
	_ =	sdelay $0x3  }
0x96: {  	_ =	strace s2  }
0x97: {  	_ =	strace $0x8FFFFFFF  }
0x98: {  	s18 =	sld [smem:$0x3FDB];
	_ =	sdelay $0x1  }
0x99: {  	s19 =	simm.s32 $_scs_section_size  }
0x9a: {  	s4 =	simm.s32 $_size__tile_overlayer_lowered;
	s5 =	simm.s32 $_tile_overlayer_lowered  }
0x9b: {  	s22 =	simm.s32 $0x1BFF;
	s21 =	sshll.u32 s5, $0x1;
	s2 =	sadd.s32 s19, s18  }
0x9c: {  	s6 =	simm.s32 $0x0;
	s20 =	sshll.u32 s4, $0x1;
	s4 =	sadd.s32 s21, s2  }
0x9d: {  	[timem:s6], [sflag:s22] =	dma.local [hbm:s4], s20  }
0x9e: {  	_ =	swait.ge [sflag:s22], s20  }
0x9f: {  	s3 =	ssub.s32 $0x0, s20;
	[sflag:s22] =	ssyncset.done $0x0  }
0xa0: {  	[sflag:s22] =	ssyncadd.s32 s3;
	_ =	sdelay $0x1  }
0xa1: {  	s23 =	simm.s32 $0x1B8B  }
0xa2: {  	_ =	swait.ge [sflag:s23], $0x1  }
0xa3: {  	[sflag:s23] =	ssyncset.done $0x0  }
0xa4: {  	s25 =	simm.s32 $0x1B8E;
	s24 =	sld [smem:$0x3FFE];
	[sflag:s23] =	ssyncadd.s32 $0xFFFFFFFF  }
0xa5: {  	s26 =	simm.s32 $execute0_lowered;
	[smem:$0x3FD2] =	sst s25  }
0xa6: {  	s4 =	sshll.u32 s26, $0x1;
	_ =	strace $0x80000049;
	[dreg:$0x1] =	wrdreg $0xFFFFFFFF  }
0xa7: {  	s28 =	simm.s32 $_size_execute0_lowered;
	s2 =	sadd.s32 s2, s4;
	[dreg:$0x0] =	wrdreg $0x0  }
0xa8: {  	s4 =	sshll.u32 s28, $0x1;
	[dreg:$0x2] =	wrdreg s2  }
0xa9: {  	[dreg:$0x3] =	wrdreg s4  }
0xaa: {  	[dreg:$0x4] =	wrdreg $0xC0  }
0xab: {  	_ =	task [dreg:s6], $0x5FFFF  }
0xac: {  	[dreg:$0x1] =	wrdreg $0xFFFFFFFF  }
0xad: {  	[dreg:$0x0] =	wrdreg $0x60  }
0xae: {  	[dreg:$0x2] =	wrdreg s24  }
0xaf: {  	[dreg:$0x3] =	wrdreg $0xA4000  }
0xb0: {  	[dreg:$0x4] =	wrdreg $0x9  }
0xb1: {  	_ =	task.clear_ibuf [dreg:s6], $0x5FFFF;
	_ =	strace $0x90000049  }
0xb2: {  	s29 =	simm.s32 $0x9;
	_ =	strace $0x8000004B  }
0xb3: {  	_ =	swait.ge [sflag:s29], $0x1  }
0xb4: {  	[sflag:s29] =	ssyncadd.s32 $0xFFFFFFFF  }
0xb5: {  	_ =	strace $0x9000004B  }
0xb6: {  	_ =	sfence  }
0xb7: {  	s30 =	sld [smem:$0x0];
	_ =	sdelay $0x2  }
0xb8: {  	s31 =	sshll.u32 s1, $0xD;
	s1 =	sshrl.u32 s1, $0x2  }
0xb9: {  	s3 =	sand.u32 $0x4000, s31;
	s1 =	sadd.s32 s1, s30  }
0xba: {  	s0 =	sor.u32 s3, s0;
	s1 =	sshll.u32 s1, $0x11  }
0xbb: {  	s0 =	sor.u32 s1, s0  }
0xbc: {  	s0 =	sadd.s32 $0x8F2B, s0  }
0xbd: {  	[sflag:s0] =	ssyncadd.remote.s32 $0x1  }
0xbe: {  	_ =	sfence.sel $0xFFFF  }
0xbf: {  	[dreg:$0x0] =	wrdreg $0xFFFFFFFF;
	(pc) =	sbr.abs _section_cstart, $3  }
0xc0: {  	[dreg:$0x1] =	wrdreg $0xFFFFFFFF  }
0xc1: {  	_ =	task.clear_ibuf [dreg:s6], $0x2FFFF;
	_ =	strace $0x9FFFFFFF  }
0xc2: {  	(tm) =	ssettm $0x7FFFFFFF  }
0xc3: {  	_ =	shalt  }
tec
execute0_lowered:
.L_overlay_start_1:
0x0: {  	(tag) =	ssettag $0x1  }
0x1: {  	s6 =	rddreg [dreg:$0x0]  }
0x2: {  	s1 =	rddreg [dreg:$0x1];
	s2 =	simm.s32 $0x0  }
0x3: {  	s0 =	srdreg.scid;
	s17 =	stileid.u32;
	s28 =	simm.s32 $0x50  }
0x4: {  	s29 =	simm.s32 $0x2C00;
	s30 =	simm.s32 $0x5400;
	s31 =	simm.s32 $0x7C00  }
0x5: {  	[smem:$0x7FF] =	sst s2;
	s0 =	sand.u32 $0x1, s0;
	s4 =	sadd.s32 $0x507600, s6  }
0x6: {  	s7 =	sadd.s32 $0x4FD600, s6;
	s15 =	sadd.s32 $0x1B600, s6;
	s18 =	smul.u32 $0x50000, s17  }
0x7: {  	s16 =	sadd.s32 $0x43600, s6;
	s11 =	smul.u32 $0x280, s17;
	_ =	strace $0x8000004A  }
0x8: {  	s3 =	sshll.u32 s0, $0x4;
	[dreg:$0xa] =	wrdreg s15;
	s13 =	smul.u32 $0x27100, s0  }
0x9: {  	s8 =	ssub.s32 $0x2, s0;
	[dreg:$0xb] =	wrdreg s16;
	s15 =	smul.u32 $0x2710, s17  }
0xa: {  	p0 =	sne.s32 s0, $0x0;
	s5 =	sor.u32 s17, s3;
	s3 =	sadd.s32 $0x7C00, s6  }
0xb: {  	s10 =	sshrl.u32 s8, $0x1;
	s21 =	sshrl.u32 s18, $0x2;
	s23 =	sor.u32 $0x50, s11  }
0xc: {  	s25 =	sadd.s32 $0xA0, s11;
	s9 =	smul.u32 $0x2710, s5;
	s8 =	ssub.s32 s8, s10  }
0xd: {  	s5 =	sadd.s32 s21, s1;
	s24 =	sshll.u32 s23, $0x7;
	s14 =	sshll.u32 s25, $0x7  }
0xe: {  	s26 =	sshll.u32 s23, $0x4;
	s10 =	sadd.s32 $0xF0, s11;
	s13 =	sadd.s32 s15, s13  }
0xf: {  	s22 =	smax.u32 s8, $0x1;
	[dreg:$0x10] =	wrdreg s26;
	s8 =	sadd.s32 s14, s1  }
0x10: {  	s14 =	sshll.u32 s25, $0x4;
	s16 =	sshll.u32 s10, $0x7;
	[dreg:$0xf] =	wrdreg s5  }
0x11: {  	s18 =	sshll.u32 s10, $0x4;
	s15 =	sadd.s32 $0x4E2F0, s13;
	[dreg:$0xe] =	wrdreg s22  }
0x12: {  	s21 =	sadd.s32 $0xF0, s13;
	s25 =	sadd.s32 $0xA0, s13;
	[dreg:$0x11] =	wrdreg s8  }
0x13: {  	s6 =	sadd.s32 $0x4E250, s13;
	s9 =	sshrl.u32 s9, $0x3;
	[dreg:$0x12] =	wrdreg s14  }
0x14: {  	[dreg:$0x13] =	wrdreg s18;
	s14 =	sadd.s32 $0x140, s11;
	s26 =	sshrl.u32 s25, $0x3  }
0x15: {  	s18 =	sadd.s32 $0x50, s13;
	s12 =	sadd.s32 s7, s9;
	s9 =	sadd.s32 s3, s9  }
0x16: {  	s10 =	sshll.u32 s14, $0x7;
	s19 =	sadd.s32 $0x4D8, s12;
	s20 =	sadd.s32 $0xA118, s9  }
0x17: {  	s9 =	sadd.s32 s24, s1;
	s12 =	sadd.s32 s16, s1;
	[dreg:$0xc] =	wrdreg s19  }
0x18: {  	s16 =	sadd.s32 $0x4E2A0, s13;
	[dreg:$0xd] =	wrdreg s20;
	s19 =	sshrl.u32 s13, $0x3  }
0x19: {  	s20 =	sshrl.u32 s15, $0x3;
	s15 =	sshrl.u32 s21, $0x3;
	s8 =	sadd.s32 s19, s7  }
0x1a: {  	s23 =	sshrl.u32 s16, $0x3;
	s22 =	sadd.s32 s15, s7;
	[dreg:$0x3] =	wrdreg s8  }
0x1b: {  	s13 =	sadd.s32 $0x4E200, s13;
	s24 =	sadd.s32 s23, s3;
	[dreg:$0x5] =	wrdreg s22  }
0x1c: {  	s25 =	sshrl.u32 s13, $0x3;
	s13 =	sshrl.u32 s9, $0x3;
	[dreg:$0x6] =	wrdreg s24  }
0x1d: {  	s15 =	sshrl.u32 s6, $0x3;
	s8 =	sadd.s32 s20, s3;
	[dreg:$0x1a] =	wrdreg s13  }
0x1e: {  	s19 =	sadd.s32 $0x190, s11;
	s15 =	sadd.s32 s15, s3;
	[dreg:$0x4] =	wrdreg s8  }
0x1f: {  	s9 =	simm.s32 $0x400;
	s20 =	sadd.s32 s10, s1;
	[dreg:$0x8] =	wrdreg s15  }
0x20: {  	s21 =	sshll.u32 s19, $0x7;
	s22 =	sshll.u32 s14, $0x4;
	[dreg:$0x14] =	wrdreg s20  }
0x21: {  	s24 =	sshll.u32 s19, $0x4;
	s19 =	sadd.s32 $0x2800, s5;
	[dreg:$0x15] =	wrdreg s22  }
0x22: {  	s14 =	simm.s32 $0x200;
	s13 =	simm.s32 $0x6;
	[dreg:$0x16] =	wrdreg s24  }
0x23: {  	s8 =	sadd.s32 s26, s7;
	s15 =	sshrl.u32 s18, $0x3;
	[dreg:$0x1e] =	wrdreg s19  }
0x24: {  	s23 =	sadd.s32 s21, s1;
	s20 =	sadd.s32 $0x5000, s5;
	[dreg:$0x7] =	wrdreg s8  }
0x25: {  	s26 =	sadd.s32 $0x1E0, s11;
	s21 =	sadd.s32 $0x7800, s5;
	[dreg:$0x1f] =	wrdreg s20  }
0x26: {  	s11 =	sadd.s32 $0x230, s11;
	s22 =	sadd.s32 $0xA000, s5;
	[smem:$0x7F8] =	sst s21  }
0x27: {  	s18 =	sadd.s32 s25, s3;
	s24 =	sadd.s32 $0xF000, s5;
	[smem:$0x7F9] =	sst s22  }
0x28: {  	s25 =	sadd.s32 $0x11800, s5;
	s7 =	sadd.s32 s15, s7;
	[smem:$0x7FB] =	sst s24  }
0x29: {  	s6 =	sshll.u32 s26, $0x7;
	s10 =	sshll.u32 s26, $0x4;
	[smem:$0x7FC] =	sst s25  }
0x2a: {  	s15 =	sshrl.u32 s12, $0x3;
	s16 =	sshrl.u32 s23, $0x3;
	[dreg:$0x9] =	wrdreg s7  }
0x2b: {  	s23 =	sadd.s32 $0xC800, s5;
	s26 =	smul.u32 $0x2800, s17;
	[dreg:$0x18] =	wrdreg s10  }
0x2c: {  	s17 =	simm.s32 $0x80;
	s21 =	simm.s32 $0x280;
	[dreg:$0x1b] =	wrdreg s15  }
0x2d: {  	s22 =	simm.s32 $0x100;
	s24 =	simm.s32 $0x180;
	[dreg:$0x1c] =	wrdreg s16  }
0x2e: {  	s25 =	simm.s32 $0x380;
	s3 =	sadd.s32 s6, s1;
	[smem:$0x7FA] =	sst s23  }
0x2f: {  	s7 =	sshll.u32 s11, $0x7;
	s11 =	sshll.u32 s11, $0x4;
	[dreg:$0x17] =	wrdreg s3  }
0x30: {  	s12 =	simm.s32 $0x5;
	s23 =	simm.s32 $0x300;
	[dreg:$0x19] =	wrdreg s11  }
0x31: {  	s6 =	simm.s32 $0x0;
	s0 =	sadd.s32 s7, s1;
	[smem:$0x7FD] =	sst s26  }
0x32: {  	s26 =	simm.s32 $0x1;
	s7 =	simm.s32 $0x3;
	s0 =	sshrl.u32 s0, $0x3  }
0x33: {  	v0 =	vimm.f32 $0.0e+00;
	s3 =	simm.s32 $0x4;
	[dreg:$0x1d] =	wrdreg s0;
	s0 =	simm.s32 $0x2  }
.LBB2_1:
0x34: {  	s16 =	sand.u32 $0xFE00, s2  }
0x35: {  	[smem:$0x7F7] =	sst s6;
	s19 =	sand.u32 $0x70, s2;
	s20 =	sshrl.u32 s16, $0x2  }
0x36: {  	s16 =	simm.s32 $0x40;
	s20 =	sor.u32 s19, s20;
	s19 =	simm.s32 $0x0  }
.LBB2_2:
0x37: {  	p1 =	sne.s32 s16, $0x9FC0  }
0x38: {  	[tilespmem:s20+$0x400] =	vst v0;
	s19 =	sadd.s32 $0x10, s19;
	s20 =	smov.u32 s16;
	s16 =	sadd.s32 $0x40, s16  }
.Ltmp0:
0x39: {  	(pc) =	sbr.rel @p1 .LBB2_2-.Ltmp0, $4  }
0x3a: {  	_ = 	snop  }
0x3b: {  	s20 =	sand.u32 $0xFE00, s20  }
0x3c: {  	s8 =	sand.u32 $0x70, s19;
	s20 =	sshrl.u32 s20, $0x2  }
0x3d: {  	s20 =	sor.u32 s8, s20  }
0x3e: {  	[tilespmem:s20+$0x400] =	vst v0;
	s5 =	rddreg [dreg:$0xf];
	s6 =	simm.s32 $0x7  }
0x3f: {  	[spmem:s5] =	stream.linear.scatter [tilespmem:s9], [sflag:$0x7], $0x2800, $0x38;
	[tilespmem:$0x1E400] =	vst v63  }
0x40: {  	_ =	swait.ge [sflag:s6], $0x2800  }
0x41: {  	[sflag:s6] =	ssyncset.done $0x0  }
0x42: {  	s10 =	rddreg [dreg:$0x1e];
	[sflag:s6] =	ssyncadd.s32 $0xFFFFD800  }
0x43: {  	[spmem:s10] =	stream.linear.scatter [tilespmem:s9], [sflag:$0x7], $0x2800, $0x38;
	[tilespmem:$0x1E400] =	vst v63  }
0x44: {  	_ =	swait.ge [sflag:s6], $0x2800  }
0x45: {  	[sflag:s6] =	ssyncset.done $0x0  }
0x46: {  	s11 =	rddreg [dreg:$0x1f];
	[sflag:s6] =	ssyncadd.s32 $0xFFFFD800  }
0x47: {  	[spmem:s11] =	stream.linear.scatter [tilespmem:s9], [sflag:$0x7], $0x2800, $0x38;
	[tilespmem:$0x1E400] =	vst v63  }
0x48: {  	_ =	swait.ge [sflag:s6], $0x2800  }
0x49: {  	s15 =	sld [smem:$0x7F8]  }
0x4a: {  	[sflag:s6] =	ssyncset.done $0x0  }
0x4b: {  	[sflag:s6] =	ssyncadd.s32 $0xFFFFD800  }
0x4c: {  	[spmem:s15] =	stream.linear.scatter [tilespmem:s9], [sflag:$0x7], $0x2800, $0x38;
	[tilespmem:$0x1E400] =	vst v63  }
0x4d: {  	_ =	swait.ge [sflag:s6], $0x2800  }
0x4e: {  	s16 =	sld [smem:$0x7F9]  }
0x4f: {  	[sflag:s6] =	ssyncset.done $0x0  }
0x50: {  	[sflag:s6] =	ssyncadd.s32 $0xFFFFD800  }
0x51: {  	[spmem:s16] =	stream.linear.scatter [tilespmem:s9], [sflag:$0x7], $0x2800, $0x38;
	[tilespmem:$0x1E400] =	vst v63  }
0x52: {  	_ =	swait.ge [sflag:s6], $0x2800  }
0x53: {  	s19 =	sld [smem:$0x7FA]  }
0x54: {  	[sflag:s6] =	ssyncset.done $0x0  }
0x55: {  	[sflag:s6] =	ssyncadd.s32 $0xFFFFD800  }
0x56: {  	[spmem:s19] =	stream.linear.scatter [tilespmem:s9], [sflag:$0x7], $0x2800, $0x38;
	[tilespmem:$0x1E400] =	vst v63  }
0x57: {  	_ =	swait.ge [sflag:s6], $0x2800  }
0x58: {  	s20 =	sld [smem:$0x7FB]  }
0x59: {  	[sflag:s6] =	ssyncset.done $0x0  }
0x5a: {  	[sflag:s6] =	ssyncadd.s32 $0xFFFFD800  }
0x5b: {  	[spmem:s20] =	stream.linear.scatter [tilespmem:s9], [sflag:$0x7], $0x2800, $0x38;
	[tilespmem:$0x1E400] =	vst v63  }
0x5c: {  	_ =	swait.ge [sflag:s6], $0x2800  }
0x5d: {  	s8 =	sld [smem:$0x7FC]  }
0x5e: {  	[sflag:s6] =	ssyncset.done $0x0  }
0x5f: {  	[sflag:s6] =	ssyncadd.s32 $0xFFFFD800  }
0x60: {  	[spmem:s8] =	stream.linear.scatter [tilespmem:s9], [sflag:$0x7], $0x2800, $0x38;
	[tilespmem:$0x1E400] =	vst v63  }
0x61: {  	_ =	swait.ge [sflag:s6], $0x2800  }
0x62: {  	[sflag:s6] =	ssyncset.done $0x0  }
0x63: {  	[sflag:s6] =	ssyncadd.s32 $0xFFFFD800  }
0x64: {  	[bflag:$0x0] =	sbarrier.arrive $0xFFFF  }
0x65: {  	s8 =	rddreg [dreg:$0x3]  }
0x66: {  	s8 =	sadd.s32 $0x0, s8  }
0x67: {  	[tilespmem:s2], [sflag:$0x1] =	stream.linear.gather [hbm4b:s8+s2], $0x50, $0x38;
	[tilespmem:$0x1E400] =	vst v63  }
0x68: {  	s10 =	sadd.s32 $0x0, s18;
	s16 =	rddreg [dreg:$0x9]  }
0x69: {  	[tilespmem:s14], [sflag:$0x1] =	stream.linear.gather [hbm4b:s10+s2], $0x50, $0x38;
	[tilespmem:$0x1E400] =	vst v63  }
0x6a: {  	s19 =	rddreg [dreg:$0x8];
	s11 =	sadd.s32 $0x0, s16  }
0x6b: {  	[tilespmem:s17], [sflag:$0x1] =	stream.linear.gather [hbm4b:s11+s2], $0x50, $0x38;
	[tilespmem:$0x1E400] =	vst v63  }
0x6c: {  	s15 =	rddreg [dreg:$0x7];
	s20 =	sadd.s32 $0x0, s19  }
0x6d: {  	[tilespmem:s21], [sflag:$0x1] =	stream.linear.gather [hbm4b:s20+s2], $0x50, $0x38;
	[tilespmem:$0x1E400] =	vst v63  }
0x6e: {  	s5 =	rddreg [dreg:$0x6];
	s6 =	sadd.s32 $0x0, s15  }
0x6f: {  	[tilespmem:s22], [sflag:$0x1] =	stream.linear.gather [hbm4b:s6+s2], $0x50, $0x38;
	[tilespmem:$0x1E400] =	vst v63  }
0x70: {  	s10 =	rddreg [dreg:$0x5];
	s11 =	sadd.s32 $0x0, s5  }
0x71: {  	[tilespmem:s23], [sflag:$0x1] =	stream.linear.gather [hbm4b:s11+s2], $0x50, $0x38;
	[tilespmem:$0x1E400] =	vst v63  }
0x72: {  	s15 =	rddreg [dreg:$0x4];
	s16 =	sadd.s32 $0x0, s10  }
0x73: {  	[tilespmem:s24], [sflag:$0x1] =	stream.linear.gather [hbm4b:s16+s2], $0x50, $0x38;
	[tilespmem:$0x1E400] =	vst v63  }
0x74: {  	s20 =	sadd.s32 $0x0, s15  }
0x75: {  	[tilespmem:s25], [sflag:$0x1] =	stream.linear.gather [hbm4b:s20+s2], $0x50, $0x38;
	[tilespmem:$0x1E400] =	vst v63  }
0x76: {  	_ =	swait.ge [sflag:s26], $0x50  }
0x77: {  	[sflag:s26] =	ssyncset.done $0x0  }
0x78: {  	[sflag:s26] =	ssyncadd.s32 $0xFFFFFFB0  }
0x79: {  	_ =	swait.ge [sflag:s26], $0x50  }
0x7a: {  	[sflag:s26] =	ssyncset.done $0x0  }
0x7b: {  	[sflag:s26] =	ssyncadd.s32 $0xFFFFFFB0  }
0x7c: {  	_ =	swait.ge [sflag:s26], $0x50  }
0x7d: {  	[sflag:s26] =	ssyncset.done $0x0  }
0x7e: {  	[sflag:s26] =	ssyncadd.s32 $0xFFFFFFB0  }
0x7f: {  	_ =	swait.ge [sflag:s26], $0x50  }
0x80: {  	[sflag:s26] =	ssyncset.done $0x0  }
0x81: {  	[sflag:s26] =	ssyncadd.s32 $0xFFFFFFB0  }
0x82: {  	_ =	swait.ge [sflag:s26], $0x50  }
0x83: {  	[sflag:s26] =	ssyncset.done $0x0  }
0x84: {  	[sflag:s26] =	ssyncadd.s32 $0xFFFFFFB0  }
0x85: {  	_ =	swait.ge [sflag:s26], $0x50  }
0x86: {  	[sflag:s26] =	ssyncset.done $0x0  }
0x87: {  	[sflag:s26] =	ssyncadd.s32 $0xFFFFFFB0  }
0x88: {  	_ =	swait.ge [sflag:s26], $0x50  }
0x89: {  	[sflag:s26] =	ssyncset.done $0x0  }
0x8a: {  	[sflag:s26] =	ssyncadd.s32 $0xFFFFFFB0  }
0x8b: {  	_ =	swait.ge [sflag:s26], $0x50  }
0x8c: {  	[sflag:s26] =	ssyncset.done $0x0  }
0x8d: {  	[sflag:s26] =	ssyncadd.s32 $0xFFFFFFB0  }
0x8e: {  	[tilespmem:s9], [sflag:$0x2] =	stream.indirect.gather [hbm4b:s4+s28], $0x80, s2, s28, $0xb8;
	[tilespmem:$0x1E400] =	vst v63  }
0x8f: {  	_ = 	snop  }
0x90: {  	[tilespmem:s29], [sflag:$0x3] =	stream.indirect.gather [hbm4b:s4+s28], $0x80, s17, s28, $0xb8;
	[tilespmem:$0x1E400] =	vst v63  }
0x91: {  	_ = 	snop  }
0x92: {  	[tilespmem:s30], [sflag:$0x4] =	stream.indirect.gather [hbm4b:s4+s28], $0x80, s22, s28, $0xb8;
	[tilespmem:$0x1E400] =	vst v63  }
0x93: {  	_ = 	snop  }
0x94: {  	[tilespmem:s31], [sflag:$0x5] =	stream.indirect.gather [hbm4b:s4+s28], $0x80, s24, s28, $0xb8;
	[tilespmem:$0x1E400] =	vst v63  }
0x95: {  	_ =	swait.ge [sflag:s0], $0x2800  }
0x96: {  	[sflag:s0] =	ssyncset.done $0x0  }
0x97: {  	[sflag:s0] =	ssyncadd.s32 $0xFFFFD800  }
0x98: {  	[spmem:s1] =	stream.indirect.scatter.add.f32 [tilespmem:s9], [sflag:$0x6], $0x80, s14, s28, $0xb8;
	[tilespmem:$0x1E400] =	vst v63  }
0x99: {  	_ =	swait.ge [sflag:s7], $0x2800  }
0x9a: {  	[sflag:s7] =	ssyncset.done $0x0  }
0x9b: {  	[sflag:s7] =	ssyncadd.s32 $0xFFFFD800  }
0x9c: {  	[spmem:s1] =	stream.indirect.scatter.add.f32 [tilespmem:s29], [sflag:$0x6], $0x80, s21, s28, $0xb8;
	[tilespmem:$0x1E400] =	vst v63  }
0x9d: {  	_ =	swait.ge [sflag:s3], $0x2800  }
0x9e: {  	[sflag:s3] =	ssyncset.done $0x0  }
0x9f: {  	[sflag:s3] =	ssyncadd.s32 $0xFFFFD800  }
0xa0: {  	[spmem:s1] =	stream.indirect.scatter.add.f32 [tilespmem:s30], [sflag:$0x6], $0x80, s23, s28, $0xb8;
	[tilespmem:$0x1E400] =	vst v63  }
0xa1: {  	_ =	swait.ge [sflag:s12], $0x2800  }
0xa2: {  	[sflag:s12] =	ssyncset.done $0x0  }
0xa3: {  	[sflag:s12] =	ssyncadd.s32 $0xFFFFD800  }
0xa4: {  	[spmem:s1] =	stream.indirect.scatter.add.f32 [tilespmem:s31], [sflag:$0x6], $0x80, s25, s28, $0xb8;
	[tilespmem:$0x1E400] =	vst v63  }
0xa5: {  	_ =	swait.ge [sflag:s13], $0x2800  }
0xa6: {  	[sflag:s13] =	ssyncset.done $0x0  }
0xa7: {  	[sflag:s13] =	ssyncadd.s32 $0xFFFFD800  }
0xa8: {  	_ =	swait.ge [sflag:s13], $0x2800  }
0xa9: {  	[sflag:s13] =	ssyncset.done $0x0  }
0xaa: {  	[sflag:s13] =	ssyncadd.s32 $0xFFFFD800  }
0xab: {  	_ =	swait.ge [sflag:s13], $0x2800  }
0xac: {  	[sflag:s13] =	ssyncset.done $0x0  }
0xad: {  	[sflag:s13] =	ssyncadd.s32 $0xFFFFD800  }
0xae: {  	s19 =	simm.s32 $0x50;
	_ =	swait.ge [sflag:s13], $0x2800  }
0xaf: {  	s16 =	simm.s32 $0x28;
	s20 =	rddreg [dreg:$0x3];
	[sflag:s13] =	ssyncset.done $0x0  }
.LBB2_4:
0xb0: {  	[sflag:s13] =	ssyncadd.s32 $0xFFFFD800;
	s20 =	sadd.s32 s16, s20  }
0xb1: {  	[tilespmem:s2], [sflag:$0x1] =	stream.linear.gather [hbm4b:s20+s2], $0x50, $0x38;
	[tilespmem:$0x1E400] =	vst v63  }
0xb2: {  	s10 =	rddreg [dreg:$0x9];
	s5 =	sadd.s32 s16, s18  }
0xb3: {  	[tilespmem:s14], [sflag:$0x1] =	stream.linear.gather [hbm4b:s5+s2], $0x50, $0x38;
	[tilespmem:$0x1E400] =	vst v63  }
0xb4: {  	s6 =	rddreg [dreg:$0x8];
	s10 =	sadd.s32 s16, s10  }
0xb5: {  	[tilespmem:s17], [sflag:$0x1] =	stream.linear.gather [hbm4b:s10+s2], $0x50, $0x38;
	[tilespmem:$0x1E400] =	vst v63  }
0xb6: {  	s11 =	rddreg [dreg:$0x7];
	s6 =	sadd.s32 s16, s6  }
0xb7: {  	[tilespmem:s21], [sflag:$0x1] =	stream.linear.gather [hbm4b:s6+s2], $0x50, $0x38;
	[tilespmem:$0x1E400] =	vst v63  }
0xb8: {  	s15 =	rddreg [dreg:$0x6];
	s20 =	sadd.s32 s16, s11  }
0xb9: {  	[tilespmem:s22], [sflag:$0x1] =	stream.linear.gather [hbm4b:s20+s2], $0x50, $0x38;
	[tilespmem:$0x1E400] =	vst v63  }
0xba: {  	s5 =	rddreg [dreg:$0x5];
	s10 =	sadd.s32 s16, s15  }
0xbb: {  	[tilespmem:s23], [sflag:$0x1] =	stream.linear.gather [hbm4b:s10+s2], $0x50, $0x38;
	[tilespmem:$0x1E400] =	vst v63  }
0xbc: {  	s11 =	rddreg [dreg:$0x4];
	s15 =	sadd.s32 s16, s5  }
0xbd: {  	[tilespmem:s24], [sflag:$0x1] =	stream.linear.gather [hbm4b:s15+s2], $0x50, $0x38;
	[tilespmem:$0x1E400] =	vst v63  }
0xbe: {  	s20 =	sadd.s32 s16, s11  }
0xbf: {  	[tilespmem:s25], [sflag:$0x1] =	stream.linear.gather [hbm4b:s20+s2], $0x50, $0x38;
	[tilespmem:$0x1E400] =	vst v63  }
0xc0: {  	_ =	swait.ge [sflag:s26], $0x50  }
0xc1: {  	[sflag:s26] =	ssyncset.done $0x0  }
0xc2: {  	[sflag:s26] =	ssyncadd.s32 $0xFFFFFFB0  }
0xc3: {  	_ =	swait.ge [sflag:s26], $0x50  }
0xc4: {  	[sflag:s26] =	ssyncset.done $0x0  }
0xc5: {  	[sflag:s26] =	ssyncadd.s32 $0xFFFFFFB0  }
0xc6: {  	_ =	swait.ge [sflag:s26], $0x50  }
0xc7: {  	[sflag:s26] =	ssyncset.done $0x0  }
0xc8: {  	[sflag:s26] =	ssyncadd.s32 $0xFFFFFFB0  }
0xc9: {  	_ =	swait.ge [sflag:s26], $0x50  }
0xca: {  	[sflag:s26] =	ssyncset.done $0x0  }
0xcb: {  	[sflag:s26] =	ssyncadd.s32 $0xFFFFFFB0  }
0xcc: {  	_ =	swait.ge [sflag:s26], $0x50  }
0xcd: {  	[sflag:s26] =	ssyncset.done $0x0  }
0xce: {  	[sflag:s26] =	ssyncadd.s32 $0xFFFFFFB0  }
0xcf: {  	_ =	swait.ge [sflag:s26], $0x50  }
0xd0: {  	[sflag:s26] =	ssyncset.done $0x0  }
0xd1: {  	[sflag:s26] =	ssyncadd.s32 $0xFFFFFFB0  }
0xd2: {  	_ =	swait.ge [sflag:s26], $0x50  }
0xd3: {  	[sflag:s26] =	ssyncset.done $0x0  }
0xd4: {  	[sflag:s26] =	ssyncadd.s32 $0xFFFFFFB0  }
0xd5: {  	_ =	swait.ge [sflag:s26], $0x50  }
0xd6: {  	[sflag:s26] =	ssyncset.done $0x0  }
0xd7: {  	[sflag:s26] =	ssyncadd.s32 $0xFFFFFFB0  }
0xd8: {  	[tilespmem:s9], [sflag:$0x2] =	stream.indirect.gather [hbm4b:s4+s28], $0x80, s2, s28, $0xb8;
	[tilespmem:$0x1E400] =	vst v63  }
0xd9: {  	_ = 	snop  }
0xda: {  	[tilespmem:s29], [sflag:$0x3] =	stream.indirect.gather [hbm4b:s4+s28], $0x80, s17, s28, $0xb8;
	[tilespmem:$0x1E400] =	vst v63  }
0xdb: {  	_ = 	snop  }
0xdc: {  	[tilespmem:s30], [sflag:$0x4] =	stream.indirect.gather [hbm4b:s4+s28], $0x80, s22, s28, $0xb8;
	[tilespmem:$0x1E400] =	vst v63  }
0xdd: {  	_ = 	snop  }
0xde: {  	[tilespmem:s31], [sflag:$0x5] =	stream.indirect.gather [hbm4b:s4+s28], $0x80, s24, s28, $0xb8;
	[tilespmem:$0x1E400] =	vst v63  }
0xdf: {  	_ =	swait.ge [sflag:s0], $0x2800  }
0xe0: {  	[sflag:s0] =	ssyncset.done $0x0  }
0xe1: {  	[sflag:s0] =	ssyncadd.s32 $0xFFFFD800  }
0xe2: {  	[spmem:s1] =	stream.indirect.scatter.add.f32 [tilespmem:s9], [sflag:$0x6], $0x80, s14, s28, $0xb8;
	[tilespmem:$0x1E400] =	vst v63  }
0xe3: {  	_ =	swait.ge [sflag:s7], $0x2800  }
0xe4: {  	[sflag:s7] =	ssyncset.done $0x0  }
0xe5: {  	[sflag:s7] =	ssyncadd.s32 $0xFFFFD800  }
0xe6: {  	[spmem:s1] =	stream.indirect.scatter.add.f32 [tilespmem:s29], [sflag:$0x6], $0x80, s21, s28, $0xb8;
	[tilespmem:$0x1E400] =	vst v63  }
0xe7: {  	_ =	swait.ge [sflag:s3], $0x2800  }
0xe8: {  	[sflag:s3] =	ssyncset.done $0x0  }
0xe9: {  	[sflag:s3] =	ssyncadd.s32 $0xFFFFD800  }
0xea: {  	[spmem:s1] =	stream.indirect.scatter.add.f32 [tilespmem:s30], [sflag:$0x6], $0x80, s23, s28, $0xb8;
	[tilespmem:$0x1E400] =	vst v63  }
0xeb: {  	_ =	swait.ge [sflag:s12], $0x2800  }
0xec: {  	[sflag:s12] =	ssyncset.done $0x0  }
0xed: {  	[sflag:s12] =	ssyncadd.s32 $0xFFFFD800  }
0xee: {  	[spmem:s1] =	stream.indirect.scatter.add.f32 [tilespmem:s31], [sflag:$0x6], $0x80, s25, s28, $0xb8;
	[tilespmem:$0x1E400] =	vst v63  }
0xef: {  	_ =	swait.ge [sflag:s13], $0x2800  }
0xf0: {  	[sflag:s13] =	ssyncset.done $0x0  }
0xf1: {  	[sflag:s13] =	ssyncadd.s32 $0xFFFFD800  }
0xf2: {  	_ =	swait.ge [sflag:s13], $0x2800  }
0xf3: {  	[sflag:s13] =	ssyncset.done $0x0  }
0xf4: {  	p1 =	sne.s32 s19, $0x4B0;
	[sflag:s13] =	ssyncadd.s32 $0xFFFFD800  }
.Ltmp1:
0xf5: {  	_ =	swait.ge [sflag:s13], $0x2800;
	(pc) =	sbr.rel @p1 .LBB2_4-.Ltmp1, $4  }
0xf6: {  	[sflag:s13] =	ssyncset.done $0x0  }
0xf7: {  	[sflag:s13] =	ssyncadd.s32 $0xFFFFD800  }
0xf8: {  	s8 =	smov.u32 s19;
	s19 =	sadd.s32 $0x28, s19;
	_ =	swait.ge [sflag:s13], $0x2800  }
0xf9: {  	s16 =	smov.u32 s8;
	s20 =	rddreg [dreg:$0x3];
	[sflag:s13] =	ssyncset.done $0x0  }
0xfa: {  	[sflag:s13] =	ssyncadd.s32 $0xFFFFD800;
	s6 =	sadd.s32 s16, s20  }
0xfb: {  	[tilespmem:s2], [sflag:$0x1] =	stream.linear.gather [hbm4b:s6+s2], $0x50, $0x38;
	[tilespmem:$0x1E400] =	vst v63  }
0xfc: {  	s8 =	rddreg [dreg:$0x9];
	s19 =	sadd.s32 s16, s18  }
0xfd: {  	[tilespmem:s14], [sflag:$0x1] =	stream.linear.gather [hbm4b:s19+s2], $0x50, $0x38;
	[tilespmem:$0x1E400] =	vst v63  }
0xfe: {  	s10 =	rddreg [dreg:$0x8];
	s20 =	sadd.s32 s16, s8  }
0xff: {  	[tilespmem:s17], [sflag:$0x1] =	stream.linear.gather [hbm4b:s20+s2], $0x50, $0x38;
	[tilespmem:$0x1E400] =	vst v63  }
0x100: {  	s5 =	rddreg [dreg:$0x7];
	s10 =	sadd.s32 s16, s10  }
0x101: {  	[tilespmem:s21], [sflag:$0x1] =	stream.linear.gather [hbm4b:s10+s2], $0x50, $0x38;
	[tilespmem:$0x1E400] =	vst v63  }
0x102: {  	s11 =	rddreg [dreg:$0x6];
	s15 =	sadd.s32 s16, s5  }
0x103: {  	[tilespmem:s22], [sflag:$0x1] =	stream.linear.gather [hbm4b:s15+s2], $0x50, $0x38;
	[tilespmem:$0x1E400] =	vst v63  }
0x104: {  	s19 =	rddreg [dreg:$0x5];
	s20 =	sadd.s32 s16, s11  }
0x105: {  	[tilespmem:s23], [sflag:$0x1] =	stream.linear.gather [hbm4b:s20+s2], $0x50, $0x38;
	[tilespmem:$0x1E400] =	vst v63  }
0x106: {  	s5 =	rddreg [dreg:$0x4];
	s8 =	sadd.s32 s16, s19  }
0x107: {  	[tilespmem:s24], [sflag:$0x1] =	stream.linear.gather [hbm4b:s8+s2], $0x50, $0x38;
	[tilespmem:$0x1E400] =	vst v63  }
0x108: {  	s10 =	sadd.s32 s16, s5  }
0x109: {  	[tilespmem:s25], [sflag:$0x1] =	stream.linear.gather [hbm4b:s10+s2], $0x50, $0x38;
	[tilespmem:$0x1E400] =	vst v63  }
0x10a: {  	_ =	swait.ge [sflag:s26], $0x50  }
0x10b: {  	[sflag:s26] =	ssyncset.done $0x0  }
0x10c: {  	[sflag:s26] =	ssyncadd.s32 $0xFFFFFFB0  }
0x10d: {  	_ =	swait.ge [sflag:s26], $0x50  }
0x10e: {  	[sflag:s26] =	ssyncset.done $0x0  }
0x10f: {  	[sflag:s26] =	ssyncadd.s32 $0xFFFFFFB0  }
0x110: {  	_ =	swait.ge [sflag:s26], $0x50  }
0x111: {  	[sflag:s26] =	ssyncset.done $0x0  }
0x112: {  	[sflag:s26] =	ssyncadd.s32 $0xFFFFFFB0  }
0x113: {  	_ =	swait.ge [sflag:s26], $0x50  }
0x114: {  	[sflag:s26] =	ssyncset.done $0x0  }
0x115: {  	[sflag:s26] =	ssyncadd.s32 $0xFFFFFFB0  }
0x116: {  	_ =	swait.ge [sflag:s26], $0x50  }
0x117: {  	[sflag:s26] =	ssyncset.done $0x0  }
0x118: {  	[sflag:s26] =	ssyncadd.s32 $0xFFFFFFB0  }
0x119: {  	_ =	swait.ge [sflag:s26], $0x50  }
0x11a: {  	[sflag:s26] =	ssyncset.done $0x0  }
0x11b: {  	[sflag:s26] =	ssyncadd.s32 $0xFFFFFFB0  }
0x11c: {  	_ =	swait.ge [sflag:s26], $0x50  }
0x11d: {  	[sflag:s26] =	ssyncset.done $0x0  }
0x11e: {  	[sflag:s26] =	ssyncadd.s32 $0xFFFFFFB0  }
0x11f: {  	_ =	swait.ge [sflag:s26], $0x50  }
0x120: {  	[sflag:s26] =	ssyncset.done $0x0  }
0x121: {  	[sflag:s26] =	ssyncadd.s32 $0xFFFFFFB0  }
0x122: {  	[tilespmem:s9], [sflag:$0x2] =	stream.indirect.gather [hbm4b:s4+s28], $0x80, s2, s28, $0xb8;
	[tilespmem:$0x1E400] =	vst v63  }
0x123: {  	_ = 	snop  }
0x124: {  	[tilespmem:s29], [sflag:$0x3] =	stream.indirect.gather [hbm4b:s4+s28], $0x80, s17, s28, $0xb8;
	[tilespmem:$0x1E400] =	vst v63  }
0x125: {  	_ = 	snop  }
0x126: {  	[tilespmem:s30], [sflag:$0x4] =	stream.indirect.gather [hbm4b:s4+s28], $0x80, s22, s28, $0xb8;
	[tilespmem:$0x1E400] =	vst v63  }
0x127: {  	_ = 	snop  }
0x128: {  	[tilespmem:s31], [sflag:$0x5] =	stream.indirect.gather [hbm4b:s4+s28], $0x80, s24, s28, $0xb8;
	[tilespmem:$0x1E400] =	vst v63  }
0x129: {  	_ =	swait.ge [sflag:s0], $0x2800  }
0x12a: {  	[sflag:s0] =	ssyncset.done $0x0  }
0x12b: {  	[sflag:s0] =	ssyncadd.s32 $0xFFFFD800  }
0x12c: {  	[spmem:s1] =	stream.indirect.scatter.add.f32 [tilespmem:s9], [sflag:$0x6], $0x80, s14, s28, $0xb8;
	[tilespmem:$0x1E400] =	vst v63  }
0x12d: {  	_ =	swait.ge [sflag:s7], $0x2800  }
0x12e: {  	[sflag:s7] =	ssyncset.done $0x0  }
0x12f: {  	[sflag:s7] =	ssyncadd.s32 $0xFFFFD800  }
0x130: {  	[spmem:s1] =	stream.indirect.scatter.add.f32 [tilespmem:s29], [sflag:$0x6], $0x80, s21, s28, $0xb8;
	[tilespmem:$0x1E400] =	vst v63  }
0x131: {  	_ =	swait.ge [sflag:s3], $0x2800  }
0x132: {  	[sflag:s3] =	ssyncset.done $0x0  }
0x133: {  	[sflag:s3] =	ssyncadd.s32 $0xFFFFD800  }
0x134: {  	[spmem:s1] =	stream.indirect.scatter.add.f32 [tilespmem:s30], [sflag:$0x6], $0x80, s23, s28, $0xb8;
	[tilespmem:$0x1E400] =	vst v63  }
0x135: {  	_ =	swait.ge [sflag:s12], $0x2800  }
0x136: {  	[sflag:s12] =	ssyncset.done $0x0  }
0x137: {  	[sflag:s12] =	ssyncadd.s32 $0xFFFFD800  }
0x138: {  	[spmem:s1] =	stream.indirect.scatter.add.f32 [tilespmem:s31], [sflag:$0x6], $0x80, s25, s28, $0xb8;
	[tilespmem:$0x1E400] =	vst v63  }
0x139: {  	_ =	swait.ge [sflag:s13], $0x2800  }
0x13a: {  	[sflag:s13] =	ssyncset.done $0x0  }
0x13b: {  	[sflag:s13] =	ssyncadd.s32 $0xFFFFD800  }
0x13c: {  	_ =	swait.ge [sflag:s13], $0x2800  }
0x13d: {  	[sflag:s13] =	ssyncset.done $0x0  }
0x13e: {  	[sflag:s13] =	ssyncadd.s32 $0xFFFFD800  }
0x13f: {  	_ =	swait.ge [sflag:s13], $0x2800  }
0x140: {  	[sflag:s13] =	ssyncset.done $0x0  }
0x141: {  	[sflag:s13] =	ssyncadd.s32 $0xFFFFD800  }
0x142: {  	_ =	swait.ge [sflag:s13], $0x2800  }
0x143: {  	[sflag:s13] =	ssyncset.done $0x0  }
0x144: {  	s5 =	rddreg [dreg:$0xc];
	[sflag:s13] =	ssyncadd.s32 $0xFFFFD800  }
0x145: {  	[tilespmem:s2], [sflag:$0x1] =	stream.linear.gather [hbm4b:s5+s2], $0x50, $0x38;
	[tilespmem:$0x1E400] =	vst v63  }
0x146: {  	s11 =	rddreg [dreg:$0xd]  }
0x147: {  	[tilespmem:s14], [sflag:$0x1] =	stream.linear.gather [hbm4b:s11+s2], $0x50, $0x38;
	[tilespmem:$0x1E400] =	vst v63  }
0x148: {  	_ =	swait.ge [sflag:s26], $0x50  }
0x149: {  	[sflag:s26] =	ssyncset.done $0x0  }
0x14a: {  	[sflag:s26] =	ssyncadd.s32 $0xFFFFFFB0  }
0x14b: {  	_ =	swait.ge [sflag:s26], $0x50  }
0x14c: {  	[sflag:s26] =	ssyncset.done $0x0  }
0x14d: {  	[sflag:s26] =	ssyncadd.s32 $0xFFFFFFB0  }
0x14e: {  	[tilespmem:s9], [sflag:$0x2] =	stream.indirect.gather [hbm4b:s4+s28], $0x80, s2, s28, $0xb8;
	[tilespmem:$0x1E400] =	vst v63  }
0x14f: {  	_ =	swait.ge [sflag:s0], $0x2800  }
0x150: {  	[sflag:s0] =	ssyncset.done $0x0  }
0x151: {  	[sflag:s0] =	ssyncadd.s32 $0xFFFFD800  }
0x152: {  	[spmem:s1] =	stream.indirect.scatter.add.f32 [tilespmem:s9], [sflag:$0x6], $0x80, s14, s28, $0xb8;
	[tilespmem:$0x1E400] =	vst v63  }
0x153: {  	_ =	swait.ge [sflag:s13], $0x2800  }
0x154: {  	[sflag:s13] =	ssyncset.done $0x0  }
0x155: {  	[sflag:s13] =	ssyncadd.s32 $0xFFFFD800  }
0x156: {  	[bflag:$0x0] =	sbarrier.arrive $0xFFFF  }
0x157: {  	s5 =	stileid.u32;
	s11 =	sld [smem:$0x7FD]  }
0x158: {  	s6 =	sshll.u32 @p0 s5, $0x6;
	s8 =	rddreg [dreg:$0xb]  }
0x159: {  	s15 =	sor.u32 @p0 $0x1C07, s6;
	s10 =	rddreg [dreg:$0xf]  }
0x15a: {  	[smem:$0x7F6] =	sst s15;
	s6 =	sshrl.u32 @p0 s10, $0x3;
	s8 =	sadd.s32 @p0 s8, s11  }
0x15b: {  	[hbm:s8], [sflag:s15] =	dma.local @p0 [spmem:s6], $0x500  }
0x15c: {  	s6 =	simm.s32 @p0 $0x7  }
0x15d: {  	_ =	swait.ge @p0 [sflag:s6], $0x500  }
0x15e: {  	[sflag:s6] =	ssyncset.done @p0 $0x0  }
0x15f: {  	[sflag:s6] =	ssyncadd.s32 @p0 $0xFFFFFB00;
	s6 =	sshll.u32 @!p0 s5, $0x6  }
0x160: {  	s15 =	rddreg [dreg:$0xa];
	s6 =	sor.u32 @!p0 $0x1C08, s6  }
0x161: {  	s10 =	sshrl.u32 @!p0 s10, $0x3;
	s8 =	sadd.s32 @!p0 s15, s11;
	[smem:$0x7F4] =	sst s6  }
0x162: {  	[hbm:s8], [sflag:s6] =	dma.local @!p0 [spmem:s10], $0x500  }
0x163: {  	s16 =	simm.s32 @!p0 $0x8;
	s8 =	simm.s32 @!p0 $0x8  }
0x164: {  	s16 =	simm.s32 @p0 $0x7;
	s5 =	sshll.u32 s5, $0x6;
	_ =	swait.ge @!p0 [sflag:s8], $0x500  }
0x165: {  	s20 =	smov.u32 s15;
	s5 =	sadd.s32 s16, s5;
	s6 =	rddreg [dreg:$0xb]  }
0x166: {  	s5 =	sadd.s32 $0x1C00, s5;
	s10 =	smov.u32 s15;
	s15 =	rddreg [dreg:$0x10]  }
0x167: {  	[sflag:s8] =	ssyncset.done @!p0 $0x0;
	[smem:$0x7F5] =	sst s5;
	s20 =	smov.u32 @p0 s6  }
0x168: {  	s11 =	rddreg [dreg:$0x1a];
	[sflag:s8] =	ssyncadd.s32 @!p0 $0xFFFFFB00;
	s19 =	sadd.s32 s20, s15  }
0x169: {  	[hbm:s19], [sflag:s5] =	dma.local [spmem:s11], $0x500  }
0x16a: {  	_ =	swait.ge [sflag:s16], $0x500  }
0x16b: {  	s8 =	rddreg [dreg:$0x12]  }
0x16c: {  	s15 =	sadd.s32 @p0 s6, s8;
	s6 =	sld [smem:$0x7F6]  }
0x16d: {  	[sflag:s16] =	ssyncset.done $0x0;
	s5 =	rddreg [dreg:$0x11]  }
0x16e: {  	[sflag:s16] =	ssyncadd.s32 $0xFFFFFB00;
	s11 =	sshrl.u32 @p0 s5, $0x3  }
0x16f: {  	[hbm:s15], [sflag:s6] =	dma.local @p0 [spmem:s11], $0x500  }
0x170: {  	s6 =	simm.s32 @p0 $0x7  }
0x171: {  	_ =	swait.ge @p0 [sflag:s6], $0x500  }
0x172: {  	s19 =	sld [smem:$0x7F4]  }
0x173: {  	s11 =	sadd.s32 @!p0 s10, s8;
	[sflag:s6] =	ssyncset.done @p0 $0x0  }
0x174: {  	s15 =	sshrl.u32 @!p0 s5, $0x3;
	s5 =	simm.s32 @!p0 $0x8;
	[sflag:s6] =	ssyncadd.s32 @p0 $0xFFFFFB00  }
0x175: {  	[hbm:s11], [sflag:s19] =	dma.local @!p0 [spmem:s15], $0x500  }
0x176: {  	_ =	swait.ge @!p0 [sflag:s5], $0x500  }
0x177: {  	s15 =	rddreg [dreg:$0x13]  }
0x178: {  	s6 =	sadd.s32 s20, s15;
	s15 =	sld [smem:$0x7F5]  }
0x179: {  	[sflag:s5] =	ssyncset.done @!p0 $0x0  }
0x17a: {  	s8 =	rddreg [dreg:$0x1b];
	[sflag:s5] =	ssyncadd.s32 @!p0 $0xFFFFFB00  }
0x17b: {  	[hbm:s6], [sflag:s15] =	dma.local [spmem:s8], $0x500  }
0x17c: {  	_ =	swait.ge [sflag:s16], $0x500  }
0x17d: {  	s6 =	rddreg [dreg:$0x15]  }
0x17e: {  	s5 =	rddreg [dreg:$0xb]  }
0x17f: {  	s11 =	sadd.s32 @p0 s5, s6;
	s5 =	sld [smem:$0x7F6]  }
0x180: {  	[sflag:s16] =	ssyncset.done $0x0;
	s8 =	rddreg [dreg:$0x14]  }
0x181: {  	[sflag:s16] =	ssyncadd.s32 $0xFFFFFB00;
	s15 =	sshrl.u32 @p0 s8, $0x3  }
0x182: {  	[hbm:s11], [sflag:s5] =	dma.local @p0 [spmem:s15], $0x500  }
0x183: {  	s11 =	simm.s32 @p0 $0x7  }
0x184: {  	_ =	swait.ge @p0 [sflag:s11], $0x500  }
0x185: {  	s15 =	sshrl.u32 @!p0 s8, $0x3;
	[sflag:s11] =	ssyncset.done @p0 $0x0  }
0x186: {  	s5 =	simm.s32 @!p0 $0x8;
	[sflag:s11] =	ssyncadd.s32 @p0 $0xFFFFFB00;
	s11 =	sadd.s32 @!p0 s10, s6  }
0x187: {  	[hbm:s11], [sflag:s19] =	dma.local @!p0 [spmem:s15], $0x500  }
0x188: {  	_ =	swait.ge @!p0 [sflag:s5], $0x500  }
0x189: {  	s8 =	sld [smem:$0x7F5]  }
0x18a: {  	s10 =	smov.u32 s19;
	[sflag:s5] =	ssyncset.done @!p0 $0x0;
	s19 =	rddreg [dreg:$0x16]  }
0x18b: {  	s6 =	rddreg [dreg:$0x1c];
	[sflag:s5] =	ssyncadd.s32 @!p0 $0xFFFFFB00;
	s5 =	sadd.s32 s20, s19  }
0x18c: {  	[hbm:s5], [sflag:s8] =	dma.local [spmem:s6], $0x500  }
0x18d: {  	_ =	swait.ge [sflag:s16], $0x500  }
0x18e: {  	s6 =	rddreg [dreg:$0x18]  }
0x18f: {  	s5 =	rddreg [dreg:$0xb]  }
0x190: {  	s19 =	sld [smem:$0x7F6]  }
0x191: {  	[sflag:s16] =	ssyncset.done $0x0;
	s11 =	sadd.s32 @p0 s5, s6;
	s5 =	rddreg [dreg:$0x17]  }
0x192: {  	[sflag:s16] =	ssyncadd.s32 $0xFFFFFB00;
	s15 =	sshrl.u32 @p0 s5, $0x3  }
0x193: {  	[hbm:s11], [sflag:s19] =	dma.local @p0 [spmem:s15], $0x500  }
0x194: {  	s11 =	simm.s32 @p0 $0x7  }
0x195: {  	_ =	swait.ge @p0 [sflag:s11], $0x500  }
0x196: {  	[sflag:s11] =	ssyncset.done @p0 $0x0  }
0x197: {  	[sflag:s11] =	ssyncadd.s32 @p0 $0xFFFFFB00;
	s11 =	rddreg [dreg:$0xa]  }
0x198: {  	s15 =	sshrl.u32 @!p0 s5, $0x3;
	s5 =	simm.s32 @!p0 $0x8;
	s11 =	sadd.s32 @!p0 s11, s6  }
0x199: {  	[hbm:s11], [sflag:s10] =	dma.local @!p0 [spmem:s15], $0x500  }
0x19a: {  	_ =	swait.ge @!p0 [sflag:s5], $0x500  }
0x19b: {  	[sflag:s5] =	ssyncset.done @!p0 $0x0;
	s10 =	rddreg [dreg:$0x19]  }
0x19c: {  	s15 =	rddreg [dreg:$0x1d];
	[sflag:s5] =	ssyncadd.s32 @!p0 $0xFFFFFB00;
	s11 =	sadd.s32 s20, s10  }
0x19d: {  	[hbm:s11], [sflag:s8] =	dma.local [spmem:s15], $0x500  }
0x19e: {  	_ =	swait.ge [sflag:s16], $0x500  }
0x19f: {  	s19 =	sld [smem:$0x7F7];
	_ =	sdelay $0x2  }
0x1a0: {  	s20 =	rddreg [dreg:$0xe];
	s6 =	sadd.s32 $0x1, s19  }
0x1a1: {  	p1 =	sne.s32 s6, s20  }
.Ltmp2:
0x1a2: {  	_ = 	snop;
	(pc) =	sbr.rel @p1 .LBB2_1-.Ltmp2, $3  }
0x1a3: {  	_ =	sdelay $0x1  }
0x1a4: {  	[sflag:s16] =	ssyncset.done $0x0  }
0x1a5: {  	[sflag:s16] =	ssyncadd.s32 $0xFFFFFB00  }
0x1a6: {  	_ =	sfence.sel $0x180000  }
0x1a7: {  	[bflag:$0x0] =	sbarrier.arrive $0xFFFF  }
0x1a8: {  	_ =	strace $0x9000004A  }
0x1a9: {  	s0 =	stileid.u32;
	[bflag:$0x2] =	sbarrier.arrive $0xFFFF  }
0x1aa: {  	p0 =	sne.s32 s0, $0x0;
	s0 =	rddreg [dreg:$0x2]  }
0x1ab: {  	s0 =	sadd.s32 @!p0 $0x100000, s0  }
0x1ac: {  	[sflag:s0] =	ssyncadd.tile.s32 @!p0 $0x1;
	_ =	shalt  }
.Lfunc_end2:
_tile_overlayer_lowered:
.L_overlay_start_2:
0x1ad: {  	(tag) =	ssettag $0x2  }
0x1ae: {  	s0 =	rddreg [dreg:$0x0];
	s2 =	stileid.u32  }
0x1af: {  	s1 =	rddreg [dreg:$0x1];
	p0 =	sne.s32 s2, $0x0  }
0x1b0: {  	s3 =	rddreg [dreg:$0x2];
	[bflag:$0x3] =	sbarrier.arrive $0xFFFF;
	s2 =	simm.s32 @!p0 $0x1C07  }
0x1b1: {  	[timem:s3], [sflag:s2] =	dma.local @!p0 [hbm:s0], s1  }
0x1b2: {  	s0 =	simm.s32 @!p0 $0x7  }
0x1b3: {  	_ =	swait.ge @!p0 [sflag:s0], s1  }
0x1b4: {  	s1 =	ssub.s32 @!p0 $0x0, s1;
	[sflag:s0] =	ssyncset.done @!p0 $0x0  }
0x1b5: {  	[sflag:s0] =	ssyncadd.s32 @!p0 s1  }
0x1b6: {  	[bflag:$0x3] =	sbarrier.arrive $0xFFFF  }
0x1b7: {  	_ =	shalt  }

// kernel: kernel.17.cloned.1.call-start
scs
__scs_entry_jumppad:
0x0: {  	(pc) =	sbr.rel $0x88, $3  }
0x1: {  	(tag) =	ssettag $0x0;
	lr =	simm.s32 $0x1  }
0x2: {  	[smem:$0x3F76] =	sst lr;
	_ =	strace $0xD0000000  }
0x3: {  	_ = 	snop  }
0x4: {  	_ = 	snop  }
0x5: {  	_ = 	snop  }
0x6: {  	_ = 	snop  }
0x7: {  	_ = 	snop  }
__scs_overlays_trampoline_lowered:
0x8: {  	[smem:$0x3F85] =	sst s0  }
0x9: {  	[smem:$0x3F86] =	sst s1  }
0xa: {  	[smem:$0x3F87] =	sst s2  }
0xb: {  	[smem:$0x3F88] =	sst s3  }
0xc: {  	[smem:$0x3F89] =	sst s4  }
0xd: {  	[smem:$0x3F8A] =	sst s5  }
0xe: {  	[smem:$0x3F8B] =	sst s6  }
0xf: {  	[smem:$0x3F8C] =	sst s7  }
0x10: {  	[smem:$0x3F8D] =	sst s8  }
0x11: {  	[smem:$0x3F8E] =	sst s9;
	s0 =	simm.s32 @!p0 $0x0  }
0x12: {  	s1 =	sld [smem:$0x3F74];
	s0 =	simm.s32 @p0 $0x1  }
0x13: {  	[smem:$0x3F8F] =	sst s0;
	s0 =	simm.s32 @!p1 $0x0  }
0x14: {  	s2 =	sld [smem:$0x3F73];
	s0 =	simm.s32 @p1 $0x1  }
0x15: {  	[smem:$0x3F90] =	sst s0;
	s0 =	simm.s32 @!p2 $0x0  }
0x16: {  	s3 =	sld [smem:$0x3FDB];
	s0 =	simm.s32 @p2 $0x1  }
0x17: {  	s4 =	simm.s32 $0x1BF5;
	[smem:$0x3F92] =	sst s0  }
0x18: {  	s0 =	sld [smem:$0x3F75];
	_ =	swait.ge [sflag:s4], $0x0  }
0x19: {  	s7 =	sld [smem:$0x3F76]  }
0x1a: {  	s8 =	sadd.s32 $0xFFFFE003, lr  }
0x1b: {  	s9 =	sadd.s32 $0xFFFFFEF7, lr;
	s5 =	simm.s32 $0xFFFFFFFF;
	p2 =	slt.u32 s8, $0xFFFFF086  }
0x1c: {  	p1 =	slt.u32 s9, $0xF7A;
	s5 =	simm.s32 @!p2 $0x0  }
0x1d: {  	s5 =	simm.s32 @p1 $0x1;
	p0 =	seq.s32 s7, s2  }
0x1e: {  	s7 =	smul.u32 @!p0 $0xF7A, s2;
	p2 =	seq.s32 @!p0 s5, $0x0  }
0x1f: {  	s9 =	smul.u32 $0xF7A, s1;
	s8 =	simm.s32 @!p0 $0x1BF5;
	p2 =	por !p2, p0  }
0x20: {  	[sflag:s8] =	ssyncset.s32 @!p0 $0xFFFFF086;
	s6 =	sadd.s32 @!p0 s3, s7;
	s7 =	simm.s32 @!p0 $0x108  }
0x21: {  	s3 =	sadd.s32 s3, s9;
	s6 =	sadd.s32 @!p0 $0x88, s6;
	s7 =	simm.s32 @p2 $0x1082  }
0x22: {  	[simem:s7], [sflag:s8] =	dma.local @!p0 [hbm:s6], $0xF7A  }
0x23: {  	s9 =	sor.u32 $0xD0000000, s2;
	s6 =	simm.s32 $0x108;
	_ =	swait.ge @!p0 [sflag:s8], $0x0  }
0x24: {  	s3 =	sadd.s32 $0x88, s3;
	s6 =	simm.s32 @!p1 $0x1082;
	[sflag:s4] =	ssyncset.s32 $0xFFFFF086  }
0x25: {  	[simem:s6], [sflag:s4] =	dma.local [hbm:s3], $0xF7A  }
0x26: {  	[smem:$0x3F76] =	sst s1;
	(tag) =	ssettag s2;
	_ =	strace s9  }
0x27: {  	s1 =	sld [smem:$0x3F86]  }
0x28: {  	s2 =	sld [smem:$0x3F87]  }
0x29: {  	s4 =	sld [smem:$0x3F89]  }
0x2a: {  	p0 =	seq.s32 s5, $0x0;
	s5 =	sld [smem:$0x3F8A]  }
0x2b: {  	s6 =	sld [smem:$0x3F8B]  }
0x2c: {  	s7 =	sld [smem:$0x3F8C]  }
0x2d: {  	s3 =	simm.s32 $0x108;
	s8 =	sld [smem:$0x3F8D]  }
0x2e: {  	s3 =	simm.s32 @!p0 $0x1082;
	s9 =	sld [smem:$0x3F8E]  }
0x2f: {  	lr =	sadd.s32 s0, s3;
	s0 =	sld [smem:$0x3F85]  }
0x30: {  	s3 =	sld [smem:$0x3F88]  }
0x31: {  	[smem:$0x3F91] =	sst s10  }
0x32: {  	s10 =	sld [smem:$0x3F8F];
	_ =	sdelay $0x3  }
0x33: {  	p0 =	seq.s32 s10, $0x1;
	s10 =	sld [smem:$0x3F91];
	_ =	sdelay $0x3  }
0x34: {  	[smem:$0x3F91] =	sst s10  }
0x35: {  	s10 =	sld [smem:$0x3F90];
	_ =	sdelay $0x3  }
0x36: {  	p1 =	seq.s32 s10, $0x1;
	s10 =	sld [smem:$0x3F91];
	_ =	sdelay $0x3  }
0x37: {  	[smem:$0x3F91] =	sst s10  }
0x38: {  	s10 =	sld [smem:$0x3F92]  }
0x39: {  	_ = 	snop;
	(pc) =	sbr.ind lr, $3  }
0x3a: {  	_ = 	snop  }
0x3b: {  	_ = 	snop  }
0x3c: {  	p2 =	seq.s32 s10, $0x1;
	s10 =	sld [smem:$0x3F91]  }
0x3d: {  	_ =	shalt  }
0x3e: {  	_ =	shalt  }
0x3f: {  	_ =	shalt  }
0x40: {  	_ =	shalt  }
0x41: {  	_ =	shalt  }
0x42: {  	_ =	shalt  }
0x43: {  	_ =	shalt  }
0x44: {  	_ =	shalt  }
0x45: {  	_ =	shalt  }
0x46: {  	_ =	shalt  }
0x47: {  	_ =	shalt  }
0x48: {  	_ =	shalt  }
0x49: {  	_ =	shalt  }
0x4a: {  	_ =	shalt  }
0x4b: {  	_ =	shalt  }
0x4c: {  	_ =	shalt  }
0x4d: {  	_ =	shalt  }
0x4e: {  	_ =	shalt  }
0x4f: {  	_ =	shalt  }
0x50: {  	_ =	shalt  }
0x51: {  	_ =	shalt  }
0x52: {  	_ =	shalt  }
0x53: {  	_ =	shalt  }
0x54: {  	_ =	shalt  }
0x55: {  	_ =	shalt  }
0x56: {  	_ =	shalt  }
0x57: {  	_ =	shalt  }
0x58: {  	_ =	shalt  }
0x59: {  	_ =	shalt  }
0x5a: {  	_ =	shalt  }
0x5b: {  	_ =	shalt  }
0x5c: {  	_ =	shalt  }
0x5d: {  	_ =	shalt  }
0x5e: {  	_ =	shalt  }
0x5f: {  	_ =	shalt  }
0x60: {  	_ =	shalt  }
0x61: {  	_ =	shalt  }
0x62: {  	_ =	shalt  }
0x63: {  	_ =	shalt  }
0x64: {  	_ =	shalt  }
0x65: {  	_ =	shalt  }
0x66: {  	_ =	shalt  }
0x67: {  	_ =	shalt  }
0x68: {  	_ =	shalt  }
0x69: {  	_ =	shalt  }
0x6a: {  	_ =	shalt  }
0x6b: {  	_ =	shalt  }
0x6c: {  	_ =	shalt  }
0x6d: {  	_ =	shalt  }
0x6e: {  	_ =	shalt  }
0x6f: {  	_ =	shalt  }
0x70: {  	_ =	shalt  }
0x71: {  	_ =	shalt  }
0x72: {  	_ =	shalt  }
0x73: {  	_ =	shalt  }
0x74: {  	_ =	shalt  }
0x75: {  	_ =	shalt  }
0x76: {  	_ =	shalt  }
0x77: {  	_ =	shalt  }
0x78: {  	_ =	shalt  }
0x79: {  	_ =	shalt  }
0x7a: {  	_ =	shalt  }
0x7b: {  	_ =	shalt  }
0x7c: {  	_ =	shalt  }
0x7d: {  	_ =	shalt  }
0x7e: {  	_ =	shalt  }
0x7f: {  	_ =	shalt  }
0x80: {  	_ =	shalt  }
0x81: {  	_ =	shalt  }
0x82: {  	_ =	shalt  }
0x83: {  	_ =	shalt  }
0x84: {  	_ =	shalt  }
0x85: {  	_ =	shalt  }
0x86: {  	_ =	shalt  }
0x87: {  	_ =	shalt  }
.Lfunc_end0:
.L_simem_size_0:
called_computation.2_lowered:
.L_overlay_start_0:
0x88: {  	s2 =	sld [smem:$0x3FD9]  }
0x89: {  	s3 =	sld [smem:$0x3FFE];
	_ =	sdelay $0x1  }
0x8a: {  	s1 =	srdreg.scid  }
0x8b: {  	s0 =	sand.u32 $0x1, s1  }
0x8c: {  	s16 =	sshll.u32 s0, $0xA;
	s2 =	sadd.s32 s3, s2  }
0x8d: {  	s2 =	sadd.s32 s2, s16  }
0x8e: {  	[smem:$0x3F9D] =	sst s2  }
0x8f: {  	_ = 	snop  }
0x90: {  	(tm) =	ssettm $0x1  }
0x91: {  	s17 =	sld [smem:$0x3FFB];
	_ =	sdelay $0x3  }
0x92: {  	_ =	strace s17  }
0x93: {  	s2 =	sld [smem:$0x3FFC];
	_ =	sdelay $0x3  }
0x94: {  	_ =	strace s2  }
0x95: {  	s2 =	sld [smem:$0x3FFD];
	_ =	sdelay $0x3  }
0x96: {  	_ =	strace s2  }
0x97: {  	_ =	strace $0x8FFFFFFF  }
0x98: {  	s18 =	sld [smem:$0x3FDB];
	_ =	sdelay $0x1  }
0x99: {  	s19 =	simm.s32 $_scs_section_size  }
0x9a: {  	s4 =	simm.s32 $_size__tile_overlayer_lowered;
	s5 =	simm.s32 $_tile_overlayer_lowered  }
0x9b: {  	s22 =	simm.s32 $0x1BFF;
	s21 =	sshll.u32 s5, $0x1;
	s2 =	sadd.s32 s19, s18  }
0x9c: {  	s6 =	simm.s32 $0x0;
	s20 =	sshll.u32 s4, $0x1;
	s4 =	sadd.s32 s21, s2  }
0x9d: {  	[timem:s6], [sflag:s22] =	dma.local [hbm:s4], s20  }
0x9e: {  	_ =	swait.ge [sflag:s22], s20  }
0x9f: {  	s3 =	ssub.s32 $0x0, s20;
	[sflag:s22] =	ssyncset.done $0x0  }
0xa0: {  	[sflag:s22] =	ssyncadd.s32 s3;
	_ =	sdelay $0x1  }
0xa1: {  	s23 =	simm.s32 $0x1B8B  }
0xa2: {  	_ =	swait.ge [sflag:s23], $0x1  }
0xa3: {  	[sflag:s23] =	ssyncset.done $0x0  }
0xa4: {  	s25 =	simm.s32 $0x1B8E;
	s24 =	sld [smem:$0x3FFE];
	[sflag:s23] =	ssyncadd.s32 $0xFFFFFFFF  }
0xa5: {  	s26 =	simm.s32 $execute0_lowered;
	[smem:$0x3FD2] =	sst s25  }
0xa6: {  	s4 =	sshll.u32 s26, $0x1;
	_ =	strace $0x8000004C;
	[dreg:$0x1] =	wrdreg $0xFFFFFFFF  }
0xa7: {  	s28 =	simm.s32 $_size_execute0_lowered;
	s2 =	sadd.s32 s2, s4;
	[dreg:$0x0] =	wrdreg $0x0  }
0xa8: {  	s4 =	sshll.u32 s28, $0x1;
	[dreg:$0x2] =	wrdreg s2  }
0xa9: {  	[dreg:$0x3] =	wrdreg s4  }
0xaa: {  	[dreg:$0x4] =	wrdreg $0xC0  }
0xab: {  	_ =	task [dreg:s6], $0x5FFFF  }
0xac: {  	[dreg:$0x1] =	wrdreg $0xFFFFFFFF  }
0xad: {  	[dreg:$0x0] =	wrdreg $0x60  }
0xae: {  	[dreg:$0x2] =	wrdreg s24  }
0xaf: {  	[dreg:$0x3] =	wrdreg $0xA4000  }
0xb0: {  	[dreg:$0x4] =	wrdreg $0x9  }
0xb1: {  	_ =	task.clear_ibuf [dreg:s6], $0x5FFFF;
	_ =	strace $0x9000004C  }
0xb2: {  	s29 =	simm.s32 $0x9;
	_ =	strace $0x8000004E  }
0xb3: {  	_ =	swait.ge [sflag:s29], $0x1  }
0xb4: {  	[sflag:s29] =	ssyncadd.s32 $0xFFFFFFFF  }
0xb5: {  	_ =	strace $0x9000004E  }
0xb6: {  	_ =	sfence  }
0xb7: {  	s30 =	sld [smem:$0x0];
	_ =	sdelay $0x2  }
0xb8: {  	s31 =	sshll.u32 s1, $0xD;
	s1 =	sshrl.u32 s1, $0x2  }
0xb9: {  	s3 =	sand.u32 $0x4000, s31;
	s1 =	sadd.s32 s1, s30  }
0xba: {  	s0 =	sor.u32 s3, s0;
	s1 =	sshll.u32 s1, $0x11  }
0xbb: {  	s0 =	sor.u32 s1, s0  }
0xbc: {  	s0 =	sadd.s32 $0x8F2B, s0  }
0xbd: {  	[sflag:s0] =	ssyncadd.remote.s32 $0x1  }
0xbe: {  	_ =	sfence.sel $0xFFFF  }
0xbf: {  	[dreg:$0x0] =	wrdreg $0xFFFFFFFF;
	(pc) =	sbr.abs _section_cstart, $3  }
0xc0: {  	[dreg:$0x1] =	wrdreg $0xFFFFFFFF  }
0xc1: {  	_ =	task.clear_ibuf [dreg:s6], $0x2FFFF;
	_ =	strace $0x9FFFFFFF  }
0xc2: {  	(tm) =	ssettm $0x7FFFFFFF  }
0xc3: {  	_ =	shalt  }
tec
execute0_lowered:
.L_overlay_start_1:
0x0: {  	(tag) =	ssettag $0x1  }
0x1: {  	s6 =	rddreg [dreg:$0x0]  }
0x2: {  	s1 =	rddreg [dreg:$0x1];
	s2 =	simm.s32 $0x0  }
0x3: {  	s0 =	srdreg.scid;
	s28 =	simm.s32 $0x50;
	s29 =	simm.s32 $0x2C00  }
0x4: {  	s30 =	simm.s32 $0x5400;
	s31 =	simm.s32 $0x7C00;
	[smem:$0x7FF] =	sst s2  }
0x5: {  	s17 =	stileid.u32;
	s7 =	sadd.s32 $0x4FD600, s6;
	s15 =	sadd.s32 $0x29B600, s6  }
0x6: {  	s0 =	sand.u32 $0x1, s0;
	s16 =	sadd.s32 $0x2C3600, s6;
	s18 =	smul.u32 $0x50000, s17  }
0x7: {  	s4 =	sadd.s32 $0x1B600, s6;
	s11 =	smul.u32 $0x280, s17;
	_ =	strace $0x8000004D  }
0x8: {  	s3 =	sshll.u32 s0, $0x4;
	[dreg:$0xa] =	wrdreg s15;
	s13 =	smul.u32 $0x27100, s0  }
0x9: {  	s8 =	ssub.s32 $0x2, s0;
	[dreg:$0xb] =	wrdreg s16;
	s15 =	smul.u32 $0x2710, s17  }
0xa: {  	p0 =	sne.s32 s0, $0x0;
	s5 =	sor.u32 s17, s3;
	s3 =	sadd.s32 $0x7C00, s6  }
0xb: {  	s10 =	sshrl.u32 s8, $0x1;
	s21 =	sshrl.u32 s18, $0x2;
	s23 =	sor.u32 $0x50, s11  }
0xc: {  	s25 =	sadd.s32 $0xA0, s11;
	s9 =	smul.u32 $0x2710, s5;
	s8 =	ssub.s32 s8, s10  }
0xd: {  	s5 =	sadd.s32 s21, s1;
	s24 =	sshll.u32 s23, $0x7;
	s14 =	sshll.u32 s25, $0x7  }
0xe: {  	s26 =	sshll.u32 s23, $0x4;
	s10 =	sadd.s32 $0xF0, s11;
	s13 =	sadd.s32 s15, s13  }
0xf: {  	s22 =	smax.u32 s8, $0x1;
	[dreg:$0x10] =	wrdreg s26;
	s8 =	sadd.s32 s14, s1  }
0x10: {  	s14 =	sshll.u32 s25, $0x4;
	s16 =	sshll.u32 s10, $0x7;
	[dreg:$0xf] =	wrdreg s5  }
0x11: {  	s18 =	sshll.u32 s10, $0x4;
	s15 =	sadd.s32 $0x4E2F0, s13;
	[dreg:$0xe] =	wrdreg s22  }
0x12: {  	s21 =	sadd.s32 $0xF0, s13;
	s25 =	sadd.s32 $0xA0, s13;
	[dreg:$0x11] =	wrdreg s8  }
0x13: {  	s6 =	sadd.s32 $0x4E250, s13;
	s9 =	sshrl.u32 s9, $0x3;
	[dreg:$0x12] =	wrdreg s14  }
0x14: {  	[dreg:$0x13] =	wrdreg s18;
	s14 =	sadd.s32 $0x140, s11;
	s26 =	sshrl.u32 s25, $0x3  }
0x15: {  	s18 =	sadd.s32 $0x50, s13;
	s12 =	sadd.s32 s7, s9;
	s9 =	sadd.s32 s3, s9  }
0x16: {  	s10 =	sshll.u32 s14, $0x7;
	s19 =	sadd.s32 $0x4D8, s12;
	s20 =	sadd.s32 $0xA118, s9  }
0x17: {  	s9 =	sadd.s32 s24, s1;
	s12 =	sadd.s32 s16, s1;
	[dreg:$0xc] =	wrdreg s19  }
0x18: {  	s16 =	sadd.s32 $0x4E2A0, s13;
	[dreg:$0xd] =	wrdreg s20;
	s19 =	sshrl.u32 s13, $0x3  }
0x19: {  	s20 =	sshrl.u32 s15, $0x3;
	s15 =	sshrl.u32 s21, $0x3;
	s8 =	sadd.s32 s19, s7  }
0x1a: {  	s23 =	sshrl.u32 s16, $0x3;
	s22 =	sadd.s32 s15, s7;
	[dreg:$0x3] =	wrdreg s8  }
0x1b: {  	s13 =	sadd.s32 $0x4E200, s13;
	s24 =	sadd.s32 s23, s3;
	[dreg:$0x5] =	wrdreg s22  }
0x1c: {  	s25 =	sshrl.u32 s13, $0x3;
	s13 =	sshrl.u32 s9, $0x3;
	[dreg:$0x6] =	wrdreg s24  }
0x1d: {  	s15 =	sshrl.u32 s6, $0x3;
	s8 =	sadd.s32 s20, s3;
	[dreg:$0x1a] =	wrdreg s13  }
0x1e: {  	s19 =	sadd.s32 $0x190, s11;
	s15 =	sadd.s32 s15, s3;
	[dreg:$0x4] =	wrdreg s8  }
0x1f: {  	s9 =	simm.s32 $0x400;
	s20 =	sadd.s32 s10, s1;
	[dreg:$0x8] =	wrdreg s15  }
0x20: {  	s21 =	sshll.u32 s19, $0x7;
	s22 =	sshll.u32 s14, $0x4;
	[dreg:$0x14] =	wrdreg s20  }
0x21: {  	s24 =	sshll.u32 s19, $0x4;
	s19 =	sadd.s32 $0x2800, s5;
	[dreg:$0x15] =	wrdreg s22  }
0x22: {  	s14 =	simm.s32 $0x200;
	s13 =	simm.s32 $0x6;
	[dreg:$0x16] =	wrdreg s24  }
0x23: {  	s8 =	sadd.s32 s26, s7;
	s15 =	sshrl.u32 s18, $0x3;
	[dreg:$0x1e] =	wrdreg s19  }
0x24: {  	s23 =	sadd.s32 s21, s1;
	s20 =	sadd.s32 $0x5000, s5;
	[dreg:$0x7] =	wrdreg s8  }
0x25: {  	s26 =	sadd.s32 $0x1E0, s11;
	s21 =	sadd.s32 $0x7800, s5;
	[dreg:$0x1f] =	wrdreg s20  }
0x26: {  	s11 =	sadd.s32 $0x230, s11;
	s22 =	sadd.s32 $0xA000, s5;
	[smem:$0x7F8] =	sst s21  }
0x27: {  	s18 =	sadd.s32 s25, s3;
	s24 =	sadd.s32 $0xF000, s5;
	[smem:$0x7F9] =	sst s22  }
0x28: {  	s25 =	sadd.s32 $0x11800, s5;
	s7 =	sadd.s32 s15, s7;
	[smem:$0x7FB] =	sst s24  }
0x29: {  	s6 =	sshll.u32 s26, $0x7;
	s10 =	sshll.u32 s26, $0x4;
	[smem:$0x7FC] =	sst s25  }
0x2a: {  	s15 =	sshrl.u32 s12, $0x3;
	s16 =	sshrl.u32 s23, $0x3;
	[dreg:$0x9] =	wrdreg s7  }
0x2b: {  	s23 =	sadd.s32 $0xC800, s5;
	s26 =	smul.u32 $0x2800, s17;
	[dreg:$0x18] =	wrdreg s10  }
0x2c: {  	s17 =	simm.s32 $0x80;
	s21 =	simm.s32 $0x280;
	[dreg:$0x1b] =	wrdreg s15  }
0x2d: {  	s22 =	simm.s32 $0x100;
	s24 =	simm.s32 $0x180;
	[dreg:$0x1c] =	wrdreg s16  }
0x2e: {  	s25 =	simm.s32 $0x380;
	s3 =	sadd.s32 s6, s1;
	[smem:$0x7FA] =	sst s23  }
0x2f: {  	s7 =	sshll.u32 s11, $0x7;
	s11 =	sshll.u32 s11, $0x4;
	[dreg:$0x17] =	wrdreg s3  }
0x30: {  	s12 =	simm.s32 $0x5;
	s23 =	simm.s32 $0x300;
	[dreg:$0x19] =	wrdreg s11  }
0x31: {  	s6 =	simm.s32 $0x0;
	s0 =	sadd.s32 s7, s1;
	[smem:$0x7FD] =	sst s26  }
0x32: {  	s26 =	simm.s32 $0x1;
	s7 =	simm.s32 $0x3;
	s0 =	sshrl.u32 s0, $0x3  }
0x33: {  	v0 =	vimm.f32 $0.0e+00;
	s3 =	simm.s32 $0x4;
	[dreg:$0x1d] =	wrdreg s0;
	s0 =	simm.s32 $0x2  }
.LBB2_1:
0x34: {  	s16 =	sand.u32 $0xFE00, s2  }
0x35: {  	[smem:$0x7F7] =	sst s6;
	s19 =	sand.u32 $0x70, s2;
	s20 =	sshrl.u32 s16, $0x2  }
0x36: {  	s16 =	simm.s32 $0x40;
	s20 =	sor.u32 s19, s20;
	s19 =	simm.s32 $0x0  }
.LBB2_2:
0x37: {  	p1 =	sne.s32 s16, $0x9FC0  }
0x38: {  	[tilespmem:s20+$0x400] =	vst v0;
	s19 =	sadd.s32 $0x10, s19;
	s20 =	smov.u32 s16;
	s16 =	sadd.s32 $0x40, s16  }
.Ltmp0:
0x39: {  	(pc) =	sbr.rel @p1 .LBB2_2-.Ltmp0, $4  }
0x3a: {  	_ = 	snop  }
0x3b: {  	s20 =	sand.u32 $0xFE00, s20  }
0x3c: {  	s8 =	sand.u32 $0x70, s19;
	s20 =	sshrl.u32 s20, $0x2  }
0x3d: {  	s20 =	sor.u32 s8, s20  }
0x3e: {  	[tilespmem:s20+$0x400] =	vst v0;
	s5 =	rddreg [dreg:$0xf];
	s6 =	simm.s32 $0x7  }
0x3f: {  	[spmem:s5] =	stream.linear.scatter [tilespmem:s9], [sflag:$0x7], $0x2800, $0x38;
	[tilespmem:$0x1E400] =	vst v63  }
0x40: {  	_ =	swait.ge [sflag:s6], $0x2800  }
0x41: {  	[sflag:s6] =	ssyncset.done $0x0  }
0x42: {  	s10 =	rddreg [dreg:$0x1e];
	[sflag:s6] =	ssyncadd.s32 $0xFFFFD800  }
0x43: {  	[spmem:s10] =	stream.linear.scatter [tilespmem:s9], [sflag:$0x7], $0x2800, $0x38;
	[tilespmem:$0x1E400] =	vst v63  }
0x44: {  	_ =	swait.ge [sflag:s6], $0x2800  }
0x45: {  	[sflag:s6] =	ssyncset.done $0x0  }
0x46: {  	s11 =	rddreg [dreg:$0x1f];
	[sflag:s6] =	ssyncadd.s32 $0xFFFFD800  }
0x47: {  	[spmem:s11] =	stream.linear.scatter [tilespmem:s9], [sflag:$0x7], $0x2800, $0x38;
	[tilespmem:$0x1E400] =	vst v63  }
0x48: {  	_ =	swait.ge [sflag:s6], $0x2800  }
0x49: {  	s15 =	sld [smem:$0x7F8]  }
0x4a: {  	[sflag:s6] =	ssyncset.done $0x0  }
0x4b: {  	[sflag:s6] =	ssyncadd.s32 $0xFFFFD800  }
0x4c: {  	[spmem:s15] =	stream.linear.scatter [tilespmem:s9], [sflag:$0x7], $0x2800, $0x38;
	[tilespmem:$0x1E400] =	vst v63  }
0x4d: {  	_ =	swait.ge [sflag:s6], $0x2800  }
0x4e: {  	s16 =	sld [smem:$0x7F9]  }
0x4f: {  	[sflag:s6] =	ssyncset.done $0x0  }
0x50: {  	[sflag:s6] =	ssyncadd.s32 $0xFFFFD800  }
0x51: {  	[spmem:s16] =	stream.linear.scatter [tilespmem:s9], [sflag:$0x7], $0x2800, $0x38;
	[tilespmem:$0x1E400] =	vst v63  }
0x52: {  	_ =	swait.ge [sflag:s6], $0x2800  }
0x53: {  	s19 =	sld [smem:$0x7FA]  }
0x54: {  	[sflag:s6] =	ssyncset.done $0x0  }
0x55: {  	[sflag:s6] =	ssyncadd.s32 $0xFFFFD800  }
0x56: {  	[spmem:s19] =	stream.linear.scatter [tilespmem:s9], [sflag:$0x7], $0x2800, $0x38;
	[tilespmem:$0x1E400] =	vst v63  }
0x57: {  	_ =	swait.ge [sflag:s6], $0x2800  }
0x58: {  	s20 =	sld [smem:$0x7FB]  }
0x59: {  	[sflag:s6] =	ssyncset.done $0x0  }
0x5a: {  	[sflag:s6] =	ssyncadd.s32 $0xFFFFD800  }
0x5b: {  	[spmem:s20] =	stream.linear.scatter [tilespmem:s9], [sflag:$0x7], $0x2800, $0x38;
	[tilespmem:$0x1E400] =	vst v63  }
0x5c: {  	_ =	swait.ge [sflag:s6], $0x2800  }
0x5d: {  	s8 =	sld [smem:$0x7FC]  }
0x5e: {  	[sflag:s6] =	ssyncset.done $0x0  }
0x5f: {  	[sflag:s6] =	ssyncadd.s32 $0xFFFFD800  }
0x60: {  	[spmem:s8] =	stream.linear.scatter [tilespmem:s9], [sflag:$0x7], $0x2800, $0x38;
	[tilespmem:$0x1E400] =	vst v63  }
0x61: {  	_ =	swait.ge [sflag:s6], $0x2800  }
0x62: {  	[sflag:s6] =	ssyncset.done $0x0  }
0x63: {  	[sflag:s6] =	ssyncadd.s32 $0xFFFFD800  }
0x64: {  	[bflag:$0x0] =	sbarrier.arrive $0xFFFF  }
0x65: {  	s8 =	rddreg [dreg:$0x3]  }
0x66: {  	s8 =	sadd.s32 $0x0, s8  }
0x67: {  	[tilespmem:s2], [sflag:$0x1] =	stream.linear.gather [hbm4b:s8+s2], $0x50, $0x38;
	[tilespmem:$0x1E400] =	vst v63  }
0x68: {  	s10 =	sadd.s32 $0x0, s18;
	s16 =	rddreg [dreg:$0x9]  }
0x69: {  	[tilespmem:s14], [sflag:$0x1] =	stream.linear.gather [hbm4b:s10+s2], $0x50, $0x38;
	[tilespmem:$0x1E400] =	vst v63  }
0x6a: {  	s19 =	rddreg [dreg:$0x8];
	s11 =	sadd.s32 $0x0, s16  }
0x6b: {  	[tilespmem:s17], [sflag:$0x1] =	stream.linear.gather [hbm4b:s11+s2], $0x50, $0x38;
	[tilespmem:$0x1E400] =	vst v63  }
0x6c: {  	s15 =	rddreg [dreg:$0x7];
	s20 =	sadd.s32 $0x0, s19  }
0x6d: {  	[tilespmem:s21], [sflag:$0x1] =	stream.linear.gather [hbm4b:s20+s2], $0x50, $0x38;
	[tilespmem:$0x1E400] =	vst v63  }
0x6e: {  	s5 =	rddreg [dreg:$0x6];
	s6 =	sadd.s32 $0x0, s15  }
0x6f: {  	[tilespmem:s22], [sflag:$0x1] =	stream.linear.gather [hbm4b:s6+s2], $0x50, $0x38;
	[tilespmem:$0x1E400] =	vst v63  }
0x70: {  	s10 =	rddreg [dreg:$0x5];
	s11 =	sadd.s32 $0x0, s5  }
0x71: {  	[tilespmem:s23], [sflag:$0x1] =	stream.linear.gather [hbm4b:s11+s2], $0x50, $0x38;
	[tilespmem:$0x1E400] =	vst v63  }
0x72: {  	s15 =	rddreg [dreg:$0x4];
	s16 =	sadd.s32 $0x0, s10  }
0x73: {  	[tilespmem:s24], [sflag:$0x1] =	stream.linear.gather [hbm4b:s16+s2], $0x50, $0x38;
	[tilespmem:$0x1E400] =	vst v63  }
0x74: {  	s20 =	sadd.s32 $0x0, s15  }
0x75: {  	[tilespmem:s25], [sflag:$0x1] =	stream.linear.gather [hbm4b:s20+s2], $0x50, $0x38;
	[tilespmem:$0x1E400] =	vst v63  }
0x76: {  	_ =	swait.ge [sflag:s26], $0x50  }
0x77: {  	[sflag:s26] =	ssyncset.done $0x0  }
0x78: {  	[sflag:s26] =	ssyncadd.s32 $0xFFFFFFB0  }
0x79: {  	_ =	swait.ge [sflag:s26], $0x50  }
0x7a: {  	[sflag:s26] =	ssyncset.done $0x0  }
0x7b: {  	[sflag:s26] =	ssyncadd.s32 $0xFFFFFFB0  }
0x7c: {  	_ =	swait.ge [sflag:s26], $0x50  }
0x7d: {  	[sflag:s26] =	ssyncset.done $0x0  }
0x7e: {  	[sflag:s26] =	ssyncadd.s32 $0xFFFFFFB0  }
0x7f: {  	_ =	swait.ge [sflag:s26], $0x50  }
0x80: {  	[sflag:s26] =	ssyncset.done $0x0  }
0x81: {  	[sflag:s26] =	ssyncadd.s32 $0xFFFFFFB0  }
0x82: {  	_ =	swait.ge [sflag:s26], $0x50  }
0x83: {  	[sflag:s26] =	ssyncset.done $0x0  }
0x84: {  	[sflag:s26] =	ssyncadd.s32 $0xFFFFFFB0  }
0x85: {  	_ =	swait.ge [sflag:s26], $0x50  }
0x86: {  	[sflag:s26] =	ssyncset.done $0x0  }
0x87: {  	[sflag:s26] =	ssyncadd.s32 $0xFFFFFFB0  }
0x88: {  	_ =	swait.ge [sflag:s26], $0x50  }
0x89: {  	[sflag:s26] =	ssyncset.done $0x0  }
0x8a: {  	[sflag:s26] =	ssyncadd.s32 $0xFFFFFFB0  }
0x8b: {  	_ =	swait.ge [sflag:s26], $0x50  }
0x8c: {  	[sflag:s26] =	ssyncset.done $0x0  }
0x8d: {  	[sflag:s26] =	ssyncadd.s32 $0xFFFFFFB0  }
0x8e: {  	[tilespmem:s9], [sflag:$0x2] =	stream.indirect.gather [hbm4b:s4+s28], $0x80, s2, s28, $0xb8;
	[tilespmem:$0x1E400] =	vst v63  }
0x8f: {  	_ = 	snop  }
0x90: {  	[tilespmem:s29], [sflag:$0x3] =	stream.indirect.gather [hbm4b:s4+s28], $0x80, s17, s28, $0xb8;
	[tilespmem:$0x1E400] =	vst v63  }
0x91: {  	_ = 	snop  }
0x92: {  	[tilespmem:s30], [sflag:$0x4] =	stream.indirect.gather [hbm4b:s4+s28], $0x80, s22, s28, $0xb8;
	[tilespmem:$0x1E400] =	vst v63  }
0x93: {  	_ = 	snop  }
0x94: {  	[tilespmem:s31], [sflag:$0x5] =	stream.indirect.gather [hbm4b:s4+s28], $0x80, s24, s28, $0xb8;
	[tilespmem:$0x1E400] =	vst v63  }
0x95: {  	_ =	swait.ge [sflag:s0], $0x2800  }
0x96: {  	[sflag:s0] =	ssyncset.done $0x0  }
0x97: {  	[sflag:s0] =	ssyncadd.s32 $0xFFFFD800  }
0x98: {  	[spmem:s1] =	stream.indirect.scatter.add.f32 [tilespmem:s9], [sflag:$0x6], $0x80, s14, s28, $0xb8;
	[tilespmem:$0x1E400] =	vst v63  }
0x99: {  	_ =	swait.ge [sflag:s7], $0x2800  }
0x9a: {  	[sflag:s7] =	ssyncset.done $0x0  }
0x9b: {  	[sflag:s7] =	ssyncadd.s32 $0xFFFFD800  }
0x9c: {  	[spmem:s1] =	stream.indirect.scatter.add.f32 [tilespmem:s29], [sflag:$0x6], $0x80, s21, s28, $0xb8;
	[tilespmem:$0x1E400] =	vst v63  }
0x9d: {  	_ =	swait.ge [sflag:s3], $0x2800  }
0x9e: {  	[sflag:s3] =	ssyncset.done $0x0  }
0x9f: {  	[sflag:s3] =	ssyncadd.s32 $0xFFFFD800  }
0xa0: {  	[spmem:s1] =	stream.indirect.scatter.add.f32 [tilespmem:s30], [sflag:$0x6], $0x80, s23, s28, $0xb8;
	[tilespmem:$0x1E400] =	vst v63  }
0xa1: {  	_ =	swait.ge [sflag:s12], $0x2800  }
0xa2: {  	[sflag:s12] =	ssyncset.done $0x0  }
0xa3: {  	[sflag:s12] =	ssyncadd.s32 $0xFFFFD800  }
0xa4: {  	[spmem:s1] =	stream.indirect.scatter.add.f32 [tilespmem:s31], [sflag:$0x6], $0x80, s25, s28, $0xb8;
	[tilespmem:$0x1E400] =	vst v63  }
0xa5: {  	_ =	swait.ge [sflag:s13], $0x2800  }
0xa6: {  	[sflag:s13] =	ssyncset.done $0x0  }
0xa7: {  	[sflag:s13] =	ssyncadd.s32 $0xFFFFD800  }
0xa8: {  	_ =	swait.ge [sflag:s13], $0x2800  }
0xa9: {  	[sflag:s13] =	ssyncset.done $0x0  }
0xaa: {  	[sflag:s13] =	ssyncadd.s32 $0xFFFFD800  }
0xab: {  	_ =	swait.ge [sflag:s13], $0x2800  }
0xac: {  	[sflag:s13] =	ssyncset.done $0x0  }
0xad: {  	[sflag:s13] =	ssyncadd.s32 $0xFFFFD800  }
0xae: {  	s19 =	simm.s32 $0x50;
	_ =	swait.ge [sflag:s13], $0x2800  }
0xaf: {  	s16 =	simm.s32 $0x28;
	s20 =	rddreg [dreg:$0x3];
	[sflag:s13] =	ssyncset.done $0x0  }
.LBB2_4:
0xb0: {  	[sflag:s13] =	ssyncadd.s32 $0xFFFFD800;
	s20 =	sadd.s32 s16, s20  }
0xb1: {  	[tilespmem:s2], [sflag:$0x1] =	stream.linear.gather [hbm4b:s20+s2], $0x50, $0x38;
	[tilespmem:$0x1E400] =	vst v63  }
0xb2: {  	s10 =	rddreg [dreg:$0x9];
	s5 =	sadd.s32 s16, s18  }
0xb3: {  	[tilespmem:s14], [sflag:$0x1] =	stream.linear.gather [hbm4b:s5+s2], $0x50, $0x38;
	[tilespmem:$0x1E400] =	vst v63  }
0xb4: {  	s6 =	rddreg [dreg:$0x8];
	s10 =	sadd.s32 s16, s10  }
0xb5: {  	[tilespmem:s17], [sflag:$0x1] =	stream.linear.gather [hbm4b:s10+s2], $0x50, $0x38;
	[tilespmem:$0x1E400] =	vst v63  }
0xb6: {  	s11 =	rddreg [dreg:$0x7];
	s6 =	sadd.s32 s16, s6  }
0xb7: {  	[tilespmem:s21], [sflag:$0x1] =	stream.linear.gather [hbm4b:s6+s2], $0x50, $0x38;
	[tilespmem:$0x1E400] =	vst v63  }
0xb8: {  	s15 =	rddreg [dreg:$0x6];
	s20 =	sadd.s32 s16, s11  }
0xb9: {  	[tilespmem:s22], [sflag:$0x1] =	stream.linear.gather [hbm4b:s20+s2], $0x50, $0x38;
	[tilespmem:$0x1E400] =	vst v63  }
0xba: {  	s5 =	rddreg [dreg:$0x5];
	s10 =	sadd.s32 s16, s15  }
0xbb: {  	[tilespmem:s23], [sflag:$0x1] =	stream.linear.gather [hbm4b:s10+s2], $0x50, $0x38;
	[tilespmem:$0x1E400] =	vst v63  }
0xbc: {  	s11 =	rddreg [dreg:$0x4];
	s15 =	sadd.s32 s16, s5  }
0xbd: {  	[tilespmem:s24], [sflag:$0x1] =	stream.linear.gather [hbm4b:s15+s2], $0x50, $0x38;
	[tilespmem:$0x1E400] =	vst v63  }
0xbe: {  	s20 =	sadd.s32 s16, s11  }
0xbf: {  	[tilespmem:s25], [sflag:$0x1] =	stream.linear.gather [hbm4b:s20+s2], $0x50, $0x38;
	[tilespmem:$0x1E400] =	vst v63  }
0xc0: {  	_ =	swait.ge [sflag:s26], $0x50  }
0xc1: {  	[sflag:s26] =	ssyncset.done $0x0  }
0xc2: {  	[sflag:s26] =	ssyncadd.s32 $0xFFFFFFB0  }
0xc3: {  	_ =	swait.ge [sflag:s26], $0x50  }
0xc4: {  	[sflag:s26] =	ssyncset.done $0x0  }
0xc5: {  	[sflag:s26] =	ssyncadd.s32 $0xFFFFFFB0  }
0xc6: {  	_ =	swait.ge [sflag:s26], $0x50  }
0xc7: {  	[sflag:s26] =	ssyncset.done $0x0  }
0xc8: {  	[sflag:s26] =	ssyncadd.s32 $0xFFFFFFB0  }
0xc9: {  	_ =	swait.ge [sflag:s26], $0x50  }
0xca: {  	[sflag:s26] =	ssyncset.done $0x0  }
0xcb: {  	[sflag:s26] =	ssyncadd.s32 $0xFFFFFFB0  }
0xcc: {  	_ =	swait.ge [sflag:s26], $0x50  }
0xcd: {  	[sflag:s26] =	ssyncset.done $0x0  }
0xce: {  	[sflag:s26] =	ssyncadd.s32 $0xFFFFFFB0  }
0xcf: {  	_ =	swait.ge [sflag:s26], $0x50  }
0xd0: {  	[sflag:s26] =	ssyncset.done $0x0  }
0xd1: {  	[sflag:s26] =	ssyncadd.s32 $0xFFFFFFB0  }
0xd2: {  	_ =	swait.ge [sflag:s26], $0x50  }
0xd3: {  	[sflag:s26] =	ssyncset.done $0x0  }
0xd4: {  	[sflag:s26] =	ssyncadd.s32 $0xFFFFFFB0  }
0xd5: {  	_ =	swait.ge [sflag:s26], $0x50  }
0xd6: {  	[sflag:s26] =	ssyncset.done $0x0  }
0xd7: {  	[sflag:s26] =	ssyncadd.s32 $0xFFFFFFB0  }
0xd8: {  	[tilespmem:s9], [sflag:$0x2] =	stream.indirect.gather [hbm4b:s4+s28], $0x80, s2, s28, $0xb8;
	[tilespmem:$0x1E400] =	vst v63  }
0xd9: {  	_ = 	snop  }
0xda: {  	[tilespmem:s29], [sflag:$0x3] =	stream.indirect.gather [hbm4b:s4+s28], $0x80, s17, s28, $0xb8;
	[tilespmem:$0x1E400] =	vst v63  }
0xdb: {  	_ = 	snop  }
0xdc: {  	[tilespmem:s30], [sflag:$0x4] =	stream.indirect.gather [hbm4b:s4+s28], $0x80, s22, s28, $0xb8;
	[tilespmem:$0x1E400] =	vst v63  }
0xdd: {  	_ = 	snop  }
0xde: {  	[tilespmem:s31], [sflag:$0x5] =	stream.indirect.gather [hbm4b:s4+s28], $0x80, s24, s28, $0xb8;
	[tilespmem:$0x1E400] =	vst v63  }
0xdf: {  	_ =	swait.ge [sflag:s0], $0x2800  }
0xe0: {  	[sflag:s0] =	ssyncset.done $0x0  }
0xe1: {  	[sflag:s0] =	ssyncadd.s32 $0xFFFFD800  }
0xe2: {  	[spmem:s1] =	stream.indirect.scatter.add.f32 [tilespmem:s9], [sflag:$0x6], $0x80, s14, s28, $0xb8;
	[tilespmem:$0x1E400] =	vst v63  }
0xe3: {  	_ =	swait.ge [sflag:s7], $0x2800  }
0xe4: {  	[sflag:s7] =	ssyncset.done $0x0  }
0xe5: {  	[sflag:s7] =	ssyncadd.s32 $0xFFFFD800  }
0xe6: {  	[spmem:s1] =	stream.indirect.scatter.add.f32 [tilespmem:s29], [sflag:$0x6], $0x80, s21, s28, $0xb8;
	[tilespmem:$0x1E400] =	vst v63  }
0xe7: {  	_ =	swait.ge [sflag:s3], $0x2800  }
0xe8: {  	[sflag:s3] =	ssyncset.done $0x0  }
0xe9: {  	[sflag:s3] =	ssyncadd.s32 $0xFFFFD800  }
0xea: {  	[spmem:s1] =	stream.indirect.scatter.add.f32 [tilespmem:s30], [sflag:$0x6], $0x80, s23, s28, $0xb8;
	[tilespmem:$0x1E400] =	vst v63  }
0xeb: {  	_ =	swait.ge [sflag:s12], $0x2800  }
0xec: {  	[sflag:s12] =	ssyncset.done $0x0  }
0xed: {  	[sflag:s12] =	ssyncadd.s32 $0xFFFFD800  }
0xee: {  	[spmem:s1] =	stream.indirect.scatter.add.f32 [tilespmem:s31], [sflag:$0x6], $0x80, s25, s28, $0xb8;
	[tilespmem:$0x1E400] =	vst v63  }
0xef: {  	_ =	swait.ge [sflag:s13], $0x2800  }
0xf0: {  	[sflag:s13] =	ssyncset.done $0x0  }
0xf1: {  	[sflag:s13] =	ssyncadd.s32 $0xFFFFD800  }
0xf2: {  	_ =	swait.ge [sflag:s13], $0x2800  }
0xf3: {  	[sflag:s13] =	ssyncset.done $0x0  }
0xf4: {  	p1 =	sne.s32 s19, $0x4B0;
	[sflag:s13] =	ssyncadd.s32 $0xFFFFD800  }
.Ltmp1:
0xf5: {  	_ =	swait.ge [sflag:s13], $0x2800;
	(pc) =	sbr.rel @p1 .LBB2_4-.Ltmp1, $4  }
0xf6: {  	[sflag:s13] =	ssyncset.done $0x0  }
0xf7: {  	[sflag:s13] =	ssyncadd.s32 $0xFFFFD800  }
0xf8: {  	s8 =	smov.u32 s19;
	s19 =	sadd.s32 $0x28, s19;
	_ =	swait.ge [sflag:s13], $0x2800  }
0xf9: {  	s16 =	smov.u32 s8;
	s20 =	rddreg [dreg:$0x3];
	[sflag:s13] =	ssyncset.done $0x0  }
0xfa: {  	[sflag:s13] =	ssyncadd.s32 $0xFFFFD800;
	s6 =	sadd.s32 s16, s20  }
0xfb: {  	[tilespmem:s2], [sflag:$0x1] =	stream.linear.gather [hbm4b:s6+s2], $0x50, $0x38;
	[tilespmem:$0x1E400] =	vst v63  }
0xfc: {  	s8 =	rddreg [dreg:$0x9];
	s19 =	sadd.s32 s16, s18  }
0xfd: {  	[tilespmem:s14], [sflag:$0x1] =	stream.linear.gather [hbm4b:s19+s2], $0x50, $0x38;
	[tilespmem:$0x1E400] =	vst v63  }
0xfe: {  	s10 =	rddreg [dreg:$0x8];
	s20 =	sadd.s32 s16, s8  }
0xff: {  	[tilespmem:s17], [sflag:$0x1] =	stream.linear.gather [hbm4b:s20+s2], $0x50, $0x38;
	[tilespmem:$0x1E400] =	vst v63  }
0x100: {  	s5 =	rddreg [dreg:$0x7];
	s10 =	sadd.s32 s16, s10  }
0x101: {  	[tilespmem:s21], [sflag:$0x1] =	stream.linear.gather [hbm4b:s10+s2], $0x50, $0x38;
	[tilespmem:$0x1E400] =	vst v63  }
0x102: {  	s11 =	rddreg [dreg:$0x6];
	s15 =	sadd.s32 s16, s5  }
0x103: {  	[tilespmem:s22], [sflag:$0x1] =	stream.linear.gather [hbm4b:s15+s2], $0x50, $0x38;
	[tilespmem:$0x1E400] =	vst v63  }
0x104: {  	s19 =	rddreg [dreg:$0x5];
	s20 =	sadd.s32 s16, s11  }
0x105: {  	[tilespmem:s23], [sflag:$0x1] =	stream.linear.gather [hbm4b:s20+s2], $0x50, $0x38;
	[tilespmem:$0x1E400] =	vst v63  }
0x106: {  	s5 =	rddreg [dreg:$0x4];
	s8 =	sadd.s32 s16, s19  }
0x107: {  	[tilespmem:s24], [sflag:$0x1] =	stream.linear.gather [hbm4b:s8+s2], $0x50, $0x38;
	[tilespmem:$0x1E400] =	vst v63  }
0x108: {  	s10 =	sadd.s32 s16, s5  }
0x109: {  	[tilespmem:s25], [sflag:$0x1] =	stream.linear.gather [hbm4b:s10+s2], $0x50, $0x38;
	[tilespmem:$0x1E400] =	vst v63  }
0x10a: {  	_ =	swait.ge [sflag:s26], $0x50  }
0x10b: {  	[sflag:s26] =	ssyncset.done $0x0  }
0x10c: {  	[sflag:s26] =	ssyncadd.s32 $0xFFFFFFB0  }
0x10d: {  	_ =	swait.ge [sflag:s26], $0x50  }
0x10e: {  	[sflag:s26] =	ssyncset.done $0x0  }
0x10f: {  	[sflag:s26] =	ssyncadd.s32 $0xFFFFFFB0  }
0x110: {  	_ =	swait.ge [sflag:s26], $0x50  }
0x111: {  	[sflag:s26] =	ssyncset.done $0x0  }
0x112: {  	[sflag:s26] =	ssyncadd.s32 $0xFFFFFFB0  }
0x113: {  	_ =	swait.ge [sflag:s26], $0x50  }
0x114: {  	[sflag:s26] =	ssyncset.done $0x0  }
0x115: {  	[sflag:s26] =	ssyncadd.s32 $0xFFFFFFB0  }
0x116: {  	_ =	swait.ge [sflag:s26], $0x50  }
0x117: {  	[sflag:s26] =	ssyncset.done $0x0  }
0x118: {  	[sflag:s26] =	ssyncadd.s32 $0xFFFFFFB0  }
0x119: {  	_ =	swait.ge [sflag:s26], $0x50  }
0x11a: {  	[sflag:s26] =	ssyncset.done $0x0  }
0x11b: {  	[sflag:s26] =	ssyncadd.s32 $0xFFFFFFB0  }
0x11c: {  	_ =	swait.ge [sflag:s26], $0x50  }
0x11d: {  	[sflag:s26] =	ssyncset.done $0x0  }
0x11e: {  	[sflag:s26] =	ssyncadd.s32 $0xFFFFFFB0  }
0x11f: {  	_ =	swait.ge [sflag:s26], $0x50  }
0x120: {  	[sflag:s26] =	ssyncset.done $0x0  }
0x121: {  	[sflag:s26] =	ssyncadd.s32 $0xFFFFFFB0  }
0x122: {  	[tilespmem:s9], [sflag:$0x2] =	stream.indirect.gather [hbm4b:s4+s28], $0x80, s2, s28, $0xb8;
	[tilespmem:$0x1E400] =	vst v63  }
0x123: {  	_ = 	snop  }
0x124: {  	[tilespmem:s29], [sflag:$0x3] =	stream.indirect.gather [hbm4b:s4+s28], $0x80, s17, s28, $0xb8;
	[tilespmem:$0x1E400] =	vst v63  }
0x125: {  	_ = 	snop  }
0x126: {  	[tilespmem:s30], [sflag:$0x4] =	stream.indirect.gather [hbm4b:s4+s28], $0x80, s22, s28, $0xb8;
	[tilespmem:$0x1E400] =	vst v63  }
0x127: {  	_ = 	snop  }
0x128: {  	[tilespmem:s31], [sflag:$0x5] =	stream.indirect.gather [hbm4b:s4+s28], $0x80, s24, s28, $0xb8;
	[tilespmem:$0x1E400] =	vst v63  }
0x129: {  	_ =	swait.ge [sflag:s0], $0x2800  }
0x12a: {  	[sflag:s0] =	ssyncset.done $0x0  }
0x12b: {  	[sflag:s0] =	ssyncadd.s32 $0xFFFFD800  }
0x12c: {  	[spmem:s1] =	stream.indirect.scatter.add.f32 [tilespmem:s9], [sflag:$0x6], $0x80, s14, s28, $0xb8;
	[tilespmem:$0x1E400] =	vst v63  }
0x12d: {  	_ =	swait.ge [sflag:s7], $0x2800  }
0x12e: {  	[sflag:s7] =	ssyncset.done $0x0  }
0x12f: {  	[sflag:s7] =	ssyncadd.s32 $0xFFFFD800  }
0x130: {  	[spmem:s1] =	stream.indirect.scatter.add.f32 [tilespmem:s29], [sflag:$0x6], $0x80, s21, s28, $0xb8;
	[tilespmem:$0x1E400] =	vst v63  }
0x131: {  	_ =	swait.ge [sflag:s3], $0x2800  }
0x132: {  	[sflag:s3] =	ssyncset.done $0x0  }
0x133: {  	[sflag:s3] =	ssyncadd.s32 $0xFFFFD800  }
0x134: {  	[spmem:s1] =	stream.indirect.scatter.add.f32 [tilespmem:s30], [sflag:$0x6], $0x80, s23, s28, $0xb8;
	[tilespmem:$0x1E400] =	vst v63  }
0x135: {  	_ =	swait.ge [sflag:s12], $0x2800  }
0x136: {  	[sflag:s12] =	ssyncset.done $0x0  }
0x137: {  	[sflag:s12] =	ssyncadd.s32 $0xFFFFD800  }
0x138: {  	[spmem:s1] =	stream.indirect.scatter.add.f32 [tilespmem:s31], [sflag:$0x6], $0x80, s25, s28, $0xb8;
	[tilespmem:$0x1E400] =	vst v63  }
0x139: {  	_ =	swait.ge [sflag:s13], $0x2800  }
0x13a: {  	[sflag:s13] =	ssyncset.done $0x0  }
0x13b: {  	[sflag:s13] =	ssyncadd.s32 $0xFFFFD800  }
0x13c: {  	_ =	swait.ge [sflag:s13], $0x2800  }
0x13d: {  	[sflag:s13] =	ssyncset.done $0x0  }
0x13e: {  	[sflag:s13] =	ssyncadd.s32 $0xFFFFD800  }
0x13f: {  	_ =	swait.ge [sflag:s13], $0x2800  }
0x140: {  	[sflag:s13] =	ssyncset.done $0x0  }
0x141: {  	[sflag:s13] =	ssyncadd.s32 $0xFFFFD800  }
0x142: {  	_ =	swait.ge [sflag:s13], $0x2800  }
0x143: {  	[sflag:s13] =	ssyncset.done $0x0  }
0x144: {  	s5 =	rddreg [dreg:$0xc];
	[sflag:s13] =	ssyncadd.s32 $0xFFFFD800  }
0x145: {  	[tilespmem:s2], [sflag:$0x1] =	stream.linear.gather [hbm4b:s5+s2], $0x50, $0x38;
	[tilespmem:$0x1E400] =	vst v63  }
0x146: {  	s11 =	rddreg [dreg:$0xd]  }
0x147: {  	[tilespmem:s14], [sflag:$0x1] =	stream.linear.gather [hbm4b:s11+s2], $0x50, $0x38;
	[tilespmem:$0x1E400] =	vst v63  }
0x148: {  	_ =	swait.ge [sflag:s26], $0x50  }
0x149: {  	[sflag:s26] =	ssyncset.done $0x0  }
0x14a: {  	[sflag:s26] =	ssyncadd.s32 $0xFFFFFFB0  }
0x14b: {  	_ =	swait.ge [sflag:s26], $0x50  }
0x14c: {  	[sflag:s26] =	ssyncset.done $0x0  }
0x14d: {  	[sflag:s26] =	ssyncadd.s32 $0xFFFFFFB0  }
0x14e: {  	[tilespmem:s9], [sflag:$0x2] =	stream.indirect.gather [hbm4b:s4+s28], $0x80, s2, s28, $0xb8;
	[tilespmem:$0x1E400] =	vst v63  }
0x14f: {  	_ =	swait.ge [sflag:s0], $0x2800  }
0x150: {  	[sflag:s0] =	ssyncset.done $0x0  }
0x151: {  	[sflag:s0] =	ssyncadd.s32 $0xFFFFD800  }
0x152: {  	[spmem:s1] =	stream.indirect.scatter.add.f32 [tilespmem:s9], [sflag:$0x6], $0x80, s14, s28, $0xb8;
	[tilespmem:$0x1E400] =	vst v63  }
0x153: {  	_ =	swait.ge [sflag:s13], $0x2800  }
0x154: {  	[sflag:s13] =	ssyncset.done $0x0  }
0x155: {  	[sflag:s13] =	ssyncadd.s32 $0xFFFFD800  }
0x156: {  	[bflag:$0x0] =	sbarrier.arrive $0xFFFF  }
0x157: {  	s5 =	stileid.u32;
	s11 =	sld [smem:$0x7FD]  }
0x158: {  	s6 =	sshll.u32 @p0 s5, $0x6;
	s8 =	rddreg [dreg:$0xb]  }
0x159: {  	s15 =	sor.u32 @p0 $0x1C07, s6;
	s10 =	rddreg [dreg:$0xf]  }
0x15a: {  	[smem:$0x7F6] =	sst s15;
	s6 =	sshrl.u32 @p0 s10, $0x3;
	s8 =	sadd.s32 @p0 s8, s11  }
0x15b: {  	[hbm:s8], [sflag:s15] =	dma.local @p0 [spmem:s6], $0x500  }
0x15c: {  	s6 =	simm.s32 @p0 $0x7  }
0x15d: {  	_ =	swait.ge @p0 [sflag:s6], $0x500  }
0x15e: {  	[sflag:s6] =	ssyncset.done @p0 $0x0  }
0x15f: {  	[sflag:s6] =	ssyncadd.s32 @p0 $0xFFFFFB00;
	s6 =	sshll.u32 @!p0 s5, $0x6  }
0x160: {  	s15 =	rddreg [dreg:$0xa];
	s6 =	sor.u32 @!p0 $0x1C08, s6  }
0x161: {  	s10 =	sshrl.u32 @!p0 s10, $0x3;
	s8 =	sadd.s32 @!p0 s15, s11;
	[smem:$0x7F4] =	sst s6  }
0x162: {  	[hbm:s8], [sflag:s6] =	dma.local @!p0 [spmem:s10], $0x500  }
0x163: {  	s16 =	simm.s32 @!p0 $0x8;
	s8 =	simm.s32 @!p0 $0x8  }
0x164: {  	s16 =	simm.s32 @p0 $0x7;
	s5 =	sshll.u32 s5, $0x6;
	_ =	swait.ge @!p0 [sflag:s8], $0x500  }
0x165: {  	s20 =	smov.u32 s15;
	s5 =	sadd.s32 s16, s5;
	s6 =	rddreg [dreg:$0xb]  }
0x166: {  	s5 =	sadd.s32 $0x1C00, s5;
	s10 =	smov.u32 s15;
	s15 =	rddreg [dreg:$0x10]  }
0x167: {  	[sflag:s8] =	ssyncset.done @!p0 $0x0;
	[smem:$0x7F5] =	sst s5;
	s20 =	smov.u32 @p0 s6  }
0x168: {  	s11 =	rddreg [dreg:$0x1a];
	[sflag:s8] =	ssyncadd.s32 @!p0 $0xFFFFFB00;
	s19 =	sadd.s32 s20, s15  }
0x169: {  	[hbm:s19], [sflag:s5] =	dma.local [spmem:s11], $0x500  }
0x16a: {  	_ =	swait.ge [sflag:s16], $0x500  }
0x16b: {  	s8 =	rddreg [dreg:$0x12]  }
0x16c: {  	s15 =	sadd.s32 @p0 s6, s8;
	s6 =	sld [smem:$0x7F6]  }
0x16d: {  	[sflag:s16] =	ssyncset.done $0x0;
	s5 =	rddreg [dreg:$0x11]  }
0x16e: {  	[sflag:s16] =	ssyncadd.s32 $0xFFFFFB00;
	s11 =	sshrl.u32 @p0 s5, $0x3  }
0x16f: {  	[hbm:s15], [sflag:s6] =	dma.local @p0 [spmem:s11], $0x500  }
0x170: {  	s6 =	simm.s32 @p0 $0x7  }
0x171: {  	_ =	swait.ge @p0 [sflag:s6], $0x500  }
0x172: {  	s19 =	sld [smem:$0x7F4]  }
0x173: {  	s11 =	sadd.s32 @!p0 s10, s8;
	[sflag:s6] =	ssyncset.done @p0 $0x0  }
0x174: {  	s15 =	sshrl.u32 @!p0 s5, $0x3;
	s5 =	simm.s32 @!p0 $0x8;
	[sflag:s6] =	ssyncadd.s32 @p0 $0xFFFFFB00  }
0x175: {  	[hbm:s11], [sflag:s19] =	dma.local @!p0 [spmem:s15], $0x500  }
0x176: {  	_ =	swait.ge @!p0 [sflag:s5], $0x500  }
0x177: {  	s15 =	rddreg [dreg:$0x13]  }
0x178: {  	s6 =	sadd.s32 s20, s15;
	s15 =	sld [smem:$0x7F5]  }
0x179: {  	[sflag:s5] =	ssyncset.done @!p0 $0x0  }
0x17a: {  	s8 =	rddreg [dreg:$0x1b];
	[sflag:s5] =	ssyncadd.s32 @!p0 $0xFFFFFB00  }
0x17b: {  	[hbm:s6], [sflag:s15] =	dma.local [spmem:s8], $0x500  }
0x17c: {  	_ =	swait.ge [sflag:s16], $0x500  }
0x17d: {  	s6 =	rddreg [dreg:$0x15]  }
0x17e: {  	s5 =	rddreg [dreg:$0xb]  }
0x17f: {  	s11 =	sadd.s32 @p0 s5, s6;
	s5 =	sld [smem:$0x7F6]  }
0x180: {  	[sflag:s16] =	ssyncset.done $0x0;
	s8 =	rddreg [dreg:$0x14]  }
0x181: {  	[sflag:s16] =	ssyncadd.s32 $0xFFFFFB00;
	s15 =	sshrl.u32 @p0 s8, $0x3  }
0x182: {  	[hbm:s11], [sflag:s5] =	dma.local @p0 [spmem:s15], $0x500  }
0x183: {  	s11 =	simm.s32 @p0 $0x7  }
0x184: {  	_ =	swait.ge @p0 [sflag:s11], $0x500  }
0x185: {  	s15 =	sshrl.u32 @!p0 s8, $0x3;
	[sflag:s11] =	ssyncset.done @p0 $0x0  }
0x186: {  	s5 =	simm.s32 @!p0 $0x8;
	[sflag:s11] =	ssyncadd.s32 @p0 $0xFFFFFB00;
	s11 =	sadd.s32 @!p0 s10, s6  }
0x187: {  	[hbm:s11], [sflag:s19] =	dma.local @!p0 [spmem:s15], $0x500  }
0x188: {  	_ =	swait.ge @!p0 [sflag:s5], $0x500  }
0x189: {  	s8 =	sld [smem:$0x7F5]  }
0x18a: {  	s10 =	smov.u32 s19;
	[sflag:s5] =	ssyncset.done @!p0 $0x0;
	s19 =	rddreg [dreg:$0x16]  }
0x18b: {  	s6 =	rddreg [dreg:$0x1c];
	[sflag:s5] =	ssyncadd.s32 @!p0 $0xFFFFFB00;
	s5 =	sadd.s32 s20, s19  }
0x18c: {  	[hbm:s5], [sflag:s8] =	dma.local [spmem:s6], $0x500  }
0x18d: {  	_ =	swait.ge [sflag:s16], $0x500  }
0x18e: {  	s6 =	rddreg [dreg:$0x18]  }
0x18f: {  	s5 =	rddreg [dreg:$0xb]  }
0x190: {  	s19 =	sld [smem:$0x7F6]  }
0x191: {  	[sflag:s16] =	ssyncset.done $0x0;
	s11 =	sadd.s32 @p0 s5, s6;
	s5 =	rddreg [dreg:$0x17]  }
0x192: {  	[sflag:s16] =	ssyncadd.s32 $0xFFFFFB00;
	s15 =	sshrl.u32 @p0 s5, $0x3  }
0x193: {  	[hbm:s11], [sflag:s19] =	dma.local @p0 [spmem:s15], $0x500  }
0x194: {  	s11 =	simm.s32 @p0 $0x7  }
0x195: {  	_ =	swait.ge @p0 [sflag:s11], $0x500  }
0x196: {  	[sflag:s11] =	ssyncset.done @p0 $0x0  }
0x197: {  	[sflag:s11] =	ssyncadd.s32 @p0 $0xFFFFFB00;
	s11 =	rddreg [dreg:$0xa]  }
0x198: {  	s15 =	sshrl.u32 @!p0 s5, $0x3;
	s5 =	simm.s32 @!p0 $0x8;
	s11 =	sadd.s32 @!p0 s11, s6  }
0x199: {  	[hbm:s11], [sflag:s10] =	dma.local @!p0 [spmem:s15], $0x500  }
0x19a: {  	_ =	swait.ge @!p0 [sflag:s5], $0x500  }
0x19b: {  	[sflag:s5] =	ssyncset.done @!p0 $0x0;
	s10 =	rddreg [dreg:$0x19]  }
0x19c: {  	s15 =	rddreg [dreg:$0x1d];
	[sflag:s5] =	ssyncadd.s32 @!p0 $0xFFFFFB00;
	s11 =	sadd.s32 s20, s10  }
0x19d: {  	[hbm:s11], [sflag:s8] =	dma.local [spmem:s15], $0x500  }
0x19e: {  	_ =	swait.ge [sflag:s16], $0x500  }
0x19f: {  	s19 =	sld [smem:$0x7F7];
	_ =	sdelay $0x2  }
0x1a0: {  	s20 =	rddreg [dreg:$0xe];
	s6 =	sadd.s32 $0x1, s19  }
0x1a1: {  	p1 =	sne.s32 s6, s20  }
.Ltmp2:
0x1a2: {  	_ = 	snop;
	(pc) =	sbr.rel @p1 .LBB2_1-.Ltmp2, $3  }
0x1a3: {  	_ =	sdelay $0x1  }
0x1a4: {  	[sflag:s16] =	ssyncset.done $0x0  }
0x1a5: {  	[sflag:s16] =	ssyncadd.s32 $0xFFFFFB00  }
0x1a6: {  	_ =	sfence.sel $0x180000  }
0x1a7: {  	[bflag:$0x0] =	sbarrier.arrive $0xFFFF  }
0x1a8: {  	_ =	strace $0x9000004D  }
0x1a9: {  	s0 =	stileid.u32;
	[bflag:$0x2] =	sbarrier.arrive $0xFFFF  }
0x1aa: {  	p0 =	sne.s32 s0, $0x0;
	s0 =	rddreg [dreg:$0x2]  }
0x1ab: {  	s0 =	sadd.s32 @!p0 $0x100000, s0  }
0x1ac: {  	[sflag:s0] =	ssyncadd.tile.s32 @!p0 $0x1;
	_ =	shalt  }
.Lfunc_end2:
_tile_overlayer_lowered:
.L_overlay_start_2:
0x1ad: {  	(tag) =	ssettag $0x2  }
0x1ae: {  	s0 =	rddreg [dreg:$0x0];
	s2 =	stileid.u32  }
0x1af: {  	s1 =	rddreg [dreg:$0x1];
	p0 =	sne.s32 s2, $0x0  }
0x1b0: {  	s3 =	rddreg [dreg:$0x2];
	[bflag:$0x3] =	sbarrier.arrive $0xFFFF;
	s2 =	simm.s32 @!p0 $0x1C07  }
0x1b1: {  	[timem:s3], [sflag:s2] =	dma.local @!p0 [hbm:s0], s1  }
0x1b2: {  	s0 =	simm.s32 @!p0 $0x7  }
0x1b3: {  	_ =	swait.ge @!p0 [sflag:s0], s1  }
0x1b4: {  	s1 =	ssub.s32 @!p0 $0x0, s1;
	[sflag:s0] =	ssyncset.done @!p0 $0x0  }
0x1b5: {  	[sflag:s0] =	ssyncadd.s32 @!p0 s1  }
0x1b6: {  	[bflag:$0x3] =	sbarrier.arrive $0xFFFF  }
0x1b7: {  	_ =	shalt  }

// kernel: kernel.20.cloned.1.call-start
scs
__scs_entry_jumppad:
0x0: {  	(pc) =	sbr.rel $0x88, $3  }
0x1: {  	(tag) =	ssettag $0x0;
	lr =	simm.s32 $0x1  }
0x2: {  	[smem:$0x3F76] =	sst lr;
	_ =	strace $0xD0000000  }
0x3: {  	_ = 	snop  }
0x4: {  	_ = 	snop  }
0x5: {  	_ = 	snop  }
0x6: {  	_ = 	snop  }
0x7: {  	_ = 	snop  }
__scs_overlays_trampoline_lowered:
0x8: {  	[smem:$0x3F85] =	sst s0  }
0x9: {  	[smem:$0x3F86] =	sst s1  }
0xa: {  	[smem:$0x3F87] =	sst s2  }
0xb: {  	[smem:$0x3F88] =	sst s3  }
0xc: {  	[smem:$0x3F89] =	sst s4  }
0xd: {  	[smem:$0x3F8A] =	sst s5  }
0xe: {  	[smem:$0x3F8B] =	sst s6  }
0xf: {  	[smem:$0x3F8C] =	sst s7  }
0x10: {  	[smem:$0x3F8D] =	sst s8  }
0x11: {  	[smem:$0x3F8E] =	sst s9;
	s0 =	simm.s32 @!p0 $0x0  }
0x12: {  	s1 =	sld [smem:$0x3F74];
	s0 =	simm.s32 @p0 $0x1  }
0x13: {  	[smem:$0x3F8F] =	sst s0;
	s0 =	simm.s32 @!p1 $0x0  }
0x14: {  	s2 =	sld [smem:$0x3F73];
	s0 =	simm.s32 @p1 $0x1  }
0x15: {  	[smem:$0x3F90] =	sst s0;
	s0 =	simm.s32 @!p2 $0x0  }
0x16: {  	s3 =	sld [smem:$0x3FDB];
	s0 =	simm.s32 @p2 $0x1  }
0x17: {  	s4 =	simm.s32 $0x1BF5;
	[smem:$0x3F92] =	sst s0  }
0x18: {  	s0 =	sld [smem:$0x3F75];
	_ =	swait.ge [sflag:s4], $0x0  }
0x19: {  	s7 =	sld [smem:$0x3F76]  }
0x1a: {  	s8 =	sadd.s32 $0xFFFFE003, lr  }
0x1b: {  	s9 =	sadd.s32 $0xFFFFFEF7, lr;
	s5 =	simm.s32 $0xFFFFFFFF;
	p2 =	slt.u32 s8, $0xFFFFF086  }
0x1c: {  	p1 =	slt.u32 s9, $0xF7A;
	s5 =	simm.s32 @!p2 $0x0  }
0x1d: {  	s5 =	simm.s32 @p1 $0x1;
	p0 =	seq.s32 s7, s2  }
0x1e: {  	s7 =	smul.u32 @!p0 $0xF7A, s2;
	p2 =	seq.s32 @!p0 s5, $0x0  }
0x1f: {  	s9 =	smul.u32 $0xF7A, s1;
	s8 =	simm.s32 @!p0 $0x1BF5;
	p2 =	por !p2, p0  }
0x20: {  	[sflag:s8] =	ssyncset.s32 @!p0 $0xFFFFF086;
	s6 =	sadd.s32 @!p0 s3, s7;
	s7 =	simm.s32 @!p0 $0x108  }
0x21: {  	s3 =	sadd.s32 s3, s9;
	s6 =	sadd.s32 @!p0 $0x88, s6;
	s7 =	simm.s32 @p2 $0x1082  }
0x22: {  	[simem:s7], [sflag:s8] =	dma.local @!p0 [hbm:s6], $0xF7A  }
0x23: {  	s9 =	sor.u32 $0xD0000000, s2;
	s6 =	simm.s32 $0x108;
	_ =	swait.ge @!p0 [sflag:s8], $0x0  }
0x24: {  	s3 =	sadd.s32 $0x88, s3;
	s6 =	simm.s32 @!p1 $0x1082;
	[sflag:s4] =	ssyncset.s32 $0xFFFFF086  }
0x25: {  	[simem:s6], [sflag:s4] =	dma.local [hbm:s3], $0xF7A  }
0x26: {  	[smem:$0x3F76] =	sst s1;
	(tag) =	ssettag s2;
	_ =	strace s9  }
0x27: {  	s1 =	sld [smem:$0x3F86]  }
0x28: {  	s2 =	sld [smem:$0x3F87]  }
0x29: {  	s4 =	sld [smem:$0x3F89]  }
0x2a: {  	p0 =	seq.s32 s5, $0x0;
	s5 =	sld [smem:$0x3F8A]  }
0x2b: {  	s6 =	sld [smem:$0x3F8B]  }
0x2c: {  	s7 =	sld [smem:$0x3F8C]  }
0x2d: {  	s3 =	simm.s32 $0x108;
	s8 =	sld [smem:$0x3F8D]  }
0x2e: {  	s3 =	simm.s32 @!p0 $0x1082;
	s9 =	sld [smem:$0x3F8E]  }
0x2f: {  	lr =	sadd.s32 s0, s3;
	s0 =	sld [smem:$0x3F85]  }
0x30: {  	s3 =	sld [smem:$0x3F88]  }
0x31: {  	[smem:$0x3F91] =	sst s10  }
0x32: {  	s10 =	sld [smem:$0x3F8F];
	_ =	sdelay $0x3  }
0x33: {  	p0 =	seq.s32 s10, $0x1;
	s10 =	sld [smem:$0x3F91];
	_ =	sdelay $0x3  }
0x34: {  	[smem:$0x3F91] =	sst s10  }
0x35: {  	s10 =	sld [smem:$0x3F90];
	_ =	sdelay $0x3  }
0x36: {  	p1 =	seq.s32 s10, $0x1;
	s10 =	sld [smem:$0x3F91];
	_ =	sdelay $0x3  }
0x37: {  	[smem:$0x3F91] =	sst s10  }
0x38: {  	s10 =	sld [smem:$0x3F92]  }
0x39: {  	_ = 	snop;
	(pc) =	sbr.ind lr, $3  }
0x3a: {  	_ = 	snop  }
0x3b: {  	_ = 	snop  }
0x3c: {  	p2 =	seq.s32 s10, $0x1;
	s10 =	sld [smem:$0x3F91]  }
0x3d: {  	_ =	shalt  }
0x3e: {  	_ =	shalt  }
0x3f: {  	_ =	shalt  }
0x40: {  	_ =	shalt  }
0x41: {  	_ =	shalt  }
0x42: {  	_ =	shalt  }
0x43: {  	_ =	shalt  }
0x44: {  	_ =	shalt  }
0x45: {  	_ =	shalt  }
0x46: {  	_ =	shalt  }
0x47: {  	_ =	shalt  }
0x48: {  	_ =	shalt  }
0x49: {  	_ =	shalt  }
0x4a: {  	_ =	shalt  }
0x4b: {  	_ =	shalt  }
0x4c: {  	_ =	shalt  }
0x4d: {  	_ =	shalt  }
0x4e: {  	_ =	shalt  }
0x4f: {  	_ =	shalt  }
0x50: {  	_ =	shalt  }
0x51: {  	_ =	shalt  }
0x52: {  	_ =	shalt  }
0x53: {  	_ =	shalt  }
0x54: {  	_ =	shalt  }
0x55: {  	_ =	shalt  }
0x56: {  	_ =	shalt  }
0x57: {  	_ =	shalt  }
0x58: {  	_ =	shalt  }
0x59: {  	_ =	shalt  }
0x5a: {  	_ =	shalt  }
0x5b: {  	_ =	shalt  }
0x5c: {  	_ =	shalt  }
0x5d: {  	_ =	shalt  }
0x5e: {  	_ =	shalt  }
0x5f: {  	_ =	shalt  }
0x60: {  	_ =	shalt  }
0x61: {  	_ =	shalt  }
0x62: {  	_ =	shalt  }
0x63: {  	_ =	shalt  }
0x64: {  	_ =	shalt  }
0x65: {  	_ =	shalt  }
0x66: {  	_ =	shalt  }
0x67: {  	_ =	shalt  }
0x68: {  	_ =	shalt  }
0x69: {  	_ =	shalt  }
0x6a: {  	_ =	shalt  }
0x6b: {  	_ =	shalt  }
0x6c: {  	_ =	shalt  }
0x6d: {  	_ =	shalt  }
0x6e: {  	_ =	shalt  }
0x6f: {  	_ =	shalt  }
0x70: {  	_ =	shalt  }
0x71: {  	_ =	shalt  }
0x72: {  	_ =	shalt  }
0x73: {  	_ =	shalt  }
0x74: {  	_ =	shalt  }
0x75: {  	_ =	shalt  }
0x76: {  	_ =	shalt  }
0x77: {  	_ =	shalt  }
0x78: {  	_ =	shalt  }
0x79: {  	_ =	shalt  }
0x7a: {  	_ =	shalt  }
0x7b: {  	_ =	shalt  }
0x7c: {  	_ =	shalt  }
0x7d: {  	_ =	shalt  }
0x7e: {  	_ =	shalt  }
0x7f: {  	_ =	shalt  }
0x80: {  	_ =	shalt  }
0x81: {  	_ =	shalt  }
0x82: {  	_ =	shalt  }
0x83: {  	_ =	shalt  }
0x84: {  	_ =	shalt  }
0x85: {  	_ =	shalt  }
0x86: {  	_ =	shalt  }
0x87: {  	_ =	shalt  }
.Lfunc_end0:
.L_simem_size_0:
called_computation.3_lowered:
.L_overlay_start_0:
0x88: {  	s2 =	sld [smem:$0x3FD9]  }
0x89: {  	s3 =	sld [smem:$0x3FFE];
	_ =	sdelay $0x1  }
0x8a: {  	s1 =	srdreg.scid  }
0x8b: {  	s0 =	sand.u32 $0x1, s1  }
0x8c: {  	s16 =	sshll.u32 s0, $0xA;
	s2 =	sadd.s32 s3, s2  }
0x8d: {  	s2 =	sadd.s32 s2, s16  }
0x8e: {  	[smem:$0x3F9D] =	sst s2  }
0x8f: {  	_ = 	snop  }
0x90: {  	(tm) =	ssettm $0x1  }
0x91: {  	s17 =	sld [smem:$0x3FFB];
	_ =	sdelay $0x3  }
0x92: {  	_ =	strace s17  }
0x93: {  	s2 =	sld [smem:$0x3FFC];
	_ =	sdelay $0x3  }
0x94: {  	_ =	strace s2  }
0x95: {  	s2 =	sld [smem:$0x3FFD];
	_ =	sdelay $0x3  }
0x96: {  	_ =	strace s2  }
0x97: {  	_ =	strace $0x8FFFFFFF  }
0x98: {  	s18 =	sld [smem:$0x3FDB];
	_ =	sdelay $0x1  }
0x99: {  	s19 =	simm.s32 $_scs_section_size  }
0x9a: {  	s4 =	simm.s32 $_size__tile_overlayer_lowered;
	s5 =	simm.s32 $_tile_overlayer_lowered  }
0x9b: {  	s22 =	simm.s32 $0x1BFF;
	s21 =	sshll.u32 s5, $0x1;
	s2 =	sadd.s32 s19, s18  }
0x9c: {  	s6 =	simm.s32 $0x0;
	s20 =	sshll.u32 s4, $0x1;
	s4 =	sadd.s32 s21, s2  }
0x9d: {  	[timem:s6], [sflag:s22] =	dma.local [hbm:s4], s20  }
0x9e: {  	_ =	swait.ge [sflag:s22], s20  }
0x9f: {  	s3 =	ssub.s32 $0x0, s20;
	[sflag:s22] =	ssyncset.done $0x0  }
0xa0: {  	[sflag:s22] =	ssyncadd.s32 s3;
	_ =	sdelay $0x1  }
0xa1: {  	s23 =	simm.s32 $0x1B8B  }
0xa2: {  	_ =	swait.ge [sflag:s23], $0x1  }
0xa3: {  	[sflag:s23] =	ssyncset.done $0x0  }
0xa4: {  	s25 =	simm.s32 $0x1B8E;
	s24 =	sld [smem:$0x3FFE];
	[sflag:s23] =	ssyncadd.s32 $0xFFFFFFFF  }
0xa5: {  	s26 =	simm.s32 $execute0_lowered;
	[smem:$0x3FD2] =	sst s25  }
0xa6: {  	s4 =	sshll.u32 s26, $0x1;
	_ =	strace $0x8000004F;
	[dreg:$0x1] =	wrdreg $0xFFFFFFFF  }
0xa7: {  	s28 =	simm.s32 $_size_execute0_lowered;
	s2 =	sadd.s32 s2, s4;
	[dreg:$0x0] =	wrdreg $0x0  }
0xa8: {  	s4 =	sshll.u32 s28, $0x1;
	[dreg:$0x2] =	wrdreg s2  }
0xa9: {  	[dreg:$0x3] =	wrdreg s4  }
0xaa: {  	[dreg:$0x4] =	wrdreg $0xC0  }
0xab: {  	_ =	task [dreg:s6], $0x5FFFF  }
0xac: {  	[dreg:$0x1] =	wrdreg $0xFFFFFFFF  }
0xad: {  	[dreg:$0x0] =	wrdreg $0x60  }
0xae: {  	[dreg:$0x2] =	wrdreg s24  }
0xaf: {  	[dreg:$0x3] =	wrdreg $0xA4000  }
0xb0: {  	[dreg:$0x4] =	wrdreg $0x9  }
0xb1: {  	_ =	task.clear_ibuf [dreg:s6], $0x5FFFF;
	_ =	strace $0x9000004F  }
0xb2: {  	s29 =	simm.s32 $0x9;
	_ =	strace $0x80000051  }
0xb3: {  	_ =	swait.ge [sflag:s29], $0x1  }
0xb4: {  	[sflag:s29] =	ssyncadd.s32 $0xFFFFFFFF  }
0xb5: {  	_ =	strace $0x90000051  }
0xb6: {  	_ =	sfence  }
0xb7: {  	s30 =	sld [smem:$0x0];
	_ =	sdelay $0x2  }
0xb8: {  	s31 =	sshll.u32 s1, $0xD;
	s1 =	sshrl.u32 s1, $0x2  }
0xb9: {  	s3 =	sand.u32 $0x4000, s31;
	s1 =	sadd.s32 s1, s30  }
0xba: {  	s0 =	sor.u32 s3, s0;
	s1 =	sshll.u32 s1, $0x11  }
0xbb: {  	s0 =	sor.u32 s1, s0  }
0xbc: {  	s0 =	sadd.s32 $0x8F2B, s0  }
0xbd: {  	[sflag:s0] =	ssyncadd.remote.s32 $0x1  }
0xbe: {  	_ =	sfence.sel $0xFFFF  }
0xbf: {  	[dreg:$0x0] =	wrdreg $0xFFFFFFFF;
	(pc) =	sbr.abs _section_cstart, $3  }
0xc0: {  	[dreg:$0x1] =	wrdreg $0xFFFFFFFF  }
0xc1: {  	_ =	task.clear_ibuf [dreg:s6], $0x2FFFF;
	_ =	strace $0x9FFFFFFF  }
0xc2: {  	(tm) =	ssettm $0x7FFFFFFF  }
0xc3: {  	_ =	shalt  }
tec
execute0_lowered:
.L_overlay_start_1:
0x0: {  	(tag) =	ssettag $0x1  }
0x1: {  	s6 =	rddreg [dreg:$0x0]  }
0x2: {  	s1 =	rddreg [dreg:$0x1];
	s2 =	simm.s32 $0x0  }
0x3: {  	s0 =	srdreg.scid;
	s28 =	simm.s32 $0x50;
	s29 =	simm.s32 $0x2C00  }
0x4: {  	s30 =	simm.s32 $0x5400;
	s31 =	simm.s32 $0x7C00;
	[smem:$0x7FF] =	sst s2  }
0x5: {  	s17 =	stileid.u32;
	s7 =	sadd.s32 $0x4FD600, s6;
	s15 =	sadd.s32 $0x29B600, s6  }
0x6: {  	s0 =	sand.u32 $0x1, s0;
	s16 =	sadd.s32 $0x2C3600, s6;
	s18 =	smul.u32 $0x50000, s17  }
0x7: {  	s4 =	sadd.s32 $0x1B600, s6;
	s11 =	smul.u32 $0x280, s17;
	_ =	strace $0x80000050  }
0x8: {  	s3 =	sshll.u32 s0, $0x4;
	[dreg:$0xa] =	wrdreg s15;
	s13 =	smul.u32 $0x27100, s0  }
0x9: {  	s8 =	ssub.s32 $0x2, s0;
	[dreg:$0xb] =	wrdreg s16;
	s15 =	smul.u32 $0x2710, s17  }
0xa: {  	p0 =	sne.s32 s0, $0x0;
	s5 =	sor.u32 s17, s3;
	s3 =	sadd.s32 $0x7C00, s6  }
0xb: {  	s10 =	sshrl.u32 s8, $0x1;
	s21 =	sshrl.u32 s18, $0x2;
	s23 =	sor.u32 $0x50, s11  }
0xc: {  	s25 =	sadd.s32 $0xA0, s11;
	s9 =	smul.u32 $0x2710, s5;
	s8 =	ssub.s32 s8, s10  }
0xd: {  	s5 =	sadd.s32 s21, s1;
	s24 =	sshll.u32 s23, $0x7;
	s14 =	sshll.u32 s25, $0x7  }
0xe: {  	s26 =	sshll.u32 s23, $0x4;
	s10 =	sadd.s32 $0xF0, s11;
	s13 =	sadd.s32 s15, s13  }
0xf: {  	s22 =	smax.u32 s8, $0x1;
	[dreg:$0x10] =	wrdreg s26;
	s8 =	sadd.s32 s14, s1  }
0x10: {  	s14 =	sshll.u32 s25, $0x4;
	s16 =	sshll.u32 s10, $0x7;
	[dreg:$0xf] =	wrdreg s5  }
0x11: {  	s18 =	sshll.u32 s10, $0x4;
	s15 =	sadd.s32 $0x4E2F0, s13;
	[dreg:$0xe] =	wrdreg s22  }
0x12: {  	s21 =	sadd.s32 $0xF0, s13;
	s25 =	sadd.s32 $0xA0, s13;
	[dreg:$0x11] =	wrdreg s8  }
0x13: {  	s6 =	sadd.s32 $0x4E250, s13;
	s9 =	sshrl.u32 s9, $0x3;
	[dreg:$0x12] =	wrdreg s14  }
0x14: {  	[dreg:$0x13] =	wrdreg s18;
	s14 =	sadd.s32 $0x140, s11;
	s26 =	sshrl.u32 s25, $0x3  }
0x15: {  	s18 =	sadd.s32 $0x50, s13;
	s12 =	sadd.s32 s7, s9;
	s9 =	sadd.s32 s3, s9  }
0x16: {  	s10 =	sshll.u32 s14, $0x7;
	s19 =	sadd.s32 $0x4D8, s12;
	s20 =	sadd.s32 $0xA118, s9  }
0x17: {  	s9 =	sadd.s32 s24, s1;
	s12 =	sadd.s32 s16, s1;
	[dreg:$0xc] =	wrdreg s19  }
0x18: {  	s16 =	sadd.s32 $0x4E2A0, s13;
	[dreg:$0xd] =	wrdreg s20;
	s19 =	sshrl.u32 s13, $0x3  }
0x19: {  	s20 =	sshrl.u32 s15, $0x3;
	s15 =	sshrl.u32 s21, $0x3;
	s8 =	sadd.s32 s19, s7  }
0x1a: {  	s23 =	sshrl.u32 s16, $0x3;
	s22 =	sadd.s32 s15, s7;
	[dreg:$0x3] =	wrdreg s8  }
0x1b: {  	s13 =	sadd.s32 $0x4E200, s13;
	s24 =	sadd.s32 s23, s3;
	[dreg:$0x5] =	wrdreg s22  }
0x1c: {  	s25 =	sshrl.u32 s13, $0x3;
	s13 =	sshrl.u32 s9, $0x3;
	[dreg:$0x6] =	wrdreg s24  }
0x1d: {  	s15 =	sshrl.u32 s6, $0x3;
	s8 =	sadd.s32 s20, s3;
	[dreg:$0x1a] =	wrdreg s13  }
0x1e: {  	s19 =	sadd.s32 $0x190, s11;
	s15 =	sadd.s32 s15, s3;
	[dreg:$0x4] =	wrdreg s8  }
0x1f: {  	s9 =	simm.s32 $0x400;
	s20 =	sadd.s32 s10, s1;
	[dreg:$0x8] =	wrdreg s15  }
0x20: {  	s21 =	sshll.u32 s19, $0x7;
	s22 =	sshll.u32 s14, $0x4;
	[dreg:$0x14] =	wrdreg s20  }
0x21: {  	s24 =	sshll.u32 s19, $0x4;
	s19 =	sadd.s32 $0x2800, s5;
	[dreg:$0x15] =	wrdreg s22  }
0x22: {  	s14 =	simm.s32 $0x200;
	s13 =	simm.s32 $0x6;
	[dreg:$0x16] =	wrdreg s24  }
0x23: {  	s8 =	sadd.s32 s26, s7;
	s15 =	sshrl.u32 s18, $0x3;
	[dreg:$0x1e] =	wrdreg s19  }
0x24: {  	s23 =	sadd.s32 s21, s1;
	s20 =	sadd.s32 $0x5000, s5;
	[dreg:$0x7] =	wrdreg s8  }
0x25: {  	s26 =	sadd.s32 $0x1E0, s11;
	s21 =	sadd.s32 $0x7800, s5;
	[dreg:$0x1f] =	wrdreg s20  }
0x26: {  	s11 =	sadd.s32 $0x230, s11;
	s22 =	sadd.s32 $0xA000, s5;
	[smem:$0x7F8] =	sst s21  }
0x27: {  	s18 =	sadd.s32 s25, s3;
	s24 =	sadd.s32 $0xF000, s5;
	[smem:$0x7F9] =	sst s22  }
0x28: {  	s25 =	sadd.s32 $0x11800, s5;
	s7 =	sadd.s32 s15, s7;
	[smem:$0x7FB] =	sst s24  }
0x29: {  	s6 =	sshll.u32 s26, $0x7;
	s10 =	sshll.u32 s26, $0x4;
	[smem:$0x7FC] =	sst s25  }
0x2a: {  	s15 =	sshrl.u32 s12, $0x3;
	s16 =	sshrl.u32 s23, $0x3;
	[dreg:$0x9] =	wrdreg s7  }
0x2b: {  	s23 =	sadd.s32 $0xC800, s5;
	s26 =	smul.u32 $0x2800, s17;
	[dreg:$0x18] =	wrdreg s10  }
0x2c: {  	s17 =	simm.s32 $0x80;
	s21 =	simm.s32 $0x280;
	[dreg:$0x1b] =	wrdreg s15  }
0x2d: {  	s22 =	simm.s32 $0x100;
	s24 =	simm.s32 $0x180;
	[dreg:$0x1c] =	wrdreg s16  }
0x2e: {  	s25 =	simm.s32 $0x380;
	s3 =	sadd.s32 s6, s1;
	[smem:$0x7FA] =	sst s23  }
0x2f: {  	s7 =	sshll.u32 s11, $0x7;
	s11 =	sshll.u32 s11, $0x4;
	[dreg:$0x17] =	wrdreg s3  }
0x30: {  	s12 =	simm.s32 $0x5;
	s23 =	simm.s32 $0x300;
	[dreg:$0x19] =	wrdreg s11  }
0x31: {  	s6 =	simm.s32 $0x0;
	s0 =	sadd.s32 s7, s1;
	[smem:$0x7FD] =	sst s26  }
0x32: {  	s26 =	simm.s32 $0x1;
	s7 =	simm.s32 $0x3;
	s0 =	sshrl.u32 s0, $0x3  }
0x33: {  	v0 =	vimm.f32 $0.0e+00;
	s3 =	simm.s32 $0x4;
	[dreg:$0x1d] =	wrdreg s0;
	s0 =	simm.s32 $0x2  }
.LBB2_1:
0x34: {  	s16 =	sand.u32 $0xFE00, s2  }
0x35: {  	[smem:$0x7F7] =	sst s6;
	s19 =	sand.u32 $0x70, s2;
	s20 =	sshrl.u32 s16, $0x2  }
0x36: {  	s16 =	simm.s32 $0x40;
	s20 =	sor.u32 s19, s20;
	s19 =	simm.s32 $0x0  }
.LBB2_2:
0x37: {  	p1 =	sne.s32 s16, $0x9FC0  }
0x38: {  	[tilespmem:s20+$0x400] =	vst v0;
	s19 =	sadd.s32 $0x10, s19;
	s20 =	smov.u32 s16;
	s16 =	sadd.s32 $0x40, s16  }
.Ltmp0:
0x39: {  	(pc) =	sbr.rel @p1 .LBB2_2-.Ltmp0, $4  }
0x3a: {  	_ = 	snop  }
0x3b: {  	s20 =	sand.u32 $0xFE00, s20  }
0x3c: {  	s8 =	sand.u32 $0x70, s19;
	s20 =	sshrl.u32 s20, $0x2  }
0x3d: {  	s20 =	sor.u32 s8, s20  }
0x3e: {  	[tilespmem:s20+$0x400] =	vst v0;
	s5 =	rddreg [dreg:$0xf];
	s6 =	simm.s32 $0x7  }
0x3f: {  	[spmem:s5] =	stream.linear.scatter [tilespmem:s9], [sflag:$0x7], $0x2800, $0x38;
	[tilespmem:$0x1E400] =	vst v63  }
0x40: {  	_ =	swait.ge [sflag:s6], $0x2800  }
0x41: {  	[sflag:s6] =	ssyncset.done $0x0  }
0x42: {  	s10 =	rddreg [dreg:$0x1e];
	[sflag:s6] =	ssyncadd.s32 $0xFFFFD800  }
0x43: {  	[spmem:s10] =	stream.linear.scatter [tilespmem:s9], [sflag:$0x7], $0x2800, $0x38;
	[tilespmem:$0x1E400] =	vst v63  }
0x44: {  	_ =	swait.ge [sflag:s6], $0x2800  }
0x45: {  	[sflag:s6] =	ssyncset.done $0x0  }
0x46: {  	s11 =	rddreg [dreg:$0x1f];
	[sflag:s6] =	ssyncadd.s32 $0xFFFFD800  }
0x47: {  	[spmem:s11] =	stream.linear.scatter [tilespmem:s9], [sflag:$0x7], $0x2800, $0x38;
	[tilespmem:$0x1E400] =	vst v63  }
0x48: {  	_ =	swait.ge [sflag:s6], $0x2800  }
0x49: {  	s15 =	sld [smem:$0x7F8]  }
0x4a: {  	[sflag:s6] =	ssyncset.done $0x0  }
0x4b: {  	[sflag:s6] =	ssyncadd.s32 $0xFFFFD800  }
0x4c: {  	[spmem:s15] =	stream.linear.scatter [tilespmem:s9], [sflag:$0x7], $0x2800, $0x38;
	[tilespmem:$0x1E400] =	vst v63  }
0x4d: {  	_ =	swait.ge [sflag:s6], $0x2800  }
0x4e: {  	s16 =	sld [smem:$0x7F9]  }
0x4f: {  	[sflag:s6] =	ssyncset.done $0x0  }
0x50: {  	[sflag:s6] =	ssyncadd.s32 $0xFFFFD800  }
0x51: {  	[spmem:s16] =	stream.linear.scatter [tilespmem:s9], [sflag:$0x7], $0x2800, $0x38;
	[tilespmem:$0x1E400] =	vst v63  }
0x52: {  	_ =	swait.ge [sflag:s6], $0x2800  }
0x53: {  	s19 =	sld [smem:$0x7FA]  }
0x54: {  	[sflag:s6] =	ssyncset.done $0x0  }
0x55: {  	[sflag:s6] =	ssyncadd.s32 $0xFFFFD800  }
0x56: {  	[spmem:s19] =	stream.linear.scatter [tilespmem:s9], [sflag:$0x7], $0x2800, $0x38;
	[tilespmem:$0x1E400] =	vst v63  }
0x57: {  	_ =	swait.ge [sflag:s6], $0x2800  }
0x58: {  	s20 =	sld [smem:$0x7FB]  }
0x59: {  	[sflag:s6] =	ssyncset.done $0x0  }
0x5a: {  	[sflag:s6] =	ssyncadd.s32 $0xFFFFD800  }
0x5b: {  	[spmem:s20] =	stream.linear.scatter [tilespmem:s9], [sflag:$0x7], $0x2800, $0x38;
	[tilespmem:$0x1E400] =	vst v63  }
0x5c: {  	_ =	swait.ge [sflag:s6], $0x2800  }
0x5d: {  	s8 =	sld [smem:$0x7FC]  }
0x5e: {  	[sflag:s6] =	ssyncset.done $0x0  }
0x5f: {  	[sflag:s6] =	ssyncadd.s32 $0xFFFFD800  }
0x60: {  	[spmem:s8] =	stream.linear.scatter [tilespmem:s9], [sflag:$0x7], $0x2800, $0x38;
	[tilespmem:$0x1E400] =	vst v63  }
0x61: {  	_ =	swait.ge [sflag:s6], $0x2800  }
0x62: {  	[sflag:s6] =	ssyncset.done $0x0  }
0x63: {  	[sflag:s6] =	ssyncadd.s32 $0xFFFFD800  }
0x64: {  	[bflag:$0x0] =	sbarrier.arrive $0xFFFF  }
0x65: {  	s8 =	rddreg [dreg:$0x3]  }
0x66: {  	s8 =	sadd.s32 $0x0, s8  }
0x67: {  	[tilespmem:s2], [sflag:$0x1] =	stream.linear.gather [hbm4b:s8+s2], $0x50, $0x38;
	[tilespmem:$0x1E400] =	vst v63  }
0x68: {  	s10 =	sadd.s32 $0x0, s18;
	s16 =	rddreg [dreg:$0x9]  }
0x69: {  	[tilespmem:s14], [sflag:$0x1] =	stream.linear.gather [hbm4b:s10+s2], $0x50, $0x38;
	[tilespmem:$0x1E400] =	vst v63  }
0x6a: {  	s19 =	rddreg [dreg:$0x8];
	s11 =	sadd.s32 $0x0, s16  }
0x6b: {  	[tilespmem:s17], [sflag:$0x1] =	stream.linear.gather [hbm4b:s11+s2], $0x50, $0x38;
	[tilespmem:$0x1E400] =	vst v63  }
0x6c: {  	s15 =	rddreg [dreg:$0x7];
	s20 =	sadd.s32 $0x0, s19  }
0x6d: {  	[tilespmem:s21], [sflag:$0x1] =	stream.linear.gather [hbm4b:s20+s2], $0x50, $0x38;
	[tilespmem:$0x1E400] =	vst v63  }
0x6e: {  	s5 =	rddreg [dreg:$0x6];
	s6 =	sadd.s32 $0x0, s15  }
0x6f: {  	[tilespmem:s22], [sflag:$0x1] =	stream.linear.gather [hbm4b:s6+s2], $0x50, $0x38;
	[tilespmem:$0x1E400] =	vst v63  }
0x70: {  	s10 =	rddreg [dreg:$0x5];
	s11 =	sadd.s32 $0x0, s5  }
0x71: {  	[tilespmem:s23], [sflag:$0x1] =	stream.linear.gather [hbm4b:s11+s2], $0x50, $0x38;
	[tilespmem:$0x1E400] =	vst v63  }
0x72: {  	s15 =	rddreg [dreg:$0x4];
	s16 =	sadd.s32 $0x0, s10  }
0x73: {  	[tilespmem:s24], [sflag:$0x1] =	stream.linear.gather [hbm4b:s16+s2], $0x50, $0x38;
	[tilespmem:$0x1E400] =	vst v63  }
0x74: {  	s20 =	sadd.s32 $0x0, s15  }
0x75: {  	[tilespmem:s25], [sflag:$0x1] =	stream.linear.gather [hbm4b:s20+s2], $0x50, $0x38;
	[tilespmem:$0x1E400] =	vst v63  }
0x76: {  	_ =	swait.ge [sflag:s26], $0x50  }
0x77: {  	[sflag:s26] =	ssyncset.done $0x0  }
0x78: {  	[sflag:s26] =	ssyncadd.s32 $0xFFFFFFB0  }
0x79: {  	_ =	swait.ge [sflag:s26], $0x50  }
0x7a: {  	[sflag:s26] =	ssyncset.done $0x0  }
0x7b: {  	[sflag:s26] =	ssyncadd.s32 $0xFFFFFFB0  }
0x7c: {  	_ =	swait.ge [sflag:s26], $0x50  }
0x7d: {  	[sflag:s26] =	ssyncset.done $0x0  }
0x7e: {  	[sflag:s26] =	ssyncadd.s32 $0xFFFFFFB0  }
0x7f: {  	_ =	swait.ge [sflag:s26], $0x50  }
0x80: {  	[sflag:s26] =	ssyncset.done $0x0  }
0x81: {  	[sflag:s26] =	ssyncadd.s32 $0xFFFFFFB0  }
0x82: {  	_ =	swait.ge [sflag:s26], $0x50  }
0x83: {  	[sflag:s26] =	ssyncset.done $0x0  }
0x84: {  	[sflag:s26] =	ssyncadd.s32 $0xFFFFFFB0  }
0x85: {  	_ =	swait.ge [sflag:s26], $0x50  }
0x86: {  	[sflag:s26] =	ssyncset.done $0x0  }
0x87: {  	[sflag:s26] =	ssyncadd.s32 $0xFFFFFFB0  }
0x88: {  	_ =	swait.ge [sflag:s26], $0x50  }
0x89: {  	[sflag:s26] =	ssyncset.done $0x0  }
0x8a: {  	[sflag:s26] =	ssyncadd.s32 $0xFFFFFFB0  }
0x8b: {  	_ =	swait.ge [sflag:s26], $0x50  }
0x8c: {  	[sflag:s26] =	ssyncset.done $0x0  }
0x8d: {  	[sflag:s26] =	ssyncadd.s32 $0xFFFFFFB0  }
0x8e: {  	[tilespmem:s9], [sflag:$0x2] =	stream.indirect.gather [hbm4b:s4+s28], $0x80, s2, s28, $0xb8;
	[tilespmem:$0x1E400] =	vst v63  }
0x8f: {  	_ = 	snop  }
0x90: {  	[tilespmem:s29], [sflag:$0x3] =	stream.indirect.gather [hbm4b:s4+s28], $0x80, s17, s28, $0xb8;
	[tilespmem:$0x1E400] =	vst v63  }
0x91: {  	_ = 	snop  }
0x92: {  	[tilespmem:s30], [sflag:$0x4] =	stream.indirect.gather [hbm4b:s4+s28], $0x80, s22, s28, $0xb8;
	[tilespmem:$0x1E400] =	vst v63  }
0x93: {  	_ = 	snop  }
0x94: {  	[tilespmem:s31], [sflag:$0x5] =	stream.indirect.gather [hbm4b:s4+s28], $0x80, s24, s28, $0xb8;
	[tilespmem:$0x1E400] =	vst v63  }
0x95: {  	_ =	swait.ge [sflag:s0], $0x2800  }
0x96: {  	[sflag:s0] =	ssyncset.done $0x0  }
0x97: {  	[sflag:s0] =	ssyncadd.s32 $0xFFFFD800  }
0x98: {  	[spmem:s1] =	stream.indirect.scatter.add.f32 [tilespmem:s9], [sflag:$0x6], $0x80, s14, s28, $0xb8;
	[tilespmem:$0x1E400] =	vst v63  }
0x99: {  	_ =	swait.ge [sflag:s7], $0x2800  }
0x9a: {  	[sflag:s7] =	ssyncset.done $0x0  }
0x9b: {  	[sflag:s7] =	ssyncadd.s32 $0xFFFFD800  }
0x9c: {  	[spmem:s1] =	stream.indirect.scatter.add.f32 [tilespmem:s29], [sflag:$0x6], $0x80, s21, s28, $0xb8;
	[tilespmem:$0x1E400] =	vst v63  }
0x9d: {  	_ =	swait.ge [sflag:s3], $0x2800  }
0x9e: {  	[sflag:s3] =	ssyncset.done $0x0  }
0x9f: {  	[sflag:s3] =	ssyncadd.s32 $0xFFFFD800  }
0xa0: {  	[spmem:s1] =	stream.indirect.scatter.add.f32 [tilespmem:s30], [sflag:$0x6], $0x80, s23, s28, $0xb8;
	[tilespmem:$0x1E400] =	vst v63  }
0xa1: {  	_ =	swait.ge [sflag:s12], $0x2800  }
0xa2: {  	[sflag:s12] =	ssyncset.done $0x0  }
0xa3: {  	[sflag:s12] =	ssyncadd.s32 $0xFFFFD800  }
0xa4: {  	[spmem:s1] =	stream.indirect.scatter.add.f32 [tilespmem:s31], [sflag:$0x6], $0x80, s25, s28, $0xb8;
	[tilespmem:$0x1E400] =	vst v63  }
0xa5: {  	_ =	swait.ge [sflag:s13], $0x2800  }
0xa6: {  	[sflag:s13] =	ssyncset.done $0x0  }
0xa7: {  	[sflag:s13] =	ssyncadd.s32 $0xFFFFD800  }
0xa8: {  	_ =	swait.ge [sflag:s13], $0x2800  }
0xa9: {  	[sflag:s13] =	ssyncset.done $0x0  }
0xaa: {  	[sflag:s13] =	ssyncadd.s32 $0xFFFFD800  }
0xab: {  	_ =	swait.ge [sflag:s13], $0x2800  }
0xac: {  	[sflag:s13] =	ssyncset.done $0x0  }
0xad: {  	[sflag:s13] =	ssyncadd.s32 $0xFFFFD800  }
0xae: {  	s19 =	simm.s32 $0x50;
	_ =	swait.ge [sflag:s13], $0x2800  }
0xaf: {  	s16 =	simm.s32 $0x28;
	s20 =	rddreg [dreg:$0x3];
	[sflag:s13] =	ssyncset.done $0x0  }
.LBB2_4:
0xb0: {  	[sflag:s13] =	ssyncadd.s32 $0xFFFFD800;
	s20 =	sadd.s32 s16, s20  }
0xb1: {  	[tilespmem:s2], [sflag:$0x1] =	stream.linear.gather [hbm4b:s20+s2], $0x50, $0x38;
	[tilespmem:$0x1E400] =	vst v63  }
0xb2: {  	s10 =	rddreg [dreg:$0x9];
	s5 =	sadd.s32 s16, s18  }
0xb3: {  	[tilespmem:s14], [sflag:$0x1] =	stream.linear.gather [hbm4b:s5+s2], $0x50, $0x38;
	[tilespmem:$0x1E400] =	vst v63  }
0xb4: {  	s6 =	rddreg [dreg:$0x8];
	s10 =	sadd.s32 s16, s10  }
0xb5: {  	[tilespmem:s17], [sflag:$0x1] =	stream.linear.gather [hbm4b:s10+s2], $0x50, $0x38;
	[tilespmem:$0x1E400] =	vst v63  }
0xb6: {  	s11 =	rddreg [dreg:$0x7];
	s6 =	sadd.s32 s16, s6  }
0xb7: {  	[tilespmem:s21], [sflag:$0x1] =	stream.linear.gather [hbm4b:s6+s2], $0x50, $0x38;
	[tilespmem:$0x1E400] =	vst v63  }
0xb8: {  	s15 =	rddreg [dreg:$0x6];
	s20 =	sadd.s32 s16, s11  }
0xb9: {  	[tilespmem:s22], [sflag:$0x1] =	stream.linear.gather [hbm4b:s20+s2], $0x50, $0x38;
	[tilespmem:$0x1E400] =	vst v63  }
0xba: {  	s5 =	rddreg [dreg:$0x5];
	s10 =	sadd.s32 s16, s15  }
0xbb: {  	[tilespmem:s23], [sflag:$0x1] =	stream.linear.gather [hbm4b:s10+s2], $0x50, $0x38;
	[tilespmem:$0x1E400] =	vst v63  }
0xbc: {  	s11 =	rddreg [dreg:$0x4];
	s15 =	sadd.s32 s16, s5  }
0xbd: {  	[tilespmem:s24], [sflag:$0x1] =	stream.linear.gather [hbm4b:s15+s2], $0x50, $0x38;
	[tilespmem:$0x1E400] =	vst v63  }
0xbe: {  	s20 =	sadd.s32 s16, s11  }
0xbf: {  	[tilespmem:s25], [sflag:$0x1] =	stream.linear.gather [hbm4b:s20+s2], $0x50, $0x38;
	[tilespmem:$0x1E400] =	vst v63  }
0xc0: {  	_ =	swait.ge [sflag:s26], $0x50  }
0xc1: {  	[sflag:s26] =	ssyncset.done $0x0  }
0xc2: {  	[sflag:s26] =	ssyncadd.s32 $0xFFFFFFB0  }
0xc3: {  	_ =	swait.ge [sflag:s26], $0x50  }
0xc4: {  	[sflag:s26] =	ssyncset.done $0x0  }
0xc5: {  	[sflag:s26] =	ssyncadd.s32 $0xFFFFFFB0  }
0xc6: {  	_ =	swait.ge [sflag:s26], $0x50  }
0xc7: {  	[sflag:s26] =	ssyncset.done $0x0  }
0xc8: {  	[sflag:s26] =	ssyncadd.s32 $0xFFFFFFB0  }
0xc9: {  	_ =	swait.ge [sflag:s26], $0x50  }
0xca: {  	[sflag:s26] =	ssyncset.done $0x0  }
0xcb: {  	[sflag:s26] =	ssyncadd.s32 $0xFFFFFFB0  }
0xcc: {  	_ =	swait.ge [sflag:s26], $0x50  }
0xcd: {  	[sflag:s26] =	ssyncset.done $0x0  }
0xce: {  	[sflag:s26] =	ssyncadd.s32 $0xFFFFFFB0  }
0xcf: {  	_ =	swait.ge [sflag:s26], $0x50  }
0xd0: {  	[sflag:s26] =	ssyncset.done $0x0  }
0xd1: {  	[sflag:s26] =	ssyncadd.s32 $0xFFFFFFB0  }
0xd2: {  	_ =	swait.ge [sflag:s26], $0x50  }
0xd3: {  	[sflag:s26] =	ssyncset.done $0x0  }
0xd4: {  	[sflag:s26] =	ssyncadd.s32 $0xFFFFFFB0  }
0xd5: {  	_ =	swait.ge [sflag:s26], $0x50  }
0xd6: {  	[sflag:s26] =	ssyncset.done $0x0  }
0xd7: {  	[sflag:s26] =	ssyncadd.s32 $0xFFFFFFB0  }
0xd8: {  	[tilespmem:s9], [sflag:$0x2] =	stream.indirect.gather [hbm4b:s4+s28], $0x80, s2, s28, $0xb8;
	[tilespmem:$0x1E400] =	vst v63  }
0xd9: {  	_ = 	snop  }
0xda: {  	[tilespmem:s29], [sflag:$0x3] =	stream.indirect.gather [hbm4b:s4+s28], $0x80, s17, s28, $0xb8;
	[tilespmem:$0x1E400] =	vst v63  }
0xdb: {  	_ = 	snop  }
0xdc: {  	[tilespmem:s30], [sflag:$0x4] =	stream.indirect.gather [hbm4b:s4+s28], $0x80, s22, s28, $0xb8;
	[tilespmem:$0x1E400] =	vst v63  }
0xdd: {  	_ = 	snop  }
0xde: {  	[tilespmem:s31], [sflag:$0x5] =	stream.indirect.gather [hbm4b:s4+s28], $0x80, s24, s28, $0xb8;
	[tilespmem:$0x1E400] =	vst v63  }
0xdf: {  	_ =	swait.ge [sflag:s0], $0x2800  }
0xe0: {  	[sflag:s0] =	ssyncset.done $0x0  }
0xe1: {  	[sflag:s0] =	ssyncadd.s32 $0xFFFFD800  }
0xe2: {  	[spmem:s1] =	stream.indirect.scatter.add.f32 [tilespmem:s9], [sflag:$0x6], $0x80, s14, s28, $0xb8;
	[tilespmem:$0x1E400] =	vst v63  }
0xe3: {  	_ =	swait.ge [sflag:s7], $0x2800  }
0xe4: {  	[sflag:s7] =	ssyncset.done $0x0  }
0xe5: {  	[sflag:s7] =	ssyncadd.s32 $0xFFFFD800  }
0xe6: {  	[spmem:s1] =	stream.indirect.scatter.add.f32 [tilespmem:s29], [sflag:$0x6], $0x80, s21, s28, $0xb8;
	[tilespmem:$0x1E400] =	vst v63  }
0xe7: {  	_ =	swait.ge [sflag:s3], $0x2800  }
0xe8: {  	[sflag:s3] =	ssyncset.done $0x0  }
0xe9: {  	[sflag:s3] =	ssyncadd.s32 $0xFFFFD800  }
0xea: {  	[spmem:s1] =	stream.indirect.scatter.add.f32 [tilespmem:s30], [sflag:$0x6], $0x80, s23, s28, $0xb8;
	[tilespmem:$0x1E400] =	vst v63  }
0xeb: {  	_ =	swait.ge [sflag:s12], $0x2800  }
0xec: {  	[sflag:s12] =	ssyncset.done $0x0  }
0xed: {  	[sflag:s12] =	ssyncadd.s32 $0xFFFFD800  }
0xee: {  	[spmem:s1] =	stream.indirect.scatter.add.f32 [tilespmem:s31], [sflag:$0x6], $0x80, s25, s28, $0xb8;
	[tilespmem:$0x1E400] =	vst v63  }
0xef: {  	_ =	swait.ge [sflag:s13], $0x2800  }
0xf0: {  	[sflag:s13] =	ssyncset.done $0x0  }
0xf1: {  	[sflag:s13] =	ssyncadd.s32 $0xFFFFD800  }
0xf2: {  	_ =	swait.ge [sflag:s13], $0x2800  }
0xf3: {  	[sflag:s13] =	ssyncset.done $0x0  }
0xf4: {  	p1 =	sne.s32 s19, $0x4B0;
	[sflag:s13] =	ssyncadd.s32 $0xFFFFD800  }
.Ltmp1:
0xf5: {  	_ =	swait.ge [sflag:s13], $0x2800;
	(pc) =	sbr.rel @p1 .LBB2_4-.Ltmp1, $4  }
0xf6: {  	[sflag:s13] =	ssyncset.done $0x0  }
0xf7: {  	[sflag:s13] =	ssyncadd.s32 $0xFFFFD800  }
0xf8: {  	s8 =	smov.u32 s19;
	s19 =	sadd.s32 $0x28, s19;
	_ =	swait.ge [sflag:s13], $0x2800  }
0xf9: {  	s16 =	smov.u32 s8;
	s20 =	rddreg [dreg:$0x3];
	[sflag:s13] =	ssyncset.done $0x0  }
0xfa: {  	[sflag:s13] =	ssyncadd.s32 $0xFFFFD800;
	s6 =	sadd.s32 s16, s20  }
0xfb: {  	[tilespmem:s2], [sflag:$0x1] =	stream.linear.gather [hbm4b:s6+s2], $0x50, $0x38;
	[tilespmem:$0x1E400] =	vst v63  }
0xfc: {  	s8 =	rddreg [dreg:$0x9];
	s19 =	sadd.s32 s16, s18  }
0xfd: {  	[tilespmem:s14], [sflag:$0x1] =	stream.linear.gather [hbm4b:s19+s2], $0x50, $0x38;
	[tilespmem:$0x1E400] =	vst v63  }
0xfe: {  	s10 =	rddreg [dreg:$0x8];
	s20 =	sadd.s32 s16, s8  }
0xff: {  	[tilespmem:s17], [sflag:$0x1] =	stream.linear.gather [hbm4b:s20+s2], $0x50, $0x38;
	[tilespmem:$0x1E400] =	vst v63  }
0x100: {  	s5 =	rddreg [dreg:$0x7];
	s10 =	sadd.s32 s16, s10  }
0x101: {  	[tilespmem:s21], [sflag:$0x1] =	stream.linear.gather [hbm4b:s10+s2], $0x50, $0x38;
	[tilespmem:$0x1E400] =	vst v63  }
0x102: {  	s11 =	rddreg [dreg:$0x6];
	s15 =	sadd.s32 s16, s5  }
0x103: {  	[tilespmem:s22], [sflag:$0x1] =	stream.linear.gather [hbm4b:s15+s2], $0x50, $0x38;
	[tilespmem:$0x1E400] =	vst v63  }
0x104: {  	s19 =	rddreg [dreg:$0x5];
	s20 =	sadd.s32 s16, s11  }
0x105: {  	[tilespmem:s23], [sflag:$0x1] =	stream.linear.gather [hbm4b:s20+s2], $0x50, $0x38;
	[tilespmem:$0x1E400] =	vst v63  }
0x106: {  	s5 =	rddreg [dreg:$0x4];
	s8 =	sadd.s32 s16, s19  }
0x107: {  	[tilespmem:s24], [sflag:$0x1] =	stream.linear.gather [hbm4b:s8+s2], $0x50, $0x38;
	[tilespmem:$0x1E400] =	vst v63  }
0x108: {  	s10 =	sadd.s32 s16, s5  }
0x109: {  	[tilespmem:s25], [sflag:$0x1] =	stream.linear.gather [hbm4b:s10+s2], $0x50, $0x38;
	[tilespmem:$0x1E400] =	vst v63  }
0x10a: {  	_ =	swait.ge [sflag:s26], $0x50  }
0x10b: {  	[sflag:s26] =	ssyncset.done $0x0  }
0x10c: {  	[sflag:s26] =	ssyncadd.s32 $0xFFFFFFB0  }
0x10d: {  	_ =	swait.ge [sflag:s26], $0x50  }
0x10e: {  	[sflag:s26] =	ssyncset.done $0x0  }
0x10f: {  	[sflag:s26] =	ssyncadd.s32 $0xFFFFFFB0  }
0x110: {  	_ =	swait.ge [sflag:s26], $0x50  }
0x111: {  	[sflag:s26] =	ssyncset.done $0x0  }
0x112: {  	[sflag:s26] =	ssyncadd.s32 $0xFFFFFFB0  }
0x113: {  	_ =	swait.ge [sflag:s26], $0x50  }
0x114: {  	[sflag:s26] =	ssyncset.done $0x0  }
0x115: {  	[sflag:s26] =	ssyncadd.s32 $0xFFFFFFB0  }
0x116: {  	_ =	swait.ge [sflag:s26], $0x50  }
0x117: {  	[sflag:s26] =	ssyncset.done $0x0  }
0x118: {  	[sflag:s26] =	ssyncadd.s32 $0xFFFFFFB0  }
0x119: {  	_ =	swait.ge [sflag:s26], $0x50  }
0x11a: {  	[sflag:s26] =	ssyncset.done $0x0  }
0x11b: {  	[sflag:s26] =	ssyncadd.s32 $0xFFFFFFB0  }
0x11c: {  	_ =	swait.ge [sflag:s26], $0x50  }
0x11d: {  	[sflag:s26] =	ssyncset.done $0x0  }
0x11e: {  	[sflag:s26] =	ssyncadd.s32 $0xFFFFFFB0  }
0x11f: {  	_ =	swait.ge [sflag:s26], $0x50  }
0x120: {  	[sflag:s26] =	ssyncset.done $0x0  }
0x121: {  	[sflag:s26] =	ssyncadd.s32 $0xFFFFFFB0  }
0x122: {  	[tilespmem:s9], [sflag:$0x2] =	stream.indirect.gather [hbm4b:s4+s28], $0x80, s2, s28, $0xb8;
	[tilespmem:$0x1E400] =	vst v63  }
0x123: {  	_ = 	snop  }
0x124: {  	[tilespmem:s29], [sflag:$0x3] =	stream.indirect.gather [hbm4b:s4+s28], $0x80, s17, s28, $0xb8;
	[tilespmem:$0x1E400] =	vst v63  }
0x125: {  	_ = 	snop  }
0x126: {  	[tilespmem:s30], [sflag:$0x4] =	stream.indirect.gather [hbm4b:s4+s28], $0x80, s22, s28, $0xb8;
	[tilespmem:$0x1E400] =	vst v63  }
0x127: {  	_ = 	snop  }
0x128: {  	[tilespmem:s31], [sflag:$0x5] =	stream.indirect.gather [hbm4b:s4+s28], $0x80, s24, s28, $0xb8;
	[tilespmem:$0x1E400] =	vst v63  }
0x129: {  	_ =	swait.ge [sflag:s0], $0x2800  }
0x12a: {  	[sflag:s0] =	ssyncset.done $0x0  }
0x12b: {  	[sflag:s0] =	ssyncadd.s32 $0xFFFFD800  }
0x12c: {  	[spmem:s1] =	stream.indirect.scatter.add.f32 [tilespmem:s9], [sflag:$0x6], $0x80, s14, s28, $0xb8;
	[tilespmem:$0x1E400] =	vst v63  }
0x12d: {  	_ =	swait.ge [sflag:s7], $0x2800  }
0x12e: {  	[sflag:s7] =	ssyncset.done $0x0  }
0x12f: {  	[sflag:s7] =	ssyncadd.s32 $0xFFFFD800  }
0x130: {  	[spmem:s1] =	stream.indirect.scatter.add.f32 [tilespmem:s29], [sflag:$0x6], $0x80, s21, s28, $0xb8;
	[tilespmem:$0x1E400] =	vst v63  }
0x131: {  	_ =	swait.ge [sflag:s3], $0x2800  }
0x132: {  	[sflag:s3] =	ssyncset.done $0x0  }
0x133: {  	[sflag:s3] =	ssyncadd.s32 $0xFFFFD800  }
0x134: {  	[spmem:s1] =	stream.indirect.scatter.add.f32 [tilespmem:s30], [sflag:$0x6], $0x80, s23, s28, $0xb8;
	[tilespmem:$0x1E400] =	vst v63  }
0x135: {  	_ =	swait.ge [sflag:s12], $0x2800  }
0x136: {  	[sflag:s12] =	ssyncset.done $0x0  }
0x137: {  	[sflag:s12] =	ssyncadd.s32 $0xFFFFD800  }
0x138: {  	[spmem:s1] =	stream.indirect.scatter.add.f32 [tilespmem:s31], [sflag:$0x6], $0x80, s25, s28, $0xb8;
	[tilespmem:$0x1E400] =	vst v63  }
0x139: {  	_ =	swait.ge [sflag:s13], $0x2800  }
0x13a: {  	[sflag:s13] =	ssyncset.done $0x0  }
0x13b: {  	[sflag:s13] =	ssyncadd.s32 $0xFFFFD800  }
0x13c: {  	_ =	swait.ge [sflag:s13], $0x2800  }
0x13d: {  	[sflag:s13] =	ssyncset.done $0x0  }
0x13e: {  	[sflag:s13] =	ssyncadd.s32 $0xFFFFD800  }
0x13f: {  	_ =	swait.ge [sflag:s13], $0x2800  }
0x140: {  	[sflag:s13] =	ssyncset.done $0x0  }
0x141: {  	[sflag:s13] =	ssyncadd.s32 $0xFFFFD800  }
0x142: {  	_ =	swait.ge [sflag:s13], $0x2800  }
0x143: {  	[sflag:s13] =	ssyncset.done $0x0  }
0x144: {  	s5 =	rddreg [dreg:$0xc];
	[sflag:s13] =	ssyncadd.s32 $0xFFFFD800  }
0x145: {  	[tilespmem:s2], [sflag:$0x1] =	stream.linear.gather [hbm4b:s5+s2], $0x50, $0x38;
	[tilespmem:$0x1E400] =	vst v63  }
0x146: {  	s11 =	rddreg [dreg:$0xd]  }
0x147: {  	[tilespmem:s14], [sflag:$0x1] =	stream.linear.gather [hbm4b:s11+s2], $0x50, $0x38;
	[tilespmem:$0x1E400] =	vst v63  }
0x148: {  	_ =	swait.ge [sflag:s26], $0x50  }
0x149: {  	[sflag:s26] =	ssyncset.done $0x0  }
0x14a: {  	[sflag:s26] =	ssyncadd.s32 $0xFFFFFFB0  }
0x14b: {  	_ =	swait.ge [sflag:s26], $0x50  }
0x14c: {  	[sflag:s26] =	ssyncset.done $0x0  }
0x14d: {  	[sflag:s26] =	ssyncadd.s32 $0xFFFFFFB0  }
0x14e: {  	[tilespmem:s9], [sflag:$0x2] =	stream.indirect.gather [hbm4b:s4+s28], $0x80, s2, s28, $0xb8;
	[tilespmem:$0x1E400] =	vst v63  }
0x14f: {  	_ =	swait.ge [sflag:s0], $0x2800  }
0x150: {  	[sflag:s0] =	ssyncset.done $0x0  }
0x151: {  	[sflag:s0] =	ssyncadd.s32 $0xFFFFD800  }
0x152: {  	[spmem:s1] =	stream.indirect.scatter.add.f32 [tilespmem:s9], [sflag:$0x6], $0x80, s14, s28, $0xb8;
	[tilespmem:$0x1E400] =	vst v63  }
0x153: {  	_ =	swait.ge [sflag:s13], $0x2800  }
0x154: {  	[sflag:s13] =	ssyncset.done $0x0  }
0x155: {  	[sflag:s13] =	ssyncadd.s32 $0xFFFFD800  }
0x156: {  	[bflag:$0x0] =	sbarrier.arrive $0xFFFF  }
0x157: {  	s5 =	stileid.u32;
	s11 =	sld [smem:$0x7FD]  }
0x158: {  	s6 =	sshll.u32 @p0 s5, $0x6;
	s8 =	rddreg [dreg:$0xb]  }
0x159: {  	s15 =	sor.u32 @p0 $0x1C07, s6;
	s10 =	rddreg [dreg:$0xf]  }
0x15a: {  	[smem:$0x7F6] =	sst s15;
	s6 =	sshrl.u32 @p0 s10, $0x3;
	s8 =	sadd.s32 @p0 s8, s11  }
0x15b: {  	[hbm:s8], [sflag:s15] =	dma.local @p0 [spmem:s6], $0x500  }
0x15c: {  	s6 =	simm.s32 @p0 $0x7  }
0x15d: {  	_ =	swait.ge @p0 [sflag:s6], $0x500  }
0x15e: {  	[sflag:s6] =	ssyncset.done @p0 $0x0  }
0x15f: {  	[sflag:s6] =	ssyncadd.s32 @p0 $0xFFFFFB00;
	s6 =	sshll.u32 @!p0 s5, $0x6  }
0x160: {  	s15 =	rddreg [dreg:$0xa];
	s6 =	sor.u32 @!p0 $0x1C08, s6  }
0x161: {  	s10 =	sshrl.u32 @!p0 s10, $0x3;
	s8 =	sadd.s32 @!p0 s15, s11;
	[smem:$0x7F4] =	sst s6  }
0x162: {  	[hbm:s8], [sflag:s6] =	dma.local @!p0 [spmem:s10], $0x500  }
0x163: {  	s16 =	simm.s32 @!p0 $0x8;
	s8 =	simm.s32 @!p0 $0x8  }
0x164: {  	s16 =	simm.s32 @p0 $0x7;
	s5 =	sshll.u32 s5, $0x6;
	_ =	swait.ge @!p0 [sflag:s8], $0x500  }
0x165: {  	s20 =	smov.u32 s15;
	s5 =	sadd.s32 s16, s5;
	s6 =	rddreg [dreg:$0xb]  }
0x166: {  	s5 =	sadd.s32 $0x1C00, s5;
	s10 =	smov.u32 s15;
	s15 =	rddreg [dreg:$0x10]  }
0x167: {  	[sflag:s8] =	ssyncset.done @!p0 $0x0;
	[smem:$0x7F5] =	sst s5;
	s20 =	smov.u32 @p0 s6  }
0x168: {  	s11 =	rddreg [dreg:$0x1a];
	[sflag:s8] =	ssyncadd.s32 @!p0 $0xFFFFFB00;
	s19 =	sadd.s32 s20, s15  }
0x169: {  	[hbm:s19], [sflag:s5] =	dma.local [spmem:s11], $0x500  }
0x16a: {  	_ =	swait.ge [sflag:s16], $0x500  }
0x16b: {  	s8 =	rddreg [dreg:$0x12]  }
0x16c: {  	s15 =	sadd.s32 @p0 s6, s8;
	s6 =	sld [smem:$0x7F6]  }
0x16d: {  	[sflag:s16] =	ssyncset.done $0x0;
	s5 =	rddreg [dreg:$0x11]  }
0x16e: {  	[sflag:s16] =	ssyncadd.s32 $0xFFFFFB00;
	s11 =	sshrl.u32 @p0 s5, $0x3  }
0x16f: {  	[hbm:s15], [sflag:s6] =	dma.local @p0 [spmem:s11], $0x500  }
0x170: {  	s6 =	simm.s32 @p0 $0x7  }
0x171: {  	_ =	swait.ge @p0 [sflag:s6], $0x500  }
0x172: {  	s19 =	sld [smem:$0x7F4]  }
0x173: {  	s11 =	sadd.s32 @!p0 s10, s8;
	[sflag:s6] =	ssyncset.done @p0 $0x0  }
0x174: {  	s15 =	sshrl.u32 @!p0 s5, $0x3;
	s5 =	simm.s32 @!p0 $0x8;
	[sflag:s6] =	ssyncadd.s32 @p0 $0xFFFFFB00  }
0x175: {  	[hbm:s11], [sflag:s19] =	dma.local @!p0 [spmem:s15], $0x500  }
0x176: {  	_ =	swait.ge @!p0 [sflag:s5], $0x500  }
0x177: {  	s15 =	rddreg [dreg:$0x13]  }
0x178: {  	s6 =	sadd.s32 s20, s15;
	s15 =	sld [smem:$0x7F5]  }
0x179: {  	[sflag:s5] =	ssyncset.done @!p0 $0x0  }
0x17a: {  	s8 =	rddreg [dreg:$0x1b];
	[sflag:s5] =	ssyncadd.s32 @!p0 $0xFFFFFB00  }
0x17b: {  	[hbm:s6], [sflag:s15] =	dma.local [spmem:s8], $0x500  }
0x17c: {  	_ =	swait.ge [sflag:s16], $0x500  }
0x17d: {  	s6 =	rddreg [dreg:$0x15]  }
0x17e: {  	s5 =	rddreg [dreg:$0xb]  }
0x17f: {  	s11 =	sadd.s32 @p0 s5, s6;
	s5 =	sld [smem:$0x7F6]  }
0x180: {  	[sflag:s16] =	ssyncset.done $0x0;
	s8 =	rddreg [dreg:$0x14]  }
0x181: {  	[sflag:s16] =	ssyncadd.s32 $0xFFFFFB00;
	s15 =	sshrl.u32 @p0 s8, $0x3  }
0x182: {  	[hbm:s11], [sflag:s5] =	dma.local @p0 [spmem:s15], $0x500  }
0x183: {  	s11 =	simm.s32 @p0 $0x7  }
0x184: {  	_ =	swait.ge @p0 [sflag:s11], $0x500  }
0x185: {  	s15 =	sshrl.u32 @!p0 s8, $0x3;
	[sflag:s11] =	ssyncset.done @p0 $0x0  }
0x186: {  	s5 =	simm.s32 @!p0 $0x8;
	[sflag:s11] =	ssyncadd.s32 @p0 $0xFFFFFB00;
	s11 =	sadd.s32 @!p0 s10, s6  }
0x187: {  	[hbm:s11], [sflag:s19] =	dma.local @!p0 [spmem:s15], $0x500  }
0x188: {  	_ =	swait.ge @!p0 [sflag:s5], $0x500  }
0x189: {  	s8 =	sld [smem:$0x7F5]  }
0x18a: {  	s10 =	smov.u32 s19;
	[sflag:s5] =	ssyncset.done @!p0 $0x0;
	s19 =	rddreg [dreg:$0x16]  }
0x18b: {  	s6 =	rddreg [dreg:$0x1c];
	[sflag:s5] =	ssyncadd.s32 @!p0 $0xFFFFFB00;
	s5 =	sadd.s32 s20, s19  }
0x18c: {  	[hbm:s5], [sflag:s8] =	dma.local [spmem:s6], $0x500  }
0x18d: {  	_ =	swait.ge [sflag:s16], $0x500  }
0x18e: {  	s6 =	rddreg [dreg:$0x18]  }
0x18f: {  	s5 =	rddreg [dreg:$0xb]  }
0x190: {  	s19 =	sld [smem:$0x7F6]  }
0x191: {  	[sflag:s16] =	ssyncset.done $0x0;
	s11 =	sadd.s32 @p0 s5, s6;
	s5 =	rddreg [dreg:$0x17]  }
0x192: {  	[sflag:s16] =	ssyncadd.s32 $0xFFFFFB00;
	s15 =	sshrl.u32 @p0 s5, $0x3  }
0x193: {  	[hbm:s11], [sflag:s19] =	dma.local @p0 [spmem:s15], $0x500  }
0x194: {  	s11 =	simm.s32 @p0 $0x7  }
0x195: {  	_ =	swait.ge @p0 [sflag:s11], $0x500  }
0x196: {  	[sflag:s11] =	ssyncset.done @p0 $0x0  }
0x197: {  	[sflag:s11] =	ssyncadd.s32 @p0 $0xFFFFFB00;
	s11 =	rddreg [dreg:$0xa]  }
0x198: {  	s15 =	sshrl.u32 @!p0 s5, $0x3;
	s5 =	simm.s32 @!p0 $0x8;
	s11 =	sadd.s32 @!p0 s11, s6  }
0x199: {  	[hbm:s11], [sflag:s10] =	dma.local @!p0 [spmem:s15], $0x500  }
0x19a: {  	_ =	swait.ge @!p0 [sflag:s5], $0x500  }
0x19b: {  	[sflag:s5] =	ssyncset.done @!p0 $0x0;
	s10 =	rddreg [dreg:$0x19]  }
0x19c: {  	s15 =	rddreg [dreg:$0x1d];
	[sflag:s5] =	ssyncadd.s32 @!p0 $0xFFFFFB00;
	s11 =	sadd.s32 s20, s10  }
0x19d: {  	[hbm:s11], [sflag:s8] =	dma.local [spmem:s15], $0x500  }
0x19e: {  	_ =	swait.ge [sflag:s16], $0x500  }
0x19f: {  	s19 =	sld [smem:$0x7F7];
	_ =	sdelay $0x2  }
0x1a0: {  	s20 =	rddreg [dreg:$0xe];
	s6 =	sadd.s32 $0x1, s19  }
0x1a1: {  	p1 =	sne.s32 s6, s20  }
.Ltmp2:
0x1a2: {  	_ = 	snop;
	(pc) =	sbr.rel @p1 .LBB2_1-.Ltmp2, $3  }
0x1a3: {  	_ =	sdelay $0x1  }
0x1a4: {  	[sflag:s16] =	ssyncset.done $0x0  }
0x1a5: {  	[sflag:s16] =	ssyncadd.s32 $0xFFFFFB00  }
0x1a6: {  	_ =	sfence.sel $0x180000  }
0x1a7: {  	[bflag:$0x0] =	sbarrier.arrive $0xFFFF  }
0x1a8: {  	_ =	strace $0x90000050  }
0x1a9: {  	s0 =	stileid.u32;
	[bflag:$0x2] =	sbarrier.arrive $0xFFFF  }
0x1aa: {  	p0 =	sne.s32 s0, $0x0;
	s0 =	rddreg [dreg:$0x2]  }
0x1ab: {  	s0 =	sadd.s32 @!p0 $0x100000, s0  }
0x1ac: {  	[sflag:s0] =	ssyncadd.tile.s32 @!p0 $0x1;
	_ =	shalt  }
.Lfunc_end2:
_tile_overlayer_lowered:
.L_overlay_start_2:
0x1ad: {  	(tag) =	ssettag $0x2  }
0x1ae: {  	s0 =	rddreg [dreg:$0x0];
	s2 =	stileid.u32  }
0x1af: {  	s1 =	rddreg [dreg:$0x1];
	p0 =	sne.s32 s2, $0x0  }
0x1b0: {  	s3 =	rddreg [dreg:$0x2];
	[bflag:$0x3] =	sbarrier.arrive $0xFFFF;
	s2 =	simm.s32 @!p0 $0x1C07  }
0x1b1: {  	[timem:s3], [sflag:s2] =	dma.local @!p0 [hbm:s0], s1  }
0x1b2: {  	s0 =	simm.s32 @!p0 $0x7  }
0x1b3: {  	_ =	swait.ge @!p0 [sflag:s0], s1  }
0x1b4: {  	s1 =	ssub.s32 @!p0 $0x0, s1;
	[sflag:s0] =	ssyncset.done @!p0 $0x0  }
0x1b5: {  	[sflag:s0] =	ssyncadd.s32 @!p0 s1  }
0x1b6: {  	[bflag:$0x3] =	sbarrier.arrive $0xFFFF  }
0x1b7: {  	_ =	shalt  }

</sc_bundles>
